<compile_context>
chip_gen: v7x
topology: tpu7x:2x2x1
jax: 0.10.2.dev20260603
libtpu: 0.0.44.dev20260713+nightly
codegen_flags: <defaults>
</compile_context>

<pallas_src>
import functools

import jax
import jax.numpy as jnp
from jax import lax
from jax.experimental import pallas as pl
from jax.experimental.pallas import tpu as pltpu
from jax.experimental.pallas import tpu_sc as plsc

B, S, D = 4096, 200, 128
N = B * S
NCOMBO = 7 * 41 * 16
NROWS = 17 * NCOMBO
NW = 32
PER_W = N // NW
CHUNK = 128
NCHUNK = PER_W // CHUNK

IDX_BR = 512


def _table_body(cig_ref, qual_ref, str_ref, mate_ref, gw_ref, gb_ref, fw_ref,
                fb_ref, nuc_ref, out_ref, gated_sc):
    @pl.when(pl.program_id(0) == 0)
    def _():
        mrow = lax.broadcasted_iota(jnp.int32, (4, 32), 0)
        mate_m = jnp.where(mrow == 2, 0.0, mate_ref[...])

        def fold(w_ref):
            w = w_ref[...]
            return jnp.concatenate([
                jnp.dot(cig_ref[...], w[0:32], preferred_element_type=jnp.float32),
                jnp.dot(qual_ref[0:41], w[32:64], preferred_element_type=jnp.float32),
                jnp.dot(str_ref[...], w[64:96], preferred_element_type=jnp.float32),
                jnp.dot(mate_m, w[96:128], preferred_element_type=jnp.float32),
            ], axis=0)

        tg = fold(gw_ref)
        tf = fold(fw_ref)
        r = lax.broadcasted_iota(jnp.int32, (NCOMBO, 56), 0)
        col = lax.broadcasted_iota(jnp.int32, (NCOMBO, 56), 1)
        sel = (
            (col == r // 656)
            | (col == 7 + (r // 16) % 41)
            | (col == 48 + (r % 16) // 4)
            | (col == 52 + r % 4)
        )
        e = sel.astype(jnp.float32)
        g = jnp.dot(e, tg, preferred_element_type=jnp.float32) + gb_ref[...]
        f = jnp.dot(e, tf, preferred_element_type=jnp.float32) + fb_ref[...]
        gated_sc[...] = g * (1.0 / (1.0 + jnp.exp(-g))) * f

    out_ref[...] = gated_sc[...] + nuc_ref[0]


def _unpack_chunk(p_row, out_row):
    for v in range(CHUNK // 16):
        sl = pl.ds(v * 16, 16)
        p = p_row[sl]
        n = p & 31
        c = (p >> 5) & 7
        q = jnp.minimum((p >> 8) & 63, 40)
        s = (p >> 14) & 3
        m = (p >> 16) & 3
        out_row[sl] = n * NCOMBO + c * 656 + q * 16 + s * 4 + m


_SC_MESH = plsc.VectorSubcoreMesh(core_axis_name="c", subcore_axis_name="s")

NBUF = 5
LAG = 3


@functools.partial(
    pl.kernel,
    mesh=_SC_MESH,
    out_type=jax.ShapeDtypeStruct((N, D), jnp.float32),
    scratch_types=[
        pltpu.VMEM((NBUF, CHUNK), jnp.int32),
        pltpu.VMEM((NBUF, CHUNK), jnp.int32),
        pltpu.VMEM((NBUF, CHUNK, D), jnp.float32),
        pltpu.SemaphoreType.DMA((NBUF,)),
        pltpu.SemaphoreType.DMA((NBUF,)),
        pltpu.SemaphoreType.DMA((NBUF,)),
    ],
)
def _gather_k(table_hbm, idx_hbm, out_hbm, pck_v, idx_v, rows_v, si, sg, sw):
    wid = lax.axis_index("s") * 2 + lax.axis_index("c")
    base = wid * PER_W

    for b in range(NBUF):
        pltpu.async_copy(idx_hbm.at[pl.ds(base + b * CHUNK, CHUNK)],
                         pck_v.at[b], si.at[b])

    @pl.loop(0, NCHUNK, step=NBUF)
    def _(g):
        for b in range(NBUF):
            m = g + b
            off = base + m * CHUNK
            bq = (b - LAG) % NBUF
            pltpu.make_async_copy(idx_hbm.at[pl.ds(off, CHUNK)],
                                  pck_v.at[b], si.at[b]).wait()
            _unpack_chunk(pck_v.at[b], idx_v.at[b])

            @pl.when(m >= NBUF)
            def _():
                pltpu.make_async_copy(rows_v.at[b],
                                      out_hbm.at[pl.ds(base, CHUNK)],
                                      sw.at[b]).wait()

            pltpu.async_copy(table_hbm.at[idx_v.at[b]], rows_v.at[b],
                             sg.at[b])

            @pl.when(m >= LAG)
            def _():
                pltpu.make_async_copy(table_hbm.at[idx_v.at[bq]],
                                      rows_v.at[bq], sg.at[bq]).wait()
                pltpu.async_copy(rows_v.at[bq],
                                 out_hbm.at[pl.ds(off - LAG * CHUNK, CHUNK)],
                                 sw.at[bq])

            @pl.when((m >= LAG) & (m - LAG + NBUF < NCHUNK))
            def _():
                pltpu.async_copy(
                    idx_hbm.at[pl.ds(off + (NBUF - LAG) * CHUNK, CHUNK)],
                    pck_v.at[bq], si.at[bq])

    for j in range(LAG):
        mm = NCHUNK - LAG + j
        bb = mm % NBUF
        pltpu.make_async_copy(table_hbm.at[idx_v.at[bb]], rows_v.at[bb],
                              sg.at[bb]).wait()
        pltpu.async_copy(rows_v.at[bb],
                         out_hbm.at[pl.ds(base + mm * CHUNK, CHUNK)],
                         sw.at[bb])
    for b in range(NBUF):
        pltpu.make_async_copy(rows_v.at[b], out_hbm.at[pl.ds(base, CHUNK)],
                              sw.at[b]).wait()


def kernel(nucleotide_sequences, cigar_encodings, base_qualities, strand_flags,
           mate_pair_flags, nuc_table, cigar_table, quality_table, strand_table,
           mate_table, gate_W, gate_b, feat_W, feat_b):
    f32 = jnp.float32

    tfull = pl.pallas_call(
        _table_body,
        grid=(17,),
        in_specs=[
            pl.BlockSpec((7, 32), lambda i: (0, 0)),
            pl.BlockSpec((43, 32), lambda i: (0, 0)),
            pl.BlockSpec((4, 32), lambda i: (0, 0)),
            pl.BlockSpec((4, 32), lambda i: (0, 0)),
            pl.BlockSpec((128, 128), lambda i: (0, 0)),
            pl.BlockSpec((1, 128), lambda i: (0, 0)),
            pl.BlockSpec((128, 128), lambda i: (0, 0)),
            pl.BlockSpec((1, 128), lambda i: (0, 0)),
            pl.BlockSpec((1, 1, 128), lambda i: (i, 0, 0)),
        ],
        out_specs=pl.BlockSpec((NCOMBO, 128), lambda i: (i, 0)),
        out_shape=jax.ShapeDtypeStruct((NROWS, 128), f32),
        scratch_shapes=[pltpu.VMEM((NCOMBO, 128), f32)],
    )(cigar_table, quality_table, strand_table, mate_table,
      gate_W, gate_b.reshape(1, 128), feat_W, feat_b.reshape(1, 128),
      nuc_table.reshape(17, 1, 128))

    packed = (nucleotide_sequences | (cigar_encodings << 5)
              | (base_qualities << 8) | (strand_flags << 14)
              | (mate_pair_flags << 16))

    out = _gather_k(tfull, packed.reshape(N))
    return out.reshape(B, S, D)

# --- scband reference (transcript-rebuilt; emitter-appended) ---
"""Pipeline reference for scband-input-embedding-layer-51049981280693 (READ-ONLY COPY).

The authoritative reference and input builder live on the scoring server;
editing this copy changes nothing except your own understanding.
"""

import jax, jax.numpy as jnp
import numpy as np

B, S, D = 4096, 200, 128
DQ = D // 4


def _table(k, n, d, pad_idx):
    t = jax.random.normal(k, (n, d), dtype=jnp.float32) * 0.02
    return t.at[pad_idx].set(0.0)


def setup_inputs(seed: int = 0) -> dict:
    key = jax.random.key(seed)
    ks = jax.random.split(key, 14)
    nucleotide_sequences = jax.random.randint(ks[0], (B, S), 0, 17)
    cigar_encodings = jax.random.randint(ks[1], (B, S), 0, 7)
    base_qualities = jax.random.randint(ks[2], (B, S), 0, 41)
    strand_flags = jax.random.randint(ks[3], (B, S), 0, 4)
    mate_pair_flags = jax.random.randint(ks[4], (B, S), 0, 4)
    # embedding tables (padding rows zeroed, matching nn.Embedding padding_idx)
    nuc_table = _table(ks[5], 17, D, 15)          # 16 nucleotides + mask (mlm_mode), pad=15
    cigar_table = _table(ks[6], 7, DQ, 5)         # 5 ops + pad(5) + mask(6)
    quality_table = _table(ks[7], 43, DQ, 42)     # 0..40 + mask(41) + pad(42)
    strand_table = _table(ks[8], 4, DQ, 2)        # 0,1 + pad(2) + mask(3)
    mate_table = _table(ks[9], 4, DQ, 2)          # 0,1 + pad(2) + mask(3)
    gate_W = jax.random.normal(ks[10], (D, D), dtype=jnp.float32) * 0.02
    gate_b = jnp.zeros((D,), dtype=jnp.float32)
    feat_W = jax.random.normal(ks[11], (D, D), dtype=jnp.float32) * 0.02
    feat_b = jnp.zeros((D,), dtype=jnp.float32)
    return {
        'nucleotide_sequences': nucleotide_sequences,
        'cigar_encodings': cigar_encodings,
        'base_qualities': base_qualities,
        'strand_flags': strand_flags,
        'mate_pair_flags': mate_pair_flags,
        'nuc_table': nuc_table,
        'cigar_table': cigar_table,
        'quality_table': quality_table,
        'strand_table': strand_table,
        'mate_table': mate_table,
        'gate_W': gate_W,
        'gate_b': gate_b,
        'feat_W': feat_W,
        'feat_b': feat_b,
    }


def reference(nucleotide_sequences, cigar_encodings, base_qualities, strand_flags,
              mate_pair_flags, nuc_table, cigar_table, quality_table, strand_table,
              mate_table, gate_W, gate_b, feat_W, feat_b):
    # nucleotide embedding lookup
    nuc_emb = jnp.take(nuc_table, nucleotide_sequences, axis=0)          # [B,S,D]
    # cigar embedding lookup
    cig_emb = jnp.take(cigar_table, cigar_encodings, axis=0)             # [B,S,D/4]
    # base quality: clamp then lookup
    q = jnp.clip(base_qualities, 0, 40)
    qual_emb = jnp.take(quality_table, q, axis=0)                        # [B,S,D/4]
    # strand embedding lookup
    strand_emb = jnp.take(strand_table, strand_flags, axis=0)            # [B,S,D/4]
    # mate pair embedding lookup with explicit padding mask (as in module)
    mate_emb = jnp.take(mate_table, mate_pair_flags, axis=0)             # [B,S,D/4]
    pad_mask = (mate_pair_flags != 2).astype(jnp.float32)[..., None]
    mate_emb = mate_emb * pad_mask
    # concatenate metric embeddings to full embedding_dim
    metrics = jnp.concatenate([cig_emb, qual_emb, strand_emb, mate_emb], axis=-1)  # [B,S,D]
    # SwiGLU gating on metric embeddings
    gate = jax.nn.silu(metrics @ gate_W + gate_b)
    feat = metrics @ feat_W + feat_b
    gated = gate * feat
    # combine with nucleotide embeddings
    out = nuc_emb + gated
    return out

if __name__ == "__main__":
    import jax
    _d = setup_inputs()
    print(jax.jit(kernel)(*tuple(_d.values())))

</pallas_src>

<mosaic_0001>
#map = affine_map<(d0, d1) -> (0, 0)>
#map1 = affine_map<(d0, d1) -> (0)>
module attributes {stable_mosaic.version = 14 : i64} {
  func.func @_gather_k(%arg0: i32, %arg1: i32, %arg2: memref<78064x128xf32, #tpu.memory_space<hbm>>, %arg3: memref<819200xi32, #tpu.memory_space<hbm>>, %arg4: memref<819200x128xf32, #tpu.memory_space<hbm>>, %arg5: memref<5x128xi32, #tpu.memory_space<vmem>>, %arg6: memref<5x128xi32, #tpu.memory_space<vmem>>, %arg7: memref<5x128x128xf32, #tpu.memory_space<vmem>>, %arg8: memref<5x!tpu.dma_semaphore, #tpu.memory_space<semaphore_mem>>, %arg9: memref<5x!tpu.dma_semaphore, #tpu.memory_space<semaphore_mem>>, %arg10: memref<5x!tpu.dma_semaphore, #tpu.memory_space<semaphore_mem>>) attributes {dimension_semantics = [#tpu.dimension_semantics<core_parallel>, #tpu.dimension_semantics<subcore_parallel>], iteration_bounds = array<i64: 2, 16>, scalar_prefetch = 0 : i64, scratch_operands = 6 : i64, tpu.core_type = #tpu.core_type<sc_vector_subcore>, window_params = [{transform_indices = #map}, {transform_indices = #map1}, {transform_indices = #map}]} {
    %mul3A = arith.constant 2 : i32
    %mul3A_0 = arith.muli %arg1, %mul3A : i32
    %add3A = arith.addi %mul3A_0, %arg0 : i32
    %mul3A_1 = arith.constant 25600 : i32
    %mul3A_2 = arith.muli %add3A, %mul3A_1 : i32
    %add3A_3 = arith.constant 0 : i32
    %add3A_4 = arith.addi %mul3A_2, %add3A_3 : i32
    %dma_start3A = arith.constant 0 : i32
    %dma_start3A_5 = arith.constant 0 : i32
    %dma_start3A_6 = arith.constant 0 : i32
    %dma_start3A_7 = tpu.memref_slice %arg5[%dma_start3A, %dma_start3A_6] : memref<5x128xi32, #tpu.memory_space<vmem>> -> memref<1x128xi32, #tpu.memory_space<vmem>>
    %dma_start3A_8 = tpu.memref_squeeze %dma_start3A_7 : memref<1x128xi32, #tpu.memory_space<vmem>> -> memref<128xi32, #tpu.memory_space<vmem>>
    %dma_start3A_9 = tpu.memref_slice %arg3[%add3A_4] : memref<819200xi32, #tpu.memory_space<hbm>> -> memref<128xi32, #tpu.memory_space<hbm>>
    %dma_start3A_10 = tpu.memref_slice %arg8[%dma_start3A_5] : memref<5x!tpu.dma_semaphore, #tpu.memory_space<semaphore_mem>> -> memref<1x!tpu.dma_semaphore, #tpu.memory_space<semaphore_mem>>
    %dma_start3A_11 = tpu.memref_squeeze %dma_start3A_10 : memref<1x!tpu.dma_semaphore, #tpu.memory_space<semaphore_mem>> -> memref<!tpu.dma_semaphore, #tpu.memory_space<semaphore_mem>>
    %dma_start3A_12 = arith.constant 0 : i32
    %dma_start3A_13 = tpu.memref_slice %arg5[%dma_start3A, %dma_start3A_12] : memref<5x128xi32, #tpu.memory_space<vmem>> -> memref<1x128xi32, #tpu.memory_space<vmem>>
    %dma_start3A_14 = tpu.memref_squeeze %dma_start3A_13 : memref<1x128xi32, #tpu.memory_space<vmem>> -> memref<128xi32, #tpu.memory_space<vmem>>
    %dma_start3A_15 = tpu.memref_slice %arg3[%add3A_4] : memref<819200xi32, #tpu.memory_space<hbm>> -> memref<128xi32, #tpu.memory_space<hbm>>
    tpu.enqueue_dma source(%dma_start3A_15 : memref<128xi32, #tpu.memory_space<hbm>>) target(%dma_start3A_14 : memref<128xi32, #tpu.memory_space<vmem>>) target_semaphore(%dma_start3A_11 : memref<!tpu.dma_semaphore, #tpu.memory_space<semaphore_mem>>)
    %add3A_16 = arith.constant 128 : i32
    %add3A_17 = arith.addi %mul3A_2, %add3A_16 : i32
    %dma_start3A_18 = arith.constant 1 : i32
    %dma_start3A_19 = arith.constant 1 : i32
    %dma_start3A_20 = arith.constant 0 : i32
    %dma_start3A_21 = tpu.memref_slice %arg5[%dma_start3A_18, %dma_start3A_20] : memref<5x128xi32, #tpu.memory_space<vmem>> -> memref<1x128xi32, #tpu.memory_space<vmem>>
    %dma_start3A_22 = tpu.memref_squeeze %dma_start3A_21 : memref<1x128xi32, #tpu.memory_space<vmem>> -> memref<128xi32, #tpu.memory_space<vmem>>
    %dma_start3A_23 = tpu.memref_slice %arg3[%add3A_17] : memref<819200xi32, #tpu.memory_space<hbm>> -> memref<128xi32, #tpu.memory_space<hbm>>
    %dma_start3A_24 = tpu.memref_slice %arg8[%dma_start3A_19] : memref<5x!tpu.dma_semaphore, #tpu.memory_space<semaphore_mem>> -> memref<1x!tpu.dma_semaphore, #tpu.memory_space<semaphore_mem>>
    %dma_start3A_25 = tpu.memref_squeeze %dma_start3A_24 : memref<1x!tpu.dma_semaphore, #tpu.memory_space<semaphore_mem>> -> memref<!tpu.dma_semaphore, #tpu.memory_space<semaphore_mem>>
    %dma_start3A_26 = arith.constant 0 : i32
    %dma_start3A_27 = tpu.memref_slice %arg5[%dma_start3A_18, %dma_start3A_26] : memref<5x128xi32, #tpu.memory_space<vmem>> -> memref<1x128xi32, #tpu.memory_space<vmem>>
    %dma_start3A_28 = tpu.memref_squeeze %dma_start3A_27 : memref<1x128xi32, #tpu.memory_space<vmem>> -> memref<128xi32, #tpu.memory_space<vmem>>
    %dma_start3A_29 = tpu.memref_slice %arg3[%add3A_17] : memref<819200xi32, #tpu.memory_space<hbm>> -> memref<128xi32, #tpu.memory_space<hbm>>
    tpu.enqueue_dma source(%dma_start3A_29 : memref<128xi32, #tpu.memory_space<hbm>>) target(%dma_start3A_28 : memref<128xi32, #tpu.memory_space<vmem>>) target_semaphore(%dma_start3A_25 : memref<!tpu.dma_semaphore, #tpu.memory_space<semaphore_mem>>)
    %add3A_30 = arith.constant 256 : i32
    %add3A_31 = arith.addi %mul3A_2, %add3A_30 : i32
    %dma_start3A_32 = arith.constant 2 : i32
    %dma_start3A_33 = arith.constant 2 : i32
    %dma_start3A_34 = arith.constant 0 : i32
    %dma_start3A_35 = tpu.memref_slice %arg5[%dma_start3A_32, %dma_start3A_34] : memref<5x128xi32, #tpu.memory_space<vmem>> -> memref<1x128xi32, #tpu.memory_space<vmem>>
    %dma_start3A_36 = tpu.memref_squeeze %dma_start3A_35 : memref<1x128xi32, #tpu.memory_space<vmem>> -> memref<128xi32, #tpu.memory_space<vmem>>
    %dma_start3A_37 = tpu.memref_slice %arg3[%add3A_31] : memref<819200xi32, #tpu.memory_space<hbm>> -> memref<128xi32, #tpu.memory_space<hbm>>
    %dma_start3A_38 = tpu.memref_slice %arg8[%dma_start3A_33] : memref<5x!tpu.dma_semaphore, #tpu.memory_space<semaphore_mem>> -> memref<1x!tpu.dma_semaphore, #tpu.memory_space<semaphore_mem>>
    %dma_start3A_39 = tpu.memref_squeeze %dma_start3A_38 : memref<1x!tpu.dma_semaphore, #tpu.memory_space<semaphore_mem>> -> memref<!tpu.dma_semaphore, #tpu.memory_space<semaphore_mem>>
    %dma_start3A_40 = arith.constant 0 : i32
    %dma_start3A_41 = tpu.memref_slice %arg5[%dma_start3A_32, %dma_start3A_40] : memref<5x128xi32, #tpu.memory_space<vmem>> -> memref<1x128xi32, #tpu.memory_space<vmem>>
    %dma_start3A_42 = tpu.memref_squeeze %dma_start3A_41 : memref<1x128xi32, #tpu.memory_space<vmem>> -> memref<128xi32, #tpu.memory_space<vmem>>
    %dma_start3A_43 = tpu.memref_slice %arg3[%add3A_31] : memref<819200xi32, #tpu.memory_space<hbm>> -> memref<128xi32, #tpu.memory_space<hbm>>
    tpu.enqueue_dma source(%dma_start3A_43 : memref<128xi32, #tpu.memory_space<hbm>>) target(%dma_start3A_42 : memref<128xi32, #tpu.memory_space<vmem>>) target_semaphore(%dma_start3A_39 : memref<!tpu.dma_semaphore, #tpu.memory_space<semaphore_mem>>)
    %add3A_44 = arith.constant 384 : i32
    %add3A_45 = arith.addi %mul3A_2, %add3A_44 : i32
    %dma_start3A_46 = arith.constant 3 : i32
    %dma_start3A_47 = arith.constant 3 : i32
    %dma_start3A_48 = arith.constant 0 : i32
    %dma_start3A_49 = tpu.memref_slice %arg5[%dma_start3A_46, %dma_start3A_48] : memref<5x128xi32, #tpu.memory_space<vmem>> -> memref<1x128xi32, #tpu.memory_space<vmem>>
    %dma_start3A_50 = tpu.memref_squeeze %dma_start3A_49 : memref<1x128xi32, #tpu.memory_space<vmem>> -> memref<128xi32, #tpu.memory_space<vmem>>
    %dma_start3A_51 = tpu.memref_slice %arg3[%add3A_45] : memref<819200xi32, #tpu.memory_space<hbm>> -> memref<128xi32, #tpu.memory_space<hbm>>
    %dma_start3A_52 = tpu.memref_slice %arg8[%dma_start3A_47] : memref<5x!tpu.dma_semaphore, #tpu.memory_space<semaphore_mem>> -> memref<1x!tpu.dma_semaphore, #tpu.memory_space<semaphore_mem>>
    %dma_start3A_53 = tpu.memref_squeeze %dma_start3A_52 : memref<1x!tpu.dma_semaphore, #tpu.memory_space<semaphore_mem>> -> memref<!tpu.dma_semaphore, #tpu.memory_space<semaphore_mem>>
    %dma_start3A_54 = arith.constant 0 : i32
    %dma_start3A_55 = tpu.memref_slice %arg5[%dma_start3A_46, %dma_start3A_54] : memref<5x128xi32, #tpu.memory_space<vmem>> -> memref<1x128xi32, #tpu.memory_space<vmem>>
    %dma_start3A_56 = tpu.memref_squeeze %dma_start3A_55 : memref<1x128xi32, #tpu.memory_space<vmem>> -> memref<128xi32, #tpu.memory_space<vmem>>
    %dma_start3A_57 = tpu.memref_slice %arg3[%add3A_45] : memref<819200xi32, #tpu.memory_space<hbm>> -> memref<128xi32, #tpu.memory_space<hbm>>
    tpu.enqueue_dma source(%dma_start3A_57 : memref<128xi32, #tpu.memory_space<hbm>>) target(%dma_start3A_56 : memref<128xi32, #tpu.memory_space<vmem>>) target_semaphore(%dma_start3A_53 : memref<!tpu.dma_semaphore, #tpu.memory_space<semaphore_mem>>)
    %add3A_58 = arith.constant 512 : i32
    %add3A_59 = arith.addi %mul3A_2, %add3A_58 : i32
    %dma_start3A_60 = arith.constant 4 : i32
    %dma_start3A_61 = arith.constant 4 : i32
    %dma_start3A_62 = arith.constant 0 : i32
    %dma_start3A_63 = tpu.memref_slice %arg5[%dma_start3A_60, %dma_start3A_62] : memref<5x128xi32, #tpu.memory_space<vmem>> -> memref<1x128xi32, #tpu.memory_space<vmem>>
    %dma_start3A_64 = tpu.memref_squeeze %dma_start3A_63 : memref<1x128xi32, #tpu.memory_space<vmem>> -> memref<128xi32, #tpu.memory_space<vmem>>
    %dma_start3A_65 = tpu.memref_slice %arg3[%add3A_59] : memref<819200xi32, #tpu.memory_space<hbm>> -> memref<128xi32, #tpu.memory_space<hbm>>
    %dma_start3A_66 = tpu.memref_slice %arg8[%dma_start3A_61] : memref<5x!tpu.dma_semaphore, #tpu.memory_space<semaphore_mem>> -> memref<1x!tpu.dma_semaphore, #tpu.memory_space<semaphore_mem>>
    %dma_start3A_67 = tpu.memref_squeeze %dma_start3A_66 : memref<1x!tpu.dma_semaphore, #tpu.memory_space<semaphore_mem>> -> memref<!tpu.dma_semaphore, #tpu.memory_space<semaphore_mem>>
    %dma_start3A_68 = arith.constant 0 : i32
    %dma_start3A_69 = tpu.memref_slice %arg5[%dma_start3A_60, %dma_start3A_68] : memref<5x128xi32, #tpu.memory_space<vmem>> -> memref<1x128xi32, #tpu.memory_space<vmem>>
    %dma_start3A_70 = tpu.memref_squeeze %dma_start3A_69 : memref<1x128xi32, #tpu.memory_space<vmem>> -> memref<128xi32, #tpu.memory_space<vmem>>
    %dma_start3A_71 = tpu.memref_slice %arg3[%add3A_59] : memref<819200xi32, #tpu.memory_space<hbm>> -> memref<128xi32, #tpu.memory_space<hbm>>
    tpu.enqueue_dma source(%dma_start3A_71 : memref<128xi32, #tpu.memory_space<hbm>>) target(%dma_start3A_70 : memref<128xi32, #tpu.memory_space<vmem>>) target_semaphore(%dma_start3A_67 : memref<!tpu.dma_semaphore, #tpu.memory_space<semaphore_mem>>)
    %scan3A = arith.constant 0 : i32
    %scan3A_72 = arith.constant 40 : i32
    %scan3A_73 = arith.addi %scan3A, %scan3A_72 : i32
    %scan3A_74 = arith.constant 1 : i32
    scf.for %scan3A_254 = %scan3A to %scan3A_73 step %scan3A_74  : i32 {
      %mul3A_255 = arith.constant 5 : i32
      %mul3A_256 = arith.muli %scan3A_254, %mul3A_255 : i32
      %add3A_257 = arith.constant 0 : i32
      %add3A_258 = arith.addi %add3A_257, %mul3A_256 : i32
      %add3A_259 = arith.constant 0 : i32
      %add3A_260 = arith.addi %add3A_258, %add3A_259 : i32
      %mul3A_261 = arith.constant 128 : i32
      %mul3A_262 = arith.muli %add3A_260, %mul3A_261 : i32
      %add3A_263 = arith.addi %mul3A_2, %mul3A_262 : i32
      %dma_wait3A_264 = arith.constant 0 : i32
      %dma_wait3A_265 = arith.constant 0 : i32
      %dma_wait3A_266 = arith.constant 0 : i32
      %dma_wait3A_267 = tpu.memref_slice %arg5[%dma_wait3A_264, %dma_wait3A_266] : memref<5x128xi32, #tpu.memory_space<vmem>> -> memref<1x128xi32, #tpu.memory_space<vmem>>
      %dma_wait3A_268 = tpu.memref_squeeze %dma_wait3A_267 : memref<1x128xi32, #tpu.memory_space<vmem>> -> memref<128xi32, #tpu.memory_space<vmem>>
      %dma_wait3A_269 = tpu.memref_slice %arg3[%add3A_263] : memref<819200xi32, #tpu.memory_space<hbm>> -> memref<128xi32, #tpu.memory_space<hbm>>
      %dma_wait3A_270 = tpu.memref_slice %arg8[%dma_wait3A_265] : memref<5x!tpu.dma_semaphore, #tpu.memory_space<semaphore_mem>> -> memref<1x!tpu.dma_semaphore, #tpu.memory_space<semaphore_mem>>
      %dma_wait3A_271 = tpu.memref_squeeze %dma_wait3A_270 : memref<1x!tpu.dma_semaphore, #tpu.memory_space<semaphore_mem>> -> memref<!tpu.dma_semaphore, #tpu.memory_space<semaphore_mem>>
      %dma_wait3A_272 = arith.constant 0 : i32
      %dma_wait3A_273 = tpu.memref_slice %arg5[%dma_wait3A_264, %dma_wait3A_272] : memref<5x128xi32, #tpu.memory_space<vmem>> -> memref<1x128xi32, #tpu.memory_space<vmem>>
      %dma_wait3A_274 = tpu.memref_squeeze %dma_wait3A_273 : memref<1x128xi32, #tpu.memory_space<vmem>> -> memref<128xi32, #tpu.memory_space<vmem>>
      %dma_wait3A_275 = tpu.memref_slice %arg3[%add3A_263] : memref<819200xi32, #tpu.memory_space<hbm>> -> memref<128xi32, #tpu.memory_space<hbm>>
      tpu.wait_dma2 semaphore(%dma_wait3A_271 : memref<!tpu.dma_semaphore, #tpu.memory_space<semaphore_mem>>) src(%dma_wait3A_275 : memref<128xi32, #tpu.memory_space<hbm>>) dst(%dma_wait3A_274 : memref<128xi32, #tpu.memory_space<vmem>>)
      %get3A = arith.constant 0 : i32
      %get3A_276 = arith.constant 0 : i32
      %get3A_277 = tpu.memref_slice %arg5[%get3A, %get3A_276] : memref<5x128xi32, #tpu.memory_space<vmem>> -> memref<1x128xi32, #tpu.memory_space<vmem>>
      %get3A_278 = tpu.memref_squeeze %get3A_277 : memref<1x128xi32, #tpu.memory_space<vmem>> -> memref<128xi32, #tpu.memory_space<vmem>>
      %get3A_279 = arith.constant 0 : index
      %get3A_280 = tpu.vector_load %get3A_278[%get3A_279] {strides = array<i32>} : memref<128xi32, #tpu.memory_space<vmem>>, vector<16xi32>,
      %get3A_281 = vector.shape_cast %get3A_280 : vector<16xi32> to vector<16xi32>
      %and3A = arith.constant 31 : i32
      %and3A_282 = vector.broadcast %and3A : i32 to vector<16xi32>
      %and3A_283 = arith.andi %get3A_281, %and3A_282 : vector<16xi32>
      %shift_right_arithmetic3A = arith.constant 5 : i32
      %shift_right_arithmetic3A_284 = vector.broadcast %shift_right_arithmetic3A : i32 to vector<16xi32>
      %shift_right_arithmetic3A_285 = arith.shrsi %get3A_281, %shift_right_arithmetic3A_284 : vector<16xi32>
      %and3A_286 = arith.constant 7 : i32
      %and3A_287 = vector.broadcast %and3A_286 : i32 to vector<16xi32>
      %and3A_288 = arith.andi %shift_right_arithmetic3A_285, %and3A_287 : vector<16xi32>
      %shift_right_arithmetic3A_289 = arith.constant 8 : i32
      %shift_right_arithmetic3A_290 = vector.broadcast %shift_right_arithmetic3A_289 : i32 to vector<16xi32>
      %shift_right_arithmetic3A_291 = arith.shrsi %get3A_281, %shift_right_arithmetic3A_290 : vector<16xi32>
      %and3A_292 = arith.constant 63 : i32
      %and3A_293 = vector.broadcast %and3A_292 : i32 to vector<16xi32>
      %and3A_294 = arith.andi %shift_right_arithmetic3A_291, %and3A_293 : vector<16xi32>
      %min3A = arith.constant 40 : i32
      %min3A_295 = vector.broadcast %min3A : i32 to vector<16xi32>
      %min3A_296 = arith.minsi %and3A_294, %min3A_295 : vector<16xi32>
      %shift_right_arithmetic3A_297 = arith.constant 14 : i32
      %shift_right_arithmetic3A_298 = vector.broadcast %shift_right_arithmetic3A_297 : i32 to vector<16xi32>
      %shift_right_arithmetic3A_299 = arith.shrsi %get3A_281, %shift_right_arithmetic3A_298 : vector<16xi32>
      %and3A_300 = arith.constant 3 : i32
      %and3A_301 = vector.broadcast %and3A_300 : i32 to vector<16xi32>
      %and3A_302 = arith.andi %shift_right_arithmetic3A_299, %and3A_301 : vector<16xi32>
      %shift_right_arithmetic3A_303 = arith.constant 16 : i32
      %shift_right_arithmetic3A_304 = vector.broadcast %shift_right_arithmetic3A_303 : i32 to vector<16xi32>
      %shift_right_arithmetic3A_305 = arith.shrsi %get3A_281, %shift_right_arithmetic3A_304 : vector<16xi32>
      %and3A_306 = arith.constant 3 : i32
      %and3A_307 = vector.broadcast %and3A_306 : i32 to vector<16xi32>
      %and3A_308 = arith.andi %shift_right_arithmetic3A_305, %and3A_307 : vector<16xi32>
      %mul3A_309 = arith.constant 4592 : i32
      %mul3A_310 = vector.broadcast %mul3A_309 : i32 to vector<16xi32>
      %mul3A_311 = arith.muli %and3A_283, %mul3A_310 : vector<16xi32>
      %mul3A_312 = arith.constant 656 : i32
      %mul3A_313 = vector.broadcast %mul3A_312 : i32 to vector<16xi32>
      %mul3A_314 = arith.muli %and3A_288, %mul3A_313 : vector<16xi32>
      %add3A_315 = arith.addi %mul3A_311, %mul3A_314 : vector<16xi32>
      %mul3A_316 = arith.constant 16 : i32
      %mul3A_317 = vector.broadcast %mul3A_316 : i32 to vector<16xi32>
      %mul3A_318 = arith.muli %min3A_296, %mul3A_317 : vector<16xi32>
      %add3A_319 = arith.addi %add3A_315, %mul3A_318 : vector<16xi32>
      %mul3A_320 = arith.constant 4 : i32
      %mul3A_321 = vector.broadcast %mul3A_320 : i32 to vector<16xi32>
      %mul3A_322 = arith.muli %and3A_302, %mul3A_321 : vector<16xi32>
      %add3A_323 = arith.addi %add3A_319, %mul3A_322 : vector<16xi32>
      %add3A_324 = arith.addi %add3A_323, %and3A_308 : vector<16xi32>
      %swap3A = arith.constant 0 : i32
      %swap3A_325 = arith.constant 0 : i32
      %swap3A_326 = tpu.memref_slice %arg6[%swap3A, %swap3A_325] : memref<5x128xi32, #tpu.memory_space<vmem>> -> memref<1x128xi32, #tpu.memory_space<vmem>>
      %swap3A_327 = tpu.memref_squeeze %swap3A_326 : memref<1x128xi32, #tpu.memory_space<vmem>> -> memref<128xi32, #tpu.memory_space<vmem>>
      %swap3A_328 = arith.constant 0 : index
      %swap3A_329 = tpu.vector_load %swap3A_327[%swap3A_328] {strides = array<i32>} : memref<128xi32, #tpu.memory_space<vmem>>, vector<16xi32>,
      %swap3A_330 = vector.shape_cast %swap3A_329 : vector<16xi32> to vector<16xi32>
      %swap3A_331 = vector.shape_cast %add3A_324 : vector<16xi32> to vector<16xi32>
      tpu.vector_store %swap3A_327[%swap3A_328], %swap3A_331 {strides = array<i32>} : memref<128xi32, #tpu.memory_space<vmem>>, vector<16xi32>,
      %get3A_332 = arith.constant 0 : i32
      %get3A_333 = arith.constant 0 : i32
      %get3A_334 = tpu.memref_slice %arg5[%get3A_332, %get3A_333] : memref<5x128xi32, #tpu.memory_space<vmem>> -> memref<1x128xi32, #tpu.memory_space<vmem>>
      %get3A_335 = tpu.memref_squeeze %get3A_334 : memref<1x128xi32, #tpu.memory_space<vmem>> -> memref<128xi32, #tpu.memory_space<vmem>>
      %get3A_336 = arith.constant 16 : index
      %get3A_337 = tpu.vector_load %get3A_335[%get3A_336] {strides = array<i32>} : memref<128xi32, #tpu.memory_space<vmem>>, vector<16xi32>,
      %get3A_338 = vector.shape_cast %get3A_337 : vector<16xi32> to vector<16xi32>
      %and3A_339 = arith.constant 31 : i32
      %and3A_340 = vector.broadcast %and3A_339 : i32 to vector<16xi32>
      %and3A_341 = arith.andi %get3A_338, %and3A_340 : vector<16xi32>
      %shift_right_arithmetic3A_342 = arith.constant 5 : i32
      %shift_right_arithmetic3A_343 = vector.broadcast %shift_right_arithmetic3A_342 : i32 to vector<16xi32>
      %shift_right_arithmetic3A_344 = arith.shrsi %get3A_338, %shift_right_arithmetic3A_343 : vector<16xi32>
      %and3A_345 = arith.constant 7 : i32
      %and3A_346 = vector.broadcast %and3A_345 : i32 to vector<16xi32>
      %and3A_347 = arith.andi %shift_right_arithmetic3A_344, %and3A_346 : vector<16xi32>
      %shift_right_arithmetic3A_348 = arith.constant 8 : i32
      %shift_right_arithmetic3A_349 = vector.broadcast %shift_right_arithmetic3A_348 : i32 to vector<16xi32>
      %shift_right_arithmetic3A_350 = arith.shrsi %get3A_338, %shift_right_arithmetic3A_349 : vector<16xi32>
      %and3A_351 = arith.constant 63 : i32
      %and3A_352 = vector.broadcast %and3A_351 : i32 to vector<16xi32>
      %and3A_353 = arith.andi %shift_right_arithmetic3A_350, %and3A_352 : vector<16xi32>
      %min3A_354 = arith.constant 40 : i32
      %min3A_355 = vector.broadcast %min3A_354 : i32 to vector<16xi32>
      %min3A_356 = arith.minsi %and3A_353, %min3A_355 : vector<16xi32>
      %shift_right_arithmetic3A_357 = arith.constant 14 : i32
      %shift_right_arithmetic3A_358 = vector.broadcast %shift_right_arithmetic3A_357 : i32 to vector<16xi32>
      %shift_right_arithmetic3A_359 = arith.shrsi %get3A_338, %shift_right_arithmetic3A_358 : vector<16xi32>
      %and3A_360 = arith.constant 3 : i32
      %and3A_361 = vector.broadcast %and3A_360 : i32 to vector<16xi32>
      %and3A_362 = arith.andi %shift_right_arithmetic3A_359, %and3A_361 : vector<16xi32>
      %shift_right_arithmetic3A_363 = arith.constant 16 : i32
      %shift_right_arithmetic3A_364 = vector.broadcast %shift_right_arithmetic3A_363 : i32 to vector<16xi32>
      %shift_right_arithmetic3A_365 = arith.shrsi %get3A_338, %shift_right_arithmetic3A_364 : vector<16xi32>
      %and3A_366 = arith.constant 3 : i32
      %and3A_367 = vector.broadcast %and3A_366 : i32 to vector<16xi32>
      %and3A_368 = arith.andi %shift_right_arithmetic3A_365, %and3A_367 : vector<16xi32>
      %mul3A_369 = arith.constant 4592 : i32
      %mul3A_370 = vector.broadcast %mul3A_369 : i32 to vector<16xi32>
      %mul3A_371 = arith.muli %and3A_341, %mul3A_370 : vector<16xi32>
      %mul3A_372 = arith.constant 656 : i32
      %mul3A_373 = vector.broadcast %mul3A_372 : i32 to vector<16xi32>
      %mul3A_374 = arith.muli %and3A_347, %mul3A_373 : vector<16xi32>
      %add3A_375 = arith.addi %mul3A_371, %mul3A_374 : vector<16xi32>
      %mul3A_376 = arith.constant 16 : i32
      %mul3A_377 = vector.broadcast %mul3A_376 : i32 to vector<16xi32>
      %mul3A_378 = arith.muli %min3A_356, %mul3A_377 : vector<16xi32>
      %add3A_379 = arith.addi %add3A_375, %mul3A_378 : vector<16xi32>
      %mul3A_380 = arith.constant 4 : i32
      %mul3A_381 = vector.broadcast %mul3A_380 : i32 to vector<16xi32>
      %mul3A_382 = arith.muli %and3A_362, %mul3A_381 : vector<16xi32>
      %add3A_383 = arith.addi %add3A_379, %mul3A_382 : vector<16xi32>
      %add3A_384 = arith.addi %add3A_383, %and3A_368 : vector<16xi32>
      %swap3A_385 = arith.constant 0 : i32
      %swap3A_386 = arith.constant 0 : i32
      %swap3A_387 = tpu.memref_slice %arg6[%swap3A_385, %swap3A_386] : memref<5x128xi32, #tpu.memory_space<vmem>> -> memref<1x128xi32, #tpu.memory_space<vmem>>
      %swap3A_388 = tpu.memref_squeeze %swap3A_387 : memref<1x128xi32, #tpu.memory_space<vmem>> -> memref<128xi32, #tpu.memory_space<vmem>>
      %swap3A_389 = arith.constant 16 : index
      %swap3A_390 = tpu.vector_load %swap3A_388[%swap3A_389] {strides = array<i32>} : memref<128xi32, #tpu.memory_space<vmem>>, vector<16xi32>,
      %swap3A_391 = vector.shape_cast %swap3A_390 : vector<16xi32> to vector<16xi32>
      %swap3A_392 = vector.shape_cast %add3A_384 : vector<16xi32> to vector<16xi32>
      tpu.vector_store %swap3A_388[%swap3A_389], %swap3A_392 {strides = array<i32>} : memref<128xi32, #tpu.memory_space<vmem>>, vector<16xi32>,
      %get3A_393 = arith.constant 0 : i32
      %get3A_394 = arith.constant 0 : i32
      %get3A_395 = tpu.memref_slice %arg5[%get3A_393, %get3A_394] : memref<5x128xi32, #tpu.memory_space<vmem>> -> memref<1x128xi32, #tpu.memory_space<vmem>>
      %get3A_396 = tpu.memref_squeeze %get3A_395 : memref<1x128xi32, #tpu.memory_space<vmem>> -> memref<128xi32, #tpu.memory_space<vmem>>
      %get3A_397 = arith.constant 32 : index
      %get3A_398 = tpu.vector_load %get3A_396[%get3A_397] {strides = array<i32>} : memref<128xi32, #tpu.memory_space<vmem>>, vector<16xi32>,
      %get3A_399 = vector.shape_cast %get3A_398 : vector<16xi32> to vector<16xi32>
      %and3A_400 = arith.constant 31 : i32
      %and3A_401 = vector.broadcast %and3A_400 : i32 to vector<16xi32>
      %and3A_402 = arith.andi %get3A_399, %and3A_401 : vector<16xi32>
      %shift_right_arithmetic3A_403 = arith.constant 5 : i32
      %shift_right_arithmetic3A_404 = vector.broadcast %shift_right_arithmetic3A_403 : i32 to vector<16xi32>
      %shift_right_arithmetic3A_405 = arith.shrsi %get3A_399, %shift_right_arithmetic3A_404 : vector<16xi32>
      %and3A_406 = arith.constant 7 : i32
      %and3A_407 = vector.broadcast %and3A_406 : i32 to vector<16xi32>
      %and3A_408 = arith.andi %shift_right_arithmetic3A_405, %and3A_407 : vector<16xi32>
      %shift_right_arithmetic3A_409 = arith.constant 8 : i32
      %shift_right_arithmetic3A_410 = vector.broadcast %shift_right_arithmetic3A_409 : i32 to vector<16xi32>
      %shift_right_arithmetic3A_411 = arith.shrsi %get3A_399, %shift_right_arithmetic3A_410 : vector<16xi32>
      %and3A_412 = arith.constant 63 : i32
      %and3A_413 = vector.broadcast %and3A_412 : i32 to vector<16xi32>
      %and3A_414 = arith.andi %shift_right_arithmetic3A_411, %and3A_413 : vector<16xi32>
      %min3A_415 = arith.constant 40 : i32
      %min3A_416 = vector.broadcast %min3A_415 : i32 to vector<16xi32>
      %min3A_417 = arith.minsi %and3A_414, %min3A_416 : vector<16xi32>
      %shift_right_arithmetic3A_418 = arith.constant 14 : i32
      %shift_right_arithmetic3A_419 = vector.broadcast %shift_right_arithmetic3A_418 : i32 to vector<16xi32>
      %shift_right_arithmetic3A_420 = arith.shrsi %get3A_399, %shift_right_arithmetic3A_419 : vector<16xi32>
      %and3A_421 = arith.constant 3 : i32
      %and3A_422 = vector.broadcast %and3A_421 : i32 to vector<16xi32>
      %and3A_423 = arith.andi %shift_right_arithmetic3A_420, %and3A_422 : vector<16xi32>
      %shift_right_arithmetic3A_424 = arith.constant 16 : i32
      %shift_right_arithmetic3A_425 = vector.broadcast %shift_right_arithmetic3A_424 : i32 to vector<16xi32>
      %shift_right_arithmetic3A_426 = arith.shrsi %get3A_399, %shift_right_arithmetic3A_425 : vector<16xi32>
      %and3A_427 = arith.constant 3 : i32
      %and3A_428 = vector.broadcast %and3A_427 : i32 to vector<16xi32>
      %and3A_429 = arith.andi %shift_right_arithmetic3A_426, %and3A_428 : vector<16xi32>
      %mul3A_430 = arith.constant 4592 : i32
      %mul3A_431 = vector.broadcast %mul3A_430 : i32 to vector<16xi32>
      %mul3A_432 = arith.muli %and3A_402, %mul3A_431 : vector<16xi32>
      %mul3A_433 = arith.constant 656 : i32
      %mul3A_434 = vector.broadcast %mul3A_433 : i32 to vector<16xi32>
      %mul3A_435 = arith.muli %and3A_408, %mul3A_434 : vector<16xi32>
      %add3A_436 = arith.addi %mul3A_432, %mul3A_435 : vector<16xi32>
      %mul3A_437 = arith.constant 16 : i32
      %mul3A_438 = vector.broadcast %mul3A_437 : i32 to vector<16xi32>
      %mul3A_439 = arith.muli %min3A_417, %mul3A_438 : vector<16xi32>
      %add3A_440 = arith.addi %add3A_436, %mul3A_439 : vector<16xi32>
      %mul3A_441 = arith.constant 4 : i32
      %mul3A_442 = vector.broadcast %mul3A_441 : i32 to vector<16xi32>
      %mul3A_443 = arith.muli %and3A_423, %mul3A_442 : vector<16xi32>
      %add3A_444 = arith.addi %add3A_440, %mul3A_443 : vector<16xi32>
      %add3A_445 = arith.addi %add3A_444, %and3A_429 : vector<16xi32>
      %swap3A_446 = arith.constant 0 : i32
      %swap3A_447 = arith.constant 0 : i32
      %swap3A_448 = tpu.memref_slice %arg6[%swap3A_446, %swap3A_447] : memref<5x128xi32, #tpu.memory_space<vmem>> -> memref<1x128xi32, #tpu.memory_space<vmem>>
      %swap3A_449 = tpu.memref_squeeze %swap3A_448 : memref<1x128xi32, #tpu.memory_space<vmem>> -> memref<128xi32, #tpu.memory_space<vmem>>
      %swap3A_450 = arith.constant 32 : index
      %swap3A_451 = tpu.vector_load %swap3A_449[%swap3A_450] {strides = array<i32>} : memref<128xi32, #tpu.memory_space<vmem>>, vector<16xi32>,
      %swap3A_452 = vector.shape_cast %swap3A_451 : vector<16xi32> to vector<16xi32>
      %swap3A_453 = vector.shape_cast %add3A_445 : vector<16xi32> to vector<16xi32>
      tpu.vector_store %swap3A_449[%swap3A_450], %swap3A_453 {strides = array<i32>} : memref<128xi32, #tpu.memory_space<vmem>>, vector<16xi32>,
      %get3A_454 = arith.constant 0 : i32
      %get3A_455 = arith.constant 0 : i32
      %get3A_456 = tpu.memref_slice %arg5[%get3A_454, %get3A_455] : memref<5x128xi32, #tpu.memory_space<vmem>> -> memref<1x128xi32, #tpu.memory_space<vmem>>
      %get3A_457 = tpu.memref_squeeze %get3A_456 : memref<1x128xi32, #tpu.memory_space<vmem>> -> memref<128xi32, #tpu.memory_space<vmem>>
      %get3A_458 = arith.constant 48 : index
      %get3A_459 = tpu.vector_load %get3A_457[%get3A_458] {strides = array<i32>} : memref<128xi32, #tpu.memory_space<vmem>>, vector<16xi32>,
      %get3A_460 = vector.shape_cast %get3A_459 : vector<16xi32> to vector<16xi32>
      %and3A_461 = arith.constant 31 : i32
      %and3A_462 = vector.broadcast %and3A_461 : i32 to vector<16xi32>
      %and3A_463 = arith.andi %get3A_460, %and3A_462 : vector<16xi32>
      %shift_right_arithmetic3A_464 = arith.constant 5 : i32
      %shift_right_arithmetic3A_465 = vector.broadcast %shift_right_arithmetic3A_464 : i32 to vector<16xi32>
      %shift_right_arithmetic3A_466 = arith.shrsi %get3A_460, %shift_right_arithmetic3A_465 : vector<16xi32>
      %and3A_467 = arith.constant 7 : i32
      %and3A_468 = vector.broadcast %and3A_467 : i32 to vector<16xi32>
      %and3A_469 = arith.andi %shift_right_arithmetic3A_466, %and3A_468 : vector<16xi32>
      %shift_right_arithmetic3A_470 = arith.constant 8 : i32
      %shift_right_arithmetic3A_471 = vector.broadcast %shift_right_arithmetic3A_470 : i32 to vector<16xi32>
      %shift_right_arithmetic3A_472 = arith.shrsi %get3A_460, %shift_right_arithmetic3A_471 : vector<16xi32>
      %and3A_473 = arith.constant 63 : i32
      %and3A_474 = vector.broadcast %and3A_473 : i32 to vector<16xi32>
      %and3A_475 = arith.andi %shift_right_arithmetic3A_472, %and3A_474 : vector<16xi32>
      %min3A_476 = arith.constant 40 : i32
      %min3A_477 = vector.broadcast %min3A_476 : i32 to vector<16xi32>
      %min3A_478 = arith.minsi %and3A_475, %min3A_477 : vector<16xi32>
      %shift_right_arithmetic3A_479 = arith.constant 14 : i32
      %shift_right_arithmetic3A_480 = vector.broadcast %shift_right_arithmetic3A_479 : i32 to vector<16xi32>
      %shift_right_arithmetic3A_481 = arith.shrsi %get3A_460, %shift_right_arithmetic3A_480 : vector<16xi32>
      %and3A_482 = arith.constant 3 : i32
      %and3A_483 = vector.broadcast %and3A_482 : i32 to vector<16xi32>
      %and3A_484 = arith.andi %shift_right_arithmetic3A_481, %and3A_483 : vector<16xi32>
      %shift_right_arithmetic3A_485 = arith.constant 16 : i32
      %shift_right_arithmetic3A_486 = vector.broadcast %shift_right_arithmetic3A_485 : i32 to vector<16xi32>
      %shift_right_arithmetic3A_487 = arith.shrsi %get3A_460, %shift_right_arithmetic3A_486 : vector<16xi32>
      %and3A_488 = arith.constant 3 : i32
      %and3A_489 = vector.broadcast %and3A_488 : i32 to vector<16xi32>
      %and3A_490 = arith.andi %shift_right_arithmetic3A_487, %and3A_489 : vector<16xi32>
      %mul3A_491 = arith.constant 4592 : i32
      %mul3A_492 = vector.broadcast %mul3A_491 : i32 to vector<16xi32>
      %mul3A_493 = arith.muli %and3A_463, %mul3A_492 : vector<16xi32>
      %mul3A_494 = arith.constant 656 : i32
      %mul3A_495 = vector.broadcast %mul3A_494 : i32 to vector<16xi32>
      %mul3A_496 = arith.muli %and3A_469, %mul3A_495 : vector<16xi32>
      %add3A_497 = arith.addi %mul3A_493, %mul3A_496 : vector<16xi32>
      %mul3A_498 = arith.constant 16 : i32
      %mul3A_499 = vector.broadcast %mul3A_498 : i32 to vector<16xi32>
      %mul3A_500 = arith.muli %min3A_478, %mul3A_499 : vector<16xi32>
      %add3A_501 = arith.addi %add3A_497, %mul3A_500 : vector<16xi32>
      %mul3A_502 = arith.constant 4 : i32
      %mul3A_503 = vector.broadcast %mul3A_502 : i32 to vector<16xi32>
      %mul3A_504 = arith.muli %and3A_484, %mul3A_503 : vector<16xi32>
      %add3A_505 = arith.addi %add3A_501, %mul3A_504 : vector<16xi32>
      %add3A_506 = arith.addi %add3A_505, %and3A_490 : vector<16xi32>
      %swap3A_507 = arith.constant 0 : i32
      %swap3A_508 = arith.constant 0 : i32
      %swap3A_509 = tpu.memref_slice %arg6[%swap3A_507, %swap3A_508] : memref<5x128xi32, #tpu.memory_space<vmem>> -> memref<1x128xi32, #tpu.memory_space<vmem>>
      %swap3A_510 = tpu.memref_squeeze %swap3A_509 : memref<1x128xi32, #tpu.memory_space<vmem>> -> memref<128xi32, #tpu.memory_space<vmem>>
      %swap3A_511 = arith.constant 48 : index
      %swap3A_512 = tpu.vector_load %swap3A_510[%swap3A_511] {strides = array<i32>} : memref<128xi32, #tpu.memory_space<vmem>>, vector<16xi32>,
      %swap3A_513 = vector.shape_cast %swap3A_512 : vector<16xi32> to vector<16xi32>
      %swap3A_514 = vector.shape_cast %add3A_506 : vector<16xi32> to vector<16xi32>
      tpu.vector_store %swap3A_510[%swap3A_511], %swap3A_514 {strides = array<i32>} : memref<128xi32, #tpu.memory_space<vmem>>, vector<16xi32>,
      %get3A_515 = arith.constant 0 : i32
      %get3A_516 = arith.constant 0 : i32
      %get3A_517 = tpu.memref_slice %arg5[%get3A_515, %get3A_516] : memref<5x128xi32, #tpu.memory_space<vmem>> -> memref<1x128xi32, #tpu.memory_space<vmem>>
      %get3A_518 = tpu.memref_squeeze %get3A_517 : memref<1x128xi32, #tpu.memory_space<vmem>> -> memref<128xi32, #tpu.memory_space<vmem>>
      %get3A_519 = arith.constant 64 : index
      %get3A_520 = tpu.vector_load %get3A_518[%get3A_519] {strides = array<i32>} : memref<128xi32, #tpu.memory_space<vmem>>, vector<16xi32>,
      %get3A_521 = vector.shape_cast %get3A_520 : vector<16xi32> to vector<16xi32>
      %and3A_522 = arith.constant 31 : i32
      %and3A_523 = vector.broadcast %and3A_522 : i32 to vector<16xi32>
      %and3A_524 = arith.andi %get3A_521, %and3A_523 : vector<16xi32>
      %shift_right_arithmetic3A_525 = arith.constant 5 : i32
      %shift_right_arithmetic3A_526 = vector.broadcast %shift_right_arithmetic3A_525 : i32 to vector<16xi32>
      %shift_right_arithmetic3A_527 = arith.shrsi %get3A_521, %shift_right_arithmetic3A_526 : vector<16xi32>
      %and3A_528 = arith.constant 7 : i32
      %and3A_529 = vector.broadcast %and3A_528 : i32 to vector<16xi32>
      %and3A_530 = arith.andi %shift_right_arithmetic3A_527, %and3A_529 : vector<16xi32>
      %shift_right_arithmetic3A_531 = arith.constant 8 : i32
      %shift_right_arithmetic3A_532 = vector.broadcast %shift_right_arithmetic3A_531 : i32 to vector<16xi32>
      %shift_right_arithmetic3A_533 = arith.shrsi %get3A_521, %shift_right_arithmetic3A_532 : vector<16xi32>
      %and3A_534 = arith.constant 63 : i32
      %and3A_535 = vector.broadcast %and3A_534 : i32 to vector<16xi32>
      %and3A_536 = arith.andi %shift_right_arithmetic3A_533, %and3A_535 : vector<16xi32>
      %min3A_537 = arith.constant 40 : i32
      %min3A_538 = vector.broadcast %min3A_537 : i32 to vector<16xi32>
      %min3A_539 = arith.minsi %and3A_536, %min3A_538 : vector<16xi32>
      %shift_right_arithmetic3A_540 = arith.constant 14 : i32
      %shift_right_arithmetic3A_541 = vector.broadcast %shift_right_arithmetic3A_540 : i32 to vector<16xi32>
      %shift_right_arithmetic3A_542 = arith.shrsi %get3A_521, %shift_right_arithmetic3A_541 : vector<16xi32>
      %and3A_543 = arith.constant 3 : i32
      %and3A_544 = vector.broadcast %and3A_543 : i32 to vector<16xi32>
      %and3A_545 = arith.andi %shift_right_arithmetic3A_542, %and3A_544 : vector<16xi32>
      %shift_right_arithmetic3A_546 = arith.constant 16 : i32
      %shift_right_arithmetic3A_547 = vector.broadcast %shift_right_arithmetic3A_546 : i32 to vector<16xi32>
      %shift_right_arithmetic3A_548 = arith.shrsi %get3A_521, %shift_right_arithmetic3A_547 : vector<16xi32>
      %and3A_549 = arith.constant 3 : i32
      %and3A_550 = vector.broadcast %and3A_549 : i32 to vector<16xi32>
      %and3A_551 = arith.andi %shift_right_arithmetic3A_548, %and3A_550 : vector<16xi32>
      %mul3A_552 = arith.constant 4592 : i32
      %mul3A_553 = vector.broadcast %mul3A_552 : i32 to vector<16xi32>
      %mul3A_554 = arith.muli %and3A_524, %mul3A_553 : vector<16xi32>
      %mul3A_555 = arith.constant 656 : i32
      %mul3A_556 = vector.broadcast %mul3A_555 : i32 to vector<16xi32>
      %mul3A_557 = arith.muli %and3A_530, %mul3A_556 : vector<16xi32>
      %add3A_558 = arith.addi %mul3A_554, %mul3A_557 : vector<16xi32>
      %mul3A_559 = arith.constant 16 : i32
      %mul3A_560 = vector.broadcast %mul3A_559 : i32 to vector<16xi32>
      %mul3A_561 = arith.muli %min3A_539, %mul3A_560 : vector<16xi32>
      %add3A_562 = arith.addi %add3A_558, %mul3A_561 : vector<16xi32>
      %mul3A_563 = arith.constant 4 : i32
      %mul3A_564 = vector.broadcast %mul3A_563 : i32 to vector<16xi32>
      %mul3A_565 = arith.muli %and3A_545, %mul3A_564 : vector<16xi32>
      %add3A_566 = arith.addi %add3A_562, %mul3A_565 : vector<16xi32>
      %add3A_567 = arith.addi %add3A_566, %and3A_551 : vector<16xi32>
      %swap3A_568 = arith.constant 0 : i32
      %swap3A_569 = arith.constant 0 : i32
      %swap3A_570 = tpu.memref_slice %arg6[%swap3A_568, %swap3A_569] : memref<5x128xi32, #tpu.memory_space<vmem>> -> memref<1x128xi32, #tpu.memory_space<vmem>>
      %swap3A_571 = tpu.memref_squeeze %swap3A_570 : memref<1x128xi32, #tpu.memory_space<vmem>> -> memref<128xi32, #tpu.memory_space<vmem>>
      %swap3A_572 = arith.constant 64 : index
      %swap3A_573 = tpu.vector_load %swap3A_571[%swap3A_572] {strides = array<i32>} : memref<128xi32, #tpu.memory_space<vmem>>, vector<16xi32>,
      %swap3A_574 = vector.shape_cast %swap3A_573 : vector<16xi32> to vector<16xi32>
      %swap3A_575 = vector.shape_cast %add3A_567 : vector<16xi32> to vector<16xi32>
      tpu.vector_store %swap3A_571[%swap3A_572], %swap3A_575 {strides = array<i32>} : memref<128xi32, #tpu.memory_space<vmem>>, vector<16xi32>,
      %get3A_576 = arith.constant 0 : i32
      %get3A_577 = arith.constant 0 : i32
      %get3A_578 = tpu.memref_slice %arg5[%get3A_576, %get3A_577] : memref<5x128xi32, #tpu.memory_space<vmem>> -> memref<1x128xi32, #tpu.memory_space<vmem>>
      %get3A_579 = tpu.memref_squeeze %get3A_578 : memref<1x128xi32, #tpu.memory_space<vmem>> -> memref<128xi32, #tpu.memory_space<vmem>>
      %get3A_580 = arith.constant 80 : index
      %get3A_581 = tpu.vector_load %get3A_579[%get3A_580] {strides = array<i32>} : memref<128xi32, #tpu.memory_space<vmem>>, vector<16xi32>,
      %get3A_582 = vector.shape_cast %get3A_581 : vector<16xi32> to vector<16xi32>
      %and3A_583 = arith.constant 31 : i32
      %and3A_584 = vector.broadcast %and3A_583 : i32 to vector<16xi32>
      %and3A_585 = arith.andi %get3A_582, %and3A_584 : vector<16xi32>
      %shift_right_arithmetic3A_586 = arith.constant 5 : i32
      %shift_right_arithmetic3A_587 = vector.broadcast %shift_right_arithmetic3A_586 : i32 to vector<16xi32>
      %shift_right_arithmetic3A_588 = arith.shrsi %get3A_582, %shift_right_arithmetic3A_587 : vector<16xi32>
      %and3A_589 = arith.constant 7 : i32
      %and3A_590 = vector.broadcast %and3A_589 : i32 to vector<16xi32>
      %and3A_591 = arith.andi %shift_right_arithmetic3A_588, %and3A_590 : vector<16xi32>
      %shift_right_arithmetic3A_592 = arith.constant 8 : i32
      %shift_right_arithmetic3A_593 = vector.broadcast %shift_right_arithmetic3A_592 : i32 to vector<16xi32>
      %shift_right_arithmetic3A_594 = arith.shrsi %get3A_582, %shift_right_arithmetic3A_593 : vector<16xi32>
      %and3A_595 = arith.constant 63 : i32
      %and3A_596 = vector.broadcast %and3A_595 : i32 to vector<16xi32>
      %and3A_597 = arith.andi %shift_right_arithmetic3A_594, %and3A_596 : vector<16xi32>
      %min3A_598 = arith.constant 40 : i32
      %min3A_599 = vector.broadcast %min3A_598 : i32 to vector<16xi32>
      %min3A_600 = arith.minsi %and3A_597, %min3A_599 : vector<16xi32>
      %shift_right_arithmetic3A_601 = arith.constant 14 : i32
      %shift_right_arithmetic3A_602 = vector.broadcast %shift_right_arithmetic3A_601 : i32 to vector<16xi32>
      %shift_right_arithmetic3A_603 = arith.shrsi %get3A_582, %shift_right_arithmetic3A_602 : vector<16xi32>
      %and3A_604 = arith.constant 3 : i32
      %and3A_605 = vector.broadcast %and3A_604 : i32 to vector<16xi32>
      %and3A_606 = arith.andi %shift_right_arithmetic3A_603, %and3A_605 : vector<16xi32>
      %shift_right_arithmetic3A_607 = arith.constant 16 : i32
      %shift_right_arithmetic3A_608 = vector.broadcast %shift_right_arithmetic3A_607 : i32 to vector<16xi32>
      %shift_right_arithmetic3A_609 = arith.shrsi %get3A_582, %shift_right_arithmetic3A_608 : vector<16xi32>
      %and3A_610 = arith.constant 3 : i32
      %and3A_611 = vector.broadcast %and3A_610 : i32 to vector<16xi32>
      %and3A_612 = arith.andi %shift_right_arithmetic3A_609, %and3A_611 : vector<16xi32>
      %mul3A_613 = arith.constant 4592 : i32
      %mul3A_614 = vector.broadcast %mul3A_613 : i32 to vector<16xi32>
      %mul3A_615 = arith.muli %and3A_585, %mul3A_614 : vector<16xi32>
      %mul3A_616 = arith.constant 656 : i32
      %mul3A_617 = vector.broadcast %mul3A_616 : i32 to vector<16xi32>
      %mul3A_618 = arith.muli %and3A_591, %mul3A_617 : vector<16xi32>
      %add3A_619 = arith.addi %mul3A_615, %mul3A_618 : vector<16xi32>
      %mul3A_620 = arith.constant 16 : i32
      %mul3A_621 = vector.broadcast %mul3A_620 : i32 to vector<16xi32>
      %mul3A_622 = arith.muli %min3A_600, %mul3A_621 : vector<16xi32>
      %add3A_623 = arith.addi %add3A_619, %mul3A_622 : vector<16xi32>
      %mul3A_624 = arith.constant 4 : i32
      %mul3A_625 = vector.broadcast %mul3A_624 : i32 to vector<16xi32>
      %mul3A_626 = arith.muli %and3A_606, %mul3A_625 : vector<16xi32>
      %add3A_627 = arith.addi %add3A_623, %mul3A_626 : vector<16xi32>
      %add3A_628 = arith.addi %add3A_627, %and3A_612 : vector<16xi32>
      %swap3A_629 = arith.constant 0 : i32
      %swap3A_630 = arith.constant 0 : i32
      %swap3A_631 = tpu.memref_slice %arg6[%swap3A_629, %swap3A_630] : memref<5x128xi32, #tpu.memory_space<vmem>> -> memref<1x128xi32, #tpu.memory_space<vmem>>
      %swap3A_632 = tpu.memref_squeeze %swap3A_631 : memref<1x128xi32, #tpu.memory_space<vmem>> -> memref<128xi32, #tpu.memory_space<vmem>>
      %swap3A_633 = arith.constant 80 : index
      %swap3A_634 = tpu.vector_load %swap3A_632[%swap3A_633] {strides = array<i32>} : memref<128xi32, #tpu.memory_space<vmem>>, vector<16xi32>,
      %swap3A_635 = vector.shape_cast %swap3A_634 : vector<16xi32> to vector<16xi32>
      %swap3A_636 = vector.shape_cast %add3A_628 : vector<16xi32> to vector<16xi32>
      tpu.vector_store %swap3A_632[%swap3A_633], %swap3A_636 {strides = array<i32>} : memref<128xi32, #tpu.memory_space<vmem>>, vector<16xi32>,
      %get3A_637 = arith.constant 0 : i32
      %get3A_638 = arith.constant 0 : i32
      %get3A_639 = tpu.memref_slice %arg5[%get3A_637, %get3A_638] : memref<5x128xi32, #tpu.memory_space<vmem>> -> memref<1x128xi32, #tpu.memory_space<vmem>>
      %get3A_640 = tpu.memref_squeeze %get3A_639 : memref<1x128xi32, #tpu.memory_space<vmem>> -> memref<128xi32, #tpu.memory_space<vmem>>
      %get3A_641 = arith.constant 96 : index
      %get3A_642 = tpu.vector_load %get3A_640[%get3A_641] {strides = array<i32>} : memref<128xi32, #tpu.memory_space<vmem>>, vector<16xi32>,
      %get3A_643 = vector.shape_cast %get3A_642 : vector<16xi32> to vector<16xi32>
      %and3A_644 = arith.constant 31 : i32
      %and3A_645 = vector.broadcast %and3A_644 : i32 to vector<16xi32>
      %and3A_646 = arith.andi %get3A_643, %and3A_645 : vector<16xi32>
      %shift_right_arithmetic3A_647 = arith.constant 5 : i32
      %shift_right_arithmetic3A_648 = vector.broadcast %shift_right_arithmetic3A_647 : i32 to vector<16xi32>
      %shift_right_arithmetic3A_649 = arith.shrsi %get3A_643, %shift_right_arithmetic3A_648 : vector<16xi32>
      %and3A_650 = arith.constant 7 : i32
      %and3A_651 = vector.broadcast %and3A_650 : i32 to vector<16xi32>
      %and3A_652 = arith.andi %shift_right_arithmetic3A_649, %and3A_651 : vector<16xi32>
      %shift_right_arithmetic3A_653 = arith.constant 8 : i32
      %shift_right_arithmetic3A_654 = vector.broadcast %shift_right_arithmetic3A_653 : i32 to vector<16xi32>
      %shift_right_arithmetic3A_655 = arith.shrsi %get3A_643, %shift_right_arithmetic3A_654 : vector<16xi32>
      %and3A_656 = arith.constant 63 : i32
      %and3A_657 = vector.broadcast %and3A_656 : i32 to vector<16xi32>
      %and3A_658 = arith.andi %shift_right_arithmetic3A_655, %and3A_657 : vector<16xi32>
      %min3A_659 = arith.constant 40 : i32
      %min3A_660 = vector.broadcast %min3A_659 : i32 to vector<16xi32>
      %min3A_661 = arith.minsi %and3A_658, %min3A_660 : vector<16xi32>
      %shift_right_arithmetic3A_662 = arith.constant 14 : i32
      %shift_right_arithmetic3A_663 = vector.broadcast %shift_right_arithmetic3A_662 : i32 to vector<16xi32>
      %shift_right_arithmetic3A_664 = arith.shrsi %get3A_643, %shift_right_arithmetic3A_663 : vector<16xi32>
      %and3A_665 = arith.constant 3 : i32
      %and3A_666 = vector.broadcast %and3A_665 : i32 to vector<16xi32>
      %and3A_667 = arith.andi %shift_right_arithmetic3A_664, %and3A_666 : vector<16xi32>
      %shift_right_arithmetic3A_668 = arith.constant 16 : i32
      %shift_right_arithmetic3A_669 = vector.broadcast %shift_right_arithmetic3A_668 : i32 to vector<16xi32>
      %shift_right_arithmetic3A_670 = arith.shrsi %get3A_643, %shift_right_arithmetic3A_669 : vector<16xi32>
      %and3A_671 = arith.constant 3 : i32
      %and3A_672 = vector.broadcast %and3A_671 : i32 to vector<16xi32>
      %and3A_673 = arith.andi %shift_right_arithmetic3A_670, %and3A_672 : vector<16xi32>
      %mul3A_674 = arith.constant 4592 : i32
      %mul3A_675 = vector.broadcast %mul3A_674 : i32 to vector<16xi32>
      %mul3A_676 = arith.muli %and3A_646, %mul3A_675 : vector<16xi32>
      %mul3A_677 = arith.constant 656 : i32
      %mul3A_678 = vector.broadcast %mul3A_677 : i32 to vector<16xi32>
      %mul3A_679 = arith.muli %and3A_652, %mul3A_678 : vector<16xi32>
      %add3A_680 = arith.addi %mul3A_676, %mul3A_679 : vector<16xi32>
      %mul3A_681 = arith.constant 16 : i32
      %mul3A_682 = vector.broadcast %mul3A_681 : i32 to vector<16xi32>
      %mul3A_683 = arith.muli %min3A_661, %mul3A_682 : vector<16xi32>
      %add3A_684 = arith.addi %add3A_680, %mul3A_683 : vector<16xi32>
      %mul3A_685 = arith.constant 4 : i32
      %mul3A_686 = vector.broadcast %mul3A_685 : i32 to vector<16xi32>
      %mul3A_687 = arith.muli %and3A_667, %mul3A_686 : vector<16xi32>
      %add3A_688 = arith.addi %add3A_684, %mul3A_687 : vector<16xi32>
      %add3A_689 = arith.addi %add3A_688, %and3A_673 : vector<16xi32>
      %swap3A_690 = arith.constant 0 : i32
      %swap3A_691 = arith.constant 0 : i32
      %swap3A_692 = tpu.memref_slice %arg6[%swap3A_690, %swap3A_691] : memref<5x128xi32, #tpu.memory_space<vmem>> -> memref<1x128xi32, #tpu.memory_space<vmem>>
      %swap3A_693 = tpu.memref_squeeze %swap3A_692 : memref<1x128xi32, #tpu.memory_space<vmem>> -> memref<128xi32, #tpu.memory_space<vmem>>
      %swap3A_694 = arith.constant 96 : index
      %swap3A_695 = tpu.vector_load %swap3A_693[%swap3A_694] {strides = array<i32>} : memref<128xi32, #tpu.memory_space<vmem>>, vector<16xi32>,
      %swap3A_696 = vector.shape_cast %swap3A_695 : vector<16xi32> to vector<16xi32>
      %swap3A_697 = vector.shape_cast %add3A_689 : vector<16xi32> to vector<16xi32>
      tpu.vector_store %swap3A_693[%swap3A_694], %swap3A_697 {strides = array<i32>} : memref<128xi32, #tpu.memory_space<vmem>>, vector<16xi32>,
      %get3A_698 = arith.constant 0 : i32
      %get3A_699 = arith.constant 0 : i32
      %get3A_700 = tpu.memref_slice %arg5[%get3A_698, %get3A_699] : memref<5x128xi32, #tpu.memory_space<vmem>> -> memref<1x128xi32, #tpu.memory_space<vmem>>
      %get3A_701 = tpu.memref_squeeze %get3A_700 : memref<1x128xi32, #tpu.memory_space<vmem>> -> memref<128xi32, #tpu.memory_space<vmem>>
      %get3A_702 = arith.constant 112 : index
      %get3A_703 = tpu.vector_load %get3A_701[%get3A_702] {strides = array<i32>} : memref<128xi32, #tpu.memory_space<vmem>>, vector<16xi32>,
      %get3A_704 = vector.shape_cast %get3A_703 : vector<16xi32> to vector<16xi32>
      %and3A_705 = arith.constant 31 : i32
      %and3A_706 = vector.broadcast %and3A_705 : i32 to vector<16xi32>
      %and3A_707 = arith.andi %get3A_704, %and3A_706 : vector<16xi32>
      %shift_right_arithmetic3A_708 = arith.constant 5 : i32
      %shift_right_arithmetic3A_709 = vector.broadcast %shift_right_arithmetic3A_708 : i32 to vector<16xi32>
      %shift_right_arithmetic3A_710 = arith.shrsi %get3A_704, %shift_right_arithmetic3A_709 : vector<16xi32>
      %and3A_711 = arith.constant 7 : i32
      %and3A_712 = vector.broadcast %and3A_711 : i32 to vector<16xi32>
      %and3A_713 = arith.andi %shift_right_arithmetic3A_710, %and3A_712 : vector<16xi32>
      %shift_right_arithmetic3A_714 = arith.constant 8 : i32
      %shift_right_arithmetic3A_715 = vector.broadcast %shift_right_arithmetic3A_714 : i32 to vector<16xi32>
      %shift_right_arithmetic3A_716 = arith.shrsi %get3A_704, %shift_right_arithmetic3A_715 : vector<16xi32>
      %and3A_717 = arith.constant 63 : i32
      %and3A_718 = vector.broadcast %and3A_717 : i32 to vector<16xi32>
      %and3A_719 = arith.andi %shift_right_arithmetic3A_716, %and3A_718 : vector<16xi32>
      %min3A_720 = arith.constant 40 : i32
      %min3A_721 = vector.broadcast %min3A_720 : i32 to vector<16xi32>
      %min3A_722 = arith.minsi %and3A_719, %min3A_721 : vector<16xi32>
      %shift_right_arithmetic3A_723 = arith.constant 14 : i32
      %shift_right_arithmetic3A_724 = vector.broadcast %shift_right_arithmetic3A_723 : i32 to vector<16xi32>
      %shift_right_arithmetic3A_725 = arith.shrsi %get3A_704, %shift_right_arithmetic3A_724 : vector<16xi32>
      %and3A_726 = arith.constant 3 : i32
      %and3A_727 = vector.broadcast %and3A_726 : i32 to vector<16xi32>
      %and3A_728 = arith.andi %shift_right_arithmetic3A_725, %and3A_727 : vector<16xi32>
      %shift_right_arithmetic3A_729 = arith.constant 16 : i32
      %shift_right_arithmetic3A_730 = vector.broadcast %shift_right_arithmetic3A_729 : i32 to vector<16xi32>
      %shift_right_arithmetic3A_731 = arith.shrsi %get3A_704, %shift_right_arithmetic3A_730 : vector<16xi32>
      %and3A_732 = arith.constant 3 : i32
      %and3A_733 = vector.broadcast %and3A_732 : i32 to vector<16xi32>
      %and3A_734 = arith.andi %shift_right_arithmetic3A_731, %and3A_733 : vector<16xi32>
      %mul3A_735 = arith.constant 4592 : i32
      %mul3A_736 = vector.broadcast %mul3A_735 : i32 to vector<16xi32>
      %mul3A_737 = arith.muli %and3A_707, %mul3A_736 : vector<16xi32>
      %mul3A_738 = arith.constant 656 : i32
      %mul3A_739 = vector.broadcast %mul3A_738 : i32 to vector<16xi32>
      %mul3A_740 = arith.muli %and3A_713, %mul3A_739 : vector<16xi32>
      %add3A_741 = arith.addi %mul3A_737, %mul3A_740 : vector<16xi32>
      %mul3A_742 = arith.constant 16 : i32
      %mul3A_743 = vector.broadcast %mul3A_742 : i32 to vector<16xi32>
      %mul3A_744 = arith.muli %min3A_722, %mul3A_743 : vector<16xi32>
      %add3A_745 = arith.addi %add3A_741, %mul3A_744 : vector<16xi32>
      %mul3A_746 = arith.constant 4 : i32
      %mul3A_747 = vector.broadcast %mul3A_746 : i32 to vector<16xi32>
      %mul3A_748 = arith.muli %and3A_728, %mul3A_747 : vector<16xi32>
      %add3A_749 = arith.addi %add3A_745, %mul3A_748 : vector<16xi32>
      %add3A_750 = arith.addi %add3A_749, %and3A_734 : vector<16xi32>
      %swap3A_751 = arith.constant 0 : i32
      %swap3A_752 = arith.constant 0 : i32
      %swap3A_753 = tpu.memref_slice %arg6[%swap3A_751, %swap3A_752] : memref<5x128xi32, #tpu.memory_space<vmem>> -> memref<1x128xi32, #tpu.memory_space<vmem>>
      %swap3A_754 = tpu.memref_squeeze %swap3A_753 : memref<1x128xi32, #tpu.memory_space<vmem>> -> memref<128xi32, #tpu.memory_space<vmem>>
      %swap3A_755 = arith.constant 112 : index
      %swap3A_756 = tpu.vector_load %swap3A_754[%swap3A_755] {strides = array<i32>} : memref<128xi32, #tpu.memory_space<vmem>>, vector<16xi32>,
      %swap3A_757 = vector.shape_cast %swap3A_756 : vector<16xi32> to vector<16xi32>
      %swap3A_758 = vector.shape_cast %add3A_750 : vector<16xi32> to vector<16xi32>
      tpu.vector_store %swap3A_754[%swap3A_755], %swap3A_758 {strides = array<i32>} : memref<128xi32, #tpu.memory_space<vmem>>, vector<16xi32>,
      %ge3A = arith.constant 5 : i32
      %ge3A_759 = arith.cmpi sge, %add3A_260, %ge3A : i32
      %convert_element_type3A = arith.extui %ge3A_759 : i1 to i32
      %cond3A = arith.constant 0 : i32
      %cond3A_760 = arith.cmpi ne, %convert_element_type3A, %cond3A : i32
      scf.if %cond3A_760 {
        %dma_wait3A_2959 = arith.constant 0 : i32
        %dma_wait3A_2960 = arith.constant 0 : i32
        %dma_wait3A_2961 = arith.constant 0 : i32
        %dma_wait3A_2962 = arith.constant 0 : i32
        %dma_wait3A_2963 = tpu.memref_slice %arg7[%dma_wait3A_2959, %dma_wait3A_2961, %dma_wait3A_2962] : memref<5x128x128xf32, #tpu.memory_space<vmem>> -> memref<1x128x128xf32, #tpu.memory_space<vmem>>
        %dma_wait3A_2964 = tpu.memref_squeeze %dma_wait3A_2963 : memref<1x128x128xf32, #tpu.memory_space<vmem>> -> memref<128x128xf32, #tpu.memory_space<vmem>>
        %dma_wait3A_2965 = arith.constant 0 : i32
        %dma_wait3A_2966 = tpu.memref_slice %arg4[%mul3A_2, %dma_wait3A_2965] : memref<819200x128xf32, #tpu.memory_space<hbm>> -> memref<128x128xf32, #tpu.memory_space<hbm>>
        %dma_wait3A_2967 = tpu.memref_slice %arg10[%dma_wait3A_2960] : memref<5x!tpu.dma_semaphore, #tpu.memory_space<semaphore_mem>> -> memref<1x!tpu.dma_semaphore, #tpu.memory_space<semaphore_mem>>
        %dma_wait3A_2968 = tpu.memref_squeeze %dma_wait3A_2967 : memref<1x!tpu.dma_semaphore, #tpu.memory_space<semaphore_mem>> -> memref<!tpu.dma_semaphore, #tpu.memory_space<semaphore_mem>>
        %dma_wait3A_2969 = arith.constant 0 : i32
        %dma_wait3A_2970 = tpu.memref_slice %arg4[%mul3A_2, %dma_wait3A_2969] : memref<819200x128xf32, #tpu.memory_space<hbm>> -> memref<128x128xf32, #tpu.memory_space<hbm>>
        %dma_wait3A_2971 = arith.constant 0 : i32
        %dma_wait3A_2972 = arith.constant 0 : i32
        %dma_wait3A_2973 = tpu.memref_slice %arg7[%dma_wait3A_2959, %dma_wait3A_2971, %dma_wait3A_2972] : memref<5x128x128xf32, #tpu.memory_space<vmem>> -> memref<1x128x128xf32, #tpu.memory_space<vmem>>
        %dma_wait3A_2974 = tpu.memref_squeeze %dma_wait3A_2973 : memref<1x128x128xf32, #tpu.memory_space<vmem>> -> memref<128x128xf32, #tpu.memory_space<vmem>>
        tpu.wait_dma2 semaphore(%dma_wait3A_2968 : memref<!tpu.dma_semaphore, #tpu.memory_space<semaphore_mem>>) src(%dma_wait3A_2974 : memref<128x128xf32, #tpu.memory_space<vmem>>) dst(%dma_wait3A_2970 : memref<128x128xf32, #tpu.memory_space<hbm>>)
      } else {
      }
      %dma_start3A_761 = arith.constant 0 : i32
      %dma_start3A_762 = arith.constant 0 : i32
      %dma_start3A_763 = arith.constant 0 : i32
      %dma_start3A_764 = arith.constant 0 : i32
      %dma_start3A_765 = arith.constant 0 : i32
      %dma_start3A_766 = tpu.memref_slice %arg7[%dma_start3A_762, %dma_start3A_764, %dma_start3A_765] : memref<5x128x128xf32, #tpu.memory_space<vmem>> -> memref<1x128x128xf32, #tpu.memory_space<vmem>>
      %dma_start3A_767 = tpu.memref_squeeze %dma_start3A_766 : memref<1x128x128xf32, #tpu.memory_space<vmem>> -> memref<128x128xf32, #tpu.memory_space<vmem>>
      %dma_start3A_768 = arith.constant 0 : i32
      %dma_start3A_769 = tpu.memref_slice %arg6[%dma_start3A_761, %dma_start3A_768] : memref<5x128xi32, #tpu.memory_space<vmem>> -> memref<1x128xi32, #tpu.memory_space<vmem>>
      %dma_start3A_770 = tpu.memref_squeeze %dma_start3A_769 : memref<1x128xi32, #tpu.memory_space<vmem>> -> memref<128xi32, #tpu.memory_space<vmem>>
      %dma_start3A_771 = arith.constant 0 : i32
      %dma_start3A_772 = arith.constant 0 : i32
      %dma_start3A_773 = tpu.memref_slice %arg2[%dma_start3A_771, %dma_start3A_772] : memref<78064x128xf32, #tpu.memory_space<hbm>> -> memref<78064x128xf32, #tpu.memory_space<hbm>>
      %dma_start3A_774 = tpu.memref_slice %arg9[%dma_start3A_763] : memref<5x!tpu.dma_semaphore, #tpu.memory_space<semaphore_mem>> -> memref<1x!tpu.dma_semaphore, #tpu.memory_space<semaphore_mem>>
      %dma_start3A_775 = tpu.memref_squeeze %dma_start3A_774 : memref<1x!tpu.dma_semaphore, #tpu.memory_space<semaphore_mem>> -> memref<!tpu.dma_semaphore, #tpu.memory_space<semaphore_mem>>
      tpu.enqueue_indirect_dma source(%dma_start3A_773 : memref<78064x128xf32, #tpu.memory_space<hbm>>) target(%dma_start3A_767 : memref<128x128xf32, #tpu.memory_space<vmem>>) offsets(%dma_start3A_770 : memref<128xi32, #tpu.memory_space<vmem>>) semaphore(%dma_start3A_775 : memref<!tpu.dma_semaphore, #tpu.memory_space<semaphore_mem>>)
      %ge3A_776 = arith.constant 3 : i32
      %ge3A_777 = arith.cmpi sge, %add3A_260, %ge3A_776 : i32
      %convert_element_type3A_778 = arith.extui %ge3A_777 : i1 to i32
      %cond3A_779 = arith.constant 0 : i32
      %cond3A_780 = arith.cmpi ne, %convert_element_type3A_778, %cond3A_779 : i32
      scf.if %cond3A_780 {
        %dma_wait3A_2959 = arith.constant 2 : i32
        %dma_wait3A_2960 = arith.constant 2 : i32
        %dma_wait3A_2961 = arith.constant 2 : i32
        %dma_wait3A_2962 = arith.constant 0 : i32
        %dma_wait3A_2963 = arith.constant 0 : i32
        %dma_wait3A_2964 = tpu.memref_slice %arg7[%dma_wait3A_2960, %dma_wait3A_2962, %dma_wait3A_2963] : memref<5x128x128xf32, #tpu.memory_space<vmem>> -> memref<1x128x128xf32, #tpu.memory_space<vmem>>
        %dma_wait3A_2965 = tpu.memref_squeeze %dma_wait3A_2964 : memref<1x128x128xf32, #tpu.memory_space<vmem>> -> memref<128x128xf32, #tpu.memory_space<vmem>>
        %dma_wait3A_2966 = arith.constant 0 : i32
        %dma_wait3A_2967 = tpu.memref_slice %arg6[%dma_wait3A_2959, %dma_wait3A_2966] : memref<5x128xi32, #tpu.memory_space<vmem>> -> memref<1x128xi32, #tpu.memory_space<vmem>>
        %dma_wait3A_2968 = tpu.memref_squeeze %dma_wait3A_2967 : memref<1x128xi32, #tpu.memory_space<vmem>> -> memref<128xi32, #tpu.memory_space<vmem>>
        %dma_wait3A_2969 = arith.constant 0 : i32
        %dma_wait3A_2970 = arith.constant 0 : i32
        %dma_wait3A_2971 = tpu.memref_slice %arg2[%dma_wait3A_2969, %dma_wait3A_2970] : memref<78064x128xf32, #tpu.memory_space<hbm>> -> memref<78064x128xf32, #tpu.memory_space<hbm>>
        %dma_wait3A_2972 = tpu.memref_slice %arg9[%dma_wait3A_2961] : memref<5x!tpu.dma_semaphore, #tpu.memory_space<semaphore_mem>> -> memref<1x!tpu.dma_semaphore, #tpu.memory_space<semaphore_mem>>
        %dma_wait3A_2973 = tpu.memref_squeeze %dma_wait3A_2972 : memref<1x!tpu.dma_semaphore, #tpu.memory_space<semaphore_mem>> -> memref<!tpu.dma_semaphore, #tpu.memory_space<semaphore_mem>>
        tpu.wait_indirect_dma semaphore(%dma_wait3A_2973 : memref<!tpu.dma_semaphore, #tpu.memory_space<semaphore_mem>>) src(%dma_wait3A_2971 : memref<78064x128xf32, #tpu.memory_space<hbm>>) dst(%dma_wait3A_2965 : memref<128x128xf32, #tpu.memory_space<vmem>>)
        %sub3A_2974 = arith.constant 384 : i32
        %sub3A_2975 = arith.subi %add3A_263, %sub3A_2974 : i32
        %dma_start3A_2976 = arith.constant 2 : i32
        %dma_start3A_2977 = arith.constant 2 : i32
        %dma_start3A_2978 = arith.constant 0 : i32
        %dma_start3A_2979 = arith.constant 0 : i32
        %dma_start3A_2980 = tpu.memref_slice %arg7[%dma_start3A_2976, %dma_start3A_2978, %dma_start3A_2979] : memref<5x128x128xf32, #tpu.memory_space<vmem>> -> memref<1x128x128xf32, #tpu.memory_space<vmem>>
        %dma_start3A_2981 = tpu.memref_squeeze %dma_start3A_2980 : memref<1x128x128xf32, #tpu.memory_space<vmem>> -> memref<128x128xf32, #tpu.memory_space<vmem>>
        %dma_start3A_2982 = arith.constant 0 : i32
        %dma_start3A_2983 = tpu.memref_slice %arg4[%sub3A_2975, %dma_start3A_2982] : memref<819200x128xf32, #tpu.memory_space<hbm>> -> memref<128x128xf32, #tpu.memory_space<hbm>>
        %dma_start3A_2984 = tpu.memref_slice %arg10[%dma_start3A_2977] : memref<5x!tpu.dma_semaphore, #tpu.memory_space<semaphore_mem>> -> memref<1x!tpu.dma_semaphore, #tpu.memory_space<semaphore_mem>>
        %dma_start3A_2985 = tpu.memref_squeeze %dma_start3A_2984 : memref<1x!tpu.dma_semaphore, #tpu.memory_space<semaphore_mem>> -> memref<!tpu.dma_semaphore, #tpu.memory_space<semaphore_mem>>
        %dma_start3A_2986 = arith.constant 0 : i32
        %dma_start3A_2987 = tpu.memref_slice %arg4[%sub3A_2975, %dma_start3A_2986] : memref<819200x128xf32, #tpu.memory_space<hbm>> -> memref<128x128xf32, #tpu.memory_space<hbm>>
        %dma_start3A_2988 = arith.constant 0 : i32
        %dma_start3A_2989 = arith.constant 0 : i32
        %dma_start3A_2990 = tpu.memref_slice %arg7[%dma_start3A_2976, %dma_start3A_2988, %dma_start3A_2989] : memref<5x128x128xf32, #tpu.memory_space<vmem>> -> memref<1x128x128xf32, #tpu.memory_space<vmem>>
        %dma_start3A_2991 = tpu.memref_squeeze %dma_start3A_2990 : memref<1x128x128xf32, #tpu.memory_space<vmem>> -> memref<128x128xf32, #tpu.memory_space<vmem>>
        tpu.enqueue_dma source(%dma_start3A_2991 : memref<128x128xf32, #tpu.memory_space<vmem>>) target(%dma_start3A_2987 : memref<128x128xf32, #tpu.memory_space<hbm>>) target_semaphore(%dma_start3A_2985 : memref<!tpu.dma_semaphore, #tpu.memory_space<semaphore_mem>>)
      } else {
      }
      %ge3A_781 = arith.constant 3 : i32
      %ge3A_782 = arith.cmpi sge, %add3A_260, %ge3A_781 : i32
      %sub3A = arith.constant 3 : i32
      %sub3A_783 = arith.subi %add3A_260, %sub3A : i32
      %add3A_784 = arith.constant 5 : i32
      %add3A_785 = arith.addi %sub3A_783, %add3A_784 : i32
      %lt3A = arith.constant 200 : i32
      %lt3A_786 = arith.cmpi slt, %add3A_785, %lt3A : i32
      %and3A_787 = arith.andi %ge3A_782, %lt3A_786 : i1
      %convert_element_type3A_788 = arith.extui %and3A_787 : i1 to i32
      %cond3A_789 = arith.constant 0 : i32
      %cond3A_790 = arith.cmpi ne, %convert_element_type3A_788, %cond3A_789 : i32
      scf.if %cond3A_790 {
        %add3A_2959 = arith.constant 256 : i32
        %add3A_2960 = arith.addi %add3A_263, %add3A_2959 : i32
        %dma_start3A_2961 = arith.constant 2 : i32
        %dma_start3A_2962 = arith.constant 2 : i32
        %dma_start3A_2963 = arith.constant 0 : i32
        %dma_start3A_2964 = tpu.memref_slice %arg5[%dma_start3A_2961, %dma_start3A_2963] : memref<5x128xi32, #tpu.memory_space<vmem>> -> memref<1x128xi32, #tpu.memory_space<vmem>>
        %dma_start3A_2965 = tpu.memref_squeeze %dma_start3A_2964 : memref<1x128xi32, #tpu.memory_space<vmem>> -> memref<128xi32, #tpu.memory_space<vmem>>
        %dma_start3A_2966 = tpu.memref_slice %arg3[%add3A_2960] : memref<819200xi32, #tpu.memory_space<hbm>> -> memref<128xi32, #tpu.memory_space<hbm>>
        %dma_start3A_2967 = tpu.memref_slice %arg8[%dma_start3A_2962] : memref<5x!tpu.dma_semaphore, #tpu.memory_space<semaphore_mem>> -> memref<1x!tpu.dma_semaphore, #tpu.memory_space<semaphore_mem>>
        %dma_start3A_2968 = tpu.memref_squeeze %dma_start3A_2967 : memref<1x!tpu.dma_semaphore, #tpu.memory_space<semaphore_mem>> -> memref<!tpu.dma_semaphore, #tpu.memory_space<semaphore_mem>>
        %dma_start3A_2969 = arith.constant 0 : i32
        %dma_start3A_2970 = tpu.memref_slice %arg5[%dma_start3A_2961, %dma_start3A_2969] : memref<5x128xi32, #tpu.memory_space<vmem>> -> memref<1x128xi32, #tpu.memory_space<vmem>>
        %dma_start3A_2971 = tpu.memref_squeeze %dma_start3A_2970 : memref<1x128xi32, #tpu.memory_space<vmem>> -> memref<128xi32, #tpu.memory_space<vmem>>
        %dma_start3A_2972 = tpu.memref_slice %arg3[%add3A_2960] : memref<819200xi32, #tpu.memory_space<hbm>> -> memref<128xi32, #tpu.memory_space<hbm>>
        tpu.enqueue_dma source(%dma_start3A_2972 : memref<128xi32, #tpu.memory_space<hbm>>) target(%dma_start3A_2971 : memref<128xi32, #tpu.memory_space<vmem>>) target_semaphore(%dma_start3A_2968 : memref<!tpu.dma_semaphore, #tpu.memory_space<semaphore_mem>>)
      } else {
      }
      %add3A_791 = arith.constant 1 : i32
      %add3A_792 = arith.addi %add3A_258, %add3A_791 : i32
      %mul3A_793 = arith.constant 128 : i32
      %mul3A_794 = arith.muli %add3A_792, %mul3A_793 : i32
      %add3A_795 = arith.addi %mul3A_2, %mul3A_794 : i32
      %dma_wait3A_796 = arith.constant 1 : i32
      %dma_wait3A_797 = arith.constant 1 : i32
      %dma_wait3A_798 = arith.constant 0 : i32
      %dma_wait3A_799 = tpu.memref_slice %arg5[%dma_wait3A_796, %dma_wait3A_798] : memref<5x128xi32, #tpu.memory_space<vmem>> -> memref<1x128xi32, #tpu.memory_space<vmem>>
      %dma_wait3A_800 = tpu.memref_squeeze %dma_wait3A_799 : memref<1x128xi32, #tpu.memory_space<vmem>> -> memref<128xi32, #tpu.memory_space<vmem>>
      %dma_wait3A_801 = tpu.memref_slice %arg3[%add3A_795] : memref<819200xi32, #tpu.memory_space<hbm>> -> memref<128xi32, #tpu.memory_space<hbm>>
      %dma_wait3A_802 = tpu.memref_slice %arg8[%dma_wait3A_797] : memref<5x!tpu.dma_semaphore, #tpu.memory_space<semaphore_mem>> -> memref<1x!tpu.dma_semaphore, #tpu.memory_space<semaphore_mem>>
      %dma_wait3A_803 = tpu.memref_squeeze %dma_wait3A_802 : memref<1x!tpu.dma_semaphore, #tpu.memory_space<semaphore_mem>> -> memref<!tpu.dma_semaphore, #tpu.memory_space<semaphore_mem>>
      %dma_wait3A_804 = arith.constant 0 : i32
      %dma_wait3A_805 = tpu.memref_slice %arg5[%dma_wait3A_796, %dma_wait3A_804] : memref<5x128xi32, #tpu.memory_space<vmem>> -> memref<1x128xi32, #tpu.memory_space<vmem>>
      %dma_wait3A_806 = tpu.memref_squeeze %dma_wait3A_805 : memref<1x128xi32, #tpu.memory_space<vmem>> -> memref<128xi32, #tpu.memory_space<vmem>>
      %dma_wait3A_807 = tpu.memref_slice %arg3[%add3A_795] : memref<819200xi32, #tpu.memory_space<hbm>> -> memref<128xi32, #tpu.memory_space<hbm>>
      tpu.wait_dma2 semaphore(%dma_wait3A_803 : memref<!tpu.dma_semaphore, #tpu.memory_space<semaphore_mem>>) src(%dma_wait3A_807 : memref<128xi32, #tpu.memory_space<hbm>>) dst(%dma_wait3A_806 : memref<128xi32, #tpu.memory_space<vmem>>)
      %get3A_808 = arith.constant 1 : i32
      %get3A_809 = arith.constant 0 : i32
      %get3A_810 = tpu.memref_slice %arg5[%get3A_808, %get3A_809] : memref<5x128xi32, #tpu.memory_space<vmem>> -> memref<1x128xi32, #tpu.memory_space<vmem>>
      %get3A_811 = tpu.memref_squeeze %get3A_810 : memref<1x128xi32, #tpu.memory_space<vmem>> -> memref<128xi32, #tpu.memory_space<vmem>>
      %get3A_812 = arith.constant 0 : index
      %get3A_813 = tpu.vector_load %get3A_811[%get3A_812] {strides = array<i32>} : memref<128xi32, #tpu.memory_space<vmem>>, vector<16xi32>,
      %get3A_814 = vector.shape_cast %get3A_813 : vector<16xi32> to vector<16xi32>
      %and3A_815 = arith.constant 31 : i32
      %and3A_816 = vector.broadcast %and3A_815 : i32 to vector<16xi32>
      %and3A_817 = arith.andi %get3A_814, %and3A_816 : vector<16xi32>
      %shift_right_arithmetic3A_818 = arith.constant 5 : i32
      %shift_right_arithmetic3A_819 = vector.broadcast %shift_right_arithmetic3A_818 : i32 to vector<16xi32>
      %shift_right_arithmetic3A_820 = arith.shrsi %get3A_814, %shift_right_arithmetic3A_819 : vector<16xi32>
      %and3A_821 = arith.constant 7 : i32
      %and3A_822 = vector.broadcast %and3A_821 : i32 to vector<16xi32>
      %and3A_823 = arith.andi %shift_right_arithmetic3A_820, %and3A_822 : vector<16xi32>
      %shift_right_arithmetic3A_824 = arith.constant 8 : i32
      %shift_right_arithmetic3A_825 = vector.broadcast %shift_right_arithmetic3A_824 : i32 to vector<16xi32>
      %shift_right_arithmetic3A_826 = arith.shrsi %get3A_814, %shift_right_arithmetic3A_825 : vector<16xi32>
      %and3A_827 = arith.constant 63 : i32
      %and3A_828 = vector.broadcast %and3A_827 : i32 to vector<16xi32>
      %and3A_829 = arith.andi %shift_right_arithmetic3A_826, %and3A_828 : vector<16xi32>
      %min3A_830 = arith.constant 40 : i32
      %min3A_831 = vector.broadcast %min3A_830 : i32 to vector<16xi32>
      %min3A_832 = arith.minsi %and3A_829, %min3A_831 : vector<16xi32>
      %shift_right_arithmetic3A_833 = arith.constant 14 : i32
      %shift_right_arithmetic3A_834 = vector.broadcast %shift_right_arithmetic3A_833 : i32 to vector<16xi32>
      %shift_right_arithmetic3A_835 = arith.shrsi %get3A_814, %shift_right_arithmetic3A_834 : vector<16xi32>
      %and3A_836 = arith.constant 3 : i32
      %and3A_837 = vector.broadcast %and3A_836 : i32 to vector<16xi32>
      %and3A_838 = arith.andi %shift_right_arithmetic3A_835, %and3A_837 : vector<16xi32>
      %shift_right_arithmetic3A_839 = arith.constant 16 : i32
      %shift_right_arithmetic3A_840 = vector.broadcast %shift_right_arithmetic3A_839 : i32 to vector<16xi32>
      %shift_right_arithmetic3A_841 = arith.shrsi %get3A_814, %shift_right_arithmetic3A_840 : vector<16xi32>
      %and3A_842 = arith.constant 3 : i32
      %and3A_843 = vector.broadcast %and3A_842 : i32 to vector<16xi32>
      %and3A_844 = arith.andi %shift_right_arithmetic3A_841, %and3A_843 : vector<16xi32>
      %mul3A_845 = arith.constant 4592 : i32
      %mul3A_846 = vector.broadcast %mul3A_845 : i32 to vector<16xi32>
      %mul3A_847 = arith.muli %and3A_817, %mul3A_846 : vector<16xi32>
      %mul3A_848 = arith.constant 656 : i32
      %mul3A_849 = vector.broadcast %mul3A_848 : i32 to vector<16xi32>
      %mul3A_850 = arith.muli %and3A_823, %mul3A_849 : vector<16xi32>
      %add3A_851 = arith.addi %mul3A_847, %mul3A_850 : vector<16xi32>
      %mul3A_852 = arith.constant 16 : i32
      %mul3A_853 = vector.broadcast %mul3A_852 : i32 to vector<16xi32>
      %mul3A_854 = arith.muli %min3A_832, %mul3A_853 : vector<16xi32>
      %add3A_855 = arith.addi %add3A_851, %mul3A_854 : vector<16xi32>
      %mul3A_856 = arith.constant 4 : i32
      %mul3A_857 = vector.broadcast %mul3A_856 : i32 to vector<16xi32>
      %mul3A_858 = arith.muli %and3A_838, %mul3A_857 : vector<16xi32>
      %add3A_859 = arith.addi %add3A_855, %mul3A_858 : vector<16xi32>
      %add3A_860 = arith.addi %add3A_859, %and3A_844 : vector<16xi32>
      %swap3A_861 = arith.constant 1 : i32
      %swap3A_862 = arith.constant 0 : i32
      %swap3A_863 = tpu.memref_slice %arg6[%swap3A_861, %swap3A_862] : memref<5x128xi32, #tpu.memory_space<vmem>> -> memref<1x128xi32, #tpu.memory_space<vmem>>
      %swap3A_864 = tpu.memref_squeeze %swap3A_863 : memref<1x128xi32, #tpu.memory_space<vmem>> -> memref<128xi32, #tpu.memory_space<vmem>>
      %swap3A_865 = arith.constant 0 : index
      %swap3A_866 = tpu.vector_load %swap3A_864[%swap3A_865] {strides = array<i32>} : memref<128xi32, #tpu.memory_space<vmem>>, vector<16xi32>,
      %swap3A_867 = vector.shape_cast %swap3A_866 : vector<16xi32> to vector<16xi32>
      %swap3A_868 = vector.shape_cast %add3A_860 : vector<16xi32> to vector<16xi32>
      tpu.vector_store %swap3A_864[%swap3A_865], %swap3A_868 {strides = array<i32>} : memref<128xi32, #tpu.memory_space<vmem>>, vector<16xi32>,
      %get3A_869 = arith.constant 1 : i32
      %get3A_870 = arith.constant 0 : i32
      %get3A_871 = tpu.memref_slice %arg5[%get3A_869, %get3A_870] : memref<5x128xi32, #tpu.memory_space<vmem>> -> memref<1x128xi32, #tpu.memory_space<vmem>>
      %get3A_872 = tpu.memref_squeeze %get3A_871 : memref<1x128xi32, #tpu.memory_space<vmem>> -> memref<128xi32, #tpu.memory_space<vmem>>
      %get3A_873 = arith.constant 16 : index
      %get3A_874 = tpu.vector_load %get3A_872[%get3A_873] {strides = array<i32>} : memref<128xi32, #tpu.memory_space<vmem>>, vector<16xi32>,
      %get3A_875 = vector.shape_cast %get3A_874 : vector<16xi32> to vector<16xi32>
      %and3A_876 = arith.constant 31 : i32
      %and3A_877 = vector.broadcast %and3A_876 : i32 to vector<16xi32>
      %and3A_878 = arith.andi %get3A_875, %and3A_877 : vector<16xi32>
      %shift_right_arithmetic3A_879 = arith.constant 5 : i32
      %shift_right_arithmetic3A_880 = vector.broadcast %shift_right_arithmetic3A_879 : i32 to vector<16xi32>
      %shift_right_arithmetic3A_881 = arith.shrsi %get3A_875, %shift_right_arithmetic3A_880 : vector<16xi32>
      %and3A_882 = arith.constant 7 : i32
      %and3A_883 = vector.broadcast %and3A_882 : i32 to vector<16xi32>
      %and3A_884 = arith.andi %shift_right_arithmetic3A_881, %and3A_883 : vector<16xi32>
      %shift_right_arithmetic3A_885 = arith.constant 8 : i32
      %shift_right_arithmetic3A_886 = vector.broadcast %shift_right_arithmetic3A_885 : i32 to vector<16xi32>
      %shift_right_arithmetic3A_887 = arith.shrsi %get3A_875, %shift_right_arithmetic3A_886 : vector<16xi32>
      %and3A_888 = arith.constant 63 : i32
      %and3A_889 = vector.broadcast %and3A_888 : i32 to vector<16xi32>
      %and3A_890 = arith.andi %shift_right_arithmetic3A_887, %and3A_889 : vector<16xi32>
      %min3A_891 = arith.constant 40 : i32
      %min3A_892 = vector.broadcast %min3A_891 : i32 to vector<16xi32>
      %min3A_893 = arith.minsi %and3A_890, %min3A_892 : vector<16xi32>
      %shift_right_arithmetic3A_894 = arith.constant 14 : i32
      %shift_right_arithmetic3A_895 = vector.broadcast %shift_right_arithmetic3A_894 : i32 to vector<16xi32>
      %shift_right_arithmetic3A_896 = arith.shrsi %get3A_875, %shift_right_arithmetic3A_895 : vector<16xi32>
      %and3A_897 = arith.constant 3 : i32
      %and3A_898 = vector.broadcast %and3A_897 : i32 to vector<16xi32>
      %and3A_899 = arith.andi %shift_right_arithmetic3A_896, %and3A_898 : vector<16xi32>
      %shift_right_arithmetic3A_900 = arith.constant 16 : i32
      %shift_right_arithmetic3A_901 = vector.broadcast %shift_right_arithmetic3A_900 : i32 to vector<16xi32>
      %shift_right_arithmetic3A_902 = arith.shrsi %get3A_875, %shift_right_arithmetic3A_901 : vector<16xi32>
      %and3A_903 = arith.constant 3 : i32
      %and3A_904 = vector.broadcast %and3A_903 : i32 to vector<16xi32>
      %and3A_905 = arith.andi %shift_right_arithmetic3A_902, %and3A_904 : vector<16xi32>
      %mul3A_906 = arith.constant 4592 : i32
      %mul3A_907 = vector.broadcast %mul3A_906 : i32 to vector<16xi32>
      %mul3A_908 = arith.muli %and3A_878, %mul3A_907 : vector<16xi32>
      %mul3A_909 = arith.constant 656 : i32
      %mul3A_910 = vector.broadcast %mul3A_909 : i32 to vector<16xi32>
      %mul3A_911 = arith.muli %and3A_884, %mul3A_910 : vector<16xi32>
      %add3A_912 = arith.addi %mul3A_908, %mul3A_911 : vector<16xi32>
      %mul3A_913 = arith.constant 16 : i32
      %mul3A_914 = vector.broadcast %mul3A_913 : i32 to vector<16xi32>
      %mul3A_915 = arith.muli %min3A_893, %mul3A_914 : vector<16xi32>
      %add3A_916 = arith.addi %add3A_912, %mul3A_915 : vector<16xi32>
      %mul3A_917 = arith.constant 4 : i32
      %mul3A_918 = vector.broadcast %mul3A_917 : i32 to vector<16xi32>
      %mul3A_919 = arith.muli %and3A_899, %mul3A_918 : vector<16xi32>
      %add3A_920 = arith.addi %add3A_916, %mul3A_919 : vector<16xi32>
      %add3A_921 = arith.addi %add3A_920, %and3A_905 : vector<16xi32>
      %swap3A_922 = arith.constant 1 : i32
      %swap3A_923 = arith.constant 0 : i32
      %swap3A_924 = tpu.memref_slice %arg6[%swap3A_922, %swap3A_923] : memref<5x128xi32, #tpu.memory_space<vmem>> -> memref<1x128xi32, #tpu.memory_space<vmem>>
      %swap3A_925 = tpu.memref_squeeze %swap3A_924 : memref<1x128xi32, #tpu.memory_space<vmem>> -> memref<128xi32, #tpu.memory_space<vmem>>
      %swap3A_926 = arith.constant 16 : index
      %swap3A_927 = tpu.vector_load %swap3A_925[%swap3A_926] {strides = array<i32>} : memref<128xi32, #tpu.memory_space<vmem>>, vector<16xi32>,
      %swap3A_928 = vector.shape_cast %swap3A_927 : vector<16xi32> to vector<16xi32>
      %swap3A_929 = vector.shape_cast %add3A_921 : vector<16xi32> to vector<16xi32>
      tpu.vector_store %swap3A_925[%swap3A_926], %swap3A_929 {strides = array<i32>} : memref<128xi32, #tpu.memory_space<vmem>>, vector<16xi32>,
      %get3A_930 = arith.constant 1 : i32
      %get3A_931 = arith.constant 0 : i32
      %get3A_932 = tpu.memref_slice %arg5[%get3A_930, %get3A_931] : memref<5x128xi32, #tpu.memory_space<vmem>> -> memref<1x128xi32, #tpu.memory_space<vmem>>
      %get3A_933 = tpu.memref_squeeze %get3A_932 : memref<1x128xi32, #tpu.memory_space<vmem>> -> memref<128xi32, #tpu.memory_space<vmem>>
      %get3A_934 = arith.constant 32 : index
      %get3A_935 = tpu.vector_load %get3A_933[%get3A_934] {strides = array<i32>} : memref<128xi32, #tpu.memory_space<vmem>>, vector<16xi32>,
      %get3A_936 = vector.shape_cast %get3A_935 : vector<16xi32> to vector<16xi32>
      %and3A_937 = arith.constant 31 : i32
      %and3A_938 = vector.broadcast %and3A_937 : i32 to vector<16xi32>
      %and3A_939 = arith.andi %get3A_936, %and3A_938 : vector<16xi32>
      %shift_right_arithmetic3A_940 = arith.constant 5 : i32
      %shift_right_arithmetic3A_941 = vector.broadcast %shift_right_arithmetic3A_940 : i32 to vector<16xi32>
      %shift_right_arithmetic3A_942 = arith.shrsi %get3A_936, %shift_right_arithmetic3A_941 : vector<16xi32>
      %and3A_943 = arith.constant 7 : i32
      %and3A_944 = vector.broadcast %and3A_943 : i32 to vector<16xi32>
      %and3A_945 = arith.andi %shift_right_arithmetic3A_942, %and3A_944 : vector<16xi32>
      %shift_right_arithmetic3A_946 = arith.constant 8 : i32
      %shift_right_arithmetic3A_947 = vector.broadcast %shift_right_arithmetic3A_946 : i32 to vector<16xi32>
      %shift_right_arithmetic3A_948 = arith.shrsi %get3A_936, %shift_right_arithmetic3A_947 : vector<16xi32>
      %and3A_949 = arith.constant 63 : i32
      %and3A_950 = vector.broadcast %and3A_949 : i32 to vector<16xi32>
      %and3A_951 = arith.andi %shift_right_arithmetic3A_948, %and3A_950 : vector<16xi32>
      %min3A_952 = arith.constant 40 : i32
      %min3A_953 = vector.broadcast %min3A_952 : i32 to vector<16xi32>
      %min3A_954 = arith.minsi %and3A_951, %min3A_953 : vector<16xi32>
      %shift_right_arithmetic3A_955 = arith.constant 14 : i32
      %shift_right_arithmetic3A_956 = vector.broadcast %shift_right_arithmetic3A_955 : i32 to vector<16xi32>
      %shift_right_arithmetic3A_957 = arith.shrsi %get3A_936, %shift_right_arithmetic3A_956 : vector<16xi32>
      %and3A_958 = arith.constant 3 : i32
      %and3A_959 = vector.broadcast %and3A_958 : i32 to vector<16xi32>
      %and3A_960 = arith.andi %shift_right_arithmetic3A_957, %and3A_959 : vector<16xi32>
      %shift_right_arithmetic3A_961 = arith.constant 16 : i32
      %shift_right_arithmetic3A_962 = vector.broadcast %shift_right_arithmetic3A_961 : i32 to vector<16xi32>
      %shift_right_arithmetic3A_963 = arith.shrsi %get3A_936, %shift_right_arithmetic3A_962 : vector<16xi32>
      %and3A_964 = arith.constant 3 : i32
      %and3A_965 = vector.broadcast %and3A_964 : i32 to vector<16xi32>
      %and3A_966 = arith.andi %shift_right_arithmetic3A_963, %and3A_965 : vector<16xi32>
      %mul3A_967 = arith.constant 4592 : i32
      %mul3A_968 = vector.broadcast %mul3A_967 : i32 to vector<16xi32>
      %mul3A_969 = arith.muli %and3A_939, %mul3A_968 : vector<16xi32>
      %mul3A_970 = arith.constant 656 : i32
      %mul3A_971 = vector.broadcast %mul3A_970 : i32 to vector<16xi32>
      %mul3A_972 = arith.muli %and3A_945, %mul3A_971 : vector<16xi32>
      %add3A_973 = arith.addi %mul3A_969, %mul3A_972 : vector<16xi32>
      %mul3A_974 = arith.constant 16 : i32
      %mul3A_975 = vector.broadcast %mul3A_974 : i32 to vector<16xi32>
      %mul3A_976 = arith.muli %min3A_954, %mul3A_975 : vector<16xi32>
      %add3A_977 = arith.addi %add3A_973, %mul3A_976 : vector<16xi32>
      %mul3A_978 = arith.constant 4 : i32
      %mul3A_979 = vector.broadcast %mul3A_978 : i32 to vector<16xi32>
      %mul3A_980 = arith.muli %and3A_960, %mul3A_979 : vector<16xi32>
      %add3A_981 = arith.addi %add3A_977, %mul3A_980 : vector<16xi32>
      %add3A_982 = arith.addi %add3A_981, %and3A_966 : vector<16xi32>
      %swap3A_983 = arith.constant 1 : i32
      %swap3A_984 = arith.constant 0 : i32
      %swap3A_985 = tpu.memref_slice %arg6[%swap3A_983, %swap3A_984] : memref<5x128xi32, #tpu.memory_space<vmem>> -> memref<1x128xi32, #tpu.memory_space<vmem>>
      %swap3A_986 = tpu.memref_squeeze %swap3A_985 : memref<1x128xi32, #tpu.memory_space<vmem>> -> memref<128xi32, #tpu.memory_space<vmem>>
      %swap3A_987 = arith.constant 32 : index
      %swap3A_988 = tpu.vector_load %swap3A_986[%swap3A_987] {strides = array<i32>} : memref<128xi32, #tpu.memory_space<vmem>>, vector<16xi32>,
      %swap3A_989 = vector.shape_cast %swap3A_988 : vector<16xi32> to vector<16xi32>
      %swap3A_990 = vector.shape_cast %add3A_982 : vector<16xi32> to vector<16xi32>
      tpu.vector_store %swap3A_986[%swap3A_987], %swap3A_990 {strides = array<i32>} : memref<128xi32, #tpu.memory_space<vmem>>, vector<16xi32>,
      %get3A_991 = arith.constant 1 : i32
      %get3A_992 = arith.constant 0 : i32
      %get3A_993 = tpu.memref_slice %arg5[%get3A_991, %get3A_992] : memref<5x128xi32, #tpu.memory_space<vmem>> -> memref<1x128xi32, #tpu.memory_space<vmem>>
      %get3A_994 = tpu.memref_squeeze %get3A_993 : memref<1x128xi32, #tpu.memory_space<vmem>> -> memref<128xi32, #tpu.memory_space<vmem>>
      %get3A_995 = arith.constant 48 : index
      %get3A_996 = tpu.vector_load %get3A_994[%get3A_995] {strides = array<i32>} : memref<128xi32, #tpu.memory_space<vmem>>, vector<16xi32>,
      %get3A_997 = vector.shape_cast %get3A_996 : vector<16xi32> to vector<16xi32>
      %and3A_998 = arith.constant 31 : i32
      %and3A_999 = vector.broadcast %and3A_998 : i32 to vector<16xi32>
      %and3A_1000 = arith.andi %get3A_997, %and3A_999 : vector<16xi32>
      %shift_right_arithmetic3A_1001 = arith.constant 5 : i32
      %shift_right_arithmetic3A_1002 = vector.broadcast %shift_right_arithmetic3A_1001 : i32 to vector<16xi32>
      %shift_right_arithmetic3A_1003 = arith.shrsi %get3A_997, %shift_right_arithmetic3A_1002 : vector<16xi32>
      %and3A_1004 = arith.constant 7 : i32
      %and3A_1005 = vector.broadcast %and3A_1004 : i32 to vector<16xi32>
      %and3A_1006 = arith.andi %shift_right_arithmetic3A_1003, %and3A_1005 : vector<16xi32>
      %shift_right_arithmetic3A_1007 = arith.constant 8 : i32
      %shift_right_arithmetic3A_1008 = vector.broadcast %shift_right_arithmetic3A_1007 : i32 to vector<16xi32>
      %shift_right_arithmetic3A_1009 = arith.shrsi %get3A_997, %shift_right_arithmetic3A_1008 : vector<16xi32>
      %and3A_1010 = arith.constant 63 : i32
      %and3A_1011 = vector.broadcast %and3A_1010 : i32 to vector<16xi32>
      %and3A_1012 = arith.andi %shift_right_arithmetic3A_1009, %and3A_1011 : vector<16xi32>
      %min3A_1013 = arith.constant 40 : i32
      %min3A_1014 = vector.broadcast %min3A_1013 : i32 to vector<16xi32>
      %min3A_1015 = arith.minsi %and3A_1012, %min3A_1014 : vector<16xi32>
      %shift_right_arithmetic3A_1016 = arith.constant 14 : i32
      %shift_right_arithmetic3A_1017 = vector.broadcast %shift_right_arithmetic3A_1016 : i32 to vector<16xi32>
      %shift_right_arithmetic3A_1018 = arith.shrsi %get3A_997, %shift_right_arithmetic3A_1017 : vector<16xi32>
      %and3A_1019 = arith.constant 3 : i32
      %and3A_1020 = vector.broadcast %and3A_1019 : i32 to vector<16xi32>
      %and3A_1021 = arith.andi %shift_right_arithmetic3A_1018, %and3A_1020 : vector<16xi32>
      %shift_right_arithmetic3A_1022 = arith.constant 16 : i32
      %shift_right_arithmetic3A_1023 = vector.broadcast %shift_right_arithmetic3A_1022 : i32 to vector<16xi32>
      %shift_right_arithmetic3A_1024 = arith.shrsi %get3A_997, %shift_right_arithmetic3A_1023 : vector<16xi32>
      %and3A_1025 = arith.constant 3 : i32
      %and3A_1026 = vector.broadcast %and3A_1025 : i32 to vector<16xi32>
      %and3A_1027 = arith.andi %shift_right_arithmetic3A_1024, %and3A_1026 : vector<16xi32>
      %mul3A_1028 = arith.constant 4592 : i32
      %mul3A_1029 = vector.broadcast %mul3A_1028 : i32 to vector<16xi32>
      %mul3A_1030 = arith.muli %and3A_1000, %mul3A_1029 : vector<16xi32>
      %mul3A_1031 = arith.constant 656 : i32
      %mul3A_1032 = vector.broadcast %mul3A_1031 : i32 to vector<16xi32>
      %mul3A_1033 = arith.muli %and3A_1006, %mul3A_1032 : vector<16xi32>
      %add3A_1034 = arith.addi %mul3A_1030, %mul3A_1033 : vector<16xi32>
      %mul3A_1035 = arith.constant 16 : i32
      %mul3A_1036 = vector.broadcast %mul3A_1035 : i32 to vector<16xi32>
      %mul3A_1037 = arith.muli %min3A_1015, %mul3A_1036 : vector<16xi32>
      %add3A_1038 = arith.addi %add3A_1034, %mul3A_1037 : vector<16xi32>
      %mul3A_1039 = arith.constant 4 : i32
      %mul3A_1040 = vector.broadcast %mul3A_1039 : i32 to vector<16xi32>
      %mul3A_1041 = arith.muli %and3A_1021, %mul3A_1040 : vector<16xi32>
      %add3A_1042 = arith.addi %add3A_1038, %mul3A_1041 : vector<16xi32>
      %add3A_1043 = arith.addi %add3A_1042, %and3A_1027 : vector<16xi32>
      %swap3A_1044 = arith.constant 1 : i32
      %swap3A_1045 = arith.constant 0 : i32
      %swap3A_1046 = tpu.memref_slice %arg6[%swap3A_1044, %swap3A_1045] : memref<5x128xi32, #tpu.memory_space<vmem>> -> memref<1x128xi32, #tpu.memory_space<vmem>>
      %swap3A_1047 = tpu.memref_squeeze %swap3A_1046 : memref<1x128xi32, #tpu.memory_space<vmem>> -> memref<128xi32, #tpu.memory_space<vmem>>
      %swap3A_1048 = arith.constant 48 : index
      %swap3A_1049 = tpu.vector_load %swap3A_1047[%swap3A_1048] {strides = array<i32>} : memref<128xi32, #tpu.memory_space<vmem>>, vector<16xi32>,
      %swap3A_1050 = vector.shape_cast %swap3A_1049 : vector<16xi32> to vector<16xi32>
      %swap3A_1051 = vector.shape_cast %add3A_1043 : vector<16xi32> to vector<16xi32>
      tpu.vector_store %swap3A_1047[%swap3A_1048], %swap3A_1051 {strides = array<i32>} : memref<128xi32, #tpu.memory_space<vmem>>, vector<16xi32>,
      %get3A_1052 = arith.constant 1 : i32
      %get3A_1053 = arith.constant 0 : i32
      %get3A_1054 = tpu.memref_slice %arg5[%get3A_1052, %get3A_1053] : memref<5x128xi32, #tpu.memory_space<vmem>> -> memref<1x128xi32, #tpu.memory_space<vmem>>
      %get3A_1055 = tpu.memref_squeeze %get3A_1054 : memref<1x128xi32, #tpu.memory_space<vmem>> -> memref<128xi32, #tpu.memory_space<vmem>>
      %get3A_1056 = arith.constant 64 : index
      %get3A_1057 = tpu.vector_load %get3A_1055[%get3A_1056] {strides = array<i32>} : memref<128xi32, #tpu.memory_space<vmem>>, vector<16xi32>,
      %get3A_1058 = vector.shape_cast %get3A_1057 : vector<16xi32> to vector<16xi32>
      %and3A_1059 = arith.constant 31 : i32
      %and3A_1060 = vector.broadcast %and3A_1059 : i32 to vector<16xi32>
      %and3A_1061 = arith.andi %get3A_1058, %and3A_1060 : vector<16xi32>
      %shift_right_arithmetic3A_1062 = arith.constant 5 : i32
      %shift_right_arithmetic3A_1063 = vector.broadcast %shift_right_arithmetic3A_1062 : i32 to vector<16xi32>
      %shift_right_arithmetic3A_1064 = arith.shrsi %get3A_1058, %shift_right_arithmetic3A_1063 : vector<16xi32>
      %and3A_1065 = arith.constant 7 : i32
      %and3A_1066 = vector.broadcast %and3A_1065 : i32 to vector<16xi32>
      %and3A_1067 = arith.andi %shift_right_arithmetic3A_1064, %and3A_1066 : vector<16xi32>
      %shift_right_arithmetic3A_1068 = arith.constant 8 : i32
      %shift_right_arithmetic3A_1069 = vector.broadcast %shift_right_arithmetic3A_1068 : i32 to vector<16xi32>
      %shift_right_arithmetic3A_1070 = arith.shrsi %get3A_1058, %shift_right_arithmetic3A_1069 : vector<16xi32>
      %and3A_1071 = arith.constant 63 : i32
      %and3A_1072 = vector.broadcast %and3A_1071 : i32 to vector<16xi32>
      %and3A_1073 = arith.andi %shift_right_arithmetic3A_1070, %and3A_1072 : vector<16xi32>
      %min3A_1074 = arith.constant 40 : i32
      %min3A_1075 = vector.broadcast %min3A_1074 : i32 to vector<16xi32>
      %min3A_1076 = arith.minsi %and3A_1073, %min3A_1075 : vector<16xi32>
      %shift_right_arithmetic3A_1077 = arith.constant 14 : i32
      %shift_right_arithmetic3A_1078 = vector.broadcast %shift_right_arithmetic3A_1077 : i32 to vector<16xi32>
      %shift_right_arithmetic3A_1079 = arith.shrsi %get3A_1058, %shift_right_arithmetic3A_1078 : vector<16xi32>
      %and3A_1080 = arith.constant 3 : i32
      %and3A_1081 = vector.broadcast %and3A_1080 : i32 to vector<16xi32>
      %and3A_1082 = arith.andi %shift_right_arithmetic3A_1079, %and3A_1081 : vector<16xi32>
      %shift_right_arithmetic3A_1083 = arith.constant 16 : i32
      %shift_right_arithmetic3A_1084 = vector.broadcast %shift_right_arithmetic3A_1083 : i32 to vector<16xi32>
      %shift_right_arithmetic3A_1085 = arith.shrsi %get3A_1058, %shift_right_arithmetic3A_1084 : vector<16xi32>
      %and3A_1086 = arith.constant 3 : i32
      %and3A_1087 = vector.broadcast %and3A_1086 : i32 to vector<16xi32>
      %and3A_1088 = arith.andi %shift_right_arithmetic3A_1085, %and3A_1087 : vector<16xi32>
      %mul3A_1089 = arith.constant 4592 : i32
      %mul3A_1090 = vector.broadcast %mul3A_1089 : i32 to vector<16xi32>
      %mul3A_1091 = arith.muli %and3A_1061, %mul3A_1090 : vector<16xi32>
      %mul3A_1092 = arith.constant 656 : i32
      %mul3A_1093 = vector.broadcast %mul3A_1092 : i32 to vector<16xi32>
      %mul3A_1094 = arith.muli %and3A_1067, %mul3A_1093 : vector<16xi32>
      %add3A_1095 = arith.addi %mul3A_1091, %mul3A_1094 : vector<16xi32>
      %mul3A_1096 = arith.constant 16 : i32
      %mul3A_1097 = vector.broadcast %mul3A_1096 : i32 to vector<16xi32>
      %mul3A_1098 = arith.muli %min3A_1076, %mul3A_1097 : vector<16xi32>
      %add3A_1099 = arith.addi %add3A_1095, %mul3A_1098 : vector<16xi32>
      %mul3A_1100 = arith.constant 4 : i32
      %mul3A_1101 = vector.broadcast %mul3A_1100 : i32 to vector<16xi32>
      %mul3A_1102 = arith.muli %and3A_1082, %mul3A_1101 : vector<16xi32>
      %add3A_1103 = arith.addi %add3A_1099, %mul3A_1102 : vector<16xi32>
      %add3A_1104 = arith.addi %add3A_1103, %and3A_1088 : vector<16xi32>
      %swap3A_1105 = arith.constant 1 : i32
      %swap3A_1106 = arith.constant 0 : i32
      %swap3A_1107 = tpu.memref_slice %arg6[%swap3A_1105, %swap3A_1106] : memref<5x128xi32, #tpu.memory_space<vmem>> -> memref<1x128xi32, #tpu.memory_space<vmem>>
      %swap3A_1108 = tpu.memref_squeeze %swap3A_1107 : memref<1x128xi32, #tpu.memory_space<vmem>> -> memref<128xi32, #tpu.memory_space<vmem>>
      %swap3A_1109 = arith.constant 64 : index
      %swap3A_1110 = tpu.vector_load %swap3A_1108[%swap3A_1109] {strides = array<i32>} : memref<128xi32, #tpu.memory_space<vmem>>, vector<16xi32>,
      %swap3A_1111 = vector.shape_cast %swap3A_1110 : vector<16xi32> to vector<16xi32>
      %swap3A_1112 = vector.shape_cast %add3A_1104 : vector<16xi32> to vector<16xi32>
      tpu.vector_store %swap3A_1108[%swap3A_1109], %swap3A_1112 {strides = array<i32>} : memref<128xi32, #tpu.memory_space<vmem>>, vector<16xi32>,
      %get3A_1113 = arith.constant 1 : i32
      %get3A_1114 = arith.constant 0 : i32
      %get3A_1115 = tpu.memref_slice %arg5[%get3A_1113, %get3A_1114] : memref<5x128xi32, #tpu.memory_space<vmem>> -> memref<1x128xi32, #tpu.memory_space<vmem>>
      %get3A_1116 = tpu.memref_squeeze %get3A_1115 : memref<1x128xi32, #tpu.memory_space<vmem>> -> memref<128xi32, #tpu.memory_space<vmem>>
      %get3A_1117 = arith.constant 80 : index
      %get3A_1118 = tpu.vector_load %get3A_1116[%get3A_1117] {strides = array<i32>} : memref<128xi32, #tpu.memory_space<vmem>>, vector<16xi32>,
      %get3A_1119 = vector.shape_cast %get3A_1118 : vector<16xi32> to vector<16xi32>
      %and3A_1120 = arith.constant 31 : i32
      %and3A_1121 = vector.broadcast %and3A_1120 : i32 to vector<16xi32>
      %and3A_1122 = arith.andi %get3A_1119, %and3A_1121 : vector<16xi32>
      %shift_right_arithmetic3A_1123 = arith.constant 5 : i32
      %shift_right_arithmetic3A_1124 = vector.broadcast %shift_right_arithmetic3A_1123 : i32 to vector<16xi32>
      %shift_right_arithmetic3A_1125 = arith.shrsi %get3A_1119, %shift_right_arithmetic3A_1124 : vector<16xi32>
      %and3A_1126 = arith.constant 7 : i32
      %and3A_1127 = vector.broadcast %and3A_1126 : i32 to vector<16xi32>
      %and3A_1128 = arith.andi %shift_right_arithmetic3A_1125, %and3A_1127 : vector<16xi32>
      %shift_right_arithmetic3A_1129 = arith.constant 8 : i32
      %shift_right_arithmetic3A_1130 = vector.broadcast %shift_right_arithmetic3A_1129 : i32 to vector<16xi32>
      %shift_right_arithmetic3A_1131 = arith.shrsi %get3A_1119, %shift_right_arithmetic3A_1130 : vector<16xi32>
      %and3A_1132 = arith.constant 63 : i32
      %and3A_1133 = vector.broadcast %and3A_1132 : i32 to vector<16xi32>
      %and3A_1134 = arith.andi %shift_right_arithmetic3A_1131, %and3A_1133 : vector<16xi32>
      %min3A_1135 = arith.constant 40 : i32
      %min3A_1136 = vector.broadcast %min3A_1135 : i32 to vector<16xi32>
      %min3A_1137 = arith.minsi %and3A_1134, %min3A_1136 : vector<16xi32>
      %shift_right_arithmetic3A_1138 = arith.constant 14 : i32
      %shift_right_arithmetic3A_1139 = vector.broadcast %shift_right_arithmetic3A_1138 : i32 to vector<16xi32>
      %shift_right_arithmetic3A_1140 = arith.shrsi %get3A_1119, %shift_right_arithmetic3A_1139 : vector<16xi32>
      %and3A_1141 = arith.constant 3 : i32
      %and3A_1142 = vector.broadcast %and3A_1141 : i32 to vector<16xi32>
      %and3A_1143 = arith.andi %shift_right_arithmetic3A_1140, %and3A_1142 : vector<16xi32>
      %shift_right_arithmetic3A_1144 = arith.constant 16 : i32
      %shift_right_arithmetic3A_1145 = vector.broadcast %shift_right_arithmetic3A_1144 : i32 to vector<16xi32>
      %shift_right_arithmetic3A_1146 = arith.shrsi %get3A_1119, %shift_right_arithmetic3A_1145 : vector<16xi32>
      %and3A_1147 = arith.constant 3 : i32
      %and3A_1148 = vector.broadcast %and3A_1147 : i32 to vector<16xi32>
      %and3A_1149 = arith.andi %shift_right_arithmetic3A_1146, %and3A_1148 : vector<16xi32>
      %mul3A_1150 = arith.constant 4592 : i32
      %mul3A_1151 = vector.broadcast %mul3A_1150 : i32 to vector<16xi32>
      %mul3A_1152 = arith.muli %and3A_1122, %mul3A_1151 : vector<16xi32>
      %mul3A_1153 = arith.constant 656 : i32
      %mul3A_1154 = vector.broadcast %mul3A_1153 : i32 to vector<16xi32>
      %mul3A_1155 = arith.muli %and3A_1128, %mul3A_1154 : vector<16xi32>
      %add3A_1156 = arith.addi %mul3A_1152, %mul3A_1155 : vector<16xi32>
      %mul3A_1157 = arith.constant 16 : i32
      %mul3A_1158 = vector.broadcast %mul3A_1157 : i32 to vector<16xi32>
      %mul3A_1159 = arith.muli %min3A_1137, %mul3A_1158 : vector<16xi32>
      %add3A_1160 = arith.addi %add3A_1156, %mul3A_1159 : vector<16xi32>
      %mul3A_1161 = arith.constant 4 : i32
      %mul3A_1162 = vector.broadcast %mul3A_1161 : i32 to vector<16xi32>
      %mul3A_1163 = arith.muli %and3A_1143, %mul3A_1162 : vector<16xi32>
      %add3A_1164 = arith.addi %add3A_1160, %mul3A_1163 : vector<16xi32>
      %add3A_1165 = arith.addi %add3A_1164, %and3A_1149 : vector<16xi32>
      %swap3A_1166 = arith.constant 1 : i32
      %swap3A_1167 = arith.constant 0 : i32
      %swap3A_1168 = tpu.memref_slice %arg6[%swap3A_1166, %swap3A_1167] : memref<5x128xi32, #tpu.memory_space<vmem>> -> memref<1x128xi32, #tpu.memory_space<vmem>>
      %swap3A_1169 = tpu.memref_squeeze %swap3A_1168 : memref<1x128xi32, #tpu.memory_space<vmem>> -> memref<128xi32, #tpu.memory_space<vmem>>
      %swap3A_1170 = arith.constant 80 : index
      %swap3A_1171 = tpu.vector_load %swap3A_1169[%swap3A_1170] {strides = array<i32>} : memref<128xi32, #tpu.memory_space<vmem>>, vector<16xi32>,
      %swap3A_1172 = vector.shape_cast %swap3A_1171 : vector<16xi32> to vector<16xi32>
      %swap3A_1173 = vector.shape_cast %add3A_1165 : vector<16xi32> to vector<16xi32>
      tpu.vector_store %swap3A_1169[%swap3A_1170], %swap3A_1173 {strides = array<i32>} : memref<128xi32, #tpu.memory_space<vmem>>, vector<16xi32>,
      %get3A_1174 = arith.constant 1 : i32
      %get3A_1175 = arith.constant 0 : i32
      %get3A_1176 = tpu.memref_slice %arg5[%get3A_1174, %get3A_1175] : memref<5x128xi32, #tpu.memory_space<vmem>> -> memref<1x128xi32, #tpu.memory_space<vmem>>
      %get3A_1177 = tpu.memref_squeeze %get3A_1176 : memref<1x128xi32, #tpu.memory_space<vmem>> -> memref<128xi32, #tpu.memory_space<vmem>>
      %get3A_1178 = arith.constant 96 : index
      %get3A_1179 = tpu.vector_load %get3A_1177[%get3A_1178] {strides = array<i32>} : memref<128xi32, #tpu.memory_space<vmem>>, vector<16xi32>,
      %get3A_1180 = vector.shape_cast %get3A_1179 : vector<16xi32> to vector<16xi32>
      %and3A_1181 = arith.constant 31 : i32
      %and3A_1182 = vector.broadcast %and3A_1181 : i32 to vector<16xi32>
      %and3A_1183 = arith.andi %get3A_1180, %and3A_1182 : vector<16xi32>
      %shift_right_arithmetic3A_1184 = arith.constant 5 : i32
      %shift_right_arithmetic3A_1185 = vector.broadcast %shift_right_arithmetic3A_1184 : i32 to vector<16xi32>
      %shift_right_arithmetic3A_1186 = arith.shrsi %get3A_1180, %shift_right_arithmetic3A_1185 : vector<16xi32>
      %and3A_1187 = arith.constant 7 : i32
      %and3A_1188 = vector.broadcast %and3A_1187 : i32 to vector<16xi32>
      %and3A_1189 = arith.andi %shift_right_arithmetic3A_1186, %and3A_1188 : vector<16xi32>
      %shift_right_arithmetic3A_1190 = arith.constant 8 : i32
      %shift_right_arithmetic3A_1191 = vector.broadcast %shift_right_arithmetic3A_1190 : i32 to vector<16xi32>
      %shift_right_arithmetic3A_1192 = arith.shrsi %get3A_1180, %shift_right_arithmetic3A_1191 : vector<16xi32>
      %and3A_1193 = arith.constant 63 : i32
      %and3A_1194 = vector.broadcast %and3A_1193 : i32 to vector<16xi32>
      %and3A_1195 = arith.andi %shift_right_arithmetic3A_1192, %and3A_1194 : vector<16xi32>
      %min3A_1196 = arith.constant 40 : i32
      %min3A_1197 = vector.broadcast %min3A_1196 : i32 to vector<16xi32>
      %min3A_1198 = arith.minsi %and3A_1195, %min3A_1197 : vector<16xi32>
      %shift_right_arithmetic3A_1199 = arith.constant 14 : i32
      %shift_right_arithmetic3A_1200 = vector.broadcast %shift_right_arithmetic3A_1199 : i32 to vector<16xi32>
      %shift_right_arithmetic3A_1201 = arith.shrsi %get3A_1180, %shift_right_arithmetic3A_1200 : vector<16xi32>
      %and3A_1202 = arith.constant 3 : i32
      %and3A_1203 = vector.broadcast %and3A_1202 : i32 to vector<16xi32>
      %and3A_1204 = arith.andi %shift_right_arithmetic3A_1201, %and3A_1203 : vector<16xi32>
      %shift_right_arithmetic3A_1205 = arith.constant 16 : i32
      %shift_right_arithmetic3A_1206 = vector.broadcast %shift_right_arithmetic3A_1205 : i32 to vector<16xi32>
      %shift_right_arithmetic3A_1207 = arith.shrsi %get3A_1180, %shift_right_arithmetic3A_1206 : vector<16xi32>
      %and3A_1208 = arith.constant 3 : i32
      %and3A_1209 = vector.broadcast %and3A_1208 : i32 to vector<16xi32>
      %and3A_1210 = arith.andi %shift_right_arithmetic3A_1207, %and3A_1209 : vector<16xi32>
      %mul3A_1211 = arith.constant 4592 : i32
      %mul3A_1212 = vector.broadcast %mul3A_1211 : i32 to vector<16xi32>
      %mul3A_1213 = arith.muli %and3A_1183, %mul3A_1212 : vector<16xi32>
      %mul3A_1214 = arith.constant 656 : i32
      %mul3A_1215 = vector.broadcast %mul3A_1214 : i32 to vector<16xi32>
      %mul3A_1216 = arith.muli %and3A_1189, %mul3A_1215 : vector<16xi32>
      %add3A_1217 = arith.addi %mul3A_1213, %mul3A_1216 : vector<16xi32>
      %mul3A_1218 = arith.constant 16 : i32
      %mul3A_1219 = vector.broadcast %mul3A_1218 : i32 to vector<16xi32>
      %mul3A_1220 = arith.muli %min3A_1198, %mul3A_1219 : vector<16xi32>
      %add3A_1221 = arith.addi %add3A_1217, %mul3A_1220 : vector<16xi32>
      %mul3A_1222 = arith.constant 4 : i32
      %mul3A_1223 = vector.broadcast %mul3A_1222 : i32 to vector<16xi32>
      %mul3A_1224 = arith.muli %and3A_1204, %mul3A_1223 : vector<16xi32>
      %add3A_1225 = arith.addi %add3A_1221, %mul3A_1224 : vector<16xi32>
      %add3A_1226 = arith.addi %add3A_1225, %and3A_1210 : vector<16xi32>
      %swap3A_1227 = arith.constant 1 : i32
      %swap3A_1228 = arith.constant 0 : i32
      %swap3A_1229 = tpu.memref_slice %arg6[%swap3A_1227, %swap3A_1228] : memref<5x128xi32, #tpu.memory_space<vmem>> -> memref<1x128xi32, #tpu.memory_space<vmem>>
      %swap3A_1230 = tpu.memref_squeeze %swap3A_1229 : memref<1x128xi32, #tpu.memory_space<vmem>> -> memref<128xi32, #tpu.memory_space<vmem>>
      %swap3A_1231 = arith.constant 96 : index
      %swap3A_1232 = tpu.vector_load %swap3A_1230[%swap3A_1231] {strides = array<i32>} : memref<128xi32, #tpu.memory_space<vmem>>, vector<16xi32>,
      %swap3A_1233 = vector.shape_cast %swap3A_1232 : vector<16xi32> to vector<16xi32>
      %swap3A_1234 = vector.shape_cast %add3A_1226 : vector<16xi32> to vector<16xi32>
      tpu.vector_store %swap3A_1230[%swap3A_1231], %swap3A_1234 {strides = array<i32>} : memref<128xi32, #tpu.memory_space<vmem>>, vector<16xi32>,
      %get3A_1235 = arith.constant 1 : i32
      %get3A_1236 = arith.constant 0 : i32
      %get3A_1237 = tpu.memref_slice %arg5[%get3A_1235, %get3A_1236] : memref<5x128xi32, #tpu.memory_space<vmem>> -> memref<1x128xi32, #tpu.memory_space<vmem>>
      %get3A_1238 = tpu.memref_squeeze %get3A_1237 : memref<1x128xi32, #tpu.memory_space<vmem>> -> memref<128xi32, #tpu.memory_space<vmem>>
      %get3A_1239 = arith.constant 112 : index
      %get3A_1240 = tpu.vector_load %get3A_1238[%get3A_1239] {strides = array<i32>} : memref<128xi32, #tpu.memory_space<vmem>>, vector<16xi32>,
      %get3A_1241 = vector.shape_cast %get3A_1240 : vector<16xi32> to vector<16xi32>
      %and3A_1242 = arith.constant 31 : i32
      %and3A_1243 = vector.broadcast %and3A_1242 : i32 to vector<16xi32>
      %and3A_1244 = arith.andi %get3A_1241, %and3A_1243 : vector<16xi32>
      %shift_right_arithmetic3A_1245 = arith.constant 5 : i32
      %shift_right_arithmetic3A_1246 = vector.broadcast %shift_right_arithmetic3A_1245 : i32 to vector<16xi32>
      %shift_right_arithmetic3A_1247 = arith.shrsi %get3A_1241, %shift_right_arithmetic3A_1246 : vector<16xi32>
      %and3A_1248 = arith.constant 7 : i32
      %and3A_1249 = vector.broadcast %and3A_1248 : i32 to vector<16xi32>
      %and3A_1250 = arith.andi %shift_right_arithmetic3A_1247, %and3A_1249 : vector<16xi32>
      %shift_right_arithmetic3A_1251 = arith.constant 8 : i32
      %shift_right_arithmetic3A_1252 = vector.broadcast %shift_right_arithmetic3A_1251 : i32 to vector<16xi32>
      %shift_right_arithmetic3A_1253 = arith.shrsi %get3A_1241, %shift_right_arithmetic3A_1252 : vector<16xi32>
      %and3A_1254 = arith.constant 63 : i32
      %and3A_1255 = vector.broadcast %and3A_1254 : i32 to vector<16xi32>
      %and3A_1256 = arith.andi %shift_right_arithmetic3A_1253, %and3A_1255 : vector<16xi32>
      %min3A_1257 = arith.constant 40 : i32
      %min3A_1258 = vector.broadcast %min3A_1257 : i32 to vector<16xi32>
      %min3A_1259 = arith.minsi %and3A_1256, %min3A_1258 : vector<16xi32>
      %shift_right_arithmetic3A_1260 = arith.constant 14 : i32
      %shift_right_arithmetic3A_1261 = vector.broadcast %shift_right_arithmetic3A_1260 : i32 to vector<16xi32>
      %shift_right_arithmetic3A_1262 = arith.shrsi %get3A_1241, %shift_right_arithmetic3A_1261 : vector<16xi32>
      %and3A_1263 = arith.constant 3 : i32
      %and3A_1264 = vector.broadcast %and3A_1263 : i32 to vector<16xi32>
      %and3A_1265 = arith.andi %shift_right_arithmetic3A_1262, %and3A_1264 : vector<16xi32>
      %shift_right_arithmetic3A_1266 = arith.constant 16 : i32
      %shift_right_arithmetic3A_1267 = vector.broadcast %shift_right_arithmetic3A_1266 : i32 to vector<16xi32>
      %shift_right_arithmetic3A_1268 = arith.shrsi %get3A_1241, %shift_right_arithmetic3A_1267 : vector<16xi32>
      %and3A_1269 = arith.constant 3 : i32
      %and3A_1270 = vector.broadcast %and3A_1269 : i32 to vector<16xi32>
      %and3A_1271 = arith.andi %shift_right_arithmetic3A_1268, %and3A_1270 : vector<16xi32>
      %mul3A_1272 = arith.constant 4592 : i32
      %mul3A_1273 = vector.broadcast %mul3A_1272 : i32 to vector<16xi32>
      %mul3A_1274 = arith.muli %and3A_1244, %mul3A_1273 : vector<16xi32>
      %mul3A_1275 = arith.constant 656 : i32
      %mul3A_1276 = vector.broadcast %mul3A_1275 : i32 to vector<16xi32>
      %mul3A_1277 = arith.muli %and3A_1250, %mul3A_1276 : vector<16xi32>
      %add3A_1278 = arith.addi %mul3A_1274, %mul3A_1277 : vector<16xi32>
      %mul3A_1279 = arith.constant 16 : i32
      %mul3A_1280 = vector.broadcast %mul3A_1279 : i32 to vector<16xi32>
      %mul3A_1281 = arith.muli %min3A_1259, %mul3A_1280 : vector<16xi32>
      %add3A_1282 = arith.addi %add3A_1278, %mul3A_1281 : vector<16xi32>
      %mul3A_1283 = arith.constant 4 : i32
      %mul3A_1284 = vector.broadcast %mul3A_1283 : i32 to vector<16xi32>
      %mul3A_1285 = arith.muli %and3A_1265, %mul3A_1284 : vector<16xi32>
      %add3A_1286 = arith.addi %add3A_1282, %mul3A_1285 : vector<16xi32>
      %add3A_1287 = arith.addi %add3A_1286, %and3A_1271 : vector<16xi32>
      %swap3A_1288 = arith.constant 1 : i32
      %swap3A_1289 = arith.constant 0 : i32
      %swap3A_1290 = tpu.memref_slice %arg6[%swap3A_1288, %swap3A_1289] : memref<5x128xi32, #tpu.memory_space<vmem>> -> memref<1x128xi32, #tpu.memory_space<vmem>>
      %swap3A_1291 = tpu.memref_squeeze %swap3A_1290 : memref<1x128xi32, #tpu.memory_space<vmem>> -> memref<128xi32, #tpu.memory_space<vmem>>
      %swap3A_1292 = arith.constant 112 : index
      %swap3A_1293 = tpu.vector_load %swap3A_1291[%swap3A_1292] {strides = array<i32>} : memref<128xi32, #tpu.memory_space<vmem>>, vector<16xi32>,
      %swap3A_1294 = vector.shape_cast %swap3A_1293 : vector<16xi32> to vector<16xi32>
      %swap3A_1295 = vector.shape_cast %add3A_1287 : vector<16xi32> to vector<16xi32>
      tpu.vector_store %swap3A_1291[%swap3A_1292], %swap3A_1295 {strides = array<i32>} : memref<128xi32, #tpu.memory_space<vmem>>, vector<16xi32>,
      %ge3A_1296 = arith.constant 5 : i32
      %ge3A_1297 = arith.cmpi sge, %add3A_792, %ge3A_1296 : i32
      %convert_element_type3A_1298 = arith.extui %ge3A_1297 : i1 to i32
      %cond3A_1299 = arith.constant 0 : i32
      %cond3A_1300 = arith.cmpi ne, %convert_element_type3A_1298, %cond3A_1299 : i32
      scf.if %cond3A_1300 {
        %dma_wait3A_2959 = arith.constant 1 : i32
        %dma_wait3A_2960 = arith.constant 1 : i32
        %dma_wait3A_2961 = arith.constant 0 : i32
        %dma_wait3A_2962 = arith.constant 0 : i32
        %dma_wait3A_2963 = tpu.memref_slice %arg7[%dma_wait3A_2959, %dma_wait3A_2961, %dma_wait3A_2962] : memref<5x128x128xf32, #tpu.memory_space<vmem>> -> memref<1x128x128xf32, #tpu.memory_space<vmem>>
        %dma_wait3A_2964 = tpu.memref_squeeze %dma_wait3A_2963 : memref<1x128x128xf32, #tpu.memory_space<vmem>> -> memref<128x128xf32, #tpu.memory_space<vmem>>
        %dma_wait3A_2965 = arith.constant 0 : i32
        %dma_wait3A_2966 = tpu.memref_slice %arg4[%mul3A_2, %dma_wait3A_2965] : memref<819200x128xf32, #tpu.memory_space<hbm>> -> memref<128x128xf32, #tpu.memory_space<hbm>>
        %dma_wait3A_2967 = tpu.memref_slice %arg10[%dma_wait3A_2960] : memref<5x!tpu.dma_semaphore, #tpu.memory_space<semaphore_mem>> -> memref<1x!tpu.dma_semaphore, #tpu.memory_space<semaphore_mem>>
        %dma_wait3A_2968 = tpu.memref_squeeze %dma_wait3A_2967 : memref<1x!tpu.dma_semaphore, #tpu.memory_space<semaphore_mem>> -> memref<!tpu.dma_semaphore, #tpu.memory_space<semaphore_mem>>
        %dma_wait3A_2969 = arith.constant 0 : i32
        %dma_wait3A_2970 = tpu.memref_slice %arg4[%mul3A_2, %dma_wait3A_2969] : memref<819200x128xf32, #tpu.memory_space<hbm>> -> memref<128x128xf32, #tpu.memory_space<hbm>>
        %dma_wait3A_2971 = arith.constant 0 : i32
        %dma_wait3A_2972 = arith.constant 0 : i32
        %dma_wait3A_2973 = tpu.memref_slice %arg7[%dma_wait3A_2959, %dma_wait3A_2971, %dma_wait3A_2972] : memref<5x128x128xf32, #tpu.memory_space<vmem>> -> memref<1x128x128xf32, #tpu.memory_space<vmem>>
        %dma_wait3A_2974 = tpu.memref_squeeze %dma_wait3A_2973 : memref<1x128x128xf32, #tpu.memory_space<vmem>> -> memref<128x128xf32, #tpu.memory_space<vmem>>
        tpu.wait_dma2 semaphore(%dma_wait3A_2968 : memref<!tpu.dma_semaphore, #tpu.memory_space<semaphore_mem>>) src(%dma_wait3A_2974 : memref<128x128xf32, #tpu.memory_space<vmem>>) dst(%dma_wait3A_2970 : memref<128x128xf32, #tpu.memory_space<hbm>>)
      } else {
      }
      %dma_start3A_1301 = arith.constant 1 : i32
      %dma_start3A_1302 = arith.constant 1 : i32
      %dma_start3A_1303 = arith.constant 1 : i32
      %dma_start3A_1304 = arith.constant 0 : i32
      %dma_start3A_1305 = arith.constant 0 : i32
      %dma_start3A_1306 = tpu.memref_slice %arg7[%dma_start3A_1302, %dma_start3A_1304, %dma_start3A_1305] : memref<5x128x128xf32, #tpu.memory_space<vmem>> -> memref<1x128x128xf32, #tpu.memory_space<vmem>>
      %dma_start3A_1307 = tpu.memref_squeeze %dma_start3A_1306 : memref<1x128x128xf32, #tpu.memory_space<vmem>> -> memref<128x128xf32, #tpu.memory_space<vmem>>
      %dma_start3A_1308 = arith.constant 0 : i32
      %dma_start3A_1309 = tpu.memref_slice %arg6[%dma_start3A_1301, %dma_start3A_1308] : memref<5x128xi32, #tpu.memory_space<vmem>> -> memref<1x128xi32, #tpu.memory_space<vmem>>
      %dma_start3A_1310 = tpu.memref_squeeze %dma_start3A_1309 : memref<1x128xi32, #tpu.memory_space<vmem>> -> memref<128xi32, #tpu.memory_space<vmem>>
      %dma_start3A_1311 = arith.constant 0 : i32
      %dma_start3A_1312 = arith.constant 0 : i32
      %dma_start3A_1313 = tpu.memref_slice %arg2[%dma_start3A_1311, %dma_start3A_1312] : memref<78064x128xf32, #tpu.memory_space<hbm>> -> memref<78064x128xf32, #tpu.memory_space<hbm>>
      %dma_start3A_1314 = tpu.memref_slice %arg9[%dma_start3A_1303] : memref<5x!tpu.dma_semaphore, #tpu.memory_space<semaphore_mem>> -> memref<1x!tpu.dma_semaphore, #tpu.memory_space<semaphore_mem>>
      %dma_start3A_1315 = tpu.memref_squeeze %dma_start3A_1314 : memref<1x!tpu.dma_semaphore, #tpu.memory_space<semaphore_mem>> -> memref<!tpu.dma_semaphore, #tpu.memory_space<semaphore_mem>>
      tpu.enqueue_indirect_dma source(%dma_start3A_1313 : memref<78064x128xf32, #tpu.memory_space<hbm>>) target(%dma_start3A_1307 : memref<128x128xf32, #tpu.memory_space<vmem>>) offsets(%dma_start3A_1310 : memref<128xi32, #tpu.memory_space<vmem>>) semaphore(%dma_start3A_1315 : memref<!tpu.dma_semaphore, #tpu.memory_space<semaphore_mem>>)
      %ge3A_1316 = arith.constant 3 : i32
      %ge3A_1317 = arith.cmpi sge, %add3A_792, %ge3A_1316 : i32
      %convert_element_type3A_1318 = arith.extui %ge3A_1317 : i1 to i32
      %cond3A_1319 = arith.constant 0 : i32
      %cond3A_1320 = arith.cmpi ne, %convert_element_type3A_1318, %cond3A_1319 : i32
      scf.if %cond3A_1320 {
        %dma_wait3A_2959 = arith.constant 3 : i32
        %dma_wait3A_2960 = arith.constant 3 : i32
        %dma_wait3A_2961 = arith.constant 3 : i32
        %dma_wait3A_2962 = arith.constant 0 : i32
        %dma_wait3A_2963 = arith.constant 0 : i32
        %dma_wait3A_2964 = tpu.memref_slice %arg7[%dma_wait3A_2960, %dma_wait3A_2962, %dma_wait3A_2963] : memref<5x128x128xf32, #tpu.memory_space<vmem>> -> memref<1x128x128xf32, #tpu.memory_space<vmem>>
        %dma_wait3A_2965 = tpu.memref_squeeze %dma_wait3A_2964 : memref<1x128x128xf32, #tpu.memory_space<vmem>> -> memref<128x128xf32, #tpu.memory_space<vmem>>
        %dma_wait3A_2966 = arith.constant 0 : i32
        %dma_wait3A_2967 = tpu.memref_slice %arg6[%dma_wait3A_2959, %dma_wait3A_2966] : memref<5x128xi32, #tpu.memory_space<vmem>> -> memref<1x128xi32, #tpu.memory_space<vmem>>
        %dma_wait3A_2968 = tpu.memref_squeeze %dma_wait3A_2967 : memref<1x128xi32, #tpu.memory_space<vmem>> -> memref<128xi32, #tpu.memory_space<vmem>>
        %dma_wait3A_2969 = arith.constant 0 : i32
        %dma_wait3A_2970 = arith.constant 0 : i32
        %dma_wait3A_2971 = tpu.memref_slice %arg2[%dma_wait3A_2969, %dma_wait3A_2970] : memref<78064x128xf32, #tpu.memory_space<hbm>> -> memref<78064x128xf32, #tpu.memory_space<hbm>>
        %dma_wait3A_2972 = tpu.memref_slice %arg9[%dma_wait3A_2961] : memref<5x!tpu.dma_semaphore, #tpu.memory_space<semaphore_mem>> -> memref<1x!tpu.dma_semaphore, #tpu.memory_space<semaphore_mem>>
        %dma_wait3A_2973 = tpu.memref_squeeze %dma_wait3A_2972 : memref<1x!tpu.dma_semaphore, #tpu.memory_space<semaphore_mem>> -> memref<!tpu.dma_semaphore, #tpu.memory_space<semaphore_mem>>
        tpu.wait_indirect_dma semaphore(%dma_wait3A_2973 : memref<!tpu.dma_semaphore, #tpu.memory_space<semaphore_mem>>) src(%dma_wait3A_2971 : memref<78064x128xf32, #tpu.memory_space<hbm>>) dst(%dma_wait3A_2965 : memref<128x128xf32, #tpu.memory_space<vmem>>)
        %sub3A_2974 = arith.constant 384 : i32
        %sub3A_2975 = arith.subi %add3A_795, %sub3A_2974 : i32
        %dma_start3A_2976 = arith.constant 3 : i32
        %dma_start3A_2977 = arith.constant 3 : i32
        %dma_start3A_2978 = arith.constant 0 : i32
        %dma_start3A_2979 = arith.constant 0 : i32
        %dma_start3A_2980 = tpu.memref_slice %arg7[%dma_start3A_2976, %dma_start3A_2978, %dma_start3A_2979] : memref<5x128x128xf32, #tpu.memory_space<vmem>> -> memref<1x128x128xf32, #tpu.memory_space<vmem>>
        %dma_start3A_2981 = tpu.memref_squeeze %dma_start3A_2980 : memref<1x128x128xf32, #tpu.memory_space<vmem>> -> memref<128x128xf32, #tpu.memory_space<vmem>>
        %dma_start3A_2982 = arith.constant 0 : i32
        %dma_start3A_2983 = tpu.memref_slice %arg4[%sub3A_2975, %dma_start3A_2982] : memref<819200x128xf32, #tpu.memory_space<hbm>> -> memref<128x128xf32, #tpu.memory_space<hbm>>
        %dma_start3A_2984 = tpu.memref_slice %arg10[%dma_start3A_2977] : memref<5x!tpu.dma_semaphore, #tpu.memory_space<semaphore_mem>> -> memref<1x!tpu.dma_semaphore, #tpu.memory_space<semaphore_mem>>
        %dma_start3A_2985 = tpu.memref_squeeze %dma_start3A_2984 : memref<1x!tpu.dma_semaphore, #tpu.memory_space<semaphore_mem>> -> memref<!tpu.dma_semaphore, #tpu.memory_space<semaphore_mem>>
        %dma_start3A_2986 = arith.constant 0 : i32
        %dma_start3A_2987 = tpu.memref_slice %arg4[%sub3A_2975, %dma_start3A_2986] : memref<819200x128xf32, #tpu.memory_space<hbm>> -> memref<128x128xf32, #tpu.memory_space<hbm>>
        %dma_start3A_2988 = arith.constant 0 : i32
        %dma_start3A_2989 = arith.constant 0 : i32
        %dma_start3A_2990 = tpu.memref_slice %arg7[%dma_start3A_2976, %dma_start3A_2988, %dma_start3A_2989] : memref<5x128x128xf32, #tpu.memory_space<vmem>> -> memref<1x128x128xf32, #tpu.memory_space<vmem>>
        %dma_start3A_2991 = tpu.memref_squeeze %dma_start3A_2990 : memref<1x128x128xf32, #tpu.memory_space<vmem>> -> memref<128x128xf32, #tpu.memory_space<vmem>>
        tpu.enqueue_dma source(%dma_start3A_2991 : memref<128x128xf32, #tpu.memory_space<vmem>>) target(%dma_start3A_2987 : memref<128x128xf32, #tpu.memory_space<hbm>>) target_semaphore(%dma_start3A_2985 : memref<!tpu.dma_semaphore, #tpu.memory_space<semaphore_mem>>)
      } else {
      }
      %ge3A_1321 = arith.constant 3 : i32
      %ge3A_1322 = arith.cmpi sge, %add3A_792, %ge3A_1321 : i32
      %sub3A_1323 = arith.constant 3 : i32
      %sub3A_1324 = arith.subi %add3A_792, %sub3A_1323 : i32
      %add3A_1325 = arith.constant 5 : i32
      %add3A_1326 = arith.addi %sub3A_1324, %add3A_1325 : i32
      %lt3A_1327 = arith.constant 200 : i32
      %lt3A_1328 = arith.cmpi slt, %add3A_1326, %lt3A_1327 : i32
      %and3A_1329 = arith.andi %ge3A_1322, %lt3A_1328 : i1
      %convert_element_type3A_1330 = arith.extui %and3A_1329 : i1 to i32
      %cond3A_1331 = arith.constant 0 : i32
      %cond3A_1332 = arith.cmpi ne, %convert_element_type3A_1330, %cond3A_1331 : i32
      scf.if %cond3A_1332 {
        %add3A_2959 = arith.constant 256 : i32
        %add3A_2960 = arith.addi %add3A_795, %add3A_2959 : i32
        %dma_start3A_2961 = arith.constant 3 : i32
        %dma_start3A_2962 = arith.constant 3 : i32
        %dma_start3A_2963 = arith.constant 0 : i32
        %dma_start3A_2964 = tpu.memref_slice %arg5[%dma_start3A_2961, %dma_start3A_2963] : memref<5x128xi32, #tpu.memory_space<vmem>> -> memref<1x128xi32, #tpu.memory_space<vmem>>
        %dma_start3A_2965 = tpu.memref_squeeze %dma_start3A_2964 : memref<1x128xi32, #tpu.memory_space<vmem>> -> memref<128xi32, #tpu.memory_space<vmem>>
        %dma_start3A_2966 = tpu.memref_slice %arg3[%add3A_2960] : memref<819200xi32, #tpu.memory_space<hbm>> -> memref<128xi32, #tpu.memory_space<hbm>>
        %dma_start3A_2967 = tpu.memref_slice %arg8[%dma_start3A_2962] : memref<5x!tpu.dma_semaphore, #tpu.memory_space<semaphore_mem>> -> memref<1x!tpu.dma_semaphore, #tpu.memory_space<semaphore_mem>>
        %dma_start3A_2968 = tpu.memref_squeeze %dma_start3A_2967 : memref<1x!tpu.dma_semaphore, #tpu.memory_space<semaphore_mem>> -> memref<!tpu.dma_semaphore, #tpu.memory_space<semaphore_mem>>
        %dma_start3A_2969 = arith.constant 0 : i32
        %dma_start3A_2970 = tpu.memref_slice %arg5[%dma_start3A_2961, %dma_start3A_2969] : memref<5x128xi32, #tpu.memory_space<vmem>> -> memref<1x128xi32, #tpu.memory_space<vmem>>
        %dma_start3A_2971 = tpu.memref_squeeze %dma_start3A_2970 : memref<1x128xi32, #tpu.memory_space<vmem>> -> memref<128xi32, #tpu.memory_space<vmem>>
        %dma_start3A_2972 = tpu.memref_slice %arg3[%add3A_2960] : memref<819200xi32, #tpu.memory_space<hbm>> -> memref<128xi32, #tpu.memory_space<hbm>>
        tpu.enqueue_dma source(%dma_start3A_2972 : memref<128xi32, #tpu.memory_space<hbm>>) target(%dma_start3A_2971 : memref<128xi32, #tpu.memory_space<vmem>>) target_semaphore(%dma_start3A_2968 : memref<!tpu.dma_semaphore, #tpu.memory_space<semaphore_mem>>)
      } else {
      }
      %add3A_1333 = arith.constant 2 : i32
      %add3A_1334 = arith.addi %add3A_258, %add3A_1333 : i32
      %mul3A_1335 = arith.constant 128 : i32
      %mul3A_1336 = arith.muli %add3A_1334, %mul3A_1335 : i32
      %add3A_1337 = arith.addi %mul3A_2, %mul3A_1336 : i32
      %dma_wait3A_1338 = arith.constant 2 : i32
      %dma_wait3A_1339 = arith.constant 2 : i32
      %dma_wait3A_1340 = arith.constant 0 : i32
      %dma_wait3A_1341 = tpu.memref_slice %arg5[%dma_wait3A_1338, %dma_wait3A_1340] : memref<5x128xi32, #tpu.memory_space<vmem>> -> memref<1x128xi32, #tpu.memory_space<vmem>>
      %dma_wait3A_1342 = tpu.memref_squeeze %dma_wait3A_1341 : memref<1x128xi32, #tpu.memory_space<vmem>> -> memref<128xi32, #tpu.memory_space<vmem>>
      %dma_wait3A_1343 = tpu.memref_slice %arg3[%add3A_1337] : memref<819200xi32, #tpu.memory_space<hbm>> -> memref<128xi32, #tpu.memory_space<hbm>>
      %dma_wait3A_1344 = tpu.memref_slice %arg8[%dma_wait3A_1339] : memref<5x!tpu.dma_semaphore, #tpu.memory_space<semaphore_mem>> -> memref<1x!tpu.dma_semaphore, #tpu.memory_space<semaphore_mem>>
      %dma_wait3A_1345 = tpu.memref_squeeze %dma_wait3A_1344 : memref<1x!tpu.dma_semaphore, #tpu.memory_space<semaphore_mem>> -> memref<!tpu.dma_semaphore, #tpu.memory_space<semaphore_mem>>
      %dma_wait3A_1346 = arith.constant 0 : i32
      %dma_wait3A_1347 = tpu.memref_slice %arg5[%dma_wait3A_1338, %dma_wait3A_1346] : memref<5x128xi32, #tpu.memory_space<vmem>> -> memref<1x128xi32, #tpu.memory_space<vmem>>
      %dma_wait3A_1348 = tpu.memref_squeeze %dma_wait3A_1347 : memref<1x128xi32, #tpu.memory_space<vmem>> -> memref<128xi32, #tpu.memory_space<vmem>>
      %dma_wait3A_1349 = tpu.memref_slice %arg3[%add3A_1337] : memref<819200xi32, #tpu.memory_space<hbm>> -> memref<128xi32, #tpu.memory_space<hbm>>
      tpu.wait_dma2 semaphore(%dma_wait3A_1345 : memref<!tpu.dma_semaphore, #tpu.memory_space<semaphore_mem>>) src(%dma_wait3A_1349 : memref<128xi32, #tpu.memory_space<hbm>>) dst(%dma_wait3A_1348 : memref<128xi32, #tpu.memory_space<vmem>>)
      %get3A_1350 = arith.constant 2 : i32
      %get3A_1351 = arith.constant 0 : i32
      %get3A_1352 = tpu.memref_slice %arg5[%get3A_1350, %get3A_1351] : memref<5x128xi32, #tpu.memory_space<vmem>> -> memref<1x128xi32, #tpu.memory_space<vmem>>
      %get3A_1353 = tpu.memref_squeeze %get3A_1352 : memref<1x128xi32, #tpu.memory_space<vmem>> -> memref<128xi32, #tpu.memory_space<vmem>>
      %get3A_1354 = arith.constant 0 : index
      %get3A_1355 = tpu.vector_load %get3A_1353[%get3A_1354] {strides = array<i32>} : memref<128xi32, #tpu.memory_space<vmem>>, vector<16xi32>,
      %get3A_1356 = vector.shape_cast %get3A_1355 : vector<16xi32> to vector<16xi32>
      %and3A_1357 = arith.constant 31 : i32
      %and3A_1358 = vector.broadcast %and3A_1357 : i32 to vector<16xi32>
      %and3A_1359 = arith.andi %get3A_1356, %and3A_1358 : vector<16xi32>
      %shift_right_arithmetic3A_1360 = arith.constant 5 : i32
      %shift_right_arithmetic3A_1361 = vector.broadcast %shift_right_arithmetic3A_1360 : i32 to vector<16xi32>
      %shift_right_arithmetic3A_1362 = arith.shrsi %get3A_1356, %shift_right_arithmetic3A_1361 : vector<16xi32>
      %and3A_1363 = arith.constant 7 : i32
      %and3A_1364 = vector.broadcast %and3A_1363 : i32 to vector<16xi32>
      %and3A_1365 = arith.andi %shift_right_arithmetic3A_1362, %and3A_1364 : vector<16xi32>
      %shift_right_arithmetic3A_1366 = arith.constant 8 : i32
      %shift_right_arithmetic3A_1367 = vector.broadcast %shift_right_arithmetic3A_1366 : i32 to vector<16xi32>
      %shift_right_arithmetic3A_1368 = arith.shrsi %get3A_1356, %shift_right_arithmetic3A_1367 : vector<16xi32>
      %and3A_1369 = arith.constant 63 : i32
      %and3A_1370 = vector.broadcast %and3A_1369 : i32 to vector<16xi32>
      %and3A_1371 = arith.andi %shift_right_arithmetic3A_1368, %and3A_1370 : vector<16xi32>
      %min3A_1372 = arith.constant 40 : i32
      %min3A_1373 = vector.broadcast %min3A_1372 : i32 to vector<16xi32>
      %min3A_1374 = arith.minsi %and3A_1371, %min3A_1373 : vector<16xi32>
      %shift_right_arithmetic3A_1375 = arith.constant 14 : i32
      %shift_right_arithmetic3A_1376 = vector.broadcast %shift_right_arithmetic3A_1375 : i32 to vector<16xi32>
      %shift_right_arithmetic3A_1377 = arith.shrsi %get3A_1356, %shift_right_arithmetic3A_1376 : vector<16xi32>
      %and3A_1378 = arith.constant 3 : i32
      %and3A_1379 = vector.broadcast %and3A_1378 : i32 to vector<16xi32>
      %and3A_1380 = arith.andi %shift_right_arithmetic3A_1377, %and3A_1379 : vector<16xi32>
      %shift_right_arithmetic3A_1381 = arith.constant 16 : i32
      %shift_right_arithmetic3A_1382 = vector.broadcast %shift_right_arithmetic3A_1381 : i32 to vector<16xi32>
      %shift_right_arithmetic3A_1383 = arith.shrsi %get3A_1356, %shift_right_arithmetic3A_1382 : vector<16xi32>
      %and3A_1384 = arith.constant 3 : i32
      %and3A_1385 = vector.broadcast %and3A_1384 : i32 to vector<16xi32>
      %and3A_1386 = arith.andi %shift_right_arithmetic3A_1383, %and3A_1385 : vector<16xi32>
      %mul3A_1387 = arith.constant 4592 : i32
      %mul3A_1388 = vector.broadcast %mul3A_1387 : i32 to vector<16xi32>
      %mul3A_1389 = arith.muli %and3A_1359, %mul3A_1388 : vector<16xi32>
      %mul3A_1390 = arith.constant 656 : i32
      %mul3A_1391 = vector.broadcast %mul3A_1390 : i32 to vector<16xi32>
      %mul3A_1392 = arith.muli %and3A_1365, %mul3A_1391 : vector<16xi32>
      %add3A_1393 = arith.addi %mul3A_1389, %mul3A_1392 : vector<16xi32>
      %mul3A_1394 = arith.constant 16 : i32
      %mul3A_1395 = vector.broadcast %mul3A_1394 : i32 to vector<16xi32>
      %mul3A_1396 = arith.muli %min3A_1374, %mul3A_1395 : vector<16xi32>
      %add3A_1397 = arith.addi %add3A_1393, %mul3A_1396 : vector<16xi32>
      %mul3A_1398 = arith.constant 4 : i32
      %mul3A_1399 = vector.broadcast %mul3A_1398 : i32 to vector<16xi32>
      %mul3A_1400 = arith.muli %and3A_1380, %mul3A_1399 : vector<16xi32>
      %add3A_1401 = arith.addi %add3A_1397, %mul3A_1400 : vector<16xi32>
      %add3A_1402 = arith.addi %add3A_1401, %and3A_1386 : vector<16xi32>
      %swap3A_1403 = arith.constant 2 : i32
      %swap3A_1404 = arith.constant 0 : i32
      %swap3A_1405 = tpu.memref_slice %arg6[%swap3A_1403, %swap3A_1404] : memref<5x128xi32, #tpu.memory_space<vmem>> -> memref<1x128xi32, #tpu.memory_space<vmem>>
      %swap3A_1406 = tpu.memref_squeeze %swap3A_1405 : memref<1x128xi32, #tpu.memory_space<vmem>> -> memref<128xi32, #tpu.memory_space<vmem>>
      %swap3A_1407 = arith.constant 0 : index
      %swap3A_1408 = tpu.vector_load %swap3A_1406[%swap3A_1407] {strides = array<i32>} : memref<128xi32, #tpu.memory_space<vmem>>, vector<16xi32>,
      %swap3A_1409 = vector.shape_cast %swap3A_1408 : vector<16xi32> to vector<16xi32>
      %swap3A_1410 = vector.shape_cast %add3A_1402 : vector<16xi32> to vector<16xi32>
      tpu.vector_store %swap3A_1406[%swap3A_1407], %swap3A_1410 {strides = array<i32>} : memref<128xi32, #tpu.memory_space<vmem>>, vector<16xi32>,
      %get3A_1411 = arith.constant 2 : i32
      %get3A_1412 = arith.constant 0 : i32
      %get3A_1413 = tpu.memref_slice %arg5[%get3A_1411, %get3A_1412] : memref<5x128xi32, #tpu.memory_space<vmem>> -> memref<1x128xi32, #tpu.memory_space<vmem>>
      %get3A_1414 = tpu.memref_squeeze %get3A_1413 : memref<1x128xi32, #tpu.memory_space<vmem>> -> memref<128xi32, #tpu.memory_space<vmem>>
      %get3A_1415 = arith.constant 16 : index
      %get3A_1416 = tpu.vector_load %get3A_1414[%get3A_1415] {strides = array<i32>} : memref<128xi32, #tpu.memory_space<vmem>>, vector<16xi32>,
      %get3A_1417 = vector.shape_cast %get3A_1416 : vector<16xi32> to vector<16xi32>
      %and3A_1418 = arith.constant 31 : i32
      %and3A_1419 = vector.broadcast %and3A_1418 : i32 to vector<16xi32>
      %and3A_1420 = arith.andi %get3A_1417, %and3A_1419 : vector<16xi32>
      %shift_right_arithmetic3A_1421 = arith.constant 5 : i32
      %shift_right_arithmetic3A_1422 = vector.broadcast %shift_right_arithmetic3A_1421 : i32 to vector<16xi32>
      %shift_right_arithmetic3A_1423 = arith.shrsi %get3A_1417, %shift_right_arithmetic3A_1422 : vector<16xi32>
      %and3A_1424 = arith.constant 7 : i32
      %and3A_1425 = vector.broadcast %and3A_1424 : i32 to vector<16xi32>
      %and3A_1426 = arith.andi %shift_right_arithmetic3A_1423, %and3A_1425 : vector<16xi32>
      %shift_right_arithmetic3A_1427 = arith.constant 8 : i32
      %shift_right_arithmetic3A_1428 = vector.broadcast %shift_right_arithmetic3A_1427 : i32 to vector<16xi32>
      %shift_right_arithmetic3A_1429 = arith.shrsi %get3A_1417, %shift_right_arithmetic3A_1428 : vector<16xi32>
      %and3A_1430 = arith.constant 63 : i32
      %and3A_1431 = vector.broadcast %and3A_1430 : i32 to vector<16xi32>
      %and3A_1432 = arith.andi %shift_right_arithmetic3A_1429, %and3A_1431 : vector<16xi32>
      %min3A_1433 = arith.constant 40 : i32
      %min3A_1434 = vector.broadcast %min3A_1433 : i32 to vector<16xi32>
      %min3A_1435 = arith.minsi %and3A_1432, %min3A_1434 : vector<16xi32>
      %shift_right_arithmetic3A_1436 = arith.constant 14 : i32
      %shift_right_arithmetic3A_1437 = vector.broadcast %shift_right_arithmetic3A_1436 : i32 to vector<16xi32>
      %shift_right_arithmetic3A_1438 = arith.shrsi %get3A_1417, %shift_right_arithmetic3A_1437 : vector<16xi32>
      %and3A_1439 = arith.constant 3 : i32
      %and3A_1440 = vector.broadcast %and3A_1439 : i32 to vector<16xi32>
      %and3A_1441 = arith.andi %shift_right_arithmetic3A_1438, %and3A_1440 : vector<16xi32>
      %shift_right_arithmetic3A_1442 = arith.constant 16 : i32
      %shift_right_arithmetic3A_1443 = vector.broadcast %shift_right_arithmetic3A_1442 : i32 to vector<16xi32>
      %shift_right_arithmetic3A_1444 = arith.shrsi %get3A_1417, %shift_right_arithmetic3A_1443 : vector<16xi32>
      %and3A_1445 = arith.constant 3 : i32
      %and3A_1446 = vector.broadcast %and3A_1445 : i32 to vector<16xi32>
      %and3A_1447 = arith.andi %shift_right_arithmetic3A_1444, %and3A_1446 : vector<16xi32>
      %mul3A_1448 = arith.constant 4592 : i32
      %mul3A_1449 = vector.broadcast %mul3A_1448 : i32 to vector<16xi32>
      %mul3A_1450 = arith.muli %and3A_1420, %mul3A_1449 : vector<16xi32>
      %mul3A_1451 = arith.constant 656 : i32
      %mul3A_1452 = vector.broadcast %mul3A_1451 : i32 to vector<16xi32>
      %mul3A_1453 = arith.muli %and3A_1426, %mul3A_1452 : vector<16xi32>
      %add3A_1454 = arith.addi %mul3A_1450, %mul3A_1453 : vector<16xi32>
      %mul3A_1455 = arith.constant 16 : i32
      %mul3A_1456 = vector.broadcast %mul3A_1455 : i32 to vector<16xi32>
      %mul3A_1457 = arith.muli %min3A_1435, %mul3A_1456 : vector<16xi32>
      %add3A_1458 = arith.addi %add3A_1454, %mul3A_1457 : vector<16xi32>
      %mul3A_1459 = arith.constant 4 : i32
      %mul3A_1460 = vector.broadcast %mul3A_1459 : i32 to vector<16xi32>
      %mul3A_1461 = arith.muli %and3A_1441, %mul3A_1460 : vector<16xi32>
      %add3A_1462 = arith.addi %add3A_1458, %mul3A_1461 : vector<16xi32>
      %add3A_1463 = arith.addi %add3A_1462, %and3A_1447 : vector<16xi32>
      %swap3A_1464 = arith.constant 2 : i32
      %swap3A_1465 = arith.constant 0 : i32
      %swap3A_1466 = tpu.memref_slice %arg6[%swap3A_1464, %swap3A_1465] : memref<5x128xi32, #tpu.memory_space<vmem>> -> memref<1x128xi32, #tpu.memory_space<vmem>>
      %swap3A_1467 = tpu.memref_squeeze %swap3A_1466 : memref<1x128xi32, #tpu.memory_space<vmem>> -> memref<128xi32, #tpu.memory_space<vmem>>
      %swap3A_1468 = arith.constant 16 : index
      %swap3A_1469 = tpu.vector_load %swap3A_1467[%swap3A_1468] {strides = array<i32>} : memref<128xi32, #tpu.memory_space<vmem>>, vector<16xi32>,
      %swap3A_1470 = vector.shape_cast %swap3A_1469 : vector<16xi32> to vector<16xi32>
      %swap3A_1471 = vector.shape_cast %add3A_1463 : vector<16xi32> to vector<16xi32>
      tpu.vector_store %swap3A_1467[%swap3A_1468], %swap3A_1471 {strides = array<i32>} : memref<128xi32, #tpu.memory_space<vmem>>, vector<16xi32>,
      %get3A_1472 = arith.constant 2 : i32
      %get3A_1473 = arith.constant 0 : i32
      %get3A_1474 = tpu.memref_slice %arg5[%get3A_1472, %get3A_1473] : memref<5x128xi32, #tpu.memory_space<vmem>> -> memref<1x128xi32, #tpu.memory_space<vmem>>
      %get3A_1475 = tpu.memref_squeeze %get3A_1474 : memref<1x128xi32, #tpu.memory_space<vmem>> -> memref<128xi32, #tpu.memory_space<vmem>>
      %get3A_1476 = arith.constant 32 : index
      %get3A_1477 = tpu.vector_load %get3A_1475[%get3A_1476] {strides = array<i32>} : memref<128xi32, #tpu.memory_space<vmem>>, vector<16xi32>,
      %get3A_1478 = vector.shape_cast %get3A_1477 : vector<16xi32> to vector<16xi32>
      %and3A_1479 = arith.constant 31 : i32
      %and3A_1480 = vector.broadcast %and3A_1479 : i32 to vector<16xi32>
      %and3A_1481 = arith.andi %get3A_1478, %and3A_1480 : vector<16xi32>
      %shift_right_arithmetic3A_1482 = arith.constant 5 : i32
      %shift_right_arithmetic3A_1483 = vector.broadcast %shift_right_arithmetic3A_1482 : i32 to vector<16xi32>
      %shift_right_arithmetic3A_1484 = arith.shrsi %get3A_1478, %shift_right_arithmetic3A_1483 : vector<16xi32>
      %and3A_1485 = arith.constant 7 : i32
      %and3A_1486 = vector.broadcast %and3A_1485 : i32 to vector<16xi32>
      %and3A_1487 = arith.andi %shift_right_arithmetic3A_1484, %and3A_1486 : vector<16xi32>
      %shift_right_arithmetic3A_1488 = arith.constant 8 : i32
      %shift_right_arithmetic3A_1489 = vector.broadcast %shift_right_arithmetic3A_1488 : i32 to vector<16xi32>
      %shift_right_arithmetic3A_1490 = arith.shrsi %get3A_1478, %shift_right_arithmetic3A_1489 : vector<16xi32>
      %and3A_1491 = arith.constant 63 : i32
      %and3A_1492 = vector.broadcast %and3A_1491 : i32 to vector<16xi32>
      %and3A_1493 = arith.andi %shift_right_arithmetic3A_1490, %and3A_1492 : vector<16xi32>
      %min3A_1494 = arith.constant 40 : i32
      %min3A_1495 = vector.broadcast %min3A_1494 : i32 to vector<16xi32>
      %min3A_1496 = arith.minsi %and3A_1493, %min3A_1495 : vector<16xi32>
      %shift_right_arithmetic3A_1497 = arith.constant 14 : i32
      %shift_right_arithmetic3A_1498 = vector.broadcast %shift_right_arithmetic3A_1497 : i32 to vector<16xi32>
      %shift_right_arithmetic3A_1499 = arith.shrsi %get3A_1478, %shift_right_arithmetic3A_1498 : vector<16xi32>
      %and3A_1500 = arith.constant 3 : i32
      %and3A_1501 = vector.broadcast %and3A_1500 : i32 to vector<16xi32>
      %and3A_1502 = arith.andi %shift_right_arithmetic3A_1499, %and3A_1501 : vector<16xi32>
      %shift_right_arithmetic3A_1503 = arith.constant 16 : i32
      %shift_right_arithmetic3A_1504 = vector.broadcast %shift_right_arithmetic3A_1503 : i32 to vector<16xi32>
      %shift_right_arithmetic3A_1505 = arith.shrsi %get3A_1478, %shift_right_arithmetic3A_1504 : vector<16xi32>
      %and3A_1506 = arith.constant 3 : i32
      %and3A_1507 = vector.broadcast %and3A_1506 : i32 to vector<16xi32>
      %and3A_1508 = arith.andi %shift_right_arithmetic3A_1505, %and3A_1507 : vector<16xi32>
      %mul3A_1509 = arith.constant 4592 : i32
      %mul3A_1510 = vector.broadcast %mul3A_1509 : i32 to vector<16xi32>
      %mul3A_1511 = arith.muli %and3A_1481, %mul3A_1510 : vector<16xi32>
      %mul3A_1512 = arith.constant 656 : i32
      %mul3A_1513 = vector.broadcast %mul3A_1512 : i32 to vector<16xi32>
      %mul3A_1514 = arith.muli %and3A_1487, %mul3A_1513 : vector<16xi32>
      %add3A_1515 = arith.addi %mul3A_1511, %mul3A_1514 : vector<16xi32>
      %mul3A_1516 = arith.constant 16 : i32
      %mul3A_1517 = vector.broadcast %mul3A_1516 : i32 to vector<16xi32>
      %mul3A_1518 = arith.muli %min3A_1496, %mul3A_1517 : vector<16xi32>
      %add3A_1519 = arith.addi %add3A_1515, %mul3A_1518 : vector<16xi32>
      %mul3A_1520 = arith.constant 4 : i32
      %mul3A_1521 = vector.broadcast %mul3A_1520 : i32 to vector<16xi32>
      %mul3A_1522 = arith.muli %and3A_1502, %mul3A_1521 : vector<16xi32>
      %add3A_1523 = arith.addi %add3A_1519, %mul3A_1522 : vector<16xi32>
      %add3A_1524 = arith.addi %add3A_1523, %and3A_1508 : vector<16xi32>
      %swap3A_1525 = arith.constant 2 : i32
      %swap3A_1526 = arith.constant 0 : i32
      %swap3A_1527 = tpu.memref_slice %arg6[%swap3A_1525, %swap3A_1526] : memref<5x128xi32, #tpu.memory_space<vmem>> -> memref<1x128xi32, #tpu.memory_space<vmem>>
      %swap3A_1528 = tpu.memref_squeeze %swap3A_1527 : memref<1x128xi32, #tpu.memory_space<vmem>> -> memref<128xi32, #tpu.memory_space<vmem>>
      %swap3A_1529 = arith.constant 32 : index
      %swap3A_1530 = tpu.vector_load %swap3A_1528[%swap3A_1529] {strides = array<i32>} : memref<128xi32, #tpu.memory_space<vmem>>, vector<16xi32>,
      %swap3A_1531 = vector.shape_cast %swap3A_1530 : vector<16xi32> to vector<16xi32>
      %swap3A_1532 = vector.shape_cast %add3A_1524 : vector<16xi32> to vector<16xi32>
      tpu.vector_store %swap3A_1528[%swap3A_1529], %swap3A_1532 {strides = array<i32>} : memref<128xi32, #tpu.memory_space<vmem>>, vector<16xi32>,
      %get3A_1533 = arith.constant 2 : i32
      %get3A_1534 = arith.constant 0 : i32
      %get3A_1535 = tpu.memref_slice %arg5[%get3A_1533, %get3A_1534] : memref<5x128xi32, #tpu.memory_space<vmem>> -> memref<1x128xi32, #tpu.memory_space<vmem>>
      %get3A_1536 = tpu.memref_squeeze %get3A_1535 : memref<1x128xi32, #tpu.memory_space<vmem>> -> memref<128xi32, #tpu.memory_space<vmem>>
      %get3A_1537 = arith.constant 48 : index
      %get3A_1538 = tpu.vector_load %get3A_1536[%get3A_1537] {strides = array<i32>} : memref<128xi32, #tpu.memory_space<vmem>>, vector<16xi32>,
      %get3A_1539 = vector.shape_cast %get3A_1538 : vector<16xi32> to vector<16xi32>
      %and3A_1540 = arith.constant 31 : i32
      %and3A_1541 = vector.broadcast %and3A_1540 : i32 to vector<16xi32>
      %and3A_1542 = arith.andi %get3A_1539, %and3A_1541 : vector<16xi32>
      %shift_right_arithmetic3A_1543 = arith.constant 5 : i32
      %shift_right_arithmetic3A_1544 = vector.broadcast %shift_right_arithmetic3A_1543 : i32 to vector<16xi32>
      %shift_right_arithmetic3A_1545 = arith.shrsi %get3A_1539, %shift_right_arithmetic3A_1544 : vector<16xi32>
      %and3A_1546 = arith.constant 7 : i32
      %and3A_1547 = vector.broadcast %and3A_1546 : i32 to vector<16xi32>
      %and3A_1548 = arith.andi %shift_right_arithmetic3A_1545, %and3A_1547 : vector<16xi32>
      %shift_right_arithmetic3A_1549 = arith.constant 8 : i32
      %shift_right_arithmetic3A_1550 = vector.broadcast %shift_right_arithmetic3A_1549 : i32 to vector<16xi32>
      %shift_right_arithmetic3A_1551 = arith.shrsi %get3A_1539, %shift_right_arithmetic3A_1550 : vector<16xi32>
      %and3A_1552 = arith.constant 63 : i32
      %and3A_1553 = vector.broadcast %and3A_1552 : i32 to vector<16xi32>
      %and3A_1554 = arith.andi %shift_right_arithmetic3A_1551, %and3A_1553 : vector<16xi32>
      %min3A_1555 = arith.constant 40 : i32
      %min3A_1556 = vector.broadcast %min3A_1555 : i32 to vector<16xi32>
      %min3A_1557 = arith.minsi %and3A_1554, %min3A_1556 : vector<16xi32>
      %shift_right_arithmetic3A_1558 = arith.constant 14 : i32
      %shift_right_arithmetic3A_1559 = vector.broadcast %shift_right_arithmetic3A_1558 : i32 to vector<16xi32>
      %shift_right_arithmetic3A_1560 = arith.shrsi %get3A_1539, %shift_right_arithmetic3A_1559 : vector<16xi32>
      %and3A_1561 = arith.constant 3 : i32
      %and3A_1562 = vector.broadcast %and3A_1561 : i32 to vector<16xi32>
      %and3A_1563 = arith.andi %shift_right_arithmetic3A_1560, %and3A_1562 : vector<16xi32>
      %shift_right_arithmetic3A_1564 = arith.constant 16 : i32
      %shift_right_arithmetic3A_1565 = vector.broadcast %shift_right_arithmetic3A_1564 : i32 to vector<16xi32>
      %shift_right_arithmetic3A_1566 = arith.shrsi %get3A_1539, %shift_right_arithmetic3A_1565 : vector<16xi32>
      %and3A_1567 = arith.constant 3 : i32
      %and3A_1568 = vector.broadcast %and3A_1567 : i32 to vector<16xi32>
      %and3A_1569 = arith.andi %shift_right_arithmetic3A_1566, %and3A_1568 : vector<16xi32>
      %mul3A_1570 = arith.constant 4592 : i32
      %mul3A_1571 = vector.broadcast %mul3A_1570 : i32 to vector<16xi32>
      %mul3A_1572 = arith.muli %and3A_1542, %mul3A_1571 : vector<16xi32>
      %mul3A_1573 = arith.constant 656 : i32
      %mul3A_1574 = vector.broadcast %mul3A_1573 : i32 to vector<16xi32>
      %mul3A_1575 = arith.muli %and3A_1548, %mul3A_1574 : vector<16xi32>
      %add3A_1576 = arith.addi %mul3A_1572, %mul3A_1575 : vector<16xi32>
      %mul3A_1577 = arith.constant 16 : i32
      %mul3A_1578 = vector.broadcast %mul3A_1577 : i32 to vector<16xi32>
      %mul3A_1579 = arith.muli %min3A_1557, %mul3A_1578 : vector<16xi32>
      %add3A_1580 = arith.addi %add3A_1576, %mul3A_1579 : vector<16xi32>
      %mul3A_1581 = arith.constant 4 : i32
      %mul3A_1582 = vector.broadcast %mul3A_1581 : i32 to vector<16xi32>
      %mul3A_1583 = arith.muli %and3A_1563, %mul3A_1582 : vector<16xi32>
      %add3A_1584 = arith.addi %add3A_1580, %mul3A_1583 : vector<16xi32>
      %add3A_1585 = arith.addi %add3A_1584, %and3A_1569 : vector<16xi32>
      %swap3A_1586 = arith.constant 2 : i32
      %swap3A_1587 = arith.constant 0 : i32
      %swap3A_1588 = tpu.memref_slice %arg6[%swap3A_1586, %swap3A_1587] : memref<5x128xi32, #tpu.memory_space<vmem>> -> memref<1x128xi32, #tpu.memory_space<vmem>>
      %swap3A_1589 = tpu.memref_squeeze %swap3A_1588 : memref<1x128xi32, #tpu.memory_space<vmem>> -> memref<128xi32, #tpu.memory_space<vmem>>
      %swap3A_1590 = arith.constant 48 : index
      %swap3A_1591 = tpu.vector_load %swap3A_1589[%swap3A_1590] {strides = array<i32>} : memref<128xi32, #tpu.memory_space<vmem>>, vector<16xi32>,
      %swap3A_1592 = vector.shape_cast %swap3A_1591 : vector<16xi32> to vector<16xi32>
      %swap3A_1593 = vector.shape_cast %add3A_1585 : vector<16xi32> to vector<16xi32>
      tpu.vector_store %swap3A_1589[%swap3A_1590], %swap3A_1593 {strides = array<i32>} : memref<128xi32, #tpu.memory_space<vmem>>, vector<16xi32>,
      %get3A_1594 = arith.constant 2 : i32
      %get3A_1595 = arith.constant 0 : i32
      %get3A_1596 = tpu.memref_slice %arg5[%get3A_1594, %get3A_1595] : memref<5x128xi32, #tpu.memory_space<vmem>> -> memref<1x128xi32, #tpu.memory_space<vmem>>
      %get3A_1597 = tpu.memref_squeeze %get3A_1596 : memref<1x128xi32, #tpu.memory_space<vmem>> -> memref<128xi32, #tpu.memory_space<vmem>>
      %get3A_1598 = arith.constant 64 : index
      %get3A_1599 = tpu.vector_load %get3A_1597[%get3A_1598] {strides = array<i32>} : memref<128xi32, #tpu.memory_space<vmem>>, vector<16xi32>,
      %get3A_1600 = vector.shape_cast %get3A_1599 : vector<16xi32> to vector<16xi32>
      %and3A_1601 = arith.constant 31 : i32
      %and3A_1602 = vector.broadcast %and3A_1601 : i32 to vector<16xi32>
      %and3A_1603 = arith.andi %get3A_1600, %and3A_1602 : vector<16xi32>
      %shift_right_arithmetic3A_1604 = arith.constant 5 : i32
      %shift_right_arithmetic3A_1605 = vector.broadcast %shift_right_arithmetic3A_1604 : i32 to vector<16xi32>
      %shift_right_arithmetic3A_1606 = arith.shrsi %get3A_1600, %shift_right_arithmetic3A_1605 : vector<16xi32>
      %and3A_1607 = arith.constant 7 : i32
      %and3A_1608 = vector.broadcast %and3A_1607 : i32 to vector<16xi32>
      %and3A_1609 = arith.andi %shift_right_arithmetic3A_1606, %and3A_1608 : vector<16xi32>
      %shift_right_arithmetic3A_1610 = arith.constant 8 : i32
      %shift_right_arithmetic3A_1611 = vector.broadcast %shift_right_arithmetic3A_1610 : i32 to vector<16xi32>
      %shift_right_arithmetic3A_1612 = arith.shrsi %get3A_1600, %shift_right_arithmetic3A_1611 : vector<16xi32>
      %and3A_1613 = arith.constant 63 : i32
      %and3A_1614 = vector.broadcast %and3A_1613 : i32 to vector<16xi32>
      %and3A_1615 = arith.andi %shift_right_arithmetic3A_1612, %and3A_1614 : vector<16xi32>
      %min3A_1616 = arith.constant 40 : i32
      %min3A_1617 = vector.broadcast %min3A_1616 : i32 to vector<16xi32>
      %min3A_1618 = arith.minsi %and3A_1615, %min3A_1617 : vector<16xi32>
      %shift_right_arithmetic3A_1619 = arith.constant 14 : i32
      %shift_right_arithmetic3A_1620 = vector.broadcast %shift_right_arithmetic3A_1619 : i32 to vector<16xi32>
      %shift_right_arithmetic3A_1621 = arith.shrsi %get3A_1600, %shift_right_arithmetic3A_1620 : vector<16xi32>
      %and3A_1622 = arith.constant 3 : i32
      %and3A_1623 = vector.broadcast %and3A_1622 : i32 to vector<16xi32>
      %and3A_1624 = arith.andi %shift_right_arithmetic3A_1621, %and3A_1623 : vector<16xi32>
      %shift_right_arithmetic3A_1625 = arith.constant 16 : i32
      %shift_right_arithmetic3A_1626 = vector.broadcast %shift_right_arithmetic3A_1625 : i32 to vector<16xi32>
      %shift_right_arithmetic3A_1627 = arith.shrsi %get3A_1600, %shift_right_arithmetic3A_1626 : vector<16xi32>
      %and3A_1628 = arith.constant 3 : i32
      %and3A_1629 = vector.broadcast %and3A_1628 : i32 to vector<16xi32>
      %and3A_1630 = arith.andi %shift_right_arithmetic3A_1627, %and3A_1629 : vector<16xi32>
      %mul3A_1631 = arith.constant 4592 : i32
      %mul3A_1632 = vector.broadcast %mul3A_1631 : i32 to vector<16xi32>
      %mul3A_1633 = arith.muli %and3A_1603, %mul3A_1632 : vector<16xi32>
      %mul3A_1634 = arith.constant 656 : i32
      %mul3A_1635 = vector.broadcast %mul3A_1634 : i32 to vector<16xi32>
      %mul3A_1636 = arith.muli %and3A_1609, %mul3A_1635 : vector<16xi32>
      %add3A_1637 = arith.addi %mul3A_1633, %mul3A_1636 : vector<16xi32>
      %mul3A_1638 = arith.constant 16 : i32
      %mul3A_1639 = vector.broadcast %mul3A_1638 : i32 to vector<16xi32>
      %mul3A_1640 = arith.muli %min3A_1618, %mul3A_1639 : vector<16xi32>
      %add3A_1641 = arith.addi %add3A_1637, %mul3A_1640 : vector<16xi32>
      %mul3A_1642 = arith.constant 4 : i32
      %mul3A_1643 = vector.broadcast %mul3A_1642 : i32 to vector<16xi32>
      %mul3A_1644 = arith.muli %and3A_1624, %mul3A_1643 : vector<16xi32>
      %add3A_1645 = arith.addi %add3A_1641, %mul3A_1644 : vector<16xi32>
      %add3A_1646 = arith.addi %add3A_1645, %and3A_1630 : vector<16xi32>
      %swap3A_1647 = arith.constant 2 : i32
      %swap3A_1648 = arith.constant 0 : i32
      %swap3A_1649 = tpu.memref_slice %arg6[%swap3A_1647, %swap3A_1648] : memref<5x128xi32, #tpu.memory_space<vmem>> -> memref<1x128xi32, #tpu.memory_space<vmem>>
      %swap3A_1650 = tpu.memref_squeeze %swap3A_1649 : memref<1x128xi32, #tpu.memory_space<vmem>> -> memref<128xi32, #tpu.memory_space<vmem>>
      %swap3A_1651 = arith.constant 64 : index
      %swap3A_1652 = tpu.vector_load %swap3A_1650[%swap3A_1651] {strides = array<i32>} : memref<128xi32, #tpu.memory_space<vmem>>, vector<16xi32>,
      %swap3A_1653 = vector.shape_cast %swap3A_1652 : vector<16xi32> to vector<16xi32>
      %swap3A_1654 = vector.shape_cast %add3A_1646 : vector<16xi32> to vector<16xi32>
      tpu.vector_store %swap3A_1650[%swap3A_1651], %swap3A_1654 {strides = array<i32>} : memref<128xi32, #tpu.memory_space<vmem>>, vector<16xi32>,
      %get3A_1655 = arith.constant 2 : i32
      %get3A_1656 = arith.constant 0 : i32
      %get3A_1657 = tpu.memref_slice %arg5[%get3A_1655, %get3A_1656] : memref<5x128xi32, #tpu.memory_space<vmem>> -> memref<1x128xi32, #tpu.memory_space<vmem>>
      %get3A_1658 = tpu.memref_squeeze %get3A_1657 : memref<1x128xi32, #tpu.memory_space<vmem>> -> memref<128xi32, #tpu.memory_space<vmem>>
      %get3A_1659 = arith.constant 80 : index
      %get3A_1660 = tpu.vector_load %get3A_1658[%get3A_1659] {strides = array<i32>} : memref<128xi32, #tpu.memory_space<vmem>>, vector<16xi32>,
      %get3A_1661 = vector.shape_cast %get3A_1660 : vector<16xi32> to vector<16xi32>
      %and3A_1662 = arith.constant 31 : i32
      %and3A_1663 = vector.broadcast %and3A_1662 : i32 to vector<16xi32>
      %and3A_1664 = arith.andi %get3A_1661, %and3A_1663 : vector<16xi32>
      %shift_right_arithmetic3A_1665 = arith.constant 5 : i32
      %shift_right_arithmetic3A_1666 = vector.broadcast %shift_right_arithmetic3A_1665 : i32 to vector<16xi32>
      %shift_right_arithmetic3A_1667 = arith.shrsi %get3A_1661, %shift_right_arithmetic3A_1666 : vector<16xi32>
      %and3A_1668 = arith.constant 7 : i32
      %and3A_1669 = vector.broadcast %and3A_1668 : i32 to vector<16xi32>
      %and3A_1670 = arith.andi %shift_right_arithmetic3A_1667, %and3A_1669 : vector<16xi32>
      %shift_right_arithmetic3A_1671 = arith.constant 8 : i32
      %shift_right_arithmetic3A_1672 = vector.broadcast %shift_right_arithmetic3A_1671 : i32 to vector<16xi32>
      %shift_right_arithmetic3A_1673 = arith.shrsi %get3A_1661, %shift_right_arithmetic3A_1672 : vector<16xi32>
      %and3A_1674 = arith.constant 63 : i32
      %and3A_1675 = vector.broadcast %and3A_1674 : i32 to vector<16xi32>
      %and3A_1676 = arith.andi %shift_right_arithmetic3A_1673, %and3A_1675 : vector<16xi32>
      %min3A_1677 = arith.constant 40 : i32
      %min3A_1678 = vector.broadcast %min3A_1677 : i32 to vector<16xi32>
      %min3A_1679 = arith.minsi %and3A_1676, %min3A_1678 : vector<16xi32>
      %shift_right_arithmetic3A_1680 = arith.constant 14 : i32
      %shift_right_arithmetic3A_1681 = vector.broadcast %shift_right_arithmetic3A_1680 : i32 to vector<16xi32>
      %shift_right_arithmetic3A_1682 = arith.shrsi %get3A_1661, %shift_right_arithmetic3A_1681 : vector<16xi32>
      %and3A_1683 = arith.constant 3 : i32
      %and3A_1684 = vector.broadcast %and3A_1683 : i32 to vector<16xi32>
      %and3A_1685 = arith.andi %shift_right_arithmetic3A_1682, %and3A_1684 : vector<16xi32>
      %shift_right_arithmetic3A_1686 = arith.constant 16 : i32
      %shift_right_arithmetic3A_1687 = vector.broadcast %shift_right_arithmetic3A_1686 : i32 to vector<16xi32>
      %shift_right_arithmetic3A_1688 = arith.shrsi %get3A_1661, %shift_right_arithmetic3A_1687 : vector<16xi32>
      %and3A_1689 = arith.constant 3 : i32
      %and3A_1690 = vector.broadcast %and3A_1689 : i32 to vector<16xi32>
      %and3A_1691 = arith.andi %shift_right_arithmetic3A_1688, %and3A_1690 : vector<16xi32>
      %mul3A_1692 = arith.constant 4592 : i32
      %mul3A_1693 = vector.broadcast %mul3A_1692 : i32 to vector<16xi32>
      %mul3A_1694 = arith.muli %and3A_1664, %mul3A_1693 : vector<16xi32>
      %mul3A_1695 = arith.constant 656 : i32
      %mul3A_1696 = vector.broadcast %mul3A_1695 : i32 to vector<16xi32>
      %mul3A_1697 = arith.muli %and3A_1670, %mul3A_1696 : vector<16xi32>
      %add3A_1698 = arith.addi %mul3A_1694, %mul3A_1697 : vector<16xi32>
      %mul3A_1699 = arith.constant 16 : i32
      %mul3A_1700 = vector.broadcast %mul3A_1699 : i32 to vector<16xi32>
      %mul3A_1701 = arith.muli %min3A_1679, %mul3A_1700 : vector<16xi32>
      %add3A_1702 = arith.addi %add3A_1698, %mul3A_1701 : vector<16xi32>
      %mul3A_1703 = arith.constant 4 : i32
      %mul3A_1704 = vector.broadcast %mul3A_1703 : i32 to vector<16xi32>
      %mul3A_1705 = arith.muli %and3A_1685, %mul3A_1704 : vector<16xi32>
      %add3A_1706 = arith.addi %add3A_1702, %mul3A_1705 : vector<16xi32>
      %add3A_1707 = arith.addi %add3A_1706, %and3A_1691 : vector<16xi32>
      %swap3A_1708 = arith.constant 2 : i32
      %swap3A_1709 = arith.constant 0 : i32
      %swap3A_1710 = tpu.memref_slice %arg6[%swap3A_1708, %swap3A_1709] : memref<5x128xi32, #tpu.memory_space<vmem>> -> memref<1x128xi32, #tpu.memory_space<vmem>>
      %swap3A_1711 = tpu.memref_squeeze %swap3A_1710 : memref<1x128xi32, #tpu.memory_space<vmem>> -> memref<128xi32, #tpu.memory_space<vmem>>
      %swap3A_1712 = arith.constant 80 : index
      %swap3A_1713 = tpu.vector_load %swap3A_1711[%swap3A_1712] {strides = array<i32>} : memref<128xi32, #tpu.memory_space<vmem>>, vector<16xi32>,
      %swap3A_1714 = vector.shape_cast %swap3A_1713 : vector<16xi32> to vector<16xi32>
      %swap3A_1715 = vector.shape_cast %add3A_1707 : vector<16xi32> to vector<16xi32>
      tpu.vector_store %swap3A_1711[%swap3A_1712], %swap3A_1715 {strides = array<i32>} : memref<128xi32, #tpu.memory_space<vmem>>, vector<16xi32>,
      %get3A_1716 = arith.constant 2 : i32
      %get3A_1717 = arith.constant 0 : i32
      %get3A_1718 = tpu.memref_slice %arg5[%get3A_1716, %get3A_1717] : memref<5x128xi32, #tpu.memory_space<vmem>> -> memref<1x128xi32, #tpu.memory_space<vmem>>
      %get3A_1719 = tpu.memref_squeeze %get3A_1718 : memref<1x128xi32, #tpu.memory_space<vmem>> -> memref<128xi32, #tpu.memory_space<vmem>>
      %get3A_1720 = arith.constant 96 : index
      %get3A_1721 = tpu.vector_load %get3A_1719[%get3A_1720] {strides = array<i32>} : memref<128xi32, #tpu.memory_space<vmem>>, vector<16xi32>,
      %get3A_1722 = vector.shape_cast %get3A_1721 : vector<16xi32> to vector<16xi32>
      %and3A_1723 = arith.constant 31 : i32
      %and3A_1724 = vector.broadcast %and3A_1723 : i32 to vector<16xi32>
      %and3A_1725 = arith.andi %get3A_1722, %and3A_1724 : vector<16xi32>
      %shift_right_arithmetic3A_1726 = arith.constant 5 : i32
      %shift_right_arithmetic3A_1727 = vector.broadcast %shift_right_arithmetic3A_1726 : i32 to vector<16xi32>
      %shift_right_arithmetic3A_1728 = arith.shrsi %get3A_1722, %shift_right_arithmetic3A_1727 : vector<16xi32>
      %and3A_1729 = arith.constant 7 : i32
      %and3A_1730 = vector.broadcast %and3A_1729 : i32 to vector<16xi32>
      %and3A_1731 = arith.andi %shift_right_arithmetic3A_1728, %and3A_1730 : vector<16xi32>
      %shift_right_arithmetic3A_1732 = arith.constant 8 : i32
      %shift_right_arithmetic3A_1733 = vector.broadcast %shift_right_arithmetic3A_1732 : i32 to vector<16xi32>
      %shift_right_arithmetic3A_1734 = arith.shrsi %get3A_1722, %shift_right_arithmetic3A_1733 : vector<16xi32>
      %and3A_1735 = arith.constant 63 : i32
      %and3A_1736 = vector.broadcast %and3A_1735 : i32 to vector<16xi32>
      %and3A_1737 = arith.andi %shift_right_arithmetic3A_1734, %and3A_1736 : vector<16xi32>
      %min3A_1738 = arith.constant 40 : i32
      %min3A_1739 = vector.broadcast %min3A_1738 : i32 to vector<16xi32>
      %min3A_1740 = arith.minsi %and3A_1737, %min3A_1739 : vector<16xi32>
      %shift_right_arithmetic3A_1741 = arith.constant 14 : i32
      %shift_right_arithmetic3A_1742 = vector.broadcast %shift_right_arithmetic3A_1741 : i32 to vector<16xi32>
      %shift_right_arithmetic3A_1743 = arith.shrsi %get3A_1722, %shift_right_arithmetic3A_1742 : vector<16xi32>
      %and3A_1744 = arith.constant 3 : i32
      %and3A_1745 = vector.broadcast %and3A_1744 : i32 to vector<16xi32>
      %and3A_1746 = arith.andi %shift_right_arithmetic3A_1743, %and3A_1745 : vector<16xi32>
      %shift_right_arithmetic3A_1747 = arith.constant 16 : i32
      %shift_right_arithmetic3A_1748 = vector.broadcast %shift_right_arithmetic3A_1747 : i32 to vector<16xi32>
      %shift_right_arithmetic3A_1749 = arith.shrsi %get3A_1722, %shift_right_arithmetic3A_1748 : vector<16xi32>
      %and3A_1750 = arith.constant 3 : i32
      %and3A_1751 = vector.broadcast %and3A_1750 : i32 to vector<16xi32>
      %and3A_1752 = arith.andi %shift_right_arithmetic3A_1749, %and3A_1751 : vector<16xi32>
      %mul3A_1753 = arith.constant 4592 : i32
      %mul3A_1754 = vector.broadcast %mul3A_1753 : i32 to vector<16xi32>
      %mul3A_1755 = arith.muli %and3A_1725, %mul3A_1754 : vector<16xi32>
      %mul3A_1756 = arith.constant 656 : i32
      %mul3A_1757 = vector.broadcast %mul3A_1756 : i32 to vector<16xi32>
      %mul3A_1758 = arith.muli %and3A_1731, %mul3A_1757 : vector<16xi32>
      %add3A_1759 = arith.addi %mul3A_1755, %mul3A_1758 : vector<16xi32>
      %mul3A_1760 = arith.constant 16 : i32
      %mul3A_1761 = vector.broadcast %mul3A_1760 : i32 to vector<16xi32>
      %mul3A_1762 = arith.muli %min3A_1740, %mul3A_1761 : vector<16xi32>
      %add3A_1763 = arith.addi %add3A_1759, %mul3A_1762 : vector<16xi32>
      %mul3A_1764 = arith.constant 4 : i32
      %mul3A_1765 = vector.broadcast %mul3A_1764 : i32 to vector<16xi32>
      %mul3A_1766 = arith.muli %and3A_1746, %mul3A_1765 : vector<16xi32>
      %add3A_1767 = arith.addi %add3A_1763, %mul3A_1766 : vector<16xi32>
      %add3A_1768 = arith.addi %add3A_1767, %and3A_1752 : vector<16xi32>
      %swap3A_1769 = arith.constant 2 : i32
      %swap3A_1770 = arith.constant 0 : i32
      %swap3A_1771 = tpu.memref_slice %arg6[%swap3A_1769, %swap3A_1770] : memref<5x128xi32, #tpu.memory_space<vmem>> -> memref<1x128xi32, #tpu.memory_space<vmem>>
      %swap3A_1772 = tpu.memref_squeeze %swap3A_1771 : memref<1x128xi32, #tpu.memory_space<vmem>> -> memref<128xi32, #tpu.memory_space<vmem>>
      %swap3A_1773 = arith.constant 96 : index
      %swap3A_1774 = tpu.vector_load %swap3A_1772[%swap3A_1773] {strides = array<i32>} : memref<128xi32, #tpu.memory_space<vmem>>, vector<16xi32>,
      %swap3A_1775 = vector.shape_cast %swap3A_1774 : vector<16xi32> to vector<16xi32>
      %swap3A_1776 = vector.shape_cast %add3A_1768 : vector<16xi32> to vector<16xi32>
      tpu.vector_store %swap3A_1772[%swap3A_1773], %swap3A_1776 {strides = array<i32>} : memref<128xi32, #tpu.memory_space<vmem>>, vector<16xi32>,
      %get3A_1777 = arith.constant 2 : i32
      %get3A_1778 = arith.constant 0 : i32
      %get3A_1779 = tpu.memref_slice %arg5[%get3A_1777, %get3A_1778] : memref<5x128xi32, #tpu.memory_space<vmem>> -> memref<1x128xi32, #tpu.memory_space<vmem>>
      %get3A_1780 = tpu.memref_squeeze %get3A_1779 : memref<1x128xi32, #tpu.memory_space<vmem>> -> memref<128xi32, #tpu.memory_space<vmem>>
      %get3A_1781 = arith.constant 112 : index
      %get3A_1782 = tpu.vector_load %get3A_1780[%get3A_1781] {strides = array<i32>} : memref<128xi32, #tpu.memory_space<vmem>>, vector<16xi32>,
      %get3A_1783 = vector.shape_cast %get3A_1782 : vector<16xi32> to vector<16xi32>
      %and3A_1784 = arith.constant 31 : i32
      %and3A_1785 = vector.broadcast %and3A_1784 : i32 to vector<16xi32>
      %and3A_1786 = arith.andi %get3A_1783, %and3A_1785 : vector<16xi32>
      %shift_right_arithmetic3A_1787 = arith.constant 5 : i32
      %shift_right_arithmetic3A_1788 = vector.broadcast %shift_right_arithmetic3A_1787 : i32 to vector<16xi32>
      %shift_right_arithmetic3A_1789 = arith.shrsi %get3A_1783, %shift_right_arithmetic3A_1788 : vector<16xi32>
      %and3A_1790 = arith.constant 7 : i32
      %and3A_1791 = vector.broadcast %and3A_1790 : i32 to vector<16xi32>
      %and3A_1792 = arith.andi %shift_right_arithmetic3A_1789, %and3A_1791 : vector<16xi32>
      %shift_right_arithmetic3A_1793 = arith.constant 8 : i32
      %shift_right_arithmetic3A_1794 = vector.broadcast %shift_right_arithmetic3A_1793 : i32 to vector<16xi32>
      %shift_right_arithmetic3A_1795 = arith.shrsi %get3A_1783, %shift_right_arithmetic3A_1794 : vector<16xi32>
      %and3A_1796 = arith.constant 63 : i32
      %and3A_1797 = vector.broadcast %and3A_1796 : i32 to vector<16xi32>
      %and3A_1798 = arith.andi %shift_right_arithmetic3A_1795, %and3A_1797 : vector<16xi32>
      %min3A_1799 = arith.constant 40 : i32
      %min3A_1800 = vector.broadcast %min3A_1799 : i32 to vector<16xi32>
      %min3A_1801 = arith.minsi %and3A_1798, %min3A_1800 : vector<16xi32>
      %shift_right_arithmetic3A_1802 = arith.constant 14 : i32
      %shift_right_arithmetic3A_1803 = vector.broadcast %shift_right_arithmetic3A_1802 : i32 to vector<16xi32>
      %shift_right_arithmetic3A_1804 = arith.shrsi %get3A_1783, %shift_right_arithmetic3A_1803 : vector<16xi32>
      %and3A_1805 = arith.constant 3 : i32
      %and3A_1806 = vector.broadcast %and3A_1805 : i32 to vector<16xi32>
      %and3A_1807 = arith.andi %shift_right_arithmetic3A_1804, %and3A_1806 : vector<16xi32>
      %shift_right_arithmetic3A_1808 = arith.constant 16 : i32
      %shift_right_arithmetic3A_1809 = vector.broadcast %shift_right_arithmetic3A_1808 : i32 to vector<16xi32>
      %shift_right_arithmetic3A_1810 = arith.shrsi %get3A_1783, %shift_right_arithmetic3A_1809 : vector<16xi32>
      %and3A_1811 = arith.constant 3 : i32
      %and3A_1812 = vector.broadcast %and3A_1811 : i32 to vector<16xi32>
      %and3A_1813 = arith.andi %shift_right_arithmetic3A_1810, %and3A_1812 : vector<16xi32>
      %mul3A_1814 = arith.constant 4592 : i32
      %mul3A_1815 = vector.broadcast %mul3A_1814 : i32 to vector<16xi32>
      %mul3A_1816 = arith.muli %and3A_1786, %mul3A_1815 : vector<16xi32>
      %mul3A_1817 = arith.constant 656 : i32
      %mul3A_1818 = vector.broadcast %mul3A_1817 : i32 to vector<16xi32>
      %mul3A_1819 = arith.muli %and3A_1792, %mul3A_1818 : vector<16xi32>
      %add3A_1820 = arith.addi %mul3A_1816, %mul3A_1819 : vector<16xi32>
      %mul3A_1821 = arith.constant 16 : i32
      %mul3A_1822 = vector.broadcast %mul3A_1821 : i32 to vector<16xi32>
      %mul3A_1823 = arith.muli %min3A_1801, %mul3A_1822 : vector<16xi32>
      %add3A_1824 = arith.addi %add3A_1820, %mul3A_1823 : vector<16xi32>
      %mul3A_1825 = arith.constant 4 : i32
      %mul3A_1826 = vector.broadcast %mul3A_1825 : i32 to vector<16xi32>
      %mul3A_1827 = arith.muli %and3A_1807, %mul3A_1826 : vector<16xi32>
      %add3A_1828 = arith.addi %add3A_1824, %mul3A_1827 : vector<16xi32>
      %add3A_1829 = arith.addi %add3A_1828, %and3A_1813 : vector<16xi32>
      %swap3A_1830 = arith.constant 2 : i32
      %swap3A_1831 = arith.constant 0 : i32
      %swap3A_1832 = tpu.memref_slice %arg6[%swap3A_1830, %swap3A_1831] : memref<5x128xi32, #tpu.memory_space<vmem>> -> memref<1x128xi32, #tpu.memory_space<vmem>>
      %swap3A_1833 = tpu.memref_squeeze %swap3A_1832 : memref<1x128xi32, #tpu.memory_space<vmem>> -> memref<128xi32, #tpu.memory_space<vmem>>
      %swap3A_1834 = arith.constant 112 : index
      %swap3A_1835 = tpu.vector_load %swap3A_1833[%swap3A_1834] {strides = array<i32>} : memref<128xi32, #tpu.memory_space<vmem>>, vector<16xi32>,
      %swap3A_1836 = vector.shape_cast %swap3A_1835 : vector<16xi32> to vector<16xi32>
      %swap3A_1837 = vector.shape_cast %add3A_1829 : vector<16xi32> to vector<16xi32>
      tpu.vector_store %swap3A_1833[%swap3A_1834], %swap3A_1837 {strides = array<i32>} : memref<128xi32, #tpu.memory_space<vmem>>, vector<16xi32>,
      %ge3A_1838 = arith.constant 5 : i32
      %ge3A_1839 = arith.cmpi sge, %add3A_1334, %ge3A_1838 : i32
      %convert_element_type3A_1840 = arith.extui %ge3A_1839 : i1 to i32
      %cond3A_1841 = arith.constant 0 : i32
      %cond3A_1842 = arith.cmpi ne, %convert_element_type3A_1840, %cond3A_1841 : i32
      scf.if %cond3A_1842 {
        %dma_wait3A_2959 = arith.constant 2 : i32
        %dma_wait3A_2960 = arith.constant 2 : i32
        %dma_wait3A_2961 = arith.constant 0 : i32
        %dma_wait3A_2962 = arith.constant 0 : i32
        %dma_wait3A_2963 = tpu.memref_slice %arg7[%dma_wait3A_2959, %dma_wait3A_2961, %dma_wait3A_2962] : memref<5x128x128xf32, #tpu.memory_space<vmem>> -> memref<1x128x128xf32, #tpu.memory_space<vmem>>
        %dma_wait3A_2964 = tpu.memref_squeeze %dma_wait3A_2963 : memref<1x128x128xf32, #tpu.memory_space<vmem>> -> memref<128x128xf32, #tpu.memory_space<vmem>>
        %dma_wait3A_2965 = arith.constant 0 : i32
        %dma_wait3A_2966 = tpu.memref_slice %arg4[%mul3A_2, %dma_wait3A_2965] : memref<819200x128xf32, #tpu.memory_space<hbm>> -> memref<128x128xf32, #tpu.memory_space<hbm>>
        %dma_wait3A_2967 = tpu.memref_slice %arg10[%dma_wait3A_2960] : memref<5x!tpu.dma_semaphore, #tpu.memory_space<semaphore_mem>> -> memref<1x!tpu.dma_semaphore, #tpu.memory_space<semaphore_mem>>
        %dma_wait3A_2968 = tpu.memref_squeeze %dma_wait3A_2967 : memref<1x!tpu.dma_semaphore, #tpu.memory_space<semaphore_mem>> -> memref<!tpu.dma_semaphore, #tpu.memory_space<semaphore_mem>>
        %dma_wait3A_2969 = arith.constant 0 : i32
        %dma_wait3A_2970 = tpu.memref_slice %arg4[%mul3A_2, %dma_wait3A_2969] : memref<819200x128xf32, #tpu.memory_space<hbm>> -> memref<128x128xf32, #tpu.memory_space<hbm>>
        %dma_wait3A_2971 = arith.constant 0 : i32
        %dma_wait3A_2972 = arith.constant 0 : i32
        %dma_wait3A_2973 = tpu.memref_slice %arg7[%dma_wait3A_2959, %dma_wait3A_2971, %dma_wait3A_2972] : memref<5x128x128xf32, #tpu.memory_space<vmem>> -> memref<1x128x128xf32, #tpu.memory_space<vmem>>
        %dma_wait3A_2974 = tpu.memref_squeeze %dma_wait3A_2973 : memref<1x128x128xf32, #tpu.memory_space<vmem>> -> memref<128x128xf32, #tpu.memory_space<vmem>>
        tpu.wait_dma2 semaphore(%dma_wait3A_2968 : memref<!tpu.dma_semaphore, #tpu.memory_space<semaphore_mem>>) src(%dma_wait3A_2974 : memref<128x128xf32, #tpu.memory_space<vmem>>) dst(%dma_wait3A_2970 : memref<128x128xf32, #tpu.memory_space<hbm>>)
      } else {
      }
      %dma_start3A_1843 = arith.constant 2 : i32
      %dma_start3A_1844 = arith.constant 2 : i32
      %dma_start3A_1845 = arith.constant 2 : i32
      %dma_start3A_1846 = arith.constant 0 : i32
      %dma_start3A_1847 = arith.constant 0 : i32
      %dma_start3A_1848 = tpu.memref_slice %arg7[%dma_start3A_1844, %dma_start3A_1846, %dma_start3A_1847] : memref<5x128x128xf32, #tpu.memory_space<vmem>> -> memref<1x128x128xf32, #tpu.memory_space<vmem>>
      %dma_start3A_1849 = tpu.memref_squeeze %dma_start3A_1848 : memref<1x128x128xf32, #tpu.memory_space<vmem>> -> memref<128x128xf32, #tpu.memory_space<vmem>>
      %dma_start3A_1850 = arith.constant 0 : i32
      %dma_start3A_1851 = tpu.memref_slice %arg6[%dma_start3A_1843, %dma_start3A_1850] : memref<5x128xi32, #tpu.memory_space<vmem>> -> memref<1x128xi32, #tpu.memory_space<vmem>>
      %dma_start3A_1852 = tpu.memref_squeeze %dma_start3A_1851 : memref<1x128xi32, #tpu.memory_space<vmem>> -> memref<128xi32, #tpu.memory_space<vmem>>
      %dma_start3A_1853 = arith.constant 0 : i32
      %dma_start3A_1854 = arith.constant 0 : i32
      %dma_start3A_1855 = tpu.memref_slice %arg2[%dma_start3A_1853, %dma_start3A_1854] : memref<78064x128xf32, #tpu.memory_space<hbm>> -> memref<78064x128xf32, #tpu.memory_space<hbm>>
      %dma_start3A_1856 = tpu.memref_slice %arg9[%dma_start3A_1845] : memref<5x!tpu.dma_semaphore, #tpu.memory_space<semaphore_mem>> -> memref<1x!tpu.dma_semaphore, #tpu.memory_space<semaphore_mem>>
      %dma_start3A_1857 = tpu.memref_squeeze %dma_start3A_1856 : memref<1x!tpu.dma_semaphore, #tpu.memory_space<semaphore_mem>> -> memref<!tpu.dma_semaphore, #tpu.memory_space<semaphore_mem>>
      tpu.enqueue_indirect_dma source(%dma_start3A_1855 : memref<78064x128xf32, #tpu.memory_space<hbm>>) target(%dma_start3A_1849 : memref<128x128xf32, #tpu.memory_space<vmem>>) offsets(%dma_start3A_1852 : memref<128xi32, #tpu.memory_space<vmem>>) semaphore(%dma_start3A_1857 : memref<!tpu.dma_semaphore, #tpu.memory_space<semaphore_mem>>)
      %ge3A_1858 = arith.constant 3 : i32
      %ge3A_1859 = arith.cmpi sge, %add3A_1334, %ge3A_1858 : i32
      %convert_element_type3A_1860 = arith.extui %ge3A_1859 : i1 to i32
      %cond3A_1861 = arith.constant 0 : i32
      %cond3A_1862 = arith.cmpi ne, %convert_element_type3A_1860, %cond3A_1861 : i32
      scf.if %cond3A_1862 {
        %dma_wait3A_2959 = arith.constant 4 : i32
        %dma_wait3A_2960 = arith.constant 4 : i32
        %dma_wait3A_2961 = arith.constant 4 : i32
        %dma_wait3A_2962 = arith.constant 0 : i32
        %dma_wait3A_2963 = arith.constant 0 : i32
        %dma_wait3A_2964 = tpu.memref_slice %arg7[%dma_wait3A_2960, %dma_wait3A_2962, %dma_wait3A_2963] : memref<5x128x128xf32, #tpu.memory_space<vmem>> -> memref<1x128x128xf32, #tpu.memory_space<vmem>>
        %dma_wait3A_2965 = tpu.memref_squeeze %dma_wait3A_2964 : memref<1x128x128xf32, #tpu.memory_space<vmem>> -> memref<128x128xf32, #tpu.memory_space<vmem>>
        %dma_wait3A_2966 = arith.constant 0 : i32
        %dma_wait3A_2967 = tpu.memref_slice %arg6[%dma_wait3A_2959, %dma_wait3A_2966] : memref<5x128xi32, #tpu.memory_space<vmem>> -> memref<1x128xi32, #tpu.memory_space<vmem>>
        %dma_wait3A_2968 = tpu.memref_squeeze %dma_wait3A_2967 : memref<1x128xi32, #tpu.memory_space<vmem>> -> memref<128xi32, #tpu.memory_space<vmem>>
        %dma_wait3A_2969 = arith.constant 0 : i32
        %dma_wait3A_2970 = arith.constant 0 : i32
        %dma_wait3A_2971 = tpu.memref_slice %arg2[%dma_wait3A_2969, %dma_wait3A_2970] : memref<78064x128xf32, #tpu.memory_space<hbm>> -> memref<78064x128xf32, #tpu.memory_space<hbm>>
        %dma_wait3A_2972 = tpu.memref_slice %arg9[%dma_wait3A_2961] : memref<5x!tpu.dma_semaphore, #tpu.memory_space<semaphore_mem>> -> memref<1x!tpu.dma_semaphore, #tpu.memory_space<semaphore_mem>>
        %dma_wait3A_2973 = tpu.memref_squeeze %dma_wait3A_2972 : memref<1x!tpu.dma_semaphore, #tpu.memory_space<semaphore_mem>> -> memref<!tpu.dma_semaphore, #tpu.memory_space<semaphore_mem>>
        tpu.wait_indirect_dma semaphore(%dma_wait3A_2973 : memref<!tpu.dma_semaphore, #tpu.memory_space<semaphore_mem>>) src(%dma_wait3A_2971 : memref<78064x128xf32, #tpu.memory_space<hbm>>) dst(%dma_wait3A_2965 : memref<128x128xf32, #tpu.memory_space<vmem>>)
        %sub3A_2974 = arith.constant 384 : i32
        %sub3A_2975 = arith.subi %add3A_1337, %sub3A_2974 : i32
        %dma_start3A_2976 = arith.constant 4 : i32
        %dma_start3A_2977 = arith.constant 4 : i32
        %dma_start3A_2978 = arith.constant 0 : i32
        %dma_start3A_2979 = arith.constant 0 : i32
        %dma_start3A_2980 = tpu.memref_slice %arg7[%dma_start3A_2976, %dma_start3A_2978, %dma_start3A_2979] : memref<5x128x128xf32, #tpu.memory_space<vmem>> -> memref<1x128x128xf32, #tpu.memory_space<vmem>>
        %dma_start3A_2981 = tpu.memref_squeeze %dma_start3A_2980 : memref<1x128x128xf32, #tpu.memory_space<vmem>> -> memref<128x128xf32, #tpu.memory_space<vmem>>
        %dma_start3A_2982 = arith.constant 0 : i32
        %dma_start3A_2983 = tpu.memref_slice %arg4[%sub3A_2975, %dma_start3A_2982] : memref<819200x128xf32, #tpu.memory_space<hbm>> -> memref<128x128xf32, #tpu.memory_space<hbm>>
        %dma_start3A_2984 = tpu.memref_slice %arg10[%dma_start3A_2977] : memref<5x!tpu.dma_semaphore, #tpu.memory_space<semaphore_mem>> -> memref<1x!tpu.dma_semaphore, #tpu.memory_space<semaphore_mem>>
        %dma_start3A_2985 = tpu.memref_squeeze %dma_start3A_2984 : memref<1x!tpu.dma_semaphore, #tpu.memory_space<semaphore_mem>> -> memref<!tpu.dma_semaphore, #tpu.memory_space<semaphore_mem>>
        %dma_start3A_2986 = arith.constant 0 : i32
        %dma_start3A_2987 = tpu.memref_slice %arg4[%sub3A_2975, %dma_start3A_2986] : memref<819200x128xf32, #tpu.memory_space<hbm>> -> memref<128x128xf32, #tpu.memory_space<hbm>>
        %dma_start3A_2988 = arith.constant 0 : i32
        %dma_start3A_2989 = arith.constant 0 : i32
        %dma_start3A_2990 = tpu.memref_slice %arg7[%dma_start3A_2976, %dma_start3A_2988, %dma_start3A_2989] : memref<5x128x128xf32, #tpu.memory_space<vmem>> -> memref<1x128x128xf32, #tpu.memory_space<vmem>>
        %dma_start3A_2991 = tpu.memref_squeeze %dma_start3A_2990 : memref<1x128x128xf32, #tpu.memory_space<vmem>> -> memref<128x128xf32, #tpu.memory_space<vmem>>
        tpu.enqueue_dma source(%dma_start3A_2991 : memref<128x128xf32, #tpu.memory_space<vmem>>) target(%dma_start3A_2987 : memref<128x128xf32, #tpu.memory_space<hbm>>) target_semaphore(%dma_start3A_2985 : memref<!tpu.dma_semaphore, #tpu.memory_space<semaphore_mem>>)
      } else {
      }
      %ge3A_1863 = arith.constant 3 : i32
      %ge3A_1864 = arith.cmpi sge, %add3A_1334, %ge3A_1863 : i32
      %sub3A_1865 = arith.constant 3 : i32
      %sub3A_1866 = arith.subi %add3A_1334, %sub3A_1865 : i32
      %add3A_1867 = arith.constant 5 : i32
      %add3A_1868 = arith.addi %sub3A_1866, %add3A_1867 : i32
      %lt3A_1869 = arith.constant 200 : i32
      %lt3A_1870 = arith.cmpi slt, %add3A_1868, %lt3A_1869 : i32
      %and3A_1871 = arith.andi %ge3A_1864, %lt3A_1870 : i1
      %convert_element_type3A_1872 = arith.extui %and3A_1871 : i1 to i32
      %cond3A_1873 = arith.constant 0 : i32
      %cond3A_1874 = arith.cmpi ne, %convert_element_type3A_1872, %cond3A_1873 : i32
      scf.if %cond3A_1874 {
        %add3A_2959 = arith.constant 256 : i32
        %add3A_2960 = arith.addi %add3A_1337, %add3A_2959 : i32
        %dma_start3A_2961 = arith.constant 4 : i32
        %dma_start3A_2962 = arith.constant 4 : i32
        %dma_start3A_2963 = arith.constant 0 : i32
        %dma_start3A_2964 = tpu.memref_slice %arg5[%dma_start3A_2961, %dma_start3A_2963] : memref<5x128xi32, #tpu.memory_space<vmem>> -> memref<1x128xi32, #tpu.memory_space<vmem>>
        %dma_start3A_2965 = tpu.memref_squeeze %dma_start3A_2964 : memref<1x128xi32, #tpu.memory_space<vmem>> -> memref<128xi32, #tpu.memory_space<vmem>>
        %dma_start3A_2966 = tpu.memref_slice %arg3[%add3A_2960] : memref<819200xi32, #tpu.memory_space<hbm>> -> memref<128xi32, #tpu.memory_space<hbm>>
        %dma_start3A_2967 = tpu.memref_slice %arg8[%dma_start3A_2962] : memref<5x!tpu.dma_semaphore, #tpu.memory_space<semaphore_mem>> -> memref<1x!tpu.dma_semaphore, #tpu.memory_space<semaphore_mem>>
        %dma_start3A_2968 = tpu.memref_squeeze %dma_start3A_2967 : memref<1x!tpu.dma_semaphore, #tpu.memory_space<semaphore_mem>> -> memref<!tpu.dma_semaphore, #tpu.memory_space<semaphore_mem>>
        %dma_start3A_2969 = arith.constant 0 : i32
        %dma_start3A_2970 = tpu.memref_slice %arg5[%dma_start3A_2961, %dma_start3A_2969] : memref<5x128xi32, #tpu.memory_space<vmem>> -> memref<1x128xi32, #tpu.memory_space<vmem>>
        %dma_start3A_2971 = tpu.memref_squeeze %dma_start3A_2970 : memref<1x128xi32, #tpu.memory_space<vmem>> -> memref<128xi32, #tpu.memory_space<vmem>>
        %dma_start3A_2972 = tpu.memref_slice %arg3[%add3A_2960] : memref<819200xi32, #tpu.memory_space<hbm>> -> memref<128xi32, #tpu.memory_space<hbm>>
        tpu.enqueue_dma source(%dma_start3A_2972 : memref<128xi32, #tpu.memory_space<hbm>>) target(%dma_start3A_2971 : memref<128xi32, #tpu.memory_space<vmem>>) target_semaphore(%dma_start3A_2968 : memref<!tpu.dma_semaphore, #tpu.memory_space<semaphore_mem>>)
      } else {
      }
      %add3A_1875 = arith.constant 3 : i32
      %add3A_1876 = arith.addi %add3A_258, %add3A_1875 : i32
      %mul3A_1877 = arith.constant 128 : i32
      %mul3A_1878 = arith.muli %add3A_1876, %mul3A_1877 : i32
      %add3A_1879 = arith.addi %mul3A_2, %mul3A_1878 : i32
      %dma_wait3A_1880 = arith.constant 3 : i32
      %dma_wait3A_1881 = arith.constant 3 : i32
      %dma_wait3A_1882 = arith.constant 0 : i32
      %dma_wait3A_1883 = tpu.memref_slice %arg5[%dma_wait3A_1880, %dma_wait3A_1882] : memref<5x128xi32, #tpu.memory_space<vmem>> -> memref<1x128xi32, #tpu.memory_space<vmem>>
      %dma_wait3A_1884 = tpu.memref_squeeze %dma_wait3A_1883 : memref<1x128xi32, #tpu.memory_space<vmem>> -> memref<128xi32, #tpu.memory_space<vmem>>
      %dma_wait3A_1885 = tpu.memref_slice %arg3[%add3A_1879] : memref<819200xi32, #tpu.memory_space<hbm>> -> memref<128xi32, #tpu.memory_space<hbm>>
      %dma_wait3A_1886 = tpu.memref_slice %arg8[%dma_wait3A_1881] : memref<5x!tpu.dma_semaphore, #tpu.memory_space<semaphore_mem>> -> memref<1x!tpu.dma_semaphore, #tpu.memory_space<semaphore_mem>>
      %dma_wait3A_1887 = tpu.memref_squeeze %dma_wait3A_1886 : memref<1x!tpu.dma_semaphore, #tpu.memory_space<semaphore_mem>> -> memref<!tpu.dma_semaphore, #tpu.memory_space<semaphore_mem>>
      %dma_wait3A_1888 = arith.constant 0 : i32
      %dma_wait3A_1889 = tpu.memref_slice %arg5[%dma_wait3A_1880, %dma_wait3A_1888] : memref<5x128xi32, #tpu.memory_space<vmem>> -> memref<1x128xi32, #tpu.memory_space<vmem>>
      %dma_wait3A_1890 = tpu.memref_squeeze %dma_wait3A_1889 : memref<1x128xi32, #tpu.memory_space<vmem>> -> memref<128xi32, #tpu.memory_space<vmem>>
      %dma_wait3A_1891 = tpu.memref_slice %arg3[%add3A_1879] : memref<819200xi32, #tpu.memory_space<hbm>> -> memref<128xi32, #tpu.memory_space<hbm>>
      tpu.wait_dma2 semaphore(%dma_wait3A_1887 : memref<!tpu.dma_semaphore, #tpu.memory_space<semaphore_mem>>) src(%dma_wait3A_1891 : memref<128xi32, #tpu.memory_space<hbm>>) dst(%dma_wait3A_1890 : memref<128xi32, #tpu.memory_space<vmem>>)
      %get3A_1892 = arith.constant 3 : i32
      %get3A_1893 = arith.constant 0 : i32
      %get3A_1894 = tpu.memref_slice %arg5[%get3A_1892, %get3A_1893] : memref<5x128xi32, #tpu.memory_space<vmem>> -> memref<1x128xi32, #tpu.memory_space<vmem>>
      %get3A_1895 = tpu.memref_squeeze %get3A_1894 : memref<1x128xi32, #tpu.memory_space<vmem>> -> memref<128xi32, #tpu.memory_space<vmem>>
      %get3A_1896 = arith.constant 0 : index
      %get3A_1897 = tpu.vector_load %get3A_1895[%get3A_1896] {strides = array<i32>} : memref<128xi32, #tpu.memory_space<vmem>>, vector<16xi32>,
      %get3A_1898 = vector.shape_cast %get3A_1897 : vector<16xi32> to vector<16xi32>
      %and3A_1899 = arith.constant 31 : i32
      %and3A_1900 = vector.broadcast %and3A_1899 : i32 to vector<16xi32>
      %and3A_1901 = arith.andi %get3A_1898, %and3A_1900 : vector<16xi32>
      %shift_right_arithmetic3A_1902 = arith.constant 5 : i32
      %shift_right_arithmetic3A_1903 = vector.broadcast %shift_right_arithmetic3A_1902 : i32 to vector<16xi32>
      %shift_right_arithmetic3A_1904 = arith.shrsi %get3A_1898, %shift_right_arithmetic3A_1903 : vector<16xi32>
      %and3A_1905 = arith.constant 7 : i32
      %and3A_1906 = vector.broadcast %and3A_1905 : i32 to vector<16xi32>
      %and3A_1907 = arith.andi %shift_right_arithmetic3A_1904, %and3A_1906 : vector<16xi32>
      %shift_right_arithmetic3A_1908 = arith.constant 8 : i32
      %shift_right_arithmetic3A_1909 = vector.broadcast %shift_right_arithmetic3A_1908 : i32 to vector<16xi32>
      %shift_right_arithmetic3A_1910 = arith.shrsi %get3A_1898, %shift_right_arithmetic3A_1909 : vector<16xi32>
      %and3A_1911 = arith.constant 63 : i32
      %and3A_1912 = vector.broadcast %and3A_1911 : i32 to vector<16xi32>
      %and3A_1913 = arith.andi %shift_right_arithmetic3A_1910, %and3A_1912 : vector<16xi32>
      %min3A_1914 = arith.constant 40 : i32
      %min3A_1915 = vector.broadcast %min3A_1914 : i32 to vector<16xi32>
      %min3A_1916 = arith.minsi %and3A_1913, %min3A_1915 : vector<16xi32>
      %shift_right_arithmetic3A_1917 = arith.constant 14 : i32
      %shift_right_arithmetic3A_1918 = vector.broadcast %shift_right_arithmetic3A_1917 : i32 to vector<16xi32>
      %shift_right_arithmetic3A_1919 = arith.shrsi %get3A_1898, %shift_right_arithmetic3A_1918 : vector<16xi32>
      %and3A_1920 = arith.constant 3 : i32
      %and3A_1921 = vector.broadcast %and3A_1920 : i32 to vector<16xi32>
      %and3A_1922 = arith.andi %shift_right_arithmetic3A_1919, %and3A_1921 : vector<16xi32>
      %shift_right_arithmetic3A_1923 = arith.constant 16 : i32
      %shift_right_arithmetic3A_1924 = vector.broadcast %shift_right_arithmetic3A_1923 : i32 to vector<16xi32>
      %shift_right_arithmetic3A_1925 = arith.shrsi %get3A_1898, %shift_right_arithmetic3A_1924 : vector<16xi32>
      %and3A_1926 = arith.constant 3 : i32
      %and3A_1927 = vector.broadcast %and3A_1926 : i32 to vector<16xi32>
      %and3A_1928 = arith.andi %shift_right_arithmetic3A_1925, %and3A_1927 : vector<16xi32>
      %mul3A_1929 = arith.constant 4592 : i32
      %mul3A_1930 = vector.broadcast %mul3A_1929 : i32 to vector<16xi32>
      %mul3A_1931 = arith.muli %and3A_1901, %mul3A_1930 : vector<16xi32>
      %mul3A_1932 = arith.constant 656 : i32
      %mul3A_1933 = vector.broadcast %mul3A_1932 : i32 to vector<16xi32>
      %mul3A_1934 = arith.muli %and3A_1907, %mul3A_1933 : vector<16xi32>
      %add3A_1935 = arith.addi %mul3A_1931, %mul3A_1934 : vector<16xi32>
      %mul3A_1936 = arith.constant 16 : i32
      %mul3A_1937 = vector.broadcast %mul3A_1936 : i32 to vector<16xi32>
      %mul3A_1938 = arith.muli %min3A_1916, %mul3A_1937 : vector<16xi32>
      %add3A_1939 = arith.addi %add3A_1935, %mul3A_1938 : vector<16xi32>
      %mul3A_1940 = arith.constant 4 : i32
      %mul3A_1941 = vector.broadcast %mul3A_1940 : i32 to vector<16xi32>
      %mul3A_1942 = arith.muli %and3A_1922, %mul3A_1941 : vector<16xi32>
      %add3A_1943 = arith.addi %add3A_1939, %mul3A_1942 : vector<16xi32>
      %add3A_1944 = arith.addi %add3A_1943, %and3A_1928 : vector<16xi32>
      %swap3A_1945 = arith.constant 3 : i32
      %swap3A_1946 = arith.constant 0 : i32
      %swap3A_1947 = tpu.memref_slice %arg6[%swap3A_1945, %swap3A_1946] : memref<5x128xi32, #tpu.memory_space<vmem>> -> memref<1x128xi32, #tpu.memory_space<vmem>>
      %swap3A_1948 = tpu.memref_squeeze %swap3A_1947 : memref<1x128xi32, #tpu.memory_space<vmem>> -> memref<128xi32, #tpu.memory_space<vmem>>
      %swap3A_1949 = arith.constant 0 : index
      %swap3A_1950 = tpu.vector_load %swap3A_1948[%swap3A_1949] {strides = array<i32>} : memref<128xi32, #tpu.memory_space<vmem>>, vector<16xi32>,
      %swap3A_1951 = vector.shape_cast %swap3A_1950 : vector<16xi32> to vector<16xi32>
      %swap3A_1952 = vector.shape_cast %add3A_1944 : vector<16xi32> to vector<16xi32>
      tpu.vector_store %swap3A_1948[%swap3A_1949], %swap3A_1952 {strides = array<i32>} : memref<128xi32, #tpu.memory_space<vmem>>, vector<16xi32>,
      %get3A_1953 = arith.constant 3 : i32
      %get3A_1954 = arith.constant 0 : i32
      %get3A_1955 = tpu.memref_slice %arg5[%get3A_1953, %get3A_1954] : memref<5x128xi32, #tpu.memory_space<vmem>> -> memref<1x128xi32, #tpu.memory_space<vmem>>
      %get3A_1956 = tpu.memref_squeeze %get3A_1955 : memref<1x128xi32, #tpu.memory_space<vmem>> -> memref<128xi32, #tpu.memory_space<vmem>>
      %get3A_1957 = arith.constant 16 : index
      %get3A_1958 = tpu.vector_load %get3A_1956[%get3A_1957] {strides = array<i32>} : memref<128xi32, #tpu.memory_space<vmem>>, vector<16xi32>,
      %get3A_1959 = vector.shape_cast %get3A_1958 : vector<16xi32> to vector<16xi32>
      %and3A_1960 = arith.constant 31 : i32
      %and3A_1961 = vector.broadcast %and3A_1960 : i32 to vector<16xi32>
      %and3A_1962 = arith.andi %get3A_1959, %and3A_1961 : vector<16xi32>
      %shift_right_arithmetic3A_1963 = arith.constant 5 : i32
      %shift_right_arithmetic3A_1964 = vector.broadcast %shift_right_arithmetic3A_1963 : i32 to vector<16xi32>
      %shift_right_arithmetic3A_1965 = arith.shrsi %get3A_1959, %shift_right_arithmetic3A_1964 : vector<16xi32>
      %and3A_1966 = arith.constant 7 : i32
      %and3A_1967 = vector.broadcast %and3A_1966 : i32 to vector<16xi32>
      %and3A_1968 = arith.andi %shift_right_arithmetic3A_1965, %and3A_1967 : vector<16xi32>
      %shift_right_arithmetic3A_1969 = arith.constant 8 : i32
      %shift_right_arithmetic3A_1970 = vector.broadcast %shift_right_arithmetic3A_1969 : i32 to vector<16xi32>
      %shift_right_arithmetic3A_1971 = arith.shrsi %get3A_1959, %shift_right_arithmetic3A_1970 : vector<16xi32>
      %and3A_1972 = arith.constant 63 : i32
      %and3A_1973 = vector.broadcast %and3A_1972 : i32 to vector<16xi32>
      %and3A_1974 = arith.andi %shift_right_arithmetic3A_1971, %and3A_1973 : vector<16xi32>
      %min3A_1975 = arith.constant 40 : i32
      %min3A_1976 = vector.broadcast %min3A_1975 : i32 to vector<16xi32>
      %min3A_1977 = arith.minsi %and3A_1974, %min3A_1976 : vector<16xi32>
      %shift_right_arithmetic3A_1978 = arith.constant 14 : i32
      %shift_right_arithmetic3A_1979 = vector.broadcast %shift_right_arithmetic3A_1978 : i32 to vector<16xi32>
      %shift_right_arithmetic3A_1980 = arith.shrsi %get3A_1959, %shift_right_arithmetic3A_1979 : vector<16xi32>
      %and3A_1981 = arith.constant 3 : i32
      %and3A_1982 = vector.broadcast %and3A_1981 : i32 to vector<16xi32>
      %and3A_1983 = arith.andi %shift_right_arithmetic3A_1980, %and3A_1982 : vector<16xi32>
      %shift_right_arithmetic3A_1984 = arith.constant 16 : i32
      %shift_right_arithmetic3A_1985 = vector.broadcast %shift_right_arithmetic3A_1984 : i32 to vector<16xi32>
      %shift_right_arithmetic3A_1986 = arith.shrsi %get3A_1959, %shift_right_arithmetic3A_1985 : vector<16xi32>
      %and3A_1987 = arith.constant 3 : i32
      %and3A_1988 = vector.broadcast %and3A_1987 : i32 to vector<16xi32>
      %and3A_1989 = arith.andi %shift_right_arithmetic3A_1986, %and3A_1988 : vector<16xi32>
      %mul3A_1990 = arith.constant 4592 : i32
      %mul3A_1991 = vector.broadcast %mul3A_1990 : i32 to vector<16xi32>
      %mul3A_1992 = arith.muli %and3A_1962, %mul3A_1991 : vector<16xi32>
      %mul3A_1993 = arith.constant 656 : i32
      %mul3A_1994 = vector.broadcast %mul3A_1993 : i32 to vector<16xi32>
      %mul3A_1995 = arith.muli %and3A_1968, %mul3A_1994 : vector<16xi32>
      %add3A_1996 = arith.addi %mul3A_1992, %mul3A_1995 : vector<16xi32>
      %mul3A_1997 = arith.constant 16 : i32
      %mul3A_1998 = vector.broadcast %mul3A_1997 : i32 to vector<16xi32>
      %mul3A_1999 = arith.muli %min3A_1977, %mul3A_1998 : vector<16xi32>
      %add3A_2000 = arith.addi %add3A_1996, %mul3A_1999 : vector<16xi32>
      %mul3A_2001 = arith.constant 4 : i32
      %mul3A_2002 = vector.broadcast %mul3A_2001 : i32 to vector<16xi32>
      %mul3A_2003 = arith.muli %and3A_1983, %mul3A_2002 : vector<16xi32>
      %add3A_2004 = arith.addi %add3A_2000, %mul3A_2003 : vector<16xi32>
      %add3A_2005 = arith.addi %add3A_2004, %and3A_1989 : vector<16xi32>
      %swap3A_2006 = arith.constant 3 : i32
      %swap3A_2007 = arith.constant 0 : i32
      %swap3A_2008 = tpu.memref_slice %arg6[%swap3A_2006, %swap3A_2007] : memref<5x128xi32, #tpu.memory_space<vmem>> -> memref<1x128xi32, #tpu.memory_space<vmem>>
      %swap3A_2009 = tpu.memref_squeeze %swap3A_2008 : memref<1x128xi32, #tpu.memory_space<vmem>> -> memref<128xi32, #tpu.memory_space<vmem>>
      %swap3A_2010 = arith.constant 16 : index
      %swap3A_2011 = tpu.vector_load %swap3A_2009[%swap3A_2010] {strides = array<i32>} : memref<128xi32, #tpu.memory_space<vmem>>, vector<16xi32>,
      %swap3A_2012 = vector.shape_cast %swap3A_2011 : vector<16xi32> to vector<16xi32>
      %swap3A_2013 = vector.shape_cast %add3A_2005 : vector<16xi32> to vector<16xi32>
      tpu.vector_store %swap3A_2009[%swap3A_2010], %swap3A_2013 {strides = array<i32>} : memref<128xi32, #tpu.memory_space<vmem>>, vector<16xi32>,
      %get3A_2014 = arith.constant 3 : i32
      %get3A_2015 = arith.constant 0 : i32
      %get3A_2016 = tpu.memref_slice %arg5[%get3A_2014, %get3A_2015] : memref<5x128xi32, #tpu.memory_space<vmem>> -> memref<1x128xi32, #tpu.memory_space<vmem>>
      %get3A_2017 = tpu.memref_squeeze %get3A_2016 : memref<1x128xi32, #tpu.memory_space<vmem>> -> memref<128xi32, #tpu.memory_space<vmem>>
      %get3A_2018 = arith.constant 32 : index
      %get3A_2019 = tpu.vector_load %get3A_2017[%get3A_2018] {strides = array<i32>} : memref<128xi32, #tpu.memory_space<vmem>>, vector<16xi32>,
      %get3A_2020 = vector.shape_cast %get3A_2019 : vector<16xi32> to vector<16xi32>
      %and3A_2021 = arith.constant 31 : i32
      %and3A_2022 = vector.broadcast %and3A_2021 : i32 to vector<16xi32>
      %and3A_2023 = arith.andi %get3A_2020, %and3A_2022 : vector<16xi32>
      %shift_right_arithmetic3A_2024 = arith.constant 5 : i32
      %shift_right_arithmetic3A_2025 = vector.broadcast %shift_right_arithmetic3A_2024 : i32 to vector<16xi32>
      %shift_right_arithmetic3A_2026 = arith.shrsi %get3A_2020, %shift_right_arithmetic3A_2025 : vector<16xi32>
      %and3A_2027 = arith.constant 7 : i32
      %and3A_2028 = vector.broadcast %and3A_2027 : i32 to vector<16xi32>
      %and3A_2029 = arith.andi %shift_right_arithmetic3A_2026, %and3A_2028 : vector<16xi32>
      %shift_right_arithmetic3A_2030 = arith.constant 8 : i32
      %shift_right_arithmetic3A_2031 = vector.broadcast %shift_right_arithmetic3A_2030 : i32 to vector<16xi32>
      %shift_right_arithmetic3A_2032 = arith.shrsi %get3A_2020, %shift_right_arithmetic3A_2031 : vector<16xi32>
      %and3A_2033 = arith.constant 63 : i32
      %and3A_2034 = vector.broadcast %and3A_2033 : i32 to vector<16xi32>
      %and3A_2035 = arith.andi %shift_right_arithmetic3A_2032, %and3A_2034 : vector<16xi32>
      %min3A_2036 = arith.constant 40 : i32
      %min3A_2037 = vector.broadcast %min3A_2036 : i32 to vector<16xi32>
      %min3A_2038 = arith.minsi %and3A_2035, %min3A_2037 : vector<16xi32>
      %shift_right_arithmetic3A_2039 = arith.constant 14 : i32
      %shift_right_arithmetic3A_2040 = vector.broadcast %shift_right_arithmetic3A_2039 : i32 to vector<16xi32>
      %shift_right_arithmetic3A_2041 = arith.shrsi %get3A_2020, %shift_right_arithmetic3A_2040 : vector<16xi32>
      %and3A_2042 = arith.constant 3 : i32
      %and3A_2043 = vector.broadcast %and3A_2042 : i32 to vector<16xi32>
      %and3A_2044 = arith.andi %shift_right_arithmetic3A_2041, %and3A_2043 : vector<16xi32>
      %shift_right_arithmetic3A_2045 = arith.constant 16 : i32
      %shift_right_arithmetic3A_2046 = vector.broadcast %shift_right_arithmetic3A_2045 : i32 to vector<16xi32>
      %shift_right_arithmetic3A_2047 = arith.shrsi %get3A_2020, %shift_right_arithmetic3A_2046 : vector<16xi32>
      %and3A_2048 = arith.constant 3 : i32
      %and3A_2049 = vector.broadcast %and3A_2048 : i32 to vector<16xi32>
      %and3A_2050 = arith.andi %shift_right_arithmetic3A_2047, %and3A_2049 : vector<16xi32>
      %mul3A_2051 = arith.constant 4592 : i32
      %mul3A_2052 = vector.broadcast %mul3A_2051 : i32 to vector<16xi32>
      %mul3A_2053 = arith.muli %and3A_2023, %mul3A_2052 : vector<16xi32>
      %mul3A_2054 = arith.constant 656 : i32
      %mul3A_2055 = vector.broadcast %mul3A_2054 : i32 to vector<16xi32>
      %mul3A_2056 = arith.muli %and3A_2029, %mul3A_2055 : vector<16xi32>
      %add3A_2057 = arith.addi %mul3A_2053, %mul3A_2056 : vector<16xi32>
      %mul3A_2058 = arith.constant 16 : i32
      %mul3A_2059 = vector.broadcast %mul3A_2058 : i32 to vector<16xi32>
      %mul3A_2060 = arith.muli %min3A_2038, %mul3A_2059 : vector<16xi32>
      %add3A_2061 = arith.addi %add3A_2057, %mul3A_2060 : vector<16xi32>
      %mul3A_2062 = arith.constant 4 : i32
      %mul3A_2063 = vector.broadcast %mul3A_2062 : i32 to vector<16xi32>
      %mul3A_2064 = arith.muli %and3A_2044, %mul3A_2063 : vector<16xi32>
      %add3A_2065 = arith.addi %add3A_2061, %mul3A_2064 : vector<16xi32>
      %add3A_2066 = arith.addi %add3A_2065, %and3A_2050 : vector<16xi32>
      %swap3A_2067 = arith.constant 3 : i32
      %swap3A_2068 = arith.constant 0 : i32
      %swap3A_2069 = tpu.memref_slice %arg6[%swap3A_2067, %swap3A_2068] : memref<5x128xi32, #tpu.memory_space<vmem>> -> memref<1x128xi32, #tpu.memory_space<vmem>>
      %swap3A_2070 = tpu.memref_squeeze %swap3A_2069 : memref<1x128xi32, #tpu.memory_space<vmem>> -> memref<128xi32, #tpu.memory_space<vmem>>
      %swap3A_2071 = arith.constant 32 : index
      %swap3A_2072 = tpu.vector_load %swap3A_2070[%swap3A_2071] {strides = array<i32>} : memref<128xi32, #tpu.memory_space<vmem>>, vector<16xi32>,
      %swap3A_2073 = vector.shape_cast %swap3A_2072 : vector<16xi32> to vector<16xi32>
      %swap3A_2074 = vector.shape_cast %add3A_2066 : vector<16xi32> to vector<16xi32>
      tpu.vector_store %swap3A_2070[%swap3A_2071], %swap3A_2074 {strides = array<i32>} : memref<128xi32, #tpu.memory_space<vmem>>, vector<16xi32>,
      %get3A_2075 = arith.constant 3 : i32
      %get3A_2076 = arith.constant 0 : i32
      %get3A_2077 = tpu.memref_slice %arg5[%get3A_2075, %get3A_2076] : memref<5x128xi32, #tpu.memory_space<vmem>> -> memref<1x128xi32, #tpu.memory_space<vmem>>
      %get3A_2078 = tpu.memref_squeeze %get3A_2077 : memref<1x128xi32, #tpu.memory_space<vmem>> -> memref<128xi32, #tpu.memory_space<vmem>>
      %get3A_2079 = arith.constant 48 : index
      %get3A_2080 = tpu.vector_load %get3A_2078[%get3A_2079] {strides = array<i32>} : memref<128xi32, #tpu.memory_space<vmem>>, vector<16xi32>,
      %get3A_2081 = vector.shape_cast %get3A_2080 : vector<16xi32> to vector<16xi32>
      %and3A_2082 = arith.constant 31 : i32
      %and3A_2083 = vector.broadcast %and3A_2082 : i32 to vector<16xi32>
      %and3A_2084 = arith.andi %get3A_2081, %and3A_2083 : vector<16xi32>
      %shift_right_arithmetic3A_2085 = arith.constant 5 : i32
      %shift_right_arithmetic3A_2086 = vector.broadcast %shift_right_arithmetic3A_2085 : i32 to vector<16xi32>
      %shift_right_arithmetic3A_2087 = arith.shrsi %get3A_2081, %shift_right_arithmetic3A_2086 : vector<16xi32>
      %and3A_2088 = arith.constant 7 : i32
      %and3A_2089 = vector.broadcast %and3A_2088 : i32 to vector<16xi32>
      %and3A_2090 = arith.andi %shift_right_arithmetic3A_2087, %and3A_2089 : vector<16xi32>
      %shift_right_arithmetic3A_2091 = arith.constant 8 : i32
      %shift_right_arithmetic3A_2092 = vector.broadcast %shift_right_arithmetic3A_2091 : i32 to vector<16xi32>
      %shift_right_arithmetic3A_2093 = arith.shrsi %get3A_2081, %shift_right_arithmetic3A_2092 : vector<16xi32>
      %and3A_2094 = arith.constant 63 : i32
      %and3A_2095 = vector.broadcast %and3A_2094 : i32 to vector<16xi32>
      %and3A_2096 = arith.andi %shift_right_arithmetic3A_2093, %and3A_2095 : vector<16xi32>
      %min3A_2097 = arith.constant 40 : i32
      %min3A_2098 = vector.broadcast %min3A_2097 : i32 to vector<16xi32>
      %min3A_2099 = arith.minsi %and3A_2096, %min3A_2098 : vector<16xi32>
      %shift_right_arithmetic3A_2100 = arith.constant 14 : i32
      %shift_right_arithmetic3A_2101 = vector.broadcast %shift_right_arithmetic3A_2100 : i32 to vector<16xi32>
      %shift_right_arithmetic3A_2102 = arith.shrsi %get3A_2081, %shift_right_arithmetic3A_2101 : vector<16xi32>
      %and3A_2103 = arith.constant 3 : i32
      %and3A_2104 = vector.broadcast %and3A_2103 : i32 to vector<16xi32>
      %and3A_2105 = arith.andi %shift_right_arithmetic3A_2102, %and3A_2104 : vector<16xi32>
      %shift_right_arithmetic3A_2106 = arith.constant 16 : i32
      %shift_right_arithmetic3A_2107 = vector.broadcast %shift_right_arithmetic3A_2106 : i32 to vector<16xi32>
      %shift_right_arithmetic3A_2108 = arith.shrsi %get3A_2081, %shift_right_arithmetic3A_2107 : vector<16xi32>
      %and3A_2109 = arith.constant 3 : i32
      %and3A_2110 = vector.broadcast %and3A_2109 : i32 to vector<16xi32>
      %and3A_2111 = arith.andi %shift_right_arithmetic3A_2108, %and3A_2110 : vector<16xi32>
      %mul3A_2112 = arith.constant 4592 : i32
      %mul3A_2113 = vector.broadcast %mul3A_2112 : i32 to vector<16xi32>
      %mul3A_2114 = arith.muli %and3A_2084, %mul3A_2113 : vector<16xi32>
      %mul3A_2115 = arith.constant 656 : i32
      %mul3A_2116 = vector.broadcast %mul3A_2115 : i32 to vector<16xi32>
      %mul3A_2117 = arith.muli %and3A_2090, %mul3A_2116 : vector<16xi32>
      %add3A_2118 = arith.addi %mul3A_2114, %mul3A_2117 : vector<16xi32>
      %mul3A_2119 = arith.constant 16 : i32
      %mul3A_2120 = vector.broadcast %mul3A_2119 : i32 to vector<16xi32>
      %mul3A_2121 = arith.muli %min3A_2099, %mul3A_2120 : vector<16xi32>
      %add3A_2122 = arith.addi %add3A_2118, %mul3A_2121 : vector<16xi32>
      %mul3A_2123 = arith.constant 4 : i32
      %mul3A_2124 = vector.broadcast %mul3A_2123 : i32 to vector<16xi32>
      %mul3A_2125 = arith.muli %and3A_2105, %mul3A_2124 : vector<16xi32>
      %add3A_2126 = arith.addi %add3A_2122, %mul3A_2125 : vector<16xi32>
      %add3A_2127 = arith.addi %add3A_2126, %and3A_2111 : vector<16xi32>
      %swap3A_2128 = arith.constant 3 : i32
      %swap3A_2129 = arith.constant 0 : i32
      %swap3A_2130 = tpu.memref_slice %arg6[%swap3A_2128, %swap3A_2129] : memref<5x128xi32, #tpu.memory_space<vmem>> -> memref<1x128xi32, #tpu.memory_space<vmem>>
      %swap3A_2131 = tpu.memref_squeeze %swap3A_2130 : memref<1x128xi32, #tpu.memory_space<vmem>> -> memref<128xi32, #tpu.memory_space<vmem>>
      %swap3A_2132 = arith.constant 48 : index
      %swap3A_2133 = tpu.vector_load %swap3A_2131[%swap3A_2132] {strides = array<i32>} : memref<128xi32, #tpu.memory_space<vmem>>, vector<16xi32>,
      %swap3A_2134 = vector.shape_cast %swap3A_2133 : vector<16xi32> to vector<16xi32>
      %swap3A_2135 = vector.shape_cast %add3A_2127 : vector<16xi32> to vector<16xi32>
      tpu.vector_store %swap3A_2131[%swap3A_2132], %swap3A_2135 {strides = array<i32>} : memref<128xi32, #tpu.memory_space<vmem>>, vector<16xi32>,
      %get3A_2136 = arith.constant 3 : i32
      %get3A_2137 = arith.constant 0 : i32
      %get3A_2138 = tpu.memref_slice %arg5[%get3A_2136, %get3A_2137] : memref<5x128xi32, #tpu.memory_space<vmem>> -> memref<1x128xi32, #tpu.memory_space<vmem>>
      %get3A_2139 = tpu.memref_squeeze %get3A_2138 : memref<1x128xi32, #tpu.memory_space<vmem>> -> memref<128xi32, #tpu.memory_space<vmem>>
      %get3A_2140 = arith.constant 64 : index
      %get3A_2141 = tpu.vector_load %get3A_2139[%get3A_2140] {strides = array<i32>} : memref<128xi32, #tpu.memory_space<vmem>>, vector<16xi32>,
      %get3A_2142 = vector.shape_cast %get3A_2141 : vector<16xi32> to vector<16xi32>
      %and3A_2143 = arith.constant 31 : i32
      %and3A_2144 = vector.broadcast %and3A_2143 : i32 to vector<16xi32>
      %and3A_2145 = arith.andi %get3A_2142, %and3A_2144 : vector<16xi32>
      %shift_right_arithmetic3A_2146 = arith.constant 5 : i32
      %shift_right_arithmetic3A_2147 = vector.broadcast %shift_right_arithmetic3A_2146 : i32 to vector<16xi32>
      %shift_right_arithmetic3A_2148 = arith.shrsi %get3A_2142, %shift_right_arithmetic3A_2147 : vector<16xi32>
      %and3A_2149 = arith.constant 7 : i32
      %and3A_2150 = vector.broadcast %and3A_2149 : i32 to vector<16xi32>
      %and3A_2151 = arith.andi %shift_right_arithmetic3A_2148, %and3A_2150 : vector<16xi32>
      %shift_right_arithmetic3A_2152 = arith.constant 8 : i32
      %shift_right_arithmetic3A_2153 = vector.broadcast %shift_right_arithmetic3A_2152 : i32 to vector<16xi32>
      %shift_right_arithmetic3A_2154 = arith.shrsi %get3A_2142, %shift_right_arithmetic3A_2153 : vector<16xi32>
      %and3A_2155 = arith.constant 63 : i32
      %and3A_2156 = vector.broadcast %and3A_2155 : i32 to vector<16xi32>
      %and3A_2157 = arith.andi %shift_right_arithmetic3A_2154, %and3A_2156 : vector<16xi32>
      %min3A_2158 = arith.constant 40 : i32
      %min3A_2159 = vector.broadcast %min3A_2158 : i32 to vector<16xi32>
      %min3A_2160 = arith.minsi %and3A_2157, %min3A_2159 : vector<16xi32>
      %shift_right_arithmetic3A_2161 = arith.constant 14 : i32
      %shift_right_arithmetic3A_2162 = vector.broadcast %shift_right_arithmetic3A_2161 : i32 to vector<16xi32>
      %shift_right_arithmetic3A_2163 = arith.shrsi %get3A_2142, %shift_right_arithmetic3A_2162 : vector<16xi32>
      %and3A_2164 = arith.constant 3 : i32
      %and3A_2165 = vector.broadcast %and3A_2164 : i32 to vector<16xi32>
      %and3A_2166 = arith.andi %shift_right_arithmetic3A_2163, %and3A_2165 : vector<16xi32>
      %shift_right_arithmetic3A_2167 = arith.constant 16 : i32
      %shift_right_arithmetic3A_2168 = vector.broadcast %shift_right_arithmetic3A_2167 : i32 to vector<16xi32>
      %shift_right_arithmetic3A_2169 = arith.shrsi %get3A_2142, %shift_right_arithmetic3A_2168 : vector<16xi32>
      %and3A_2170 = arith.constant 3 : i32
      %and3A_2171 = vector.broadcast %and3A_2170 : i32 to vector<16xi32>
      %and3A_2172 = arith.andi %shift_right_arithmetic3A_2169, %and3A_2171 : vector<16xi32>
      %mul3A_2173 = arith.constant 4592 : i32
      %mul3A_2174 = vector.broadcast %mul3A_2173 : i32 to vector<16xi32>
      %mul3A_2175 = arith.muli %and3A_2145, %mul3A_2174 : vector<16xi32>
      %mul3A_2176 = arith.constant 656 : i32
      %mul3A_2177 = vector.broadcast %mul3A_2176 : i32 to vector<16xi32>
      %mul3A_2178 = arith.muli %and3A_2151, %mul3A_2177 : vector<16xi32>
      %add3A_2179 = arith.addi %mul3A_2175, %mul3A_2178 : vector<16xi32>
      %mul3A_2180 = arith.constant 16 : i32
      %mul3A_2181 = vector.broadcast %mul3A_2180 : i32 to vector<16xi32>
      %mul3A_2182 = arith.muli %min3A_2160, %mul3A_2181 : vector<16xi32>
      %add3A_2183 = arith.addi %add3A_2179, %mul3A_2182 : vector<16xi32>
      %mul3A_2184 = arith.constant 4 : i32
      %mul3A_2185 = vector.broadcast %mul3A_2184 : i32 to vector<16xi32>
      %mul3A_2186 = arith.muli %and3A_2166, %mul3A_2185 : vector<16xi32>
      %add3A_2187 = arith.addi %add3A_2183, %mul3A_2186 : vector<16xi32>
      %add3A_2188 = arith.addi %add3A_2187, %and3A_2172 : vector<16xi32>
      %swap3A_2189 = arith.constant 3 : i32
      %swap3A_2190 = arith.constant 0 : i32
      %swap3A_2191 = tpu.memref_slice %arg6[%swap3A_2189, %swap3A_2190] : memref<5x128xi32, #tpu.memory_space<vmem>> -> memref<1x128xi32, #tpu.memory_space<vmem>>
      %swap3A_2192 = tpu.memref_squeeze %swap3A_2191 : memref<1x128xi32, #tpu.memory_space<vmem>> -> memref<128xi32, #tpu.memory_space<vmem>>
      %swap3A_2193 = arith.constant 64 : index
      %swap3A_2194 = tpu.vector_load %swap3A_2192[%swap3A_2193] {strides = array<i32>} : memref<128xi32, #tpu.memory_space<vmem>>, vector<16xi32>,
      %swap3A_2195 = vector.shape_cast %swap3A_2194 : vector<16xi32> to vector<16xi32>
      %swap3A_2196 = vector.shape_cast %add3A_2188 : vector<16xi32> to vector<16xi32>
      tpu.vector_store %swap3A_2192[%swap3A_2193], %swap3A_2196 {strides = array<i32>} : memref<128xi32, #tpu.memory_space<vmem>>, vector<16xi32>,
      %get3A_2197 = arith.constant 3 : i32
      %get3A_2198 = arith.constant 0 : i32
      %get3A_2199 = tpu.memref_slice %arg5[%get3A_2197, %get3A_2198] : memref<5x128xi32, #tpu.memory_space<vmem>> -> memref<1x128xi32, #tpu.memory_space<vmem>>
      %get3A_2200 = tpu.memref_squeeze %get3A_2199 : memref<1x128xi32, #tpu.memory_space<vmem>> -> memref<128xi32, #tpu.memory_space<vmem>>
      %get3A_2201 = arith.constant 80 : index
      %get3A_2202 = tpu.vector_load %get3A_2200[%get3A_2201] {strides = array<i32>} : memref<128xi32, #tpu.memory_space<vmem>>, vector<16xi32>,
      %get3A_2203 = vector.shape_cast %get3A_2202 : vector<16xi32> to vector<16xi32>
      %and3A_2204 = arith.constant 31 : i32
      %and3A_2205 = vector.broadcast %and3A_2204 : i32 to vector<16xi32>
      %and3A_2206 = arith.andi %get3A_2203, %and3A_2205 : vector<16xi32>
      %shift_right_arithmetic3A_2207 = arith.constant 5 : i32
      %shift_right_arithmetic3A_2208 = vector.broadcast %shift_right_arithmetic3A_2207 : i32 to vector<16xi32>
      %shift_right_arithmetic3A_2209 = arith.shrsi %get3A_2203, %shift_right_arithmetic3A_2208 : vector<16xi32>
      %and3A_2210 = arith.constant 7 : i32
      %and3A_2211 = vector.broadcast %and3A_2210 : i32 to vector<16xi32>
      %and3A_2212 = arith.andi %shift_right_arithmetic3A_2209, %and3A_2211 : vector<16xi32>
      %shift_right_arithmetic3A_2213 = arith.constant 8 : i32
      %shift_right_arithmetic3A_2214 = vector.broadcast %shift_right_arithmetic3A_2213 : i32 to vector<16xi32>
      %shift_right_arithmetic3A_2215 = arith.shrsi %get3A_2203, %shift_right_arithmetic3A_2214 : vector<16xi32>
      %and3A_2216 = arith.constant 63 : i32
      %and3A_2217 = vector.broadcast %and3A_2216 : i32 to vector<16xi32>
      %and3A_2218 = arith.andi %shift_right_arithmetic3A_2215, %and3A_2217 : vector<16xi32>
      %min3A_2219 = arith.constant 40 : i32
      %min3A_2220 = vector.broadcast %min3A_2219 : i32 to vector<16xi32>
      %min3A_2221 = arith.minsi %and3A_2218, %min3A_2220 : vector<16xi32>
      %shift_right_arithmetic3A_2222 = arith.constant 14 : i32
      %shift_right_arithmetic3A_2223 = vector.broadcast %shift_right_arithmetic3A_2222 : i32 to vector<16xi32>
      %shift_right_arithmetic3A_2224 = arith.shrsi %get3A_2203, %shift_right_arithmetic3A_2223 : vector<16xi32>
      %and3A_2225 = arith.constant 3 : i32
      %and3A_2226 = vector.broadcast %and3A_2225 : i32 to vector<16xi32>
      %and3A_2227 = arith.andi %shift_right_arithmetic3A_2224, %and3A_2226 : vector<16xi32>
      %shift_right_arithmetic3A_2228 = arith.constant 16 : i32
      %shift_right_arithmetic3A_2229 = vector.broadcast %shift_right_arithmetic3A_2228 : i32 to vector<16xi32>
      %shift_right_arithmetic3A_2230 = arith.shrsi %get3A_2203, %shift_right_arithmetic3A_2229 : vector<16xi32>
      %and3A_2231 = arith.constant 3 : i32
      %and3A_2232 = vector.broadcast %and3A_2231 : i32 to vector<16xi32>
      %and3A_2233 = arith.andi %shift_right_arithmetic3A_2230, %and3A_2232 : vector<16xi32>
      %mul3A_2234 = arith.constant 4592 : i32
      %mul3A_2235 = vector.broadcast %mul3A_2234 : i32 to vector<16xi32>
      %mul3A_2236 = arith.muli %and3A_2206, %mul3A_2235 : vector<16xi32>
      %mul3A_2237 = arith.constant 656 : i32
      %mul3A_2238 = vector.broadcast %mul3A_2237 : i32 to vector<16xi32>
      %mul3A_2239 = arith.muli %and3A_2212, %mul3A_2238 : vector<16xi32>
      %add3A_2240 = arith.addi %mul3A_2236, %mul3A_2239 : vector<16xi32>
      %mul3A_2241 = arith.constant 16 : i32
      %mul3A_2242 = vector.broadcast %mul3A_2241 : i32 to vector<16xi32>
      %mul3A_2243 = arith.muli %min3A_2221, %mul3A_2242 : vector<16xi32>
      %add3A_2244 = arith.addi %add3A_2240, %mul3A_2243 : vector<16xi32>
      %mul3A_2245 = arith.constant 4 : i32
      %mul3A_2246 = vector.broadcast %mul3A_2245 : i32 to vector<16xi32>
      %mul3A_2247 = arith.muli %and3A_2227, %mul3A_2246 : vector<16xi32>
      %add3A_2248 = arith.addi %add3A_2244, %mul3A_2247 : vector<16xi32>
      %add3A_2249 = arith.addi %add3A_2248, %and3A_2233 : vector<16xi32>
      %swap3A_2250 = arith.constant 3 : i32
      %swap3A_2251 = arith.constant 0 : i32
      %swap3A_2252 = tpu.memref_slice %arg6[%swap3A_2250, %swap3A_2251] : memref<5x128xi32, #tpu.memory_space<vmem>> -> memref<1x128xi32, #tpu.memory_space<vmem>>
      %swap3A_2253 = tpu.memref_squeeze %swap3A_2252 : memref<1x128xi32, #tpu.memory_space<vmem>> -> memref<128xi32, #tpu.memory_space<vmem>>
      %swap3A_2254 = arith.constant 80 : index
      %swap3A_2255 = tpu.vector_load %swap3A_2253[%swap3A_2254] {strides = array<i32>} : memref<128xi32, #tpu.memory_space<vmem>>, vector<16xi32>,
      %swap3A_2256 = vector.shape_cast %swap3A_2255 : vector<16xi32> to vector<16xi32>
      %swap3A_2257 = vector.shape_cast %add3A_2249 : vector<16xi32> to vector<16xi32>
      tpu.vector_store %swap3A_2253[%swap3A_2254], %swap3A_2257 {strides = array<i32>} : memref<128xi32, #tpu.memory_space<vmem>>, vector<16xi32>,
      %get3A_2258 = arith.constant 3 : i32
      %get3A_2259 = arith.constant 0 : i32
      %get3A_2260 = tpu.memref_slice %arg5[%get3A_2258, %get3A_2259] : memref<5x128xi32, #tpu.memory_space<vmem>> -> memref<1x128xi32, #tpu.memory_space<vmem>>
      %get3A_2261 = tpu.memref_squeeze %get3A_2260 : memref<1x128xi32, #tpu.memory_space<vmem>> -> memref<128xi32, #tpu.memory_space<vmem>>
      %get3A_2262 = arith.constant 96 : index
      %get3A_2263 = tpu.vector_load %get3A_2261[%get3A_2262] {strides = array<i32>} : memref<128xi32, #tpu.memory_space<vmem>>, vector<16xi32>,
      %get3A_2264 = vector.shape_cast %get3A_2263 : vector<16xi32> to vector<16xi32>
      %and3A_2265 = arith.constant 31 : i32
      %and3A_2266 = vector.broadcast %and3A_2265 : i32 to vector<16xi32>
      %and3A_2267 = arith.andi %get3A_2264, %and3A_2266 : vector<16xi32>
      %shift_right_arithmetic3A_2268 = arith.constant 5 : i32
      %shift_right_arithmetic3A_2269 = vector.broadcast %shift_right_arithmetic3A_2268 : i32 to vector<16xi32>
      %shift_right_arithmetic3A_2270 = arith.shrsi %get3A_2264, %shift_right_arithmetic3A_2269 : vector<16xi32>
      %and3A_2271 = arith.constant 7 : i32
      %and3A_2272 = vector.broadcast %and3A_2271 : i32 to vector<16xi32>
      %and3A_2273 = arith.andi %shift_right_arithmetic3A_2270, %and3A_2272 : vector<16xi32>
      %shift_right_arithmetic3A_2274 = arith.constant 8 : i32
      %shift_right_arithmetic3A_2275 = vector.broadcast %shift_right_arithmetic3A_2274 : i32 to vector<16xi32>
      %shift_right_arithmetic3A_2276 = arith.shrsi %get3A_2264, %shift_right_arithmetic3A_2275 : vector<16xi32>
      %and3A_2277 = arith.constant 63 : i32
      %and3A_2278 = vector.broadcast %and3A_2277 : i32 to vector<16xi32>
      %and3A_2279 = arith.andi %shift_right_arithmetic3A_2276, %and3A_2278 : vector<16xi32>
      %min3A_2280 = arith.constant 40 : i32
      %min3A_2281 = vector.broadcast %min3A_2280 : i32 to vector<16xi32>
      %min3A_2282 = arith.minsi %and3A_2279, %min3A_2281 : vector<16xi32>
      %shift_right_arithmetic3A_2283 = arith.constant 14 : i32
      %shift_right_arithmetic3A_2284 = vector.broadcast %shift_right_arithmetic3A_2283 : i32 to vector<16xi32>
      %shift_right_arithmetic3A_2285 = arith.shrsi %get3A_2264, %shift_right_arithmetic3A_2284 : vector<16xi32>
      %and3A_2286 = arith.constant 3 : i32
      %and3A_2287 = vector.broadcast %and3A_2286 : i32 to vector<16xi32>
      %and3A_2288 = arith.andi %shift_right_arithmetic3A_2285, %and3A_2287 : vector<16xi32>
      %shift_right_arithmetic3A_2289 = arith.constant 16 : i32
      %shift_right_arithmetic3A_2290 = vector.broadcast %shift_right_arithmetic3A_2289 : i32 to vector<16xi32>
      %shift_right_arithmetic3A_2291 = arith.shrsi %get3A_2264, %shift_right_arithmetic3A_2290 : vector<16xi32>
      %and3A_2292 = arith.constant 3 : i32
      %and3A_2293 = vector.broadcast %and3A_2292 : i32 to vector<16xi32>
      %and3A_2294 = arith.andi %shift_right_arithmetic3A_2291, %and3A_2293 : vector<16xi32>
      %mul3A_2295 = arith.constant 4592 : i32
      %mul3A_2296 = vector.broadcast %mul3A_2295 : i32 to vector<16xi32>
      %mul3A_2297 = arith.muli %and3A_2267, %mul3A_2296 : vector<16xi32>
      %mul3A_2298 = arith.constant 656 : i32
      %mul3A_2299 = vector.broadcast %mul3A_2298 : i32 to vector<16xi32>
      %mul3A_2300 = arith.muli %and3A_2273, %mul3A_2299 : vector<16xi32>
      %add3A_2301 = arith.addi %mul3A_2297, %mul3A_2300 : vector<16xi32>
      %mul3A_2302 = arith.constant 16 : i32
      %mul3A_2303 = vector.broadcast %mul3A_2302 : i32 to vector<16xi32>
      %mul3A_2304 = arith.muli %min3A_2282, %mul3A_2303 : vector<16xi32>
      %add3A_2305 = arith.addi %add3A_2301, %mul3A_2304 : vector<16xi32>
      %mul3A_2306 = arith.constant 4 : i32
      %mul3A_2307 = vector.broadcast %mul3A_2306 : i32 to vector<16xi32>
      %mul3A_2308 = arith.muli %and3A_2288, %mul3A_2307 : vector<16xi32>
      %add3A_2309 = arith.addi %add3A_2305, %mul3A_2308 : vector<16xi32>
      %add3A_2310 = arith.addi %add3A_2309, %and3A_2294 : vector<16xi32>
      %swap3A_2311 = arith.constant 3 : i32
      %swap3A_2312 = arith.constant 0 : i32
      %swap3A_2313 = tpu.memref_slice %arg6[%swap3A_2311, %swap3A_2312] : memref<5x128xi32, #tpu.memory_space<vmem>> -> memref<1x128xi32, #tpu.memory_space<vmem>>
      %swap3A_2314 = tpu.memref_squeeze %swap3A_2313 : memref<1x128xi32, #tpu.memory_space<vmem>> -> memref<128xi32, #tpu.memory_space<vmem>>
      %swap3A_2315 = arith.constant 96 : index
      %swap3A_2316 = tpu.vector_load %swap3A_2314[%swap3A_2315] {strides = array<i32>} : memref<128xi32, #tpu.memory_space<vmem>>, vector<16xi32>,
      %swap3A_2317 = vector.shape_cast %swap3A_2316 : vector<16xi32> to vector<16xi32>
      %swap3A_2318 = vector.shape_cast %add3A_2310 : vector<16xi32> to vector<16xi32>
      tpu.vector_store %swap3A_2314[%swap3A_2315], %swap3A_2318 {strides = array<i32>} : memref<128xi32, #tpu.memory_space<vmem>>, vector<16xi32>,
      %get3A_2319 = arith.constant 3 : i32
      %get3A_2320 = arith.constant 0 : i32
      %get3A_2321 = tpu.memref_slice %arg5[%get3A_2319, %get3A_2320] : memref<5x128xi32, #tpu.memory_space<vmem>> -> memref<1x128xi32, #tpu.memory_space<vmem>>
      %get3A_2322 = tpu.memref_squeeze %get3A_2321 : memref<1x128xi32, #tpu.memory_space<vmem>> -> memref<128xi32, #tpu.memory_space<vmem>>
      %get3A_2323 = arith.constant 112 : index
      %get3A_2324 = tpu.vector_load %get3A_2322[%get3A_2323] {strides = array<i32>} : memref<128xi32, #tpu.memory_space<vmem>>, vector<16xi32>,
      %get3A_2325 = vector.shape_cast %get3A_2324 : vector<16xi32> to vector<16xi32>
      %and3A_2326 = arith.constant 31 : i32
      %and3A_2327 = vector.broadcast %and3A_2326 : i32 to vector<16xi32>
      %and3A_2328 = arith.andi %get3A_2325, %and3A_2327 : vector<16xi32>
      %shift_right_arithmetic3A_2329 = arith.constant 5 : i32
      %shift_right_arithmetic3A_2330 = vector.broadcast %shift_right_arithmetic3A_2329 : i32 to vector<16xi32>
      %shift_right_arithmetic3A_2331 = arith.shrsi %get3A_2325, %shift_right_arithmetic3A_2330 : vector<16xi32>
      %and3A_2332 = arith.constant 7 : i32
      %and3A_2333 = vector.broadcast %and3A_2332 : i32 to vector<16xi32>
      %and3A_2334 = arith.andi %shift_right_arithmetic3A_2331, %and3A_2333 : vector<16xi32>
      %shift_right_arithmetic3A_2335 = arith.constant 8 : i32
      %shift_right_arithmetic3A_2336 = vector.broadcast %shift_right_arithmetic3A_2335 : i32 to vector<16xi32>
      %shift_right_arithmetic3A_2337 = arith.shrsi %get3A_2325, %shift_right_arithmetic3A_2336 : vector<16xi32>
      %and3A_2338 = arith.constant 63 : i32
      %and3A_2339 = vector.broadcast %and3A_2338 : i32 to vector<16xi32>
      %and3A_2340 = arith.andi %shift_right_arithmetic3A_2337, %and3A_2339 : vector<16xi32>
      %min3A_2341 = arith.constant 40 : i32
      %min3A_2342 = vector.broadcast %min3A_2341 : i32 to vector<16xi32>
      %min3A_2343 = arith.minsi %and3A_2340, %min3A_2342 : vector<16xi32>
      %shift_right_arithmetic3A_2344 = arith.constant 14 : i32
      %shift_right_arithmetic3A_2345 = vector.broadcast %shift_right_arithmetic3A_2344 : i32 to vector<16xi32>
      %shift_right_arithmetic3A_2346 = arith.shrsi %get3A_2325, %shift_right_arithmetic3A_2345 : vector<16xi32>
      %and3A_2347 = arith.constant 3 : i32
      %and3A_2348 = vector.broadcast %and3A_2347 : i32 to vector<16xi32>
      %and3A_2349 = arith.andi %shift_right_arithmetic3A_2346, %and3A_2348 : vector<16xi32>
      %shift_right_arithmetic3A_2350 = arith.constant 16 : i32
      %shift_right_arithmetic3A_2351 = vector.broadcast %shift_right_arithmetic3A_2350 : i32 to vector<16xi32>
      %shift_right_arithmetic3A_2352 = arith.shrsi %get3A_2325, %shift_right_arithmetic3A_2351 : vector<16xi32>
      %and3A_2353 = arith.constant 3 : i32
      %and3A_2354 = vector.broadcast %and3A_2353 : i32 to vector<16xi32>
      %and3A_2355 = arith.andi %shift_right_arithmetic3A_2352, %and3A_2354 : vector<16xi32>
      %mul3A_2356 = arith.constant 4592 : i32
      %mul3A_2357 = vector.broadcast %mul3A_2356 : i32 to vector<16xi32>
      %mul3A_2358 = arith.muli %and3A_2328, %mul3A_2357 : vector<16xi32>
      %mul3A_2359 = arith.constant 656 : i32
      %mul3A_2360 = vector.broadcast %mul3A_2359 : i32 to vector<16xi32>
      %mul3A_2361 = arith.muli %and3A_2334, %mul3A_2360 : vector<16xi32>
      %add3A_2362 = arith.addi %mul3A_2358, %mul3A_2361 : vector<16xi32>
      %mul3A_2363 = arith.constant 16 : i32
      %mul3A_2364 = vector.broadcast %mul3A_2363 : i32 to vector<16xi32>
      %mul3A_2365 = arith.muli %min3A_2343, %mul3A_2364 : vector<16xi32>
      %add3A_2366 = arith.addi %add3A_2362, %mul3A_2365 : vector<16xi32>
      %mul3A_2367 = arith.constant 4 : i32
      %mul3A_2368 = vector.broadcast %mul3A_2367 : i32 to vector<16xi32>
      %mul3A_2369 = arith.muli %and3A_2349, %mul3A_2368 : vector<16xi32>
      %add3A_2370 = arith.addi %add3A_2366, %mul3A_2369 : vector<16xi32>
      %add3A_2371 = arith.addi %add3A_2370, %and3A_2355 : vector<16xi32>
      %swap3A_2372 = arith.constant 3 : i32
      %swap3A_2373 = arith.constant 0 : i32
      %swap3A_2374 = tpu.memref_slice %arg6[%swap3A_2372, %swap3A_2373] : memref<5x128xi32, #tpu.memory_space<vmem>> -> memref<1x128xi32, #tpu.memory_space<vmem>>
      %swap3A_2375 = tpu.memref_squeeze %swap3A_2374 : memref<1x128xi32, #tpu.memory_space<vmem>> -> memref<128xi32, #tpu.memory_space<vmem>>
      %swap3A_2376 = arith.constant 112 : index
      %swap3A_2377 = tpu.vector_load %swap3A_2375[%swap3A_2376] {strides = array<i32>} : memref<128xi32, #tpu.memory_space<vmem>>, vector<16xi32>,
      %swap3A_2378 = vector.shape_cast %swap3A_2377 : vector<16xi32> to vector<16xi32>
      %swap3A_2379 = vector.shape_cast %add3A_2371 : vector<16xi32> to vector<16xi32>
      tpu.vector_store %swap3A_2375[%swap3A_2376], %swap3A_2379 {strides = array<i32>} : memref<128xi32, #tpu.memory_space<vmem>>, vector<16xi32>,
      %ge3A_2380 = arith.constant 5 : i32
      %ge3A_2381 = arith.cmpi sge, %add3A_1876, %ge3A_2380 : i32
      %convert_element_type3A_2382 = arith.extui %ge3A_2381 : i1 to i32
      %cond3A_2383 = arith.constant 0 : i32
      %cond3A_2384 = arith.cmpi ne, %convert_element_type3A_2382, %cond3A_2383 : i32
      scf.if %cond3A_2384 {
        %dma_wait3A_2959 = arith.constant 3 : i32
        %dma_wait3A_2960 = arith.constant 3 : i32
        %dma_wait3A_2961 = arith.constant 0 : i32
        %dma_wait3A_2962 = arith.constant 0 : i32
        %dma_wait3A_2963 = tpu.memref_slice %arg7[%dma_wait3A_2959, %dma_wait3A_2961, %dma_wait3A_2962] : memref<5x128x128xf32, #tpu.memory_space<vmem>> -> memref<1x128x128xf32, #tpu.memory_space<vmem>>
        %dma_wait3A_2964 = tpu.memref_squeeze %dma_wait3A_2963 : memref<1x128x128xf32, #tpu.memory_space<vmem>> -> memref<128x128xf32, #tpu.memory_space<vmem>>
        %dma_wait3A_2965 = arith.constant 0 : i32
        %dma_wait3A_2966 = tpu.memref_slice %arg4[%mul3A_2, %dma_wait3A_2965] : memref<819200x128xf32, #tpu.memory_space<hbm>> -> memref<128x128xf32, #tpu.memory_space<hbm>>
        %dma_wait3A_2967 = tpu.memref_slice %arg10[%dma_wait3A_2960] : memref<5x!tpu.dma_semaphore, #tpu.memory_space<semaphore_mem>> -> memref<1x!tpu.dma_semaphore, #tpu.memory_space<semaphore_mem>>
        %dma_wait3A_2968 = tpu.memref_squeeze %dma_wait3A_2967 : memref<1x!tpu.dma_semaphore, #tpu.memory_space<semaphore_mem>> -> memref<!tpu.dma_semaphore, #tpu.memory_space<semaphore_mem>>
        %dma_wait3A_2969 = arith.constant 0 : i32
        %dma_wait3A_2970 = tpu.memref_slice %arg4[%mul3A_2, %dma_wait3A_2969] : memref<819200x128xf32, #tpu.memory_space<hbm>> -> memref<128x128xf32, #tpu.memory_space<hbm>>
        %dma_wait3A_2971 = arith.constant 0 : i32
        %dma_wait3A_2972 = arith.constant 0 : i32
        %dma_wait3A_2973 = tpu.memref_slice %arg7[%dma_wait3A_2959, %dma_wait3A_2971, %dma_wait3A_2972] : memref<5x128x128xf32, #tpu.memory_space<vmem>> -> memref<1x128x128xf32, #tpu.memory_space<vmem>>
        %dma_wait3A_2974 = tpu.memref_squeeze %dma_wait3A_2973 : memref<1x128x128xf32, #tpu.memory_space<vmem>> -> memref<128x128xf32, #tpu.memory_space<vmem>>
        tpu.wait_dma2 semaphore(%dma_wait3A_2968 : memref<!tpu.dma_semaphore, #tpu.memory_space<semaphore_mem>>) src(%dma_wait3A_2974 : memref<128x128xf32, #tpu.memory_space<vmem>>) dst(%dma_wait3A_2970 : memref<128x128xf32, #tpu.memory_space<hbm>>)
      } else {
      }
      %dma_start3A_2385 = arith.constant 3 : i32
      %dma_start3A_2386 = arith.constant 3 : i32
      %dma_start3A_2387 = arith.constant 3 : i32
      %dma_start3A_2388 = arith.constant 0 : i32
      %dma_start3A_2389 = arith.constant 0 : i32
      %dma_start3A_2390 = tpu.memref_slice %arg7[%dma_start3A_2386, %dma_start3A_2388, %dma_start3A_2389] : memref<5x128x128xf32, #tpu.memory_space<vmem>> -> memref<1x128x128xf32, #tpu.memory_space<vmem>>
      %dma_start3A_2391 = tpu.memref_squeeze %dma_start3A_2390 : memref<1x128x128xf32, #tpu.memory_space<vmem>> -> memref<128x128xf32, #tpu.memory_space<vmem>>
      %dma_start3A_2392 = arith.constant 0 : i32
      %dma_start3A_2393 = tpu.memref_slice %arg6[%dma_start3A_2385, %dma_start3A_2392] : memref<5x128xi32, #tpu.memory_space<vmem>> -> memref<1x128xi32, #tpu.memory_space<vmem>>
      %dma_start3A_2394 = tpu.memref_squeeze %dma_start3A_2393 : memref<1x128xi32, #tpu.memory_space<vmem>> -> memref<128xi32, #tpu.memory_space<vmem>>
      %dma_start3A_2395 = arith.constant 0 : i32
      %dma_start3A_2396 = arith.constant 0 : i32
      %dma_start3A_2397 = tpu.memref_slice %arg2[%dma_start3A_2395, %dma_start3A_2396] : memref<78064x128xf32, #tpu.memory_space<hbm>> -> memref<78064x128xf32, #tpu.memory_space<hbm>>
      %dma_start3A_2398 = tpu.memref_slice %arg9[%dma_start3A_2387] : memref<5x!tpu.dma_semaphore, #tpu.memory_space<semaphore_mem>> -> memref<1x!tpu.dma_semaphore, #tpu.memory_space<semaphore_mem>>
      %dma_start3A_2399 = tpu.memref_squeeze %dma_start3A_2398 : memref<1x!tpu.dma_semaphore, #tpu.memory_space<semaphore_mem>> -> memref<!tpu.dma_semaphore, #tpu.memory_space<semaphore_mem>>
      tpu.enqueue_indirect_dma source(%dma_start3A_2397 : memref<78064x128xf32, #tpu.memory_space<hbm>>) target(%dma_start3A_2391 : memref<128x128xf32, #tpu.memory_space<vmem>>) offsets(%dma_start3A_2394 : memref<128xi32, #tpu.memory_space<vmem>>) semaphore(%dma_start3A_2399 : memref<!tpu.dma_semaphore, #tpu.memory_space<semaphore_mem>>)
      %ge3A_2400 = arith.constant 3 : i32
      %ge3A_2401 = arith.cmpi sge, %add3A_1876, %ge3A_2400 : i32
      %convert_element_type3A_2402 = arith.extui %ge3A_2401 : i1 to i32
      %cond3A_2403 = arith.constant 0 : i32
      %cond3A_2404 = arith.cmpi ne, %convert_element_type3A_2402, %cond3A_2403 : i32
      scf.if %cond3A_2404 {
        %dma_wait3A_2959 = arith.constant 0 : i32
        %dma_wait3A_2960 = arith.constant 0 : i32
        %dma_wait3A_2961 = arith.constant 0 : i32
        %dma_wait3A_2962 = arith.constant 0 : i32
        %dma_wait3A_2963 = arith.constant 0 : i32
        %dma_wait3A_2964 = tpu.memref_slice %arg7[%dma_wait3A_2960, %dma_wait3A_2962, %dma_wait3A_2963] : memref<5x128x128xf32, #tpu.memory_space<vmem>> -> memref<1x128x128xf32, #tpu.memory_space<vmem>>
        %dma_wait3A_2965 = tpu.memref_squeeze %dma_wait3A_2964 : memref<1x128x128xf32, #tpu.memory_space<vmem>> -> memref<128x128xf32, #tpu.memory_space<vmem>>
        %dma_wait3A_2966 = arith.constant 0 : i32
        %dma_wait3A_2967 = tpu.memref_slice %arg6[%dma_wait3A_2959, %dma_wait3A_2966] : memref<5x128xi32, #tpu.memory_space<vmem>> -> memref<1x128xi32, #tpu.memory_space<vmem>>
        %dma_wait3A_2968 = tpu.memref_squeeze %dma_wait3A_2967 : memref<1x128xi32, #tpu.memory_space<vmem>> -> memref<128xi32, #tpu.memory_space<vmem>>
        %dma_wait3A_2969 = arith.constant 0 : i32
        %dma_wait3A_2970 = arith.constant 0 : i32
        %dma_wait3A_2971 = tpu.memref_slice %arg2[%dma_wait3A_2969, %dma_wait3A_2970] : memref<78064x128xf32, #tpu.memory_space<hbm>> -> memref<78064x128xf32, #tpu.memory_space<hbm>>
        %dma_wait3A_2972 = tpu.memref_slice %arg9[%dma_wait3A_2961] : memref<5x!tpu.dma_semaphore, #tpu.memory_space<semaphore_mem>> -> memref<1x!tpu.dma_semaphore, #tpu.memory_space<semaphore_mem>>
        %dma_wait3A_2973 = tpu.memref_squeeze %dma_wait3A_2972 : memref<1x!tpu.dma_semaphore, #tpu.memory_space<semaphore_mem>> -> memref<!tpu.dma_semaphore, #tpu.memory_space<semaphore_mem>>
        tpu.wait_indirect_dma semaphore(%dma_wait3A_2973 : memref<!tpu.dma_semaphore, #tpu.memory_space<semaphore_mem>>) src(%dma_wait3A_2971 : memref<78064x128xf32, #tpu.memory_space<hbm>>) dst(%dma_wait3A_2965 : memref<128x128xf32, #tpu.memory_space<vmem>>)
        %sub3A_2974 = arith.constant 384 : i32
        %sub3A_2975 = arith.subi %add3A_1879, %sub3A_2974 : i32
        %dma_start3A_2976 = arith.constant 0 : i32
        %dma_start3A_2977 = arith.constant 0 : i32
        %dma_start3A_2978 = arith.constant 0 : i32
        %dma_start3A_2979 = arith.constant 0 : i32
        %dma_start3A_2980 = tpu.memref_slice %arg7[%dma_start3A_2976, %dma_start3A_2978, %dma_start3A_2979] : memref<5x128x128xf32, #tpu.memory_space<vmem>> -> memref<1x128x128xf32, #tpu.memory_space<vmem>>
        %dma_start3A_2981 = tpu.memref_squeeze %dma_start3A_2980 : memref<1x128x128xf32, #tpu.memory_space<vmem>> -> memref<128x128xf32, #tpu.memory_space<vmem>>
        %dma_start3A_2982 = arith.constant 0 : i32
        %dma_start3A_2983 = tpu.memref_slice %arg4[%sub3A_2975, %dma_start3A_2982] : memref<819200x128xf32, #tpu.memory_space<hbm>> -> memref<128x128xf32, #tpu.memory_space<hbm>>
        %dma_start3A_2984 = tpu.memref_slice %arg10[%dma_start3A_2977] : memref<5x!tpu.dma_semaphore, #tpu.memory_space<semaphore_mem>> -> memref<1x!tpu.dma_semaphore, #tpu.memory_space<semaphore_mem>>
        %dma_start3A_2985 = tpu.memref_squeeze %dma_start3A_2984 : memref<1x!tpu.dma_semaphore, #tpu.memory_space<semaphore_mem>> -> memref<!tpu.dma_semaphore, #tpu.memory_space<semaphore_mem>>
        %dma_start3A_2986 = arith.constant 0 : i32
        %dma_start3A_2987 = tpu.memref_slice %arg4[%sub3A_2975, %dma_start3A_2986] : memref<819200x128xf32, #tpu.memory_space<hbm>> -> memref<128x128xf32, #tpu.memory_space<hbm>>
        %dma_start3A_2988 = arith.constant 0 : i32
        %dma_start3A_2989 = arith.constant 0 : i32
        %dma_start3A_2990 = tpu.memref_slice %arg7[%dma_start3A_2976, %dma_start3A_2988, %dma_start3A_2989] : memref<5x128x128xf32, #tpu.memory_space<vmem>> -> memref<1x128x128xf32, #tpu.memory_space<vmem>>
        %dma_start3A_2991 = tpu.memref_squeeze %dma_start3A_2990 : memref<1x128x128xf32, #tpu.memory_space<vmem>> -> memref<128x128xf32, #tpu.memory_space<vmem>>
        tpu.enqueue_dma source(%dma_start3A_2991 : memref<128x128xf32, #tpu.memory_space<vmem>>) target(%dma_start3A_2987 : memref<128x128xf32, #tpu.memory_space<hbm>>) target_semaphore(%dma_start3A_2985 : memref<!tpu.dma_semaphore, #tpu.memory_space<semaphore_mem>>)
      } else {
      }
      %ge3A_2405 = arith.constant 3 : i32
      %ge3A_2406 = arith.cmpi sge, %add3A_1876, %ge3A_2405 : i32
      %sub3A_2407 = arith.constant 3 : i32
      %sub3A_2408 = arith.subi %add3A_1876, %sub3A_2407 : i32
      %add3A_2409 = arith.constant 5 : i32
      %add3A_2410 = arith.addi %sub3A_2408, %add3A_2409 : i32
      %lt3A_2411 = arith.constant 200 : i32
      %lt3A_2412 = arith.cmpi slt, %add3A_2410, %lt3A_2411 : i32
      %and3A_2413 = arith.andi %ge3A_2406, %lt3A_2412 : i1
      %convert_element_type3A_2414 = arith.extui %and3A_2413 : i1 to i32
      %cond3A_2415 = arith.constant 0 : i32
      %cond3A_2416 = arith.cmpi ne, %convert_element_type3A_2414, %cond3A_2415 : i32
      scf.if %cond3A_2416 {
        %add3A_2959 = arith.constant 256 : i32
        %add3A_2960 = arith.addi %add3A_1879, %add3A_2959 : i32
        %dma_start3A_2961 = arith.constant 0 : i32
        %dma_start3A_2962 = arith.constant 0 : i32
        %dma_start3A_2963 = arith.constant 0 : i32
        %dma_start3A_2964 = tpu.memref_slice %arg5[%dma_start3A_2961, %dma_start3A_2963] : memref<5x128xi32, #tpu.memory_space<vmem>> -> memref<1x128xi32, #tpu.memory_space<vmem>>
        %dma_start3A_2965 = tpu.memref_squeeze %dma_start3A_2964 : memref<1x128xi32, #tpu.memory_space<vmem>> -> memref<128xi32, #tpu.memory_space<vmem>>
        %dma_start3A_2966 = tpu.memref_slice %arg3[%add3A_2960] : memref<819200xi32, #tpu.memory_space<hbm>> -> memref<128xi32, #tpu.memory_space<hbm>>
        %dma_start3A_2967 = tpu.memref_slice %arg8[%dma_start3A_2962] : memref<5x!tpu.dma_semaphore, #tpu.memory_space<semaphore_mem>> -> memref<1x!tpu.dma_semaphore, #tpu.memory_space<semaphore_mem>>
        %dma_start3A_2968 = tpu.memref_squeeze %dma_start3A_2967 : memref<1x!tpu.dma_semaphore, #tpu.memory_space<semaphore_mem>> -> memref<!tpu.dma_semaphore, #tpu.memory_space<semaphore_mem>>
        %dma_start3A_2969 = arith.constant 0 : i32
        %dma_start3A_2970 = tpu.memref_slice %arg5[%dma_start3A_2961, %dma_start3A_2969] : memref<5x128xi32, #tpu.memory_space<vmem>> -> memref<1x128xi32, #tpu.memory_space<vmem>>
        %dma_start3A_2971 = tpu.memref_squeeze %dma_start3A_2970 : memref<1x128xi32, #tpu.memory_space<vmem>> -> memref<128xi32, #tpu.memory_space<vmem>>
        %dma_start3A_2972 = tpu.memref_slice %arg3[%add3A_2960] : memref<819200xi32, #tpu.memory_space<hbm>> -> memref<128xi32, #tpu.memory_space<hbm>>
        tpu.enqueue_dma source(%dma_start3A_2972 : memref<128xi32, #tpu.memory_space<hbm>>) target(%dma_start3A_2971 : memref<128xi32, #tpu.memory_space<vmem>>) target_semaphore(%dma_start3A_2968 : memref<!tpu.dma_semaphore, #tpu.memory_space<semaphore_mem>>)
      } else {
      }
      %add3A_2417 = arith.constant 4 : i32
      %add3A_2418 = arith.addi %add3A_258, %add3A_2417 : i32
      %mul3A_2419 = arith.constant 128 : i32
      %mul3A_2420 = arith.muli %add3A_2418, %mul3A_2419 : i32
      %add3A_2421 = arith.addi %mul3A_2, %mul3A_2420 : i32
      %dma_wait3A_2422 = arith.constant 4 : i32
      %dma_wait3A_2423 = arith.constant 4 : i32
      %dma_wait3A_2424 = arith.constant 0 : i32
      %dma_wait3A_2425 = tpu.memref_slice %arg5[%dma_wait3A_2422, %dma_wait3A_2424] : memref<5x128xi32, #tpu.memory_space<vmem>> -> memref<1x128xi32, #tpu.memory_space<vmem>>
      %dma_wait3A_2426 = tpu.memref_squeeze %dma_wait3A_2425 : memref<1x128xi32, #tpu.memory_space<vmem>> -> memref<128xi32, #tpu.memory_space<vmem>>
      %dma_wait3A_2427 = tpu.memref_slice %arg3[%add3A_2421] : memref<819200xi32, #tpu.memory_space<hbm>> -> memref<128xi32, #tpu.memory_space<hbm>>
      %dma_wait3A_2428 = tpu.memref_slice %arg8[%dma_wait3A_2423] : memref<5x!tpu.dma_semaphore, #tpu.memory_space<semaphore_mem>> -> memref<1x!tpu.dma_semaphore, #tpu.memory_space<semaphore_mem>>
      %dma_wait3A_2429 = tpu.memref_squeeze %dma_wait3A_2428 : memref<1x!tpu.dma_semaphore, #tpu.memory_space<semaphore_mem>> -> memref<!tpu.dma_semaphore, #tpu.memory_space<semaphore_mem>>
      %dma_wait3A_2430 = arith.constant 0 : i32
      %dma_wait3A_2431 = tpu.memref_slice %arg5[%dma_wait3A_2422, %dma_wait3A_2430] : memref<5x128xi32, #tpu.memory_space<vmem>> -> memref<1x128xi32, #tpu.memory_space<vmem>>
      %dma_wait3A_2432 = tpu.memref_squeeze %dma_wait3A_2431 : memref<1x128xi32, #tpu.memory_space<vmem>> -> memref<128xi32, #tpu.memory_space<vmem>>
      %dma_wait3A_2433 = tpu.memref_slice %arg3[%add3A_2421] : memref<819200xi32, #tpu.memory_space<hbm>> -> memref<128xi32, #tpu.memory_space<hbm>>
      tpu.wait_dma2 semaphore(%dma_wait3A_2429 : memref<!tpu.dma_semaphore, #tpu.memory_space<semaphore_mem>>) src(%dma_wait3A_2433 : memref<128xi32, #tpu.memory_space<hbm>>) dst(%dma_wait3A_2432 : memref<128xi32, #tpu.memory_space<vmem>>)
      %get3A_2434 = arith.constant 4 : i32
      %get3A_2435 = arith.constant 0 : i32
      %get3A_2436 = tpu.memref_slice %arg5[%get3A_2434, %get3A_2435] : memref<5x128xi32, #tpu.memory_space<vmem>> -> memref<1x128xi32, #tpu.memory_space<vmem>>
      %get3A_2437 = tpu.memref_squeeze %get3A_2436 : memref<1x128xi32, #tpu.memory_space<vmem>> -> memref<128xi32, #tpu.memory_space<vmem>>
      %get3A_2438 = arith.constant 0 : index
      %get3A_2439 = tpu.vector_load %get3A_2437[%get3A_2438] {strides = array<i32>} : memref<128xi32, #tpu.memory_space<vmem>>, vector<16xi32>,
      %get3A_2440 = vector.shape_cast %get3A_2439 : vector<16xi32> to vector<16xi32>
      %and3A_2441 = arith.constant 31 : i32
      %and3A_2442 = vector.broadcast %and3A_2441 : i32 to vector<16xi32>
      %and3A_2443 = arith.andi %get3A_2440, %and3A_2442 : vector<16xi32>
      %shift_right_arithmetic3A_2444 = arith.constant 5 : i32
      %shift_right_arithmetic3A_2445 = vector.broadcast %shift_right_arithmetic3A_2444 : i32 to vector<16xi32>
      %shift_right_arithmetic3A_2446 = arith.shrsi %get3A_2440, %shift_right_arithmetic3A_2445 : vector<16xi32>
      %and3A_2447 = arith.constant 7 : i32
      %and3A_2448 = vector.broadcast %and3A_2447 : i32 to vector<16xi32>
      %and3A_2449 = arith.andi %shift_right_arithmetic3A_2446, %and3A_2448 : vector<16xi32>
      %shift_right_arithmetic3A_2450 = arith.constant 8 : i32
      %shift_right_arithmetic3A_2451 = vector.broadcast %shift_right_arithmetic3A_2450 : i32 to vector<16xi32>
      %shift_right_arithmetic3A_2452 = arith.shrsi %get3A_2440, %shift_right_arithmetic3A_2451 : vector<16xi32>
      %and3A_2453 = arith.constant 63 : i32
      %and3A_2454 = vector.broadcast %and3A_2453 : i32 to vector<16xi32>
      %and3A_2455 = arith.andi %shift_right_arithmetic3A_2452, %and3A_2454 : vector<16xi32>
      %min3A_2456 = arith.constant 40 : i32
      %min3A_2457 = vector.broadcast %min3A_2456 : i32 to vector<16xi32>
      %min3A_2458 = arith.minsi %and3A_2455, %min3A_2457 : vector<16xi32>
      %shift_right_arithmetic3A_2459 = arith.constant 14 : i32
      %shift_right_arithmetic3A_2460 = vector.broadcast %shift_right_arithmetic3A_2459 : i32 to vector<16xi32>
      %shift_right_arithmetic3A_2461 = arith.shrsi %get3A_2440, %shift_right_arithmetic3A_2460 : vector<16xi32>
      %and3A_2462 = arith.constant 3 : i32
      %and3A_2463 = vector.broadcast %and3A_2462 : i32 to vector<16xi32>
      %and3A_2464 = arith.andi %shift_right_arithmetic3A_2461, %and3A_2463 : vector<16xi32>
      %shift_right_arithmetic3A_2465 = arith.constant 16 : i32
      %shift_right_arithmetic3A_2466 = vector.broadcast %shift_right_arithmetic3A_2465 : i32 to vector<16xi32>
      %shift_right_arithmetic3A_2467 = arith.shrsi %get3A_2440, %shift_right_arithmetic3A_2466 : vector<16xi32>
      %and3A_2468 = arith.constant 3 : i32
      %and3A_2469 = vector.broadcast %and3A_2468 : i32 to vector<16xi32>
      %and3A_2470 = arith.andi %shift_right_arithmetic3A_2467, %and3A_2469 : vector<16xi32>
      %mul3A_2471 = arith.constant 4592 : i32
      %mul3A_2472 = vector.broadcast %mul3A_2471 : i32 to vector<16xi32>
      %mul3A_2473 = arith.muli %and3A_2443, %mul3A_2472 : vector<16xi32>
      %mul3A_2474 = arith.constant 656 : i32
      %mul3A_2475 = vector.broadcast %mul3A_2474 : i32 to vector<16xi32>
      %mul3A_2476 = arith.muli %and3A_2449, %mul3A_2475 : vector<16xi32>
      %add3A_2477 = arith.addi %mul3A_2473, %mul3A_2476 : vector<16xi32>
      %mul3A_2478 = arith.constant 16 : i32
      %mul3A_2479 = vector.broadcast %mul3A_2478 : i32 to vector<16xi32>
      %mul3A_2480 = arith.muli %min3A_2458, %mul3A_2479 : vector<16xi32>
      %add3A_2481 = arith.addi %add3A_2477, %mul3A_2480 : vector<16xi32>
      %mul3A_2482 = arith.constant 4 : i32
      %mul3A_2483 = vector.broadcast %mul3A_2482 : i32 to vector<16xi32>
      %mul3A_2484 = arith.muli %and3A_2464, %mul3A_2483 : vector<16xi32>
      %add3A_2485 = arith.addi %add3A_2481, %mul3A_2484 : vector<16xi32>
      %add3A_2486 = arith.addi %add3A_2485, %and3A_2470 : vector<16xi32>
      %swap3A_2487 = arith.constant 4 : i32
      %swap3A_2488 = arith.constant 0 : i32
      %swap3A_2489 = tpu.memref_slice %arg6[%swap3A_2487, %swap3A_2488] : memref<5x128xi32, #tpu.memory_space<vmem>> -> memref<1x128xi32, #tpu.memory_space<vmem>>
      %swap3A_2490 = tpu.memref_squeeze %swap3A_2489 : memref<1x128xi32, #tpu.memory_space<vmem>> -> memref<128xi32, #tpu.memory_space<vmem>>
      %swap3A_2491 = arith.constant 0 : index
      %swap3A_2492 = tpu.vector_load %swap3A_2490[%swap3A_2491] {strides = array<i32>} : memref<128xi32, #tpu.memory_space<vmem>>, vector<16xi32>,
      %swap3A_2493 = vector.shape_cast %swap3A_2492 : vector<16xi32> to vector<16xi32>
      %swap3A_2494 = vector.shape_cast %add3A_2486 : vector<16xi32> to vector<16xi32>
      tpu.vector_store %swap3A_2490[%swap3A_2491], %swap3A_2494 {strides = array<i32>} : memref<128xi32, #tpu.memory_space<vmem>>, vector<16xi32>,
      %get3A_2495 = arith.constant 4 : i32
      %get3A_2496 = arith.constant 0 : i32
      %get3A_2497 = tpu.memref_slice %arg5[%get3A_2495, %get3A_2496] : memref<5x128xi32, #tpu.memory_space<vmem>> -> memref<1x128xi32, #tpu.memory_space<vmem>>
      %get3A_2498 = tpu.memref_squeeze %get3A_2497 : memref<1x128xi32, #tpu.memory_space<vmem>> -> memref<128xi32, #tpu.memory_space<vmem>>
      %get3A_2499 = arith.constant 16 : index
      %get3A_2500 = tpu.vector_load %get3A_2498[%get3A_2499] {strides = array<i32>} : memref<128xi32, #tpu.memory_space<vmem>>, vector<16xi32>,
      %get3A_2501 = vector.shape_cast %get3A_2500 : vector<16xi32> to vector<16xi32>
      %and3A_2502 = arith.constant 31 : i32
      %and3A_2503 = vector.broadcast %and3A_2502 : i32 to vector<16xi32>
      %and3A_2504 = arith.andi %get3A_2501, %and3A_2503 : vector<16xi32>
      %shift_right_arithmetic3A_2505 = arith.constant 5 : i32
      %shift_right_arithmetic3A_2506 = vector.broadcast %shift_right_arithmetic3A_2505 : i32 to vector<16xi32>
      %shift_right_arithmetic3A_2507 = arith.shrsi %get3A_2501, %shift_right_arithmetic3A_2506 : vector<16xi32>
      %and3A_2508 = arith.constant 7 : i32
      %and3A_2509 = vector.broadcast %and3A_2508 : i32 to vector<16xi32>
      %and3A_2510 = arith.andi %shift_right_arithmetic3A_2507, %and3A_2509 : vector<16xi32>
      %shift_right_arithmetic3A_2511 = arith.constant 8 : i32
      %shift_right_arithmetic3A_2512 = vector.broadcast %shift_right_arithmetic3A_2511 : i32 to vector<16xi32>
      %shift_right_arithmetic3A_2513 = arith.shrsi %get3A_2501, %shift_right_arithmetic3A_2512 : vector<16xi32>
      %and3A_2514 = arith.constant 63 : i32
      %and3A_2515 = vector.broadcast %and3A_2514 : i32 to vector<16xi32>
      %and3A_2516 = arith.andi %shift_right_arithmetic3A_2513, %and3A_2515 : vector<16xi32>
      %min3A_2517 = arith.constant 40 : i32
      %min3A_2518 = vector.broadcast %min3A_2517 : i32 to vector<16xi32>
      %min3A_2519 = arith.minsi %and3A_2516, %min3A_2518 : vector<16xi32>
      %shift_right_arithmetic3A_2520 = arith.constant 14 : i32
      %shift_right_arithmetic3A_2521 = vector.broadcast %shift_right_arithmetic3A_2520 : i32 to vector<16xi32>
      %shift_right_arithmetic3A_2522 = arith.shrsi %get3A_2501, %shift_right_arithmetic3A_2521 : vector<16xi32>
      %and3A_2523 = arith.constant 3 : i32
      %and3A_2524 = vector.broadcast %and3A_2523 : i32 to vector<16xi32>
      %and3A_2525 = arith.andi %shift_right_arithmetic3A_2522, %and3A_2524 : vector<16xi32>
      %shift_right_arithmetic3A_2526 = arith.constant 16 : i32
      %shift_right_arithmetic3A_2527 = vector.broadcast %shift_right_arithmetic3A_2526 : i32 to vector<16xi32>
      %shift_right_arithmetic3A_2528 = arith.shrsi %get3A_2501, %shift_right_arithmetic3A_2527 : vector<16xi32>
      %and3A_2529 = arith.constant 3 : i32
      %and3A_2530 = vector.broadcast %and3A_2529 : i32 to vector<16xi32>
      %and3A_2531 = arith.andi %shift_right_arithmetic3A_2528, %and3A_2530 : vector<16xi32>
      %mul3A_2532 = arith.constant 4592 : i32
      %mul3A_2533 = vector.broadcast %mul3A_2532 : i32 to vector<16xi32>
      %mul3A_2534 = arith.muli %and3A_2504, %mul3A_2533 : vector<16xi32>
      %mul3A_2535 = arith.constant 656 : i32
      %mul3A_2536 = vector.broadcast %mul3A_2535 : i32 to vector<16xi32>
      %mul3A_2537 = arith.muli %and3A_2510, %mul3A_2536 : vector<16xi32>
      %add3A_2538 = arith.addi %mul3A_2534, %mul3A_2537 : vector<16xi32>
      %mul3A_2539 = arith.constant 16 : i32
      %mul3A_2540 = vector.broadcast %mul3A_2539 : i32 to vector<16xi32>
      %mul3A_2541 = arith.muli %min3A_2519, %mul3A_2540 : vector<16xi32>
      %add3A_2542 = arith.addi %add3A_2538, %mul3A_2541 : vector<16xi32>
      %mul3A_2543 = arith.constant 4 : i32
      %mul3A_2544 = vector.broadcast %mul3A_2543 : i32 to vector<16xi32>
      %mul3A_2545 = arith.muli %and3A_2525, %mul3A_2544 : vector<16xi32>
      %add3A_2546 = arith.addi %add3A_2542, %mul3A_2545 : vector<16xi32>
      %add3A_2547 = arith.addi %add3A_2546, %and3A_2531 : vector<16xi32>
      %swap3A_2548 = arith.constant 4 : i32
      %swap3A_2549 = arith.constant 0 : i32
      %swap3A_2550 = tpu.memref_slice %arg6[%swap3A_2548, %swap3A_2549] : memref<5x128xi32, #tpu.memory_space<vmem>> -> memref<1x128xi32, #tpu.memory_space<vmem>>
      %swap3A_2551 = tpu.memref_squeeze %swap3A_2550 : memref<1x128xi32, #tpu.memory_space<vmem>> -> memref<128xi32, #tpu.memory_space<vmem>>
      %swap3A_2552 = arith.constant 16 : index
      %swap3A_2553 = tpu.vector_load %swap3A_2551[%swap3A_2552] {strides = array<i32>} : memref<128xi32, #tpu.memory_space<vmem>>, vector<16xi32>,
      %swap3A_2554 = vector.shape_cast %swap3A_2553 : vector<16xi32> to vector<16xi32>
      %swap3A_2555 = vector.shape_cast %add3A_2547 : vector<16xi32> to vector<16xi32>
      tpu.vector_store %swap3A_2551[%swap3A_2552], %swap3A_2555 {strides = array<i32>} : memref<128xi32, #tpu.memory_space<vmem>>, vector<16xi32>,
      %get3A_2556 = arith.constant 4 : i32
      %get3A_2557 = arith.constant 0 : i32
      %get3A_2558 = tpu.memref_slice %arg5[%get3A_2556, %get3A_2557] : memref<5x128xi32, #tpu.memory_space<vmem>> -> memref<1x128xi32, #tpu.memory_space<vmem>>
      %get3A_2559 = tpu.memref_squeeze %get3A_2558 : memref<1x128xi32, #tpu.memory_space<vmem>> -> memref<128xi32, #tpu.memory_space<vmem>>
      %get3A_2560 = arith.constant 32 : index
      %get3A_2561 = tpu.vector_load %get3A_2559[%get3A_2560] {strides = array<i32>} : memref<128xi32, #tpu.memory_space<vmem>>, vector<16xi32>,
      %get3A_2562 = vector.shape_cast %get3A_2561 : vector<16xi32> to vector<16xi32>
      %and3A_2563 = arith.constant 31 : i32
      %and3A_2564 = vector.broadcast %and3A_2563 : i32 to vector<16xi32>
      %and3A_2565 = arith.andi %get3A_2562, %and3A_2564 : vector<16xi32>
      %shift_right_arithmetic3A_2566 = arith.constant 5 : i32
      %shift_right_arithmetic3A_2567 = vector.broadcast %shift_right_arithmetic3A_2566 : i32 to vector<16xi32>
      %shift_right_arithmetic3A_2568 = arith.shrsi %get3A_2562, %shift_right_arithmetic3A_2567 : vector<16xi32>
      %and3A_2569 = arith.constant 7 : i32
      %and3A_2570 = vector.broadcast %and3A_2569 : i32 to vector<16xi32>
      %and3A_2571 = arith.andi %shift_right_arithmetic3A_2568, %and3A_2570 : vector<16xi32>
      %shift_right_arithmetic3A_2572 = arith.constant 8 : i32
      %shift_right_arithmetic3A_2573 = vector.broadcast %shift_right_arithmetic3A_2572 : i32 to vector<16xi32>
      %shift_right_arithmetic3A_2574 = arith.shrsi %get3A_2562, %shift_right_arithmetic3A_2573 : vector<16xi32>
      %and3A_2575 = arith.constant 63 : i32
      %and3A_2576 = vector.broadcast %and3A_2575 : i32 to vector<16xi32>
      %and3A_2577 = arith.andi %shift_right_arithmetic3A_2574, %and3A_2576 : vector<16xi32>
      %min3A_2578 = arith.constant 40 : i32
      %min3A_2579 = vector.broadcast %min3A_2578 : i32 to vector<16xi32>
      %min3A_2580 = arith.minsi %and3A_2577, %min3A_2579 : vector<16xi32>
      %shift_right_arithmetic3A_2581 = arith.constant 14 : i32
      %shift_right_arithmetic3A_2582 = vector.broadcast %shift_right_arithmetic3A_2581 : i32 to vector<16xi32>
      %shift_right_arithmetic3A_2583 = arith.shrsi %get3A_2562, %shift_right_arithmetic3A_2582 : vector<16xi32>
      %and3A_2584 = arith.constant 3 : i32
      %and3A_2585 = vector.broadcast %and3A_2584 : i32 to vector<16xi32>
      %and3A_2586 = arith.andi %shift_right_arithmetic3A_2583, %and3A_2585 : vector<16xi32>
      %shift_right_arithmetic3A_2587 = arith.constant 16 : i32
      %shift_right_arithmetic3A_2588 = vector.broadcast %shift_right_arithmetic3A_2587 : i32 to vector<16xi32>
      %shift_right_arithmetic3A_2589 = arith.shrsi %get3A_2562, %shift_right_arithmetic3A_2588 : vector<16xi32>
      %and3A_2590 = arith.constant 3 : i32
      %and3A_2591 = vector.broadcast %and3A_2590 : i32 to vector<16xi32>
      %and3A_2592 = arith.andi %shift_right_arithmetic3A_2589, %and3A_2591 : vector<16xi32>
      %mul3A_2593 = arith.constant 4592 : i32
      %mul3A_2594 = vector.broadcast %mul3A_2593 : i32 to vector<16xi32>
      %mul3A_2595 = arith.muli %and3A_2565, %mul3A_2594 : vector<16xi32>
      %mul3A_2596 = arith.constant 656 : i32
      %mul3A_2597 = vector.broadcast %mul3A_2596 : i32 to vector<16xi32>
      %mul3A_2598 = arith.muli %and3A_2571, %mul3A_2597 : vector<16xi32>
      %add3A_2599 = arith.addi %mul3A_2595, %mul3A_2598 : vector<16xi32>
      %mul3A_2600 = arith.constant 16 : i32
      %mul3A_2601 = vector.broadcast %mul3A_2600 : i32 to vector<16xi32>
      %mul3A_2602 = arith.muli %min3A_2580, %mul3A_2601 : vector<16xi32>
      %add3A_2603 = arith.addi %add3A_2599, %mul3A_2602 : vector<16xi32>
      %mul3A_2604 = arith.constant 4 : i32
      %mul3A_2605 = vector.broadcast %mul3A_2604 : i32 to vector<16xi32>
      %mul3A_2606 = arith.muli %and3A_2586, %mul3A_2605 : vector<16xi32>
      %add3A_2607 = arith.addi %add3A_2603, %mul3A_2606 : vector<16xi32>
      %add3A_2608 = arith.addi %add3A_2607, %and3A_2592 : vector<16xi32>
      %swap3A_2609 = arith.constant 4 : i32
      %swap3A_2610 = arith.constant 0 : i32
      %swap3A_2611 = tpu.memref_slice %arg6[%swap3A_2609, %swap3A_2610] : memref<5x128xi32, #tpu.memory_space<vmem>> -> memref<1x128xi32, #tpu.memory_space<vmem>>
      %swap3A_2612 = tpu.memref_squeeze %swap3A_2611 : memref<1x128xi32, #tpu.memory_space<vmem>> -> memref<128xi32, #tpu.memory_space<vmem>>
      %swap3A_2613 = arith.constant 32 : index
      %swap3A_2614 = tpu.vector_load %swap3A_2612[%swap3A_2613] {strides = array<i32>} : memref<128xi32, #tpu.memory_space<vmem>>, vector<16xi32>,
      %swap3A_2615 = vector.shape_cast %swap3A_2614 : vector<16xi32> to vector<16xi32>
      %swap3A_2616 = vector.shape_cast %add3A_2608 : vector<16xi32> to vector<16xi32>
      tpu.vector_store %swap3A_2612[%swap3A_2613], %swap3A_2616 {strides = array<i32>} : memref<128xi32, #tpu.memory_space<vmem>>, vector<16xi32>,
      %get3A_2617 = arith.constant 4 : i32
      %get3A_2618 = arith.constant 0 : i32
      %get3A_2619 = tpu.memref_slice %arg5[%get3A_2617, %get3A_2618] : memref<5x128xi32, #tpu.memory_space<vmem>> -> memref<1x128xi32, #tpu.memory_space<vmem>>
      %get3A_2620 = tpu.memref_squeeze %get3A_2619 : memref<1x128xi32, #tpu.memory_space<vmem>> -> memref<128xi32, #tpu.memory_space<vmem>>
      %get3A_2621 = arith.constant 48 : index
      %get3A_2622 = tpu.vector_load %get3A_2620[%get3A_2621] {strides = array<i32>} : memref<128xi32, #tpu.memory_space<vmem>>, vector<16xi32>,
      %get3A_2623 = vector.shape_cast %get3A_2622 : vector<16xi32> to vector<16xi32>
      %and3A_2624 = arith.constant 31 : i32
      %and3A_2625 = vector.broadcast %and3A_2624 : i32 to vector<16xi32>
      %and3A_2626 = arith.andi %get3A_2623, %and3A_2625 : vector<16xi32>
      %shift_right_arithmetic3A_2627 = arith.constant 5 : i32
      %shift_right_arithmetic3A_2628 = vector.broadcast %shift_right_arithmetic3A_2627 : i32 to vector<16xi32>
      %shift_right_arithmetic3A_2629 = arith.shrsi %get3A_2623, %shift_right_arithmetic3A_2628 : vector<16xi32>
      %and3A_2630 = arith.constant 7 : i32
      %and3A_2631 = vector.broadcast %and3A_2630 : i32 to vector<16xi32>
      %and3A_2632 = arith.andi %shift_right_arithmetic3A_2629, %and3A_2631 : vector<16xi32>
      %shift_right_arithmetic3A_2633 = arith.constant 8 : i32
      %shift_right_arithmetic3A_2634 = vector.broadcast %shift_right_arithmetic3A_2633 : i32 to vector<16xi32>
      %shift_right_arithmetic3A_2635 = arith.shrsi %get3A_2623, %shift_right_arithmetic3A_2634 : vector<16xi32>
      %and3A_2636 = arith.constant 63 : i32
      %and3A_2637 = vector.broadcast %and3A_2636 : i32 to vector<16xi32>
      %and3A_2638 = arith.andi %shift_right_arithmetic3A_2635, %and3A_2637 : vector<16xi32>
      %min3A_2639 = arith.constant 40 : i32
      %min3A_2640 = vector.broadcast %min3A_2639 : i32 to vector<16xi32>
      %min3A_2641 = arith.minsi %and3A_2638, %min3A_2640 : vector<16xi32>
      %shift_right_arithmetic3A_2642 = arith.constant 14 : i32
      %shift_right_arithmetic3A_2643 = vector.broadcast %shift_right_arithmetic3A_2642 : i32 to vector<16xi32>
      %shift_right_arithmetic3A_2644 = arith.shrsi %get3A_2623, %shift_right_arithmetic3A_2643 : vector<16xi32>
      %and3A_2645 = arith.constant 3 : i32
      %and3A_2646 = vector.broadcast %and3A_2645 : i32 to vector<16xi32>
      %and3A_2647 = arith.andi %shift_right_arithmetic3A_2644, %and3A_2646 : vector<16xi32>
      %shift_right_arithmetic3A_2648 = arith.constant 16 : i32
      %shift_right_arithmetic3A_2649 = vector.broadcast %shift_right_arithmetic3A_2648 : i32 to vector<16xi32>
      %shift_right_arithmetic3A_2650 = arith.shrsi %get3A_2623, %shift_right_arithmetic3A_2649 : vector<16xi32>
      %and3A_2651 = arith.constant 3 : i32
      %and3A_2652 = vector.broadcast %and3A_2651 : i32 to vector<16xi32>
      %and3A_2653 = arith.andi %shift_right_arithmetic3A_2650, %and3A_2652 : vector<16xi32>
      %mul3A_2654 = arith.constant 4592 : i32
      %mul3A_2655 = vector.broadcast %mul3A_2654 : i32 to vector<16xi32>
      %mul3A_2656 = arith.muli %and3A_2626, %mul3A_2655 : vector<16xi32>
      %mul3A_2657 = arith.constant 656 : i32
      %mul3A_2658 = vector.broadcast %mul3A_2657 : i32 to vector<16xi32>
      %mul3A_2659 = arith.muli %and3A_2632, %mul3A_2658 : vector<16xi32>
      %add3A_2660 = arith.addi %mul3A_2656, %mul3A_2659 : vector<16xi32>
      %mul3A_2661 = arith.constant 16 : i32
      %mul3A_2662 = vector.broadcast %mul3A_2661 : i32 to vector<16xi32>
      %mul3A_2663 = arith.muli %min3A_2641, %mul3A_2662 : vector<16xi32>
      %add3A_2664 = arith.addi %add3A_2660, %mul3A_2663 : vector<16xi32>
      %mul3A_2665 = arith.constant 4 : i32
      %mul3A_2666 = vector.broadcast %mul3A_2665 : i32 to vector<16xi32>
      %mul3A_2667 = arith.muli %and3A_2647, %mul3A_2666 : vector<16xi32>
      %add3A_2668 = arith.addi %add3A_2664, %mul3A_2667 : vector<16xi32>
      %add3A_2669 = arith.addi %add3A_2668, %and3A_2653 : vector<16xi32>
      %swap3A_2670 = arith.constant 4 : i32
      %swap3A_2671 = arith.constant 0 : i32
      %swap3A_2672 = tpu.memref_slice %arg6[%swap3A_2670, %swap3A_2671] : memref<5x128xi32, #tpu.memory_space<vmem>> -> memref<1x128xi32, #tpu.memory_space<vmem>>
      %swap3A_2673 = tpu.memref_squeeze %swap3A_2672 : memref<1x128xi32, #tpu.memory_space<vmem>> -> memref<128xi32, #tpu.memory_space<vmem>>
      %swap3A_2674 = arith.constant 48 : index
      %swap3A_2675 = tpu.vector_load %swap3A_2673[%swap3A_2674] {strides = array<i32>} : memref<128xi32, #tpu.memory_space<vmem>>, vector<16xi32>,
      %swap3A_2676 = vector.shape_cast %swap3A_2675 : vector<16xi32> to vector<16xi32>
      %swap3A_2677 = vector.shape_cast %add3A_2669 : vector<16xi32> to vector<16xi32>
      tpu.vector_store %swap3A_2673[%swap3A_2674], %swap3A_2677 {strides = array<i32>} : memref<128xi32, #tpu.memory_space<vmem>>, vector<16xi32>,
      %get3A_2678 = arith.constant 4 : i32
      %get3A_2679 = arith.constant 0 : i32
      %get3A_2680 = tpu.memref_slice %arg5[%get3A_2678, %get3A_2679] : memref<5x128xi32, #tpu.memory_space<vmem>> -> memref<1x128xi32, #tpu.memory_space<vmem>>
      %get3A_2681 = tpu.memref_squeeze %get3A_2680 : memref<1x128xi32, #tpu.memory_space<vmem>> -> memref<128xi32, #tpu.memory_space<vmem>>
      %get3A_2682 = arith.constant 64 : index
      %get3A_2683 = tpu.vector_load %get3A_2681[%get3A_2682] {strides = array<i32>} : memref<128xi32, #tpu.memory_space<vmem>>, vector<16xi32>,
      %get3A_2684 = vector.shape_cast %get3A_2683 : vector<16xi32> to vector<16xi32>
      %and3A_2685 = arith.constant 31 : i32
      %and3A_2686 = vector.broadcast %and3A_2685 : i32 to vector<16xi32>
      %and3A_2687 = arith.andi %get3A_2684, %and3A_2686 : vector<16xi32>
      %shift_right_arithmetic3A_2688 = arith.constant 5 : i32
      %shift_right_arithmetic3A_2689 = vector.broadcast %shift_right_arithmetic3A_2688 : i32 to vector<16xi32>
      %shift_right_arithmetic3A_2690 = arith.shrsi %get3A_2684, %shift_right_arithmetic3A_2689 : vector<16xi32>
      %and3A_2691 = arith.constant 7 : i32
      %and3A_2692 = vector.broadcast %and3A_2691 : i32 to vector<16xi32>
      %and3A_2693 = arith.andi %shift_right_arithmetic3A_2690, %and3A_2692 : vector<16xi32>
      %shift_right_arithmetic3A_2694 = arith.constant 8 : i32
      %shift_right_arithmetic3A_2695 = vector.broadcast %shift_right_arithmetic3A_2694 : i32 to vector<16xi32>
      %shift_right_arithmetic3A_2696 = arith.shrsi %get3A_2684, %shift_right_arithmetic3A_2695 : vector<16xi32>
      %and3A_2697 = arith.constant 63 : i32
      %and3A_2698 = vector.broadcast %and3A_2697 : i32 to vector<16xi32>
      %and3A_2699 = arith.andi %shift_right_arithmetic3A_2696, %and3A_2698 : vector<16xi32>
      %min3A_2700 = arith.constant 40 : i32
      %min3A_2701 = vector.broadcast %min3A_2700 : i32 to vector<16xi32>
      %min3A_2702 = arith.minsi %and3A_2699, %min3A_2701 : vector<16xi32>
      %shift_right_arithmetic3A_2703 = arith.constant 14 : i32
      %shift_right_arithmetic3A_2704 = vector.broadcast %shift_right_arithmetic3A_2703 : i32 to vector<16xi32>
      %shift_right_arithmetic3A_2705 = arith.shrsi %get3A_2684, %shift_right_arithmetic3A_2704 : vector<16xi32>
      %and3A_2706 = arith.constant 3 : i32
      %and3A_2707 = vector.broadcast %and3A_2706 : i32 to vector<16xi32>
      %and3A_2708 = arith.andi %shift_right_arithmetic3A_2705, %and3A_2707 : vector<16xi32>
      %shift_right_arithmetic3A_2709 = arith.constant 16 : i32
      %shift_right_arithmetic3A_2710 = vector.broadcast %shift_right_arithmetic3A_2709 : i32 to vector<16xi32>
      %shift_right_arithmetic3A_2711 = arith.shrsi %get3A_2684, %shift_right_arithmetic3A_2710 : vector<16xi32>
      %and3A_2712 = arith.constant 3 : i32
      %and3A_2713 = vector.broadcast %and3A_2712 : i32 to vector<16xi32>
      %and3A_2714 = arith.andi %shift_right_arithmetic3A_2711, %and3A_2713 : vector<16xi32>
      %mul3A_2715 = arith.constant 4592 : i32
      %mul3A_2716 = vector.broadcast %mul3A_2715 : i32 to vector<16xi32>
      %mul3A_2717 = arith.muli %and3A_2687, %mul3A_2716 : vector<16xi32>
      %mul3A_2718 = arith.constant 656 : i32
      %mul3A_2719 = vector.broadcast %mul3A_2718 : i32 to vector<16xi32>
      %mul3A_2720 = arith.muli %and3A_2693, %mul3A_2719 : vector<16xi32>
      %add3A_2721 = arith.addi %mul3A_2717, %mul3A_2720 : vector<16xi32>
      %mul3A_2722 = arith.constant 16 : i32
      %mul3A_2723 = vector.broadcast %mul3A_2722 : i32 to vector<16xi32>
      %mul3A_2724 = arith.muli %min3A_2702, %mul3A_2723 : vector<16xi32>
      %add3A_2725 = arith.addi %add3A_2721, %mul3A_2724 : vector<16xi32>
      %mul3A_2726 = arith.constant 4 : i32
      %mul3A_2727 = vector.broadcast %mul3A_2726 : i32 to vector<16xi32>
      %mul3A_2728 = arith.muli %and3A_2708, %mul3A_2727 : vector<16xi32>
      %add3A_2729 = arith.addi %add3A_2725, %mul3A_2728 : vector<16xi32>
      %add3A_2730 = arith.addi %add3A_2729, %and3A_2714 : vector<16xi32>
      %swap3A_2731 = arith.constant 4 : i32
      %swap3A_2732 = arith.constant 0 : i32
      %swap3A_2733 = tpu.memref_slice %arg6[%swap3A_2731, %swap3A_2732] : memref<5x128xi32, #tpu.memory_space<vmem>> -> memref<1x128xi32, #tpu.memory_space<vmem>>
      %swap3A_2734 = tpu.memref_squeeze %swap3A_2733 : memref<1x128xi32, #tpu.memory_space<vmem>> -> memref<128xi32, #tpu.memory_space<vmem>>
      %swap3A_2735 = arith.constant 64 : index
      %swap3A_2736 = tpu.vector_load %swap3A_2734[%swap3A_2735] {strides = array<i32>} : memref<128xi32, #tpu.memory_space<vmem>>, vector<16xi32>,
      %swap3A_2737 = vector.shape_cast %swap3A_2736 : vector<16xi32> to vector<16xi32>
      %swap3A_2738 = vector.shape_cast %add3A_2730 : vector<16xi32> to vector<16xi32>
      tpu.vector_store %swap3A_2734[%swap3A_2735], %swap3A_2738 {strides = array<i32>} : memref<128xi32, #tpu.memory_space<vmem>>, vector<16xi32>,
      %get3A_2739 = arith.constant 4 : i32
      %get3A_2740 = arith.constant 0 : i32
      %get3A_2741 = tpu.memref_slice %arg5[%get3A_2739, %get3A_2740] : memref<5x128xi32, #tpu.memory_space<vmem>> -> memref<1x128xi32, #tpu.memory_space<vmem>>
      %get3A_2742 = tpu.memref_squeeze %get3A_2741 : memref<1x128xi32, #tpu.memory_space<vmem>> -> memref<128xi32, #tpu.memory_space<vmem>>
      %get3A_2743 = arith.constant 80 : index
      %get3A_2744 = tpu.vector_load %get3A_2742[%get3A_2743] {strides = array<i32>} : memref<128xi32, #tpu.memory_space<vmem>>, vector<16xi32>,
      %get3A_2745 = vector.shape_cast %get3A_2744 : vector<16xi32> to vector<16xi32>
      %and3A_2746 = arith.constant 31 : i32
      %and3A_2747 = vector.broadcast %and3A_2746 : i32 to vector<16xi32>
      %and3A_2748 = arith.andi %get3A_2745, %and3A_2747 : vector<16xi32>
      %shift_right_arithmetic3A_2749 = arith.constant 5 : i32
      %shift_right_arithmetic3A_2750 = vector.broadcast %shift_right_arithmetic3A_2749 : i32 to vector<16xi32>
      %shift_right_arithmetic3A_2751 = arith.shrsi %get3A_2745, %shift_right_arithmetic3A_2750 : vector<16xi32>
      %and3A_2752 = arith.constant 7 : i32
      %and3A_2753 = vector.broadcast %and3A_2752 : i32 to vector<16xi32>
      %and3A_2754 = arith.andi %shift_right_arithmetic3A_2751, %and3A_2753 : vector<16xi32>
      %shift_right_arithmetic3A_2755 = arith.constant 8 : i32
      %shift_right_arithmetic3A_2756 = vector.broadcast %shift_right_arithmetic3A_2755 : i32 to vector<16xi32>
      %shift_right_arithmetic3A_2757 = arith.shrsi %get3A_2745, %shift_right_arithmetic3A_2756 : vector<16xi32>
      %and3A_2758 = arith.constant 63 : i32
      %and3A_2759 = vector.broadcast %and3A_2758 : i32 to vector<16xi32>
      %and3A_2760 = arith.andi %shift_right_arithmetic3A_2757, %and3A_2759 : vector<16xi32>
      %min3A_2761 = arith.constant 40 : i32
      %min3A_2762 = vector.broadcast %min3A_2761 : i32 to vector<16xi32>
      %min3A_2763 = arith.minsi %and3A_2760, %min3A_2762 : vector<16xi32>
      %shift_right_arithmetic3A_2764 = arith.constant 14 : i32
      %shift_right_arithmetic3A_2765 = vector.broadcast %shift_right_arithmetic3A_2764 : i32 to vector<16xi32>
      %shift_right_arithmetic3A_2766 = arith.shrsi %get3A_2745, %shift_right_arithmetic3A_2765 : vector<16xi32>
      %and3A_2767 = arith.constant 3 : i32
      %and3A_2768 = vector.broadcast %and3A_2767 : i32 to vector<16xi32>
      %and3A_2769 = arith.andi %shift_right_arithmetic3A_2766, %and3A_2768 : vector<16xi32>
      %shift_right_arithmetic3A_2770 = arith.constant 16 : i32
      %shift_right_arithmetic3A_2771 = vector.broadcast %shift_right_arithmetic3A_2770 : i32 to vector<16xi32>
      %shift_right_arithmetic3A_2772 = arith.shrsi %get3A_2745, %shift_right_arithmetic3A_2771 : vector<16xi32>
      %and3A_2773 = arith.constant 3 : i32
      %and3A_2774 = vector.broadcast %and3A_2773 : i32 to vector<16xi32>
      %and3A_2775 = arith.andi %shift_right_arithmetic3A_2772, %and3A_2774 : vector<16xi32>
      %mul3A_2776 = arith.constant 4592 : i32
      %mul3A_2777 = vector.broadcast %mul3A_2776 : i32 to vector<16xi32>
      %mul3A_2778 = arith.muli %and3A_2748, %mul3A_2777 : vector<16xi32>
      %mul3A_2779 = arith.constant 656 : i32
      %mul3A_2780 = vector.broadcast %mul3A_2779 : i32 to vector<16xi32>
      %mul3A_2781 = arith.muli %and3A_2754, %mul3A_2780 : vector<16xi32>
      %add3A_2782 = arith.addi %mul3A_2778, %mul3A_2781 : vector<16xi32>
      %mul3A_2783 = arith.constant 16 : i32
      %mul3A_2784 = vector.broadcast %mul3A_2783 : i32 to vector<16xi32>
      %mul3A_2785 = arith.muli %min3A_2763, %mul3A_2784 : vector<16xi32>
      %add3A_2786 = arith.addi %add3A_2782, %mul3A_2785 : vector<16xi32>
      %mul3A_2787 = arith.constant 4 : i32
      %mul3A_2788 = vector.broadcast %mul3A_2787 : i32 to vector<16xi32>
      %mul3A_2789 = arith.muli %and3A_2769, %mul3A_2788 : vector<16xi32>
      %add3A_2790 = arith.addi %add3A_2786, %mul3A_2789 : vector<16xi32>
      %add3A_2791 = arith.addi %add3A_2790, %and3A_2775 : vector<16xi32>
      %swap3A_2792 = arith.constant 4 : i32
      %swap3A_2793 = arith.constant 0 : i32
      %swap3A_2794 = tpu.memref_slice %arg6[%swap3A_2792, %swap3A_2793] : memref<5x128xi32, #tpu.memory_space<vmem>> -> memref<1x128xi32, #tpu.memory_space<vmem>>
      %swap3A_2795 = tpu.memref_squeeze %swap3A_2794 : memref<1x128xi32, #tpu.memory_space<vmem>> -> memref<128xi32, #tpu.memory_space<vmem>>
      %swap3A_2796 = arith.constant 80 : index
      %swap3A_2797 = tpu.vector_load %swap3A_2795[%swap3A_2796] {strides = array<i32>} : memref<128xi32, #tpu.memory_space<vmem>>, vector<16xi32>,
      %swap3A_2798 = vector.shape_cast %swap3A_2797 : vector<16xi32> to vector<16xi32>
      %swap3A_2799 = vector.shape_cast %add3A_2791 : vector<16xi32> to vector<16xi32>
      tpu.vector_store %swap3A_2795[%swap3A_2796], %swap3A_2799 {strides = array<i32>} : memref<128xi32, #tpu.memory_space<vmem>>, vector<16xi32>,
      %get3A_2800 = arith.constant 4 : i32
      %get3A_2801 = arith.constant 0 : i32
      %get3A_2802 = tpu.memref_slice %arg5[%get3A_2800, %get3A_2801] : memref<5x128xi32, #tpu.memory_space<vmem>> -> memref<1x128xi32, #tpu.memory_space<vmem>>
      %get3A_2803 = tpu.memref_squeeze %get3A_2802 : memref<1x128xi32, #tpu.memory_space<vmem>> -> memref<128xi32, #tpu.memory_space<vmem>>
      %get3A_2804 = arith.constant 96 : index
      %get3A_2805 = tpu.vector_load %get3A_2803[%get3A_2804] {strides = array<i32>} : memref<128xi32, #tpu.memory_space<vmem>>, vector<16xi32>,
      %get3A_2806 = vector.shape_cast %get3A_2805 : vector<16xi32> to vector<16xi32>
      %and3A_2807 = arith.constant 31 : i32
      %and3A_2808 = vector.broadcast %and3A_2807 : i32 to vector<16xi32>
      %and3A_2809 = arith.andi %get3A_2806, %and3A_2808 : vector<16xi32>
      %shift_right_arithmetic3A_2810 = arith.constant 5 : i32
      %shift_right_arithmetic3A_2811 = vector.broadcast %shift_right_arithmetic3A_2810 : i32 to vector<16xi32>
      %shift_right_arithmetic3A_2812 = arith.shrsi %get3A_2806, %shift_right_arithmetic3A_2811 : vector<16xi32>
      %and3A_2813 = arith.constant 7 : i32
      %and3A_2814 = vector.broadcast %and3A_2813 : i32 to vector<16xi32>
      %and3A_2815 = arith.andi %shift_right_arithmetic3A_2812, %and3A_2814 : vector<16xi32>
      %shift_right_arithmetic3A_2816 = arith.constant 8 : i32
      %shift_right_arithmetic3A_2817 = vector.broadcast %shift_right_arithmetic3A_2816 : i32 to vector<16xi32>
      %shift_right_arithmetic3A_2818 = arith.shrsi %get3A_2806, %shift_right_arithmetic3A_2817 : vector<16xi32>
      %and3A_2819 = arith.constant 63 : i32
      %and3A_2820 = vector.broadcast %and3A_2819 : i32 to vector<16xi32>
      %and3A_2821 = arith.andi %shift_right_arithmetic3A_2818, %and3A_2820 : vector<16xi32>
      %min3A_2822 = arith.constant 40 : i32
      %min3A_2823 = vector.broadcast %min3A_2822 : i32 to vector<16xi32>
      %min3A_2824 = arith.minsi %and3A_2821, %min3A_2823 : vector<16xi32>
      %shift_right_arithmetic3A_2825 = arith.constant 14 : i32
      %shift_right_arithmetic3A_2826 = vector.broadcast %shift_right_arithmetic3A_2825 : i32 to vector<16xi32>
      %shift_right_arithmetic3A_2827 = arith.shrsi %get3A_2806, %shift_right_arithmetic3A_2826 : vector<16xi32>
      %and3A_2828 = arith.constant 3 : i32
      %and3A_2829 = vector.broadcast %and3A_2828 : i32 to vector<16xi32>
      %and3A_2830 = arith.andi %shift_right_arithmetic3A_2827, %and3A_2829 : vector<16xi32>
      %shift_right_arithmetic3A_2831 = arith.constant 16 : i32
      %shift_right_arithmetic3A_2832 = vector.broadcast %shift_right_arithmetic3A_2831 : i32 to vector<16xi32>
      %shift_right_arithmetic3A_2833 = arith.shrsi %get3A_2806, %shift_right_arithmetic3A_2832 : vector<16xi32>
      %and3A_2834 = arith.constant 3 : i32
      %and3A_2835 = vector.broadcast %and3A_2834 : i32 to vector<16xi32>
      %and3A_2836 = arith.andi %shift_right_arithmetic3A_2833, %and3A_2835 : vector<16xi32>
      %mul3A_2837 = arith.constant 4592 : i32
      %mul3A_2838 = vector.broadcast %mul3A_2837 : i32 to vector<16xi32>
      %mul3A_2839 = arith.muli %and3A_2809, %mul3A_2838 : vector<16xi32>
      %mul3A_2840 = arith.constant 656 : i32
      %mul3A_2841 = vector.broadcast %mul3A_2840 : i32 to vector<16xi32>
      %mul3A_2842 = arith.muli %and3A_2815, %mul3A_2841 : vector<16xi32>
      %add3A_2843 = arith.addi %mul3A_2839, %mul3A_2842 : vector<16xi32>
      %mul3A_2844 = arith.constant 16 : i32
      %mul3A_2845 = vector.broadcast %mul3A_2844 : i32 to vector<16xi32>
      %mul3A_2846 = arith.muli %min3A_2824, %mul3A_2845 : vector<16xi32>
      %add3A_2847 = arith.addi %add3A_2843, %mul3A_2846 : vector<16xi32>
      %mul3A_2848 = arith.constant 4 : i32
      %mul3A_2849 = vector.broadcast %mul3A_2848 : i32 to vector<16xi32>
      %mul3A_2850 = arith.muli %and3A_2830, %mul3A_2849 : vector<16xi32>
      %add3A_2851 = arith.addi %add3A_2847, %mul3A_2850 : vector<16xi32>
      %add3A_2852 = arith.addi %add3A_2851, %and3A_2836 : vector<16xi32>
      %swap3A_2853 = arith.constant 4 : i32
      %swap3A_2854 = arith.constant 0 : i32
      %swap3A_2855 = tpu.memref_slice %arg6[%swap3A_2853, %swap3A_2854] : memref<5x128xi32, #tpu.memory_space<vmem>> -> memref<1x128xi32, #tpu.memory_space<vmem>>
      %swap3A_2856 = tpu.memref_squeeze %swap3A_2855 : memref<1x128xi32, #tpu.memory_space<vmem>> -> memref<128xi32, #tpu.memory_space<vmem>>
      %swap3A_2857 = arith.constant 96 : index
      %swap3A_2858 = tpu.vector_load %swap3A_2856[%swap3A_2857] {strides = array<i32>} : memref<128xi32, #tpu.memory_space<vmem>>, vector<16xi32>,
      %swap3A_2859 = vector.shape_cast %swap3A_2858 : vector<16xi32> to vector<16xi32>
      %swap3A_2860 = vector.shape_cast %add3A_2852 : vector<16xi32> to vector<16xi32>
      tpu.vector_store %swap3A_2856[%swap3A_2857], %swap3A_2860 {strides = array<i32>} : memref<128xi32, #tpu.memory_space<vmem>>, vector<16xi32>,
      %get3A_2861 = arith.constant 4 : i32
      %get3A_2862 = arith.constant 0 : i32
      %get3A_2863 = tpu.memref_slice %arg5[%get3A_2861, %get3A_2862] : memref<5x128xi32, #tpu.memory_space<vmem>> -> memref<1x128xi32, #tpu.memory_space<vmem>>
      %get3A_2864 = tpu.memref_squeeze %get3A_2863 : memref<1x128xi32, #tpu.memory_space<vmem>> -> memref<128xi32, #tpu.memory_space<vmem>>
      %get3A_2865 = arith.constant 112 : index
      %get3A_2866 = tpu.vector_load %get3A_2864[%get3A_2865] {strides = array<i32>} : memref<128xi32, #tpu.memory_space<vmem>>, vector<16xi32>,
      %get3A_2867 = vector.shape_cast %get3A_2866 : vector<16xi32> to vector<16xi32>
      %and3A_2868 = arith.constant 31 : i32
      %and3A_2869 = vector.broadcast %and3A_2868 : i32 to vector<16xi32>
      %and3A_2870 = arith.andi %get3A_2867, %and3A_2869 : vector<16xi32>
      %shift_right_arithmetic3A_2871 = arith.constant 5 : i32
      %shift_right_arithmetic3A_2872 = vector.broadcast %shift_right_arithmetic3A_2871 : i32 to vector<16xi32>
      %shift_right_arithmetic3A_2873 = arith.shrsi %get3A_2867, %shift_right_arithmetic3A_2872 : vector<16xi32>
      %and3A_2874 = arith.constant 7 : i32
      %and3A_2875 = vector.broadcast %and3A_2874 : i32 to vector<16xi32>
      %and3A_2876 = arith.andi %shift_right_arithmetic3A_2873, %and3A_2875 : vector<16xi32>
      %shift_right_arithmetic3A_2877 = arith.constant 8 : i32
      %shift_right_arithmetic3A_2878 = vector.broadcast %shift_right_arithmetic3A_2877 : i32 to vector<16xi32>
      %shift_right_arithmetic3A_2879 = arith.shrsi %get3A_2867, %shift_right_arithmetic3A_2878 : vector<16xi32>
      %and3A_2880 = arith.constant 63 : i32
      %and3A_2881 = vector.broadcast %and3A_2880 : i32 to vector<16xi32>
      %and3A_2882 = arith.andi %shift_right_arithmetic3A_2879, %and3A_2881 : vector<16xi32>
      %min3A_2883 = arith.constant 40 : i32
      %min3A_2884 = vector.broadcast %min3A_2883 : i32 to vector<16xi32>
      %min3A_2885 = arith.minsi %and3A_2882, %min3A_2884 : vector<16xi32>
      %shift_right_arithmetic3A_2886 = arith.constant 14 : i32
      %shift_right_arithmetic3A_2887 = vector.broadcast %shift_right_arithmetic3A_2886 : i32 to vector<16xi32>
      %shift_right_arithmetic3A_2888 = arith.shrsi %get3A_2867, %shift_right_arithmetic3A_2887 : vector<16xi32>
      %and3A_2889 = arith.constant 3 : i32
      %and3A_2890 = vector.broadcast %and3A_2889 : i32 to vector<16xi32>
      %and3A_2891 = arith.andi %shift_right_arithmetic3A_2888, %and3A_2890 : vector<16xi32>
      %shift_right_arithmetic3A_2892 = arith.constant 16 : i32
      %shift_right_arithmetic3A_2893 = vector.broadcast %shift_right_arithmetic3A_2892 : i32 to vector<16xi32>
      %shift_right_arithmetic3A_2894 = arith.shrsi %get3A_2867, %shift_right_arithmetic3A_2893 : vector<16xi32>
      %and3A_2895 = arith.constant 3 : i32
      %and3A_2896 = vector.broadcast %and3A_2895 : i32 to vector<16xi32>
      %and3A_2897 = arith.andi %shift_right_arithmetic3A_2894, %and3A_2896 : vector<16xi32>
      %mul3A_2898 = arith.constant 4592 : i32
      %mul3A_2899 = vector.broadcast %mul3A_2898 : i32 to vector<16xi32>
      %mul3A_2900 = arith.muli %and3A_2870, %mul3A_2899 : vector<16xi32>
      %mul3A_2901 = arith.constant 656 : i32
      %mul3A_2902 = vector.broadcast %mul3A_2901 : i32 to vector<16xi32>
      %mul3A_2903 = arith.muli %and3A_2876, %mul3A_2902 : vector<16xi32>
      %add3A_2904 = arith.addi %mul3A_2900, %mul3A_2903 : vector<16xi32>
      %mul3A_2905 = arith.constant 16 : i32
      %mul3A_2906 = vector.broadcast %mul3A_2905 : i32 to vector<16xi32>
      %mul3A_2907 = arith.muli %min3A_2885, %mul3A_2906 : vector<16xi32>
      %add3A_2908 = arith.addi %add3A_2904, %mul3A_2907 : vector<16xi32>
      %mul3A_2909 = arith.constant 4 : i32
      %mul3A_2910 = vector.broadcast %mul3A_2909 : i32 to vector<16xi32>
      %mul3A_2911 = arith.muli %and3A_2891, %mul3A_2910 : vector<16xi32>
      %add3A_2912 = arith.addi %add3A_2908, %mul3A_2911 : vector<16xi32>
      %add3A_2913 = arith.addi %add3A_2912, %and3A_2897 : vector<16xi32>
      %swap3A_2914 = arith.constant 4 : i32
      %swap3A_2915 = arith.constant 0 : i32
      %swap3A_2916 = tpu.memref_slice %arg6[%swap3A_2914, %swap3A_2915] : memref<5x128xi32, #tpu.memory_space<vmem>> -> memref<1x128xi32, #tpu.memory_space<vmem>>
      %swap3A_2917 = tpu.memref_squeeze %swap3A_2916 : memref<1x128xi32, #tpu.memory_space<vmem>> -> memref<128xi32, #tpu.memory_space<vmem>>
      %swap3A_2918 = arith.constant 112 : index
      %swap3A_2919 = tpu.vector_load %swap3A_2917[%swap3A_2918] {strides = array<i32>} : memref<128xi32, #tpu.memory_space<vmem>>, vector<16xi32>,
      %swap3A_2920 = vector.shape_cast %swap3A_2919 : vector<16xi32> to vector<16xi32>
      %swap3A_2921 = vector.shape_cast %add3A_2913 : vector<16xi32> to vector<16xi32>
      tpu.vector_store %swap3A_2917[%swap3A_2918], %swap3A_2921 {strides = array<i32>} : memref<128xi32, #tpu.memory_space<vmem>>, vector<16xi32>,
      %ge3A_2922 = arith.constant 5 : i32
      %ge3A_2923 = arith.cmpi sge, %add3A_2418, %ge3A_2922 : i32
      %convert_element_type3A_2924 = arith.extui %ge3A_2923 : i1 to i32
      %cond3A_2925 = arith.constant 0 : i32
      %cond3A_2926 = arith.cmpi ne, %convert_element_type3A_2924, %cond3A_2925 : i32
      scf.if %cond3A_2926 {
        %dma_wait3A_2959 = arith.constant 4 : i32
        %dma_wait3A_2960 = arith.constant 4 : i32
        %dma_wait3A_2961 = arith.constant 0 : i32
        %dma_wait3A_2962 = arith.constant 0 : i32
        %dma_wait3A_2963 = tpu.memref_slice %arg7[%dma_wait3A_2959, %dma_wait3A_2961, %dma_wait3A_2962] : memref<5x128x128xf32, #tpu.memory_space<vmem>> -> memref<1x128x128xf32, #tpu.memory_space<vmem>>
        %dma_wait3A_2964 = tpu.memref_squeeze %dma_wait3A_2963 : memref<1x128x128xf32, #tpu.memory_space<vmem>> -> memref<128x128xf32, #tpu.memory_space<vmem>>
        %dma_wait3A_2965 = arith.constant 0 : i32
        %dma_wait3A_2966 = tpu.memref_slice %arg4[%mul3A_2, %dma_wait3A_2965] : memref<819200x128xf32, #tpu.memory_space<hbm>> -> memref<128x128xf32, #tpu.memory_space<hbm>>
        %dma_wait3A_2967 = tpu.memref_slice %arg10[%dma_wait3A_2960] : memref<5x!tpu.dma_semaphore, #tpu.memory_space<semaphore_mem>> -> memref<1x!tpu.dma_semaphore, #tpu.memory_space<semaphore_mem>>
        %dma_wait3A_2968 = tpu.memref_squeeze %dma_wait3A_2967 : memref<1x!tpu.dma_semaphore, #tpu.memory_space<semaphore_mem>> -> memref<!tpu.dma_semaphore, #tpu.memory_space<semaphore_mem>>
        %dma_wait3A_2969 = arith.constant 0 : i32
        %dma_wait3A_2970 = tpu.memref_slice %arg4[%mul3A_2, %dma_wait3A_2969] : memref<819200x128xf32, #tpu.memory_space<hbm>> -> memref<128x128xf32, #tpu.memory_space<hbm>>
        %dma_wait3A_2971 = arith.constant 0 : i32
        %dma_wait3A_2972 = arith.constant 0 : i32
        %dma_wait3A_2973 = tpu.memref_slice %arg7[%dma_wait3A_2959, %dma_wait3A_2971, %dma_wait3A_2972] : memref<5x128x128xf32, #tpu.memory_space<vmem>> -> memref<1x128x128xf32, #tpu.memory_space<vmem>>
        %dma_wait3A_2974 = tpu.memref_squeeze %dma_wait3A_2973 : memref<1x128x128xf32, #tpu.memory_space<vmem>> -> memref<128x128xf32, #tpu.memory_space<vmem>>
        tpu.wait_dma2 semaphore(%dma_wait3A_2968 : memref<!tpu.dma_semaphore, #tpu.memory_space<semaphore_mem>>) src(%dma_wait3A_2974 : memref<128x128xf32, #tpu.memory_space<vmem>>) dst(%dma_wait3A_2970 : memref<128x128xf32, #tpu.memory_space<hbm>>)
      } else {
      }
      %dma_start3A_2927 = arith.constant 4 : i32
      %dma_start3A_2928 = arith.constant 4 : i32
      %dma_start3A_2929 = arith.constant 4 : i32
      %dma_start3A_2930 = arith.constant 0 : i32
      %dma_start3A_2931 = arith.constant 0 : i32
      %dma_start3A_2932 = tpu.memref_slice %arg7[%dma_start3A_2928, %dma_start3A_2930, %dma_start3A_2931] : memref<5x128x128xf32, #tpu.memory_space<vmem>> -> memref<1x128x128xf32, #tpu.memory_space<vmem>>
      %dma_start3A_2933 = tpu.memref_squeeze %dma_start3A_2932 : memref<1x128x128xf32, #tpu.memory_space<vmem>> -> memref<128x128xf32, #tpu.memory_space<vmem>>
      %dma_start3A_2934 = arith.constant 0 : i32
      %dma_start3A_2935 = tpu.memref_slice %arg6[%dma_start3A_2927, %dma_start3A_2934] : memref<5x128xi32, #tpu.memory_space<vmem>> -> memref<1x128xi32, #tpu.memory_space<vmem>>
      %dma_start3A_2936 = tpu.memref_squeeze %dma_start3A_2935 : memref<1x128xi32, #tpu.memory_space<vmem>> -> memref<128xi32, #tpu.memory_space<vmem>>
      %dma_start3A_2937 = arith.constant 0 : i32
      %dma_start3A_2938 = arith.constant 0 : i32
      %dma_start3A_2939 = tpu.memref_slice %arg2[%dma_start3A_2937, %dma_start3A_2938] : memref<78064x128xf32, #tpu.memory_space<hbm>> -> memref<78064x128xf32, #tpu.memory_space<hbm>>
      %dma_start3A_2940 = tpu.memref_slice %arg9[%dma_start3A_2929] : memref<5x!tpu.dma_semaphore, #tpu.memory_space<semaphore_mem>> -> memref<1x!tpu.dma_semaphore, #tpu.memory_space<semaphore_mem>>
      %dma_start3A_2941 = tpu.memref_squeeze %dma_start3A_2940 : memref<1x!tpu.dma_semaphore, #tpu.memory_space<semaphore_mem>> -> memref<!tpu.dma_semaphore, #tpu.memory_space<semaphore_mem>>
      tpu.enqueue_indirect_dma source(%dma_start3A_2939 : memref<78064x128xf32, #tpu.memory_space<hbm>>) target(%dma_start3A_2933 : memref<128x128xf32, #tpu.memory_space<vmem>>) offsets(%dma_start3A_2936 : memref<128xi32, #tpu.memory_space<vmem>>) semaphore(%dma_start3A_2941 : memref<!tpu.dma_semaphore, #tpu.memory_space<semaphore_mem>>)
      %ge3A_2942 = arith.constant 3 : i32
      %ge3A_2943 = arith.cmpi sge, %add3A_2418, %ge3A_2942 : i32
      %convert_element_type3A_2944 = arith.extui %ge3A_2943 : i1 to i32
      %cond3A_2945 = arith.constant 0 : i32
      %cond3A_2946 = arith.cmpi ne, %convert_element_type3A_2944, %cond3A_2945 : i32
      scf.if %cond3A_2946 {
        %dma_wait3A_2959 = arith.constant 1 : i32
        %dma_wait3A_2960 = arith.constant 1 : i32
        %dma_wait3A_2961 = arith.constant 1 : i32
        %dma_wait3A_2962 = arith.constant 0 : i32
        %dma_wait3A_2963 = arith.constant 0 : i32
        %dma_wait3A_2964 = tpu.memref_slice %arg7[%dma_wait3A_2960, %dma_wait3A_2962, %dma_wait3A_2963] : memref<5x128x128xf32, #tpu.memory_space<vmem>> -> memref<1x128x128xf32, #tpu.memory_space<vmem>>
        %dma_wait3A_2965 = tpu.memref_squeeze %dma_wait3A_2964 : memref<1x128x128xf32, #tpu.memory_space<vmem>> -> memref<128x128xf32, #tpu.memory_space<vmem>>
        %dma_wait3A_2966 = arith.constant 0 : i32
        %dma_wait3A_2967 = tpu.memref_slice %arg6[%dma_wait3A_2959, %dma_wait3A_2966] : memref<5x128xi32, #tpu.memory_space<vmem>> -> memref<1x128xi32, #tpu.memory_space<vmem>>
        %dma_wait3A_2968 = tpu.memref_squeeze %dma_wait3A_2967 : memref<1x128xi32, #tpu.memory_space<vmem>> -> memref<128xi32, #tpu.memory_space<vmem>>
        %dma_wait3A_2969 = arith.constant 0 : i32
        %dma_wait3A_2970 = arith.constant 0 : i32
        %dma_wait3A_2971 = tpu.memref_slice %arg2[%dma_wait3A_2969, %dma_wait3A_2970] : memref<78064x128xf32, #tpu.memory_space<hbm>> -> memref<78064x128xf32, #tpu.memory_space<hbm>>
        %dma_wait3A_2972 = tpu.memref_slice %arg9[%dma_wait3A_2961] : memref<5x!tpu.dma_semaphore, #tpu.memory_space<semaphore_mem>> -> memref<1x!tpu.dma_semaphore, #tpu.memory_space<semaphore_mem>>
        %dma_wait3A_2973 = tpu.memref_squeeze %dma_wait3A_2972 : memref<1x!tpu.dma_semaphore, #tpu.memory_space<semaphore_mem>> -> memref<!tpu.dma_semaphore, #tpu.memory_space<semaphore_mem>>
        tpu.wait_indirect_dma semaphore(%dma_wait3A_2973 : memref<!tpu.dma_semaphore, #tpu.memory_space<semaphore_mem>>) src(%dma_wait3A_2971 : memref<78064x128xf32, #tpu.memory_space<hbm>>) dst(%dma_wait3A_2965 : memref<128x128xf32, #tpu.memory_space<vmem>>)
        %sub3A_2974 = arith.constant 384 : i32
        %sub3A_2975 = arith.subi %add3A_2421, %sub3A_2974 : i32
        %dma_start3A_2976 = arith.constant 1 : i32
        %dma_start3A_2977 = arith.constant 1 : i32
        %dma_start3A_2978 = arith.constant 0 : i32
        %dma_start3A_2979 = arith.constant 0 : i32
        %dma_start3A_2980 = tpu.memref_slice %arg7[%dma_start3A_2976, %dma_start3A_2978, %dma_start3A_2979] : memref<5x128x128xf32, #tpu.memory_space<vmem>> -> memref<1x128x128xf32, #tpu.memory_space<vmem>>
        %dma_start3A_2981 = tpu.memref_squeeze %dma_start3A_2980 : memref<1x128x128xf32, #tpu.memory_space<vmem>> -> memref<128x128xf32, #tpu.memory_space<vmem>>
        %dma_start3A_2982 = arith.constant 0 : i32
        %dma_start3A_2983 = tpu.memref_slice %arg4[%sub3A_2975, %dma_start3A_2982] : memref<819200x128xf32, #tpu.memory_space<hbm>> -> memref<128x128xf32, #tpu.memory_space<hbm>>
        %dma_start3A_2984 = tpu.memref_slice %arg10[%dma_start3A_2977] : memref<5x!tpu.dma_semaphore, #tpu.memory_space<semaphore_mem>> -> memref<1x!tpu.dma_semaphore, #tpu.memory_space<semaphore_mem>>
        %dma_start3A_2985 = tpu.memref_squeeze %dma_start3A_2984 : memref<1x!tpu.dma_semaphore, #tpu.memory_space<semaphore_mem>> -> memref<!tpu.dma_semaphore, #tpu.memory_space<semaphore_mem>>
        %dma_start3A_2986 = arith.constant 0 : i32
        %dma_start3A_2987 = tpu.memref_slice %arg4[%sub3A_2975, %dma_start3A_2986] : memref<819200x128xf32, #tpu.memory_space<hbm>> -> memref<128x128xf32, #tpu.memory_space<hbm>>
        %dma_start3A_2988 = arith.constant 0 : i32
        %dma_start3A_2989 = arith.constant 0 : i32
        %dma_start3A_2990 = tpu.memref_slice %arg7[%dma_start3A_2976, %dma_start3A_2988, %dma_start3A_2989] : memref<5x128x128xf32, #tpu.memory_space<vmem>> -> memref<1x128x128xf32, #tpu.memory_space<vmem>>
        %dma_start3A_2991 = tpu.memref_squeeze %dma_start3A_2990 : memref<1x128x128xf32, #tpu.memory_space<vmem>> -> memref<128x128xf32, #tpu.memory_space<vmem>>
        tpu.enqueue_dma source(%dma_start3A_2991 : memref<128x128xf32, #tpu.memory_space<vmem>>) target(%dma_start3A_2987 : memref<128x128xf32, #tpu.memory_space<hbm>>) target_semaphore(%dma_start3A_2985 : memref<!tpu.dma_semaphore, #tpu.memory_space<semaphore_mem>>)
      } else {
      }
      %ge3A_2947 = arith.constant 3 : i32
      %ge3A_2948 = arith.cmpi sge, %add3A_2418, %ge3A_2947 : i32
      %sub3A_2949 = arith.constant 3 : i32
      %sub3A_2950 = arith.subi %add3A_2418, %sub3A_2949 : i32
      %add3A_2951 = arith.constant 5 : i32
      %add3A_2952 = arith.addi %sub3A_2950, %add3A_2951 : i32
      %lt3A_2953 = arith.constant 200 : i32
      %lt3A_2954 = arith.cmpi slt, %add3A_2952, %lt3A_2953 : i32
      %and3A_2955 = arith.andi %ge3A_2948, %lt3A_2954 : i1
      %convert_element_type3A_2956 = arith.extui %and3A_2955 : i1 to i32
      %cond3A_2957 = arith.constant 0 : i32
      %cond3A_2958 = arith.cmpi ne, %convert_element_type3A_2956, %cond3A_2957 : i32
      scf.if %cond3A_2958 {
        %add3A_2959 = arith.constant 256 : i32
        %add3A_2960 = arith.addi %add3A_2421, %add3A_2959 : i32
        %dma_start3A_2961 = arith.constant 1 : i32
        %dma_start3A_2962 = arith.constant 1 : i32
        %dma_start3A_2963 = arith.constant 0 : i32
        %dma_start3A_2964 = tpu.memref_slice %arg5[%dma_start3A_2961, %dma_start3A_2963] : memref<5x128xi32, #tpu.memory_space<vmem>> -> memref<1x128xi32, #tpu.memory_space<vmem>>
        %dma_start3A_2965 = tpu.memref_squeeze %dma_start3A_2964 : memref<1x128xi32, #tpu.memory_space<vmem>> -> memref<128xi32, #tpu.memory_space<vmem>>
        %dma_start3A_2966 = tpu.memref_slice %arg3[%add3A_2960] : memref<819200xi32, #tpu.memory_space<hbm>> -> memref<128xi32, #tpu.memory_space<hbm>>
        %dma_start3A_2967 = tpu.memref_slice %arg8[%dma_start3A_2962] : memref<5x!tpu.dma_semaphore, #tpu.memory_space<semaphore_mem>> -> memref<1x!tpu.dma_semaphore, #tpu.memory_space<semaphore_mem>>
        %dma_start3A_2968 = tpu.memref_squeeze %dma_start3A_2967 : memref<1x!tpu.dma_semaphore, #tpu.memory_space<semaphore_mem>> -> memref<!tpu.dma_semaphore, #tpu.memory_space<semaphore_mem>>
        %dma_start3A_2969 = arith.constant 0 : i32
        %dma_start3A_2970 = tpu.memref_slice %arg5[%dma_start3A_2961, %dma_start3A_2969] : memref<5x128xi32, #tpu.memory_space<vmem>> -> memref<1x128xi32, #tpu.memory_space<vmem>>
        %dma_start3A_2971 = tpu.memref_squeeze %dma_start3A_2970 : memref<1x128xi32, #tpu.memory_space<vmem>> -> memref<128xi32, #tpu.memory_space<vmem>>
        %dma_start3A_2972 = tpu.memref_slice %arg3[%add3A_2960] : memref<819200xi32, #tpu.memory_space<hbm>> -> memref<128xi32, #tpu.memory_space<hbm>>
        tpu.enqueue_dma source(%dma_start3A_2972 : memref<128xi32, #tpu.memory_space<hbm>>) target(%dma_start3A_2971 : memref<128xi32, #tpu.memory_space<vmem>>) target_semaphore(%dma_start3A_2968 : memref<!tpu.dma_semaphore, #tpu.memory_space<semaphore_mem>>)
      } else {
      }
    }
    %scan3A_75 = arith.constant 40 : i32
    %dma_wait3A = arith.constant 2 : i32
    %dma_wait3A_76 = arith.constant 2 : i32
    %dma_wait3A_77 = arith.constant 2 : i32
    %dma_wait3A_78 = arith.constant 0 : i32
    %dma_wait3A_79 = arith.constant 0 : i32
    %dma_wait3A_80 = tpu.memref_slice %arg7[%dma_wait3A_76, %dma_wait3A_78, %dma_wait3A_79] : memref<5x128x128xf32, #tpu.memory_space<vmem>> -> memref<1x128x128xf32, #tpu.memory_space<vmem>>
    %dma_wait3A_81 = tpu.memref_squeeze %dma_wait3A_80 : memref<1x128x128xf32, #tpu.memory_space<vmem>> -> memref<128x128xf32, #tpu.memory_space<vmem>>
    %dma_wait3A_82 = arith.constant 0 : i32
    %dma_wait3A_83 = tpu.memref_slice %arg6[%dma_wait3A, %dma_wait3A_82] : memref<5x128xi32, #tpu.memory_space<vmem>> -> memref<1x128xi32, #tpu.memory_space<vmem>>
    %dma_wait3A_84 = tpu.memref_squeeze %dma_wait3A_83 : memref<1x128xi32, #tpu.memory_space<vmem>> -> memref<128xi32, #tpu.memory_space<vmem>>
    %dma_wait3A_85 = arith.constant 0 : i32
    %dma_wait3A_86 = arith.constant 0 : i32
    %dma_wait3A_87 = tpu.memref_slice %arg2[%dma_wait3A_85, %dma_wait3A_86] : memref<78064x128xf32, #tpu.memory_space<hbm>> -> memref<78064x128xf32, #tpu.memory_space<hbm>>
    %dma_wait3A_88 = tpu.memref_slice %arg9[%dma_wait3A_77] : memref<5x!tpu.dma_semaphore, #tpu.memory_space<semaphore_mem>> -> memref<1x!tpu.dma_semaphore, #tpu.memory_space<semaphore_mem>>
    %dma_wait3A_89 = tpu.memref_squeeze %dma_wait3A_88 : memref<1x!tpu.dma_semaphore, #tpu.memory_space<semaphore_mem>> -> memref<!tpu.dma_semaphore, #tpu.memory_space<semaphore_mem>>
    tpu.wait_indirect_dma semaphore(%dma_wait3A_89 : memref<!tpu.dma_semaphore, #tpu.memory_space<semaphore_mem>>) src(%dma_wait3A_87 : memref<78064x128xf32, #tpu.memory_space<hbm>>) dst(%dma_wait3A_81 : memref<128x128xf32, #tpu.memory_space<vmem>>)
    %add3A_90 = arith.constant 25216 : i32
    %add3A_91 = arith.addi %mul3A_2, %add3A_90 : i32
    %dma_start3A_92 = arith.constant 2 : i32
    %dma_start3A_93 = arith.constant 2 : i32
    %dma_start3A_94 = arith.constant 0 : i32
    %dma_start3A_95 = arith.constant 0 : i32
    %dma_start3A_96 = tpu.memref_slice %arg7[%dma_start3A_92, %dma_start3A_94, %dma_start3A_95] : memref<5x128x128xf32, #tpu.memory_space<vmem>> -> memref<1x128x128xf32, #tpu.memory_space<vmem>>
    %dma_start3A_97 = tpu.memref_squeeze %dma_start3A_96 : memref<1x128x128xf32, #tpu.memory_space<vmem>> -> memref<128x128xf32, #tpu.memory_space<vmem>>
    %dma_start3A_98 = arith.constant 0 : i32
    %dma_start3A_99 = tpu.memref_slice %arg4[%add3A_91, %dma_start3A_98] : memref<819200x128xf32, #tpu.memory_space<hbm>> -> memref<128x128xf32, #tpu.memory_space<hbm>>
    %dma_start3A_100 = tpu.memref_slice %arg10[%dma_start3A_93] : memref<5x!tpu.dma_semaphore, #tpu.memory_space<semaphore_mem>> -> memref<1x!tpu.dma_semaphore, #tpu.memory_space<semaphore_mem>>
    %dma_start3A_101 = tpu.memref_squeeze %dma_start3A_100 : memref<1x!tpu.dma_semaphore, #tpu.memory_space<semaphore_mem>> -> memref<!tpu.dma_semaphore, #tpu.memory_space<semaphore_mem>>
    %dma_start3A_102 = arith.constant 0 : i32
    %dma_start3A_103 = tpu.memref_slice %arg4[%add3A_91, %dma_start3A_102] : memref<819200x128xf32, #tpu.memory_space<hbm>> -> memref<128x128xf32, #tpu.memory_space<hbm>>
    %dma_start3A_104 = arith.constant 0 : i32
    %dma_start3A_105 = arith.constant 0 : i32
    %dma_start3A_106 = tpu.memref_slice %arg7[%dma_start3A_92, %dma_start3A_104, %dma_start3A_105] : memref<5x128x128xf32, #tpu.memory_space<vmem>> -> memref<1x128x128xf32, #tpu.memory_space<vmem>>
    %dma_start3A_107 = tpu.memref_squeeze %dma_start3A_106 : memref<1x128x128xf32, #tpu.memory_space<vmem>> -> memref<128x128xf32, #tpu.memory_space<vmem>>
    tpu.enqueue_dma source(%dma_start3A_107 : memref<128x128xf32, #tpu.memory_space<vmem>>) target(%dma_start3A_103 : memref<128x128xf32, #tpu.memory_space<hbm>>) target_semaphore(%dma_start3A_101 : memref<!tpu.dma_semaphore, #tpu.memory_space<semaphore_mem>>)
    %dma_wait3A_108 = arith.constant 3 : i32
    %dma_wait3A_109 = arith.constant 3 : i32
    %dma_wait3A_110 = arith.constant 3 : i32
    %dma_wait3A_111 = arith.constant 0 : i32
    %dma_wait3A_112 = arith.constant 0 : i32
    %dma_wait3A_113 = tpu.memref_slice %arg7[%dma_wait3A_109, %dma_wait3A_111, %dma_wait3A_112] : memref<5x128x128xf32, #tpu.memory_space<vmem>> -> memref<1x128x128xf32, #tpu.memory_space<vmem>>
    %dma_wait3A_114 = tpu.memref_squeeze %dma_wait3A_113 : memref<1x128x128xf32, #tpu.memory_space<vmem>> -> memref<128x128xf32, #tpu.memory_space<vmem>>
    %dma_wait3A_115 = arith.constant 0 : i32
    %dma_wait3A_116 = tpu.memref_slice %arg6[%dma_wait3A_108, %dma_wait3A_115] : memref<5x128xi32, #tpu.memory_space<vmem>> -> memref<1x128xi32, #tpu.memory_space<vmem>>
    %dma_wait3A_117 = tpu.memref_squeeze %dma_wait3A_116 : memref<1x128xi32, #tpu.memory_space<vmem>> -> memref<128xi32, #tpu.memory_space<vmem>>
    %dma_wait3A_118 = arith.constant 0 : i32
    %dma_wait3A_119 = arith.constant 0 : i32
    %dma_wait3A_120 = tpu.memref_slice %arg2[%dma_wait3A_118, %dma_wait3A_119] : memref<78064x128xf32, #tpu.memory_space<hbm>> -> memref<78064x128xf32, #tpu.memory_space<hbm>>
    %dma_wait3A_121 = tpu.memref_slice %arg9[%dma_wait3A_110] : memref<5x!tpu.dma_semaphore, #tpu.memory_space<semaphore_mem>> -> memref<1x!tpu.dma_semaphore, #tpu.memory_space<semaphore_mem>>
    %dma_wait3A_122 = tpu.memref_squeeze %dma_wait3A_121 : memref<1x!tpu.dma_semaphore, #tpu.memory_space<semaphore_mem>> -> memref<!tpu.dma_semaphore, #tpu.memory_space<semaphore_mem>>
    tpu.wait_indirect_dma semaphore(%dma_wait3A_122 : memref<!tpu.dma_semaphore, #tpu.memory_space<semaphore_mem>>) src(%dma_wait3A_120 : memref<78064x128xf32, #tpu.memory_space<hbm>>) dst(%dma_wait3A_114 : memref<128x128xf32, #tpu.memory_space<vmem>>)
    %add3A_123 = arith.constant 25344 : i32
    %add3A_124 = arith.addi %mul3A_2, %add3A_123 : i32
    %dma_start3A_125 = arith.constant 3 : i32
    %dma_start3A_126 = arith.constant 3 : i32
    %dma_start3A_127 = arith.constant 0 : i32
    %dma_start3A_128 = arith.constant 0 : i32
    %dma_start3A_129 = tpu.memref_slice %arg7[%dma_start3A_125, %dma_start3A_127, %dma_start3A_128] : memref<5x128x128xf32, #tpu.memory_space<vmem>> -> memref<1x128x128xf32, #tpu.memory_space<vmem>>
    %dma_start3A_130 = tpu.memref_squeeze %dma_start3A_129 : memref<1x128x128xf32, #tpu.memory_space<vmem>> -> memref<128x128xf32, #tpu.memory_space<vmem>>
    %dma_start3A_131 = arith.constant 0 : i32
    %dma_start3A_132 = tpu.memref_slice %arg4[%add3A_124, %dma_start3A_131] : memref<819200x128xf32, #tpu.memory_space<hbm>> -> memref<128x128xf32, #tpu.memory_space<hbm>>
    %dma_start3A_133 = tpu.memref_slice %arg10[%dma_start3A_126] : memref<5x!tpu.dma_semaphore, #tpu.memory_space<semaphore_mem>> -> memref<1x!tpu.dma_semaphore, #tpu.memory_space<semaphore_mem>>
    %dma_start3A_134 = tpu.memref_squeeze %dma_start3A_133 : memref<1x!tpu.dma_semaphore, #tpu.memory_space<semaphore_mem>> -> memref<!tpu.dma_semaphore, #tpu.memory_space<semaphore_mem>>
    %dma_start3A_135 = arith.constant 0 : i32
    %dma_start3A_136 = tpu.memref_slice %arg4[%add3A_124, %dma_start3A_135] : memref<819200x128xf32, #tpu.memory_space<hbm>> -> memref<128x128xf32, #tpu.memory_space<hbm>>
    %dma_start3A_137 = arith.constant 0 : i32
    %dma_start3A_138 = arith.constant 0 : i32
    %dma_start3A_139 = tpu.memref_slice %arg7[%dma_start3A_125, %dma_start3A_137, %dma_start3A_138] : memref<5x128x128xf32, #tpu.memory_space<vmem>> -> memref<1x128x128xf32, #tpu.memory_space<vmem>>
    %dma_start3A_140 = tpu.memref_squeeze %dma_start3A_139 : memref<1x128x128xf32, #tpu.memory_space<vmem>> -> memref<128x128xf32, #tpu.memory_space<vmem>>
    tpu.enqueue_dma source(%dma_start3A_140 : memref<128x128xf32, #tpu.memory_space<vmem>>) target(%dma_start3A_136 : memref<128x128xf32, #tpu.memory_space<hbm>>) target_semaphore(%dma_start3A_134 : memref<!tpu.dma_semaphore, #tpu.memory_space<semaphore_mem>>)
    %dma_wait3A_141 = arith.constant 4 : i32
    %dma_wait3A_142 = arith.constant 4 : i32
    %dma_wait3A_143 = arith.constant 4 : i32
    %dma_wait3A_144 = arith.constant 0 : i32
    %dma_wait3A_145 = arith.constant 0 : i32
    %dma_wait3A_146 = tpu.memref_slice %arg7[%dma_wait3A_142, %dma_wait3A_144, %dma_wait3A_145] : memref<5x128x128xf32, #tpu.memory_space<vmem>> -> memref<1x128x128xf32, #tpu.memory_space<vmem>>
    %dma_wait3A_147 = tpu.memref_squeeze %dma_wait3A_146 : memref<1x128x128xf32, #tpu.memory_space<vmem>> -> memref<128x128xf32, #tpu.memory_space<vmem>>
    %dma_wait3A_148 = arith.constant 0 : i32
    %dma_wait3A_149 = tpu.memref_slice %arg6[%dma_wait3A_141, %dma_wait3A_148] : memref<5x128xi32, #tpu.memory_space<vmem>> -> memref<1x128xi32, #tpu.memory_space<vmem>>
    %dma_wait3A_150 = tpu.memref_squeeze %dma_wait3A_149 : memref<1x128xi32, #tpu.memory_space<vmem>> -> memref<128xi32, #tpu.memory_space<vmem>>
    %dma_wait3A_151 = arith.constant 0 : i32
    %dma_wait3A_152 = arith.constant 0 : i32
    %dma_wait3A_153 = tpu.memref_slice %arg2[%dma_wait3A_151, %dma_wait3A_152] : memref<78064x128xf32, #tpu.memory_space<hbm>> -> memref<78064x128xf32, #tpu.memory_space<hbm>>
    %dma_wait3A_154 = tpu.memref_slice %arg9[%dma_wait3A_143] : memref<5x!tpu.dma_semaphore, #tpu.memory_space<semaphore_mem>> -> memref<1x!tpu.dma_semaphore, #tpu.memory_space<semaphore_mem>>
    %dma_wait3A_155 = tpu.memref_squeeze %dma_wait3A_154 : memref<1x!tpu.dma_semaphore, #tpu.memory_space<semaphore_mem>> -> memref<!tpu.dma_semaphore, #tpu.memory_space<semaphore_mem>>
    tpu.wait_indirect_dma semaphore(%dma_wait3A_155 : memref<!tpu.dma_semaphore, #tpu.memory_space<semaphore_mem>>) src(%dma_wait3A_153 : memref<78064x128xf32, #tpu.memory_space<hbm>>) dst(%dma_wait3A_147 : memref<128x128xf32, #tpu.memory_space<vmem>>)
    %add3A_156 = arith.constant 25472 : i32
    %add3A_157 = arith.addi %mul3A_2, %add3A_156 : i32
    %dma_start3A_158 = arith.constant 4 : i32
    %dma_start3A_159 = arith.constant 4 : i32
    %dma_start3A_160 = arith.constant 0 : i32
    %dma_start3A_161 = arith.constant 0 : i32
    %dma_start3A_162 = tpu.memref_slice %arg7[%dma_start3A_158, %dma_start3A_160, %dma_start3A_161] : memref<5x128x128xf32, #tpu.memory_space<vmem>> -> memref<1x128x128xf32, #tpu.memory_space<vmem>>
    %dma_start3A_163 = tpu.memref_squeeze %dma_start3A_162 : memref<1x128x128xf32, #tpu.memory_space<vmem>> -> memref<128x128xf32, #tpu.memory_space<vmem>>
    %dma_start3A_164 = arith.constant 0 : i32
    %dma_start3A_165 = tpu.memref_slice %arg4[%add3A_157, %dma_start3A_164] : memref<819200x128xf32, #tpu.memory_space<hbm>> -> memref<128x128xf32, #tpu.memory_space<hbm>>
    %dma_start3A_166 = tpu.memref_slice %arg10[%dma_start3A_159] : memref<5x!tpu.dma_semaphore, #tpu.memory_space<semaphore_mem>> -> memref<1x!tpu.dma_semaphore, #tpu.memory_space<semaphore_mem>>
    %dma_start3A_167 = tpu.memref_squeeze %dma_start3A_166 : memref<1x!tpu.dma_semaphore, #tpu.memory_space<semaphore_mem>> -> memref<!tpu.dma_semaphore, #tpu.memory_space<semaphore_mem>>
    %dma_start3A_168 = arith.constant 0 : i32
    %dma_start3A_169 = tpu.memref_slice %arg4[%add3A_157, %dma_start3A_168] : memref<819200x128xf32, #tpu.memory_space<hbm>> -> memref<128x128xf32, #tpu.memory_space<hbm>>
    %dma_start3A_170 = arith.constant 0 : i32
    %dma_start3A_171 = arith.constant 0 : i32
    %dma_start3A_172 = tpu.memref_slice %arg7[%dma_start3A_158, %dma_start3A_170, %dma_start3A_171] : memref<5x128x128xf32, #tpu.memory_space<vmem>> -> memref<1x128x128xf32, #tpu.memory_space<vmem>>
    %dma_start3A_173 = tpu.memref_squeeze %dma_start3A_172 : memref<1x128x128xf32, #tpu.memory_space<vmem>> -> memref<128x128xf32, #tpu.memory_space<vmem>>
    tpu.enqueue_dma source(%dma_start3A_173 : memref<128x128xf32, #tpu.memory_space<vmem>>) target(%dma_start3A_169 : memref<128x128xf32, #tpu.memory_space<hbm>>) target_semaphore(%dma_start3A_167 : memref<!tpu.dma_semaphore, #tpu.memory_space<semaphore_mem>>)
    %dma_wait3A_174 = arith.constant 0 : i32
    %dma_wait3A_175 = arith.constant 0 : i32
    %dma_wait3A_176 = arith.constant 0 : i32
    %dma_wait3A_177 = arith.constant 0 : i32
    %dma_wait3A_178 = tpu.memref_slice %arg7[%dma_wait3A_174, %dma_wait3A_176, %dma_wait3A_177] : memref<5x128x128xf32, #tpu.memory_space<vmem>> -> memref<1x128x128xf32, #tpu.memory_space<vmem>>
    %dma_wait3A_179 = tpu.memref_squeeze %dma_wait3A_178 : memref<1x128x128xf32, #tpu.memory_space<vmem>> -> memref<128x128xf32, #tpu.memory_space<vmem>>
    %dma_wait3A_180 = arith.constant 0 : i32
    %dma_wait3A_181 = tpu.memref_slice %arg4[%mul3A_2, %dma_wait3A_180] : memref<819200x128xf32, #tpu.memory_space<hbm>> -> memref<128x128xf32, #tpu.memory_space<hbm>>
    %dma_wait3A_182 = tpu.memref_slice %arg10[%dma_wait3A_175] : memref<5x!tpu.dma_semaphore, #tpu.memory_space<semaphore_mem>> -> memref<1x!tpu.dma_semaphore, #tpu.memory_space<semaphore_mem>>
    %dma_wait3A_183 = tpu.memref_squeeze %dma_wait3A_182 : memref<1x!tpu.dma_semaphore, #tpu.memory_space<semaphore_mem>> -> memref<!tpu.dma_semaphore, #tpu.memory_space<semaphore_mem>>
    %dma_wait3A_184 = arith.constant 0 : i32
    %dma_wait3A_185 = tpu.memref_slice %arg4[%mul3A_2, %dma_wait3A_184] : memref<819200x128xf32, #tpu.memory_space<hbm>> -> memref<128x128xf32, #tpu.memory_space<hbm>>
    %dma_wait3A_186 = arith.constant 0 : i32
    %dma_wait3A_187 = arith.constant 0 : i32
    %dma_wait3A_188 = tpu.memref_slice %arg7[%dma_wait3A_174, %dma_wait3A_186, %dma_wait3A_187] : memref<5x128x128xf32, #tpu.memory_space<vmem>> -> memref<1x128x128xf32, #tpu.memory_space<vmem>>
    %dma_wait3A_189 = tpu.memref_squeeze %dma_wait3A_188 : memref<1x128x128xf32, #tpu.memory_space<vmem>> -> memref<128x128xf32, #tpu.memory_space<vmem>>
    tpu.wait_dma2 semaphore(%dma_wait3A_183 : memref<!tpu.dma_semaphore, #tpu.memory_space<semaphore_mem>>) src(%dma_wait3A_189 : memref<128x128xf32, #tpu.memory_space<vmem>>) dst(%dma_wait3A_185 : memref<128x128xf32, #tpu.memory_space<hbm>>)
    %dma_wait3A_190 = arith.constant 1 : i32
    %dma_wait3A_191 = arith.constant 1 : i32
    %dma_wait3A_192 = arith.constant 0 : i32
    %dma_wait3A_193 = arith.constant 0 : i32
    %dma_wait3A_194 = tpu.memref_slice %arg7[%dma_wait3A_190, %dma_wait3A_192, %dma_wait3A_193] : memref<5x128x128xf32, #tpu.memory_space<vmem>> -> memref<1x128x128xf32, #tpu.memory_space<vmem>>
    %dma_wait3A_195 = tpu.memref_squeeze %dma_wait3A_194 : memref<1x128x128xf32, #tpu.memory_space<vmem>> -> memref<128x128xf32, #tpu.memory_space<vmem>>
    %dma_wait3A_196 = arith.constant 0 : i32
    %dma_wait3A_197 = tpu.memref_slice %arg4[%mul3A_2, %dma_wait3A_196] : memref<819200x128xf32, #tpu.memory_space<hbm>> -> memref<128x128xf32, #tpu.memory_space<hbm>>
    %dma_wait3A_198 = tpu.memref_slice %arg10[%dma_wait3A_191] : memref<5x!tpu.dma_semaphore, #tpu.memory_space<semaphore_mem>> -> memref<1x!tpu.dma_semaphore, #tpu.memory_space<semaphore_mem>>
    %dma_wait3A_199 = tpu.memref_squeeze %dma_wait3A_198 : memref<1x!tpu.dma_semaphore, #tpu.memory_space<semaphore_mem>> -> memref<!tpu.dma_semaphore, #tpu.memory_space<semaphore_mem>>
    %dma_wait3A_200 = arith.constant 0 : i32
    %dma_wait3A_201 = tpu.memref_slice %arg4[%mul3A_2, %dma_wait3A_200] : memref<819200x128xf32, #tpu.memory_space<hbm>> -> memref<128x128xf32, #tpu.memory_space<hbm>>
    %dma_wait3A_202 = arith.constant 0 : i32
    %dma_wait3A_203 = arith.constant 0 : i32
    %dma_wait3A_204 = tpu.memref_slice %arg7[%dma_wait3A_190, %dma_wait3A_202, %dma_wait3A_203] : memref<5x128x128xf32, #tpu.memory_space<vmem>> -> memref<1x128x128xf32, #tpu.memory_space<vmem>>
    %dma_wait3A_205 = tpu.memref_squeeze %dma_wait3A_204 : memref<1x128x128xf32, #tpu.memory_space<vmem>> -> memref<128x128xf32, #tpu.memory_space<vmem>>
    tpu.wait_dma2 semaphore(%dma_wait3A_199 : memref<!tpu.dma_semaphore, #tpu.memory_space<semaphore_mem>>) src(%dma_wait3A_205 : memref<128x128xf32, #tpu.memory_space<vmem>>) dst(%dma_wait3A_201 : memref<128x128xf32, #tpu.memory_space<hbm>>)
    %dma_wait3A_206 = arith.constant 2 : i32
    %dma_wait3A_207 = arith.constant 2 : i32
    %dma_wait3A_208 = arith.constant 0 : i32
    %dma_wait3A_209 = arith.constant 0 : i32
    %dma_wait3A_210 = tpu.memref_slice %arg7[%dma_wait3A_206, %dma_wait3A_208, %dma_wait3A_209] : memref<5x128x128xf32, #tpu.memory_space<vmem>> -> memref<1x128x128xf32, #tpu.memory_space<vmem>>
    %dma_wait3A_211 = tpu.memref_squeeze %dma_wait3A_210 : memref<1x128x128xf32, #tpu.memory_space<vmem>> -> memref<128x128xf32, #tpu.memory_space<vmem>>
    %dma_wait3A_212 = arith.constant 0 : i32
    %dma_wait3A_213 = tpu.memref_slice %arg4[%mul3A_2, %dma_wait3A_212] : memref<819200x128xf32, #tpu.memory_space<hbm>> -> memref<128x128xf32, #tpu.memory_space<hbm>>
    %dma_wait3A_214 = tpu.memref_slice %arg10[%dma_wait3A_207] : memref<5x!tpu.dma_semaphore, #tpu.memory_space<semaphore_mem>> -> memref<1x!tpu.dma_semaphore, #tpu.memory_space<semaphore_mem>>
    %dma_wait3A_215 = tpu.memref_squeeze %dma_wait3A_214 : memref<1x!tpu.dma_semaphore, #tpu.memory_space<semaphore_mem>> -> memref<!tpu.dma_semaphore, #tpu.memory_space<semaphore_mem>>
    %dma_wait3A_216 = arith.constant 0 : i32
    %dma_wait3A_217 = tpu.memref_slice %arg4[%mul3A_2, %dma_wait3A_216] : memref<819200x128xf32, #tpu.memory_space<hbm>> -> memref<128x128xf32, #tpu.memory_space<hbm>>
    %dma_wait3A_218 = arith.constant 0 : i32
    %dma_wait3A_219 = arith.constant 0 : i32
    %dma_wait3A_220 = tpu.memref_slice %arg7[%dma_wait3A_206, %dma_wait3A_218, %dma_wait3A_219] : memref<5x128x128xf32, #tpu.memory_space<vmem>> -> memref<1x128x128xf32, #tpu.memory_space<vmem>>
    %dma_wait3A_221 = tpu.memref_squeeze %dma_wait3A_220 : memref<1x128x128xf32, #tpu.memory_space<vmem>> -> memref<128x128xf32, #tpu.memory_space<vmem>>
    tpu.wait_dma2 semaphore(%dma_wait3A_215 : memref<!tpu.dma_semaphore, #tpu.memory_space<semaphore_mem>>) src(%dma_wait3A_221 : memref<128x128xf32, #tpu.memory_space<vmem>>) dst(%dma_wait3A_217 : memref<128x128xf32, #tpu.memory_space<hbm>>)
    %dma_wait3A_222 = arith.constant 3 : i32
    %dma_wait3A_223 = arith.constant 3 : i32
    %dma_wait3A_224 = arith.constant 0 : i32
    %dma_wait3A_225 = arith.constant 0 : i32
    %dma_wait3A_226 = tpu.memref_slice %arg7[%dma_wait3A_222, %dma_wait3A_224, %dma_wait3A_225] : memref<5x128x128xf32, #tpu.memory_space<vmem>> -> memref<1x128x128xf32, #tpu.memory_space<vmem>>
    %dma_wait3A_227 = tpu.memref_squeeze %dma_wait3A_226 : memref<1x128x128xf32, #tpu.memory_space<vmem>> -> memref<128x128xf32, #tpu.memory_space<vmem>>
    %dma_wait3A_228 = arith.constant 0 : i32
    %dma_wait3A_229 = tpu.memref_slice %arg4[%mul3A_2, %dma_wait3A_228] : memref<819200x128xf32, #tpu.memory_space<hbm>> -> memref<128x128xf32, #tpu.memory_space<hbm>>
    %dma_wait3A_230 = tpu.memref_slice %arg10[%dma_wait3A_223] : memref<5x!tpu.dma_semaphore, #tpu.memory_space<semaphore_mem>> -> memref<1x!tpu.dma_semaphore, #tpu.memory_space<semaphore_mem>>
    %dma_wait3A_231 = tpu.memref_squeeze %dma_wait3A_230 : memref<1x!tpu.dma_semaphore, #tpu.memory_space<semaphore_mem>> -> memref<!tpu.dma_semaphore, #tpu.memory_space<semaphore_mem>>
    %dma_wait3A_232 = arith.constant 0 : i32
    %dma_wait3A_233 = tpu.memref_slice %arg4[%mul3A_2, %dma_wait3A_232] : memref<819200x128xf32, #tpu.memory_space<hbm>> -> memref<128x128xf32, #tpu.memory_space<hbm>>
    %dma_wait3A_234 = arith.constant 0 : i32
    %dma_wait3A_235 = arith.constant 0 : i32
    %dma_wait3A_236 = tpu.memref_slice %arg7[%dma_wait3A_222, %dma_wait3A_234, %dma_wait3A_235] : memref<5x128x128xf32, #tpu.memory_space<vmem>> -> memref<1x128x128xf32, #tpu.memory_space<vmem>>
    %dma_wait3A_237 = tpu.memref_squeeze %dma_wait3A_236 : memref<1x128x128xf32, #tpu.memory_space<vmem>> -> memref<128x128xf32, #tpu.memory_space<vmem>>
    tpu.wait_dma2 semaphore(%dma_wait3A_231 : memref<!tpu.dma_semaphore, #tpu.memory_space<semaphore_mem>>) src(%dma_wait3A_237 : memref<128x128xf32, #tpu.memory_space<vmem>>) dst(%dma_wait3A_233 : memref<128x128xf32, #tpu.memory_space<hbm>>)
    %dma_wait3A_238 = arith.constant 4 : i32
    %dma_wait3A_239 = arith.constant 4 : i32
    %dma_wait3A_240 = arith.constant 0 : i32
    %dma_wait3A_241 = arith.constant 0 : i32
    %dma_wait3A_242 = tpu.memref_slice %arg7[%dma_wait3A_238, %dma_wait3A_240, %dma_wait3A_241] : memref<5x128x128xf32, #tpu.memory_space<vmem>> -> memref<1x128x128xf32, #tpu.memory_space<vmem>>
    %dma_wait3A_243 = tpu.memref_squeeze %dma_wait3A_242 : memref<1x128x128xf32, #tpu.memory_space<vmem>> -> memref<128x128xf32, #tpu.memory_space<vmem>>
    %dma_wait3A_244 = arith.constant 0 : i32
    %dma_wait3A_245 = tpu.memref_slice %arg4[%mul3A_2, %dma_wait3A_244] : memref<819200x128xf32, #tpu.memory_space<hbm>> -> memref<128x128xf32, #tpu.memory_space<hbm>>
    %dma_wait3A_246 = tpu.memref_slice %arg10[%dma_wait3A_239] : memref<5x!tpu.dma_semaphore, #tpu.memory_space<semaphore_mem>> -> memref<1x!tpu.dma_semaphore, #tpu.memory_space<semaphore_mem>>
    %dma_wait3A_247 = tpu.memref_squeeze %dma_wait3A_246 : memref<1x!tpu.dma_semaphore, #tpu.memory_space<semaphore_mem>> -> memref<!tpu.dma_semaphore, #tpu.memory_space<semaphore_mem>>
    %dma_wait3A_248 = arith.constant 0 : i32
    %dma_wait3A_249 = tpu.memref_slice %arg4[%mul3A_2, %dma_wait3A_248] : memref<819200x128xf32, #tpu.memory_space<hbm>> -> memref<128x128xf32, #tpu.memory_space<hbm>>
    %dma_wait3A_250 = arith.constant 0 : i32
    %dma_wait3A_251 = arith.constant 0 : i32
    %dma_wait3A_252 = tpu.memref_slice %arg7[%dma_wait3A_238, %dma_wait3A_250, %dma_wait3A_251] : memref<5x128x128xf32, #tpu.memory_space<vmem>> -> memref<1x128x128xf32, #tpu.memory_space<vmem>>
    %dma_wait3A_253 = tpu.memref_squeeze %dma_wait3A_252 : memref<1x128x128xf32, #tpu.memory_space<vmem>> -> memref<128x128xf32, #tpu.memory_space<vmem>>
    tpu.wait_dma2 semaphore(%dma_wait3A_247 : memref<!tpu.dma_semaphore, #tpu.memory_space<semaphore_mem>>) src(%dma_wait3A_253 : memref<128x128xf32, #tpu.memory_space<vmem>>) dst(%dma_wait3A_249 : memref<128x128xf32, #tpu.memory_space<hbm>>)
    return
  }
}

module attributes {stable_mosaic.version = 14 : i64} {
  func.func @_table_body(%arg0: i32, %arg1: memref<7x32xf32, #tpu.memory_space<vmem>>, %arg2: memref<43x32xf32, #tpu.memory_space<vmem>>, %arg3: memref<4x32xf32, #tpu.memory_space<vmem>>, %arg4: memref<4x32xf32, #tpu.memory_space<vmem>>, %arg5: memref<128x128xf32, #tpu.memory_space<vmem>>, %arg6: memref<1x128xf32, #tpu.memory_space<vmem>>, %arg7: memref<128x128xf32, #tpu.memory_space<vmem>>, %arg8: memref<1x128xf32, #tpu.memory_space<vmem>>, %arg9: memref<1x1x128xf32, #tpu.memory_space<vmem>>, %arg10: memref<4592x128xf32, #tpu.memory_space<vmem>>, %arg11: memref<4592x128xf32, #tpu.memory_space<vmem>>) attributes {dimension_semantics = [#tpu.dimension_semantics<arbitrary>], iteration_bounds = array<i64: 17>, scalar_prefetch = 0 : i64, scratch_operands = 1 : i64, tpu.core_type = #tpu.core_type<tc>, window_params = [{pipeline_mode = #tpu.pipeline_mode<synchronous>, transform_indices = @transform_0, window_bounds = array<i64: 7, 32>}, {pipeline_mode = #tpu.pipeline_mode<synchronous>, transform_indices = @transform_1, window_bounds = array<i64: 43, 32>}, {pipeline_mode = #tpu.pipeline_mode<synchronous>, transform_indices = @transform_2, window_bounds = array<i64: 4, 32>}, {pipeline_mode = #tpu.pipeline_mode<synchronous>, transform_indices = @transform_3, window_bounds = array<i64: 4, 32>}, {pipeline_mode = #tpu.pipeline_mode<synchronous>, transform_indices = @transform_4, window_bounds = array<i64: 128, 128>}, {pipeline_mode = #tpu.pipeline_mode<synchronous>, transform_indices = @transform_5, window_bounds = array<i64: 1, 128>}, {pipeline_mode = #tpu.pipeline_mode<synchronous>, transform_indices = @transform_6, window_bounds = array<i64: 128, 128>}, {pipeline_mode = #tpu.pipeline_mode<synchronous>, transform_indices = @transform_7, window_bounds = array<i64: 1, 128>}, {transform_indices = @transform_8, window_bounds = array<i64: 1, 1, 128>}, {transform_indices = @transform_9, window_bounds = array<i64: 4592, 128>}]} {
    %eq3A = arith.constant 0 : i32
    %eq3A_0 = arith.cmpi eq, %arg0, %eq3A : i32
    %convert_element_type3A = arith.extui %eq3A_0 : i1 to i32
    %cond3A = arith.constant 0 : i32
    %cond3A_1 = arith.cmpi ne, %convert_element_type3A, %cond3A : i32
    scf.if %cond3A_1 {
      %iota3A = tpu.iota {dimensions = array<i32: 0>} : vector<4x32xi32>
      %eq3A_12 = arith.constant 2 : i32
      %eq3A_13 = vector.broadcast %eq3A_12 : i32 to vector<4x32xi32>
      %eq3A_14 = arith.cmpi eq, %iota3A, %eq3A_13 : vector<4x32xi32>
      %get3A_15 = arith.constant 0 : index
      %get3A_16 = arith.constant 0 : index
      %get3A_17 = vector.load %arg4[%get3A_15, %get3A_16] : memref<4x32xf32, #tpu.memory_space<vmem>>, vector<4x32xf32>
      %jit3A = arith.constant 0.000000e+00 : f32
      %broadcast_in_dim3A = vector.broadcast %jit3A : f32 to vector<4x32xf32>
      %select_n3A = arith.select %eq3A_14, %broadcast_in_dim3A, %get3A_17 : vector<4x32xi1>, vector<4x32xf32>
      %get3A_18 = arith.constant 0 : index
      %get3A_19 = arith.constant 0 : index
      %get3A_20 = vector.load %arg5[%get3A_18, %get3A_19] : memref<128x128xf32, #tpu.memory_space<vmem>>, vector<128x128xf32>
      %get3A_21 = arith.constant 0 : index
      %get3A_22 = arith.constant 0 : index
      %get3A_23 = vector.load %arg1[%get3A_21, %get3A_22] : memref<7x32xf32, #tpu.memory_space<vmem>>, vector<7x32xf32>
      %slice3A = vector.extract_strided_slice %get3A_20 {offsets = [0, 0], sizes = [32, 128], strides = [1, 1]} : vector<128x128xf32> to vector<32x128xf32>
      %dot_general3A = arith.constant dense<0.000000e+00> : vector<7x128xf32>
      %dot_general3A_24 = tpu.matmul %get3A_23, %slice3A, %dot_general3A {dimension_numbers = #tpu.dot_dimension_numbers<[1], [0], [0], [1], [0, 0, 1, 1], [], []>, transpose_lhs_hint = false} : vector<7x32xf32>, vector<32x128xf32>, vector<7x128xf32> -> vector<7x128xf32>
      %get3A_25 = arith.constant 0 : index
      %get3A_26 = arith.constant 0 : index
      %get3A_27 = vector.load %arg2[%get3A_25, %get3A_26] : memref<43x32xf32, #tpu.memory_space<vmem>>, vector<41x32xf32>
      %slice3A_28 = vector.extract_strided_slice %get3A_20 {offsets = [32, 0], sizes = [32, 128], strides = [1, 1]} : vector<128x128xf32> to vector<32x128xf32>
      %dot_general3A_29 = arith.constant dense<0.000000e+00> : vector<41x128xf32>
      %dot_general3A_30 = tpu.matmul %get3A_27, %slice3A_28, %dot_general3A_29 {dimension_numbers = #tpu.dot_dimension_numbers<[1], [0], [0], [1], [0, 0, 1, 1], [], []>, transpose_lhs_hint = false} : vector<41x32xf32>, vector<32x128xf32>, vector<41x128xf32> -> vector<41x128xf32>
      %get3A_31 = arith.constant 0 : index
      %get3A_32 = arith.constant 0 : index
      %get3A_33 = vector.load %arg3[%get3A_31, %get3A_32] : memref<4x32xf32, #tpu.memory_space<vmem>>, vector<4x32xf32>
      %slice3A_34 = vector.extract_strided_slice %get3A_20 {offsets = [64, 0], sizes = [32, 128], strides = [1, 1]} : vector<128x128xf32> to vector<32x128xf32>
      %dot_general3A_35 = arith.constant dense<0.000000e+00> : vector<4x128xf32>
      %dot_general3A_36 = tpu.matmul %get3A_33, %slice3A_34, %dot_general3A_35 {dimension_numbers = #tpu.dot_dimension_numbers<[1], [0], [0], [1], [0, 0, 1, 1], [], []>, transpose_lhs_hint = false} : vector<4x32xf32>, vector<32x128xf32>, vector<4x128xf32> -> vector<4x128xf32>
      %slice3A_37 = vector.extract_strided_slice %get3A_20 {offsets = [96, 0], sizes = [32, 128], strides = [1, 1]} : vector<128x128xf32> to vector<32x128xf32>
      %dot_general3A_38 = arith.constant dense<0.000000e+00> : vector<4x128xf32>
      %dot_general3A_39 = tpu.matmul %select_n3A, %slice3A_37, %dot_general3A_38 {dimension_numbers = #tpu.dot_dimension_numbers<[1], [0], [0], [1], [0, 0, 1, 1], [], []>, transpose_lhs_hint = false} : vector<4x32xf32>, vector<32x128xf32>, vector<4x128xf32> -> vector<4x128xf32>
      %concatenate3A = tpu.concatenate %dot_general3A_24, %dot_general3A_30, %dot_general3A_36, %dot_general3A_39 in 0 : vector<7x128xf32>, vector<41x128xf32>, vector<4x128xf32>, vector<4x128xf32> -> vector<56x128xf32>
      %get3A_40 = arith.constant 0 : index
      %get3A_41 = arith.constant 0 : index
      %get3A_42 = vector.load %arg7[%get3A_40, %get3A_41] : memref<128x128xf32, #tpu.memory_space<vmem>>, vector<128x128xf32>
      %get3A_43 = arith.constant 0 : index
      %get3A_44 = arith.constant 0 : index
      %get3A_45 = vector.load %arg1[%get3A_43, %get3A_44] : memref<7x32xf32, #tpu.memory_space<vmem>>, vector<7x32xf32>
      %slice3A_46 = vector.extract_strided_slice %get3A_42 {offsets = [0, 0], sizes = [32, 128], strides = [1, 1]} : vector<128x128xf32> to vector<32x128xf32>
      %dot_general3A_47 = arith.constant dense<0.000000e+00> : vector<7x128xf32>
      %dot_general3A_48 = tpu.matmul %get3A_45, %slice3A_46, %dot_general3A_47 {dimension_numbers = #tpu.dot_dimension_numbers<[1], [0], [0], [1], [0, 0, 1, 1], [], []>, transpose_lhs_hint = false} : vector<7x32xf32>, vector<32x128xf32>, vector<7x128xf32> -> vector<7x128xf32>
      %get3A_49 = arith.constant 0 : index
      %get3A_50 = arith.constant 0 : index
      %get3A_51 = vector.load %arg2[%get3A_49, %get3A_50] : memref<43x32xf32, #tpu.memory_space<vmem>>, vector<41x32xf32>
      %slice3A_52 = vector.extract_strided_slice %get3A_42 {offsets = [32, 0], sizes = [32, 128], strides = [1, 1]} : vector<128x128xf32> to vector<32x128xf32>
      %dot_general3A_53 = arith.constant dense<0.000000e+00> : vector<41x128xf32>
      %dot_general3A_54 = tpu.matmul %get3A_51, %slice3A_52, %dot_general3A_53 {dimension_numbers = #tpu.dot_dimension_numbers<[1], [0], [0], [1], [0, 0, 1, 1], [], []>, transpose_lhs_hint = false} : vector<41x32xf32>, vector<32x128xf32>, vector<41x128xf32> -> vector<41x128xf32>
      %get3A_55 = arith.constant 0 : index
      %get3A_56 = arith.constant 0 : index
      %get3A_57 = vector.load %arg3[%get3A_55, %get3A_56] : memref<4x32xf32, #tpu.memory_space<vmem>>, vector<4x32xf32>
      %slice3A_58 = vector.extract_strided_slice %get3A_42 {offsets = [64, 0], sizes = [32, 128], strides = [1, 1]} : vector<128x128xf32> to vector<32x128xf32>
      %dot_general3A_59 = arith.constant dense<0.000000e+00> : vector<4x128xf32>
      %dot_general3A_60 = tpu.matmul %get3A_57, %slice3A_58, %dot_general3A_59 {dimension_numbers = #tpu.dot_dimension_numbers<[1], [0], [0], [1], [0, 0, 1, 1], [], []>, transpose_lhs_hint = false} : vector<4x32xf32>, vector<32x128xf32>, vector<4x128xf32> -> vector<4x128xf32>
      %slice3A_61 = vector.extract_strided_slice %get3A_42 {offsets = [96, 0], sizes = [32, 128], strides = [1, 1]} : vector<128x128xf32> to vector<32x128xf32>
      %dot_general3A_62 = arith.constant dense<0.000000e+00> : vector<4x128xf32>
      %dot_general3A_63 = tpu.matmul %select_n3A, %slice3A_61, %dot_general3A_62 {dimension_numbers = #tpu.dot_dimension_numbers<[1], [0], [0], [1], [0, 0, 1, 1], [], []>, transpose_lhs_hint = false} : vector<4x32xf32>, vector<32x128xf32>, vector<4x128xf32> -> vector<4x128xf32>
      %concatenate3A_64 = tpu.concatenate %dot_general3A_48, %dot_general3A_54, %dot_general3A_60, %dot_general3A_63 in 0 : vector<7x128xf32>, vector<41x128xf32>, vector<4x128xf32>, vector<4x128xf32> -> vector<56x128xf32>
      %iota3A_65 = tpu.iota {dimensions = array<i32: 0>} : vector<4592x56xi32>
      %iota3A_66 = tpu.iota {dimensions = array<i32: 1>} : vector<4592x56xi32>
      %jit3A_67 = arith.constant 656 : i32
      %div3A = vector.broadcast %jit3A_67 : i32 to vector<4592x56xi32>
      %div3A_68 = arith.divsi %iota3A_65, %div3A : vector<4592x56xi32>
      %sign3A = arith.constant 0 : i32
      %sign3A_69 = vector.broadcast %sign3A : i32 to vector<4592x56xi32>
      %sign3A_70 = arith.cmpi sgt, %iota3A_65, %sign3A_69 : vector<4592x56xi32>
      %sign3A_71 = arith.extui %sign3A_70 : vector<4592x56xi1> to vector<4592x56xi32>
      %sign3A_72 = arith.constant 0 : i32
      %sign3A_73 = vector.broadcast %sign3A_72 : i32 to vector<4592x56xi32>
      %sign3A_74 = arith.cmpi slt, %iota3A_65, %sign3A_73 : vector<4592x56xi32>
      %sign3A_75 = arith.extui %sign3A_74 : vector<4592x56xi1> to vector<4592x56xi32>
      %sign3A_76 = arith.subi %sign3A_71, %sign3A_75 : vector<4592x56xi32>
      %sign3A_77 = arith.constant 0 : i32
      %sign3A_78 = arith.cmpi sgt, %jit3A_67, %sign3A_77 : i32
      %sign3A_79 = arith.extui %sign3A_78 : i1 to i32
      %sign3A_80 = arith.constant 0 : i32
      %sign3A_81 = arith.cmpi slt, %jit3A_67, %sign3A_80 : i32
      %sign3A_82 = arith.extui %sign3A_81 : i1 to i32
      %sign3A_83 = arith.subi %sign3A_79, %sign3A_82 : i32
      %ne3A = vector.broadcast %sign3A_83 : i32 to vector<4592x56xi32>
      %ne3A_84 = arith.cmpi ne, %sign3A_76, %ne3A : vector<4592x56xi32>
      %rem3A = vector.broadcast %jit3A_67 : i32 to vector<4592x56xi32>
      %rem3A_85 = arith.remsi %iota3A_65, %rem3A : vector<4592x56xi32>
      %ne3A_86 = arith.constant 0 : i32
      %ne3A_87 = vector.broadcast %ne3A_86 : i32 to vector<4592x56xi32>
      %ne3A_88 = arith.cmpi ne, %rem3A_85, %ne3A_87 : vector<4592x56xi32>
      %and3A = arith.andi %ne3A_84, %ne3A_88 : vector<4592x56xi1>
      %sub3A = arith.constant 1 : i32
      %sub3A_89 = vector.broadcast %sub3A : i32 to vector<4592x56xi32>
      %sub3A_90 = arith.subi %div3A_68, %sub3A_89 : vector<4592x56xi32>
      %select_n3A_91 = arith.select %and3A, %sub3A_90, %div3A_68 : vector<4592x56xi1>, vector<4592x56xi32>
      %eq3A_92 = arith.cmpi eq, %iota3A_66, %select_n3A_91 : vector<4592x56xi32>
      %jit3A_93 = arith.constant 16 : i32
      %div3A_94 = vector.broadcast %jit3A_93 : i32 to vector<4592x56xi32>
      %div3A_95 = arith.divsi %iota3A_65, %div3A_94 : vector<4592x56xi32>
      %sign3A_96 = arith.constant 0 : i32
      %sign3A_97 = vector.broadcast %sign3A_96 : i32 to vector<4592x56xi32>
      %sign3A_98 = arith.cmpi sgt, %iota3A_65, %sign3A_97 : vector<4592x56xi32>
      %sign3A_99 = arith.extui %sign3A_98 : vector<4592x56xi1> to vector<4592x56xi32>
      %sign3A_100 = arith.constant 0 : i32
      %sign3A_101 = vector.broadcast %sign3A_100 : i32 to vector<4592x56xi32>
      %sign3A_102 = arith.cmpi slt, %iota3A_65, %sign3A_101 : vector<4592x56xi32>
      %sign3A_103 = arith.extui %sign3A_102 : vector<4592x56xi1> to vector<4592x56xi32>
      %sign3A_104 = arith.subi %sign3A_99, %sign3A_103 : vector<4592x56xi32>
      %sign3A_105 = arith.constant 0 : i32
      %sign3A_106 = arith.cmpi sgt, %jit3A_93, %sign3A_105 : i32
      %sign3A_107 = arith.extui %sign3A_106 : i1 to i32
      %sign3A_108 = arith.constant 0 : i32
      %sign3A_109 = arith.cmpi slt, %jit3A_93, %sign3A_108 : i32
      %sign3A_110 = arith.extui %sign3A_109 : i1 to i32
      %sign3A_111 = arith.subi %sign3A_107, %sign3A_110 : i32
      %ne3A_112 = vector.broadcast %sign3A_111 : i32 to vector<4592x56xi32>
      %ne3A_113 = arith.cmpi ne, %sign3A_104, %ne3A_112 : vector<4592x56xi32>
      %rem3A_114 = vector.broadcast %jit3A_93 : i32 to vector<4592x56xi32>
      %rem3A_115 = arith.remsi %iota3A_65, %rem3A_114 : vector<4592x56xi32>
      %ne3A_116 = arith.constant 0 : i32
      %ne3A_117 = vector.broadcast %ne3A_116 : i32 to vector<4592x56xi32>
      %ne3A_118 = arith.cmpi ne, %rem3A_115, %ne3A_117 : vector<4592x56xi32>
      %and3A_119 = arith.andi %ne3A_113, %ne3A_118 : vector<4592x56xi1>
      %sub3A_120 = arith.constant 1 : i32
      %sub3A_121 = vector.broadcast %sub3A_120 : i32 to vector<4592x56xi32>
      %sub3A_122 = arith.subi %div3A_95, %sub3A_121 : vector<4592x56xi32>
      %select_n3A_123 = arith.select %and3A_119, %sub3A_122, %div3A_95 : vector<4592x56xi1>, vector<4592x56xi32>
      %jit3A_124 = arith.constant 41 : i32
      %eq3A_125 = arith.constant 0 : i32
      %eq3A_126 = arith.cmpi eq, %jit3A_124, %eq3A_125 : i32
      %jit3A_127 = arith.constant 1 : i32
      %select_n3A_128 = arith.select %eq3A_126, %jit3A_127, %jit3A_124 : i32
      %rem3A_129 = vector.broadcast %select_n3A_128 : i32 to vector<4592x56xi32>
      %rem3A_130 = arith.remsi %select_n3A_123, %rem3A_129 : vector<4592x56xi32>
      %ne3A_131 = arith.constant 0 : i32
      %ne3A_132 = vector.broadcast %ne3A_131 : i32 to vector<4592x56xi32>
      %ne3A_133 = arith.cmpi ne, %rem3A_130, %ne3A_132 : vector<4592x56xi32>
      %lt3A = arith.constant 0 : i32
      %lt3A_134 = vector.broadcast %lt3A : i32 to vector<4592x56xi32>
      %lt3A_135 = arith.cmpi slt, %rem3A_130, %lt3A_134 : vector<4592x56xi32>
      %lt3A_136 = arith.constant 0 : i32
      %lt3A_137 = arith.cmpi slt, %select_n3A_128, %lt3A_136 : i32
      %ne3A_138 = vector.broadcast %lt3A_137 : i1 to vector<4592x56xi1>
      %ne3A_139 = vector.broadcast %ne3A_138 : vector<4592x56xi1> to vector<4592x56xi1>
      %ne3A_140 = arith.xori %lt3A_135, %ne3A_139 : vector<4592x56xi1>
      %and3A_141 = arith.andi %ne3A_140, %ne3A_133 : vector<4592x56xi1>
      %add3A_142 = vector.broadcast %select_n3A_128 : i32 to vector<4592x56xi32>
      %add3A_143 = arith.addi %rem3A_130, %add3A_142 : vector<4592x56xi32>
      %select_n3A_144 = arith.select %and3A_141, %add3A_143, %rem3A_130 : vector<4592x56xi1>, vector<4592x56xi32>
      %add3A_145 = arith.constant 7 : i32
      %add3A_146 = vector.broadcast %add3A_145 : i32 to vector<4592x56xi32>
      %add3A_147 = arith.addi %add3A_146, %select_n3A_144 : vector<4592x56xi32>
      %eq3A_148 = arith.cmpi eq, %iota3A_66, %add3A_147 : vector<4592x56xi32>
      %or3A = arith.ori %eq3A_92, %eq3A_148 : vector<4592x56xi1>
      %jit3A_149 = arith.constant 16 : i32
      %eq3A_150 = arith.constant 0 : i32
      %eq3A_151 = arith.cmpi eq, %jit3A_149, %eq3A_150 : i32
      %jit3A_152 = arith.constant 1 : i32
      %select_n3A_153 = arith.select %eq3A_151, %jit3A_152, %jit3A_149 : i32
      %rem3A_154 = vector.broadcast %select_n3A_153 : i32 to vector<4592x56xi32>
      %rem3A_155 = arith.remsi %iota3A_65, %rem3A_154 : vector<4592x56xi32>
      %ne3A_156 = arith.constant 0 : i32
      %ne3A_157 = vector.broadcast %ne3A_156 : i32 to vector<4592x56xi32>
      %ne3A_158 = arith.cmpi ne, %rem3A_155, %ne3A_157 : vector<4592x56xi32>
      %lt3A_159 = arith.constant 0 : i32
      %lt3A_160 = vector.broadcast %lt3A_159 : i32 to vector<4592x56xi32>
      %lt3A_161 = arith.cmpi slt, %rem3A_155, %lt3A_160 : vector<4592x56xi32>
      %lt3A_162 = arith.constant 0 : i32
      %lt3A_163 = arith.cmpi slt, %select_n3A_153, %lt3A_162 : i32
      %ne3A_164 = vector.broadcast %lt3A_163 : i1 to vector<4592x56xi1>
      %ne3A_165 = vector.broadcast %ne3A_164 : vector<4592x56xi1> to vector<4592x56xi1>
      %ne3A_166 = arith.xori %lt3A_161, %ne3A_165 : vector<4592x56xi1>
      %and3A_167 = arith.andi %ne3A_166, %ne3A_158 : vector<4592x56xi1>
      %add3A_168 = vector.broadcast %select_n3A_153 : i32 to vector<4592x56xi32>
      %add3A_169 = arith.addi %rem3A_155, %add3A_168 : vector<4592x56xi32>
      %select_n3A_170 = arith.select %and3A_167, %add3A_169, %rem3A_155 : vector<4592x56xi1>, vector<4592x56xi32>
      %jit3A_171 = arith.constant 4 : i32
      %div3A_172 = vector.broadcast %jit3A_171 : i32 to vector<4592x56xi32>
      %div3A_173 = arith.divsi %select_n3A_170, %div3A_172 : vector<4592x56xi32>
      %sign3A_174 = arith.constant 0 : i32
      %sign3A_175 = vector.broadcast %sign3A_174 : i32 to vector<4592x56xi32>
      %sign3A_176 = arith.cmpi sgt, %select_n3A_170, %sign3A_175 : vector<4592x56xi32>
      %sign3A_177 = arith.extui %sign3A_176 : vector<4592x56xi1> to vector<4592x56xi32>
      %sign3A_178 = arith.constant 0 : i32
      %sign3A_179 = vector.broadcast %sign3A_178 : i32 to vector<4592x56xi32>
      %sign3A_180 = arith.cmpi slt, %select_n3A_170, %sign3A_179 : vector<4592x56xi32>
      %sign3A_181 = arith.extui %sign3A_180 : vector<4592x56xi1> to vector<4592x56xi32>
      %sign3A_182 = arith.subi %sign3A_177, %sign3A_181 : vector<4592x56xi32>
      %sign3A_183 = arith.constant 0 : i32
      %sign3A_184 = arith.cmpi sgt, %jit3A_171, %sign3A_183 : i32
      %sign3A_185 = arith.extui %sign3A_184 : i1 to i32
      %sign3A_186 = arith.constant 0 : i32
      %sign3A_187 = arith.cmpi slt, %jit3A_171, %sign3A_186 : i32
      %sign3A_188 = arith.extui %sign3A_187 : i1 to i32
      %sign3A_189 = arith.subi %sign3A_185, %sign3A_188 : i32
      %ne3A_190 = vector.broadcast %sign3A_189 : i32 to vector<4592x56xi32>
      %ne3A_191 = arith.cmpi ne, %sign3A_182, %ne3A_190 : vector<4592x56xi32>
      %rem3A_192 = vector.broadcast %jit3A_171 : i32 to vector<4592x56xi32>
      %rem3A_193 = arith.remsi %select_n3A_170, %rem3A_192 : vector<4592x56xi32>
      %ne3A_194 = arith.constant 0 : i32
      %ne3A_195 = vector.broadcast %ne3A_194 : i32 to vector<4592x56xi32>
      %ne3A_196 = arith.cmpi ne, %rem3A_193, %ne3A_195 : vector<4592x56xi32>
      %and3A_197 = arith.andi %ne3A_191, %ne3A_196 : vector<4592x56xi1>
      %sub3A_198 = arith.constant 1 : i32
      %sub3A_199 = vector.broadcast %sub3A_198 : i32 to vector<4592x56xi32>
      %sub3A_200 = arith.subi %div3A_173, %sub3A_199 : vector<4592x56xi32>
      %select_n3A_201 = arith.select %and3A_197, %sub3A_200, %div3A_173 : vector<4592x56xi1>, vector<4592x56xi32>
      %add3A_202 = arith.constant 48 : i32
      %add3A_203 = vector.broadcast %add3A_202 : i32 to vector<4592x56xi32>
      %add3A_204 = arith.addi %add3A_203, %select_n3A_201 : vector<4592x56xi32>
      %eq3A_205 = arith.cmpi eq, %iota3A_66, %add3A_204 : vector<4592x56xi32>
      %or3A_206 = arith.ori %or3A, %eq3A_205 : vector<4592x56xi1>
      %jit3A_207 = arith.constant 4 : i32
      %eq3A_208 = arith.constant 0 : i32
      %eq3A_209 = arith.cmpi eq, %jit3A_207, %eq3A_208 : i32
      %jit3A_210 = arith.constant 1 : i32
      %select_n3A_211 = arith.select %eq3A_209, %jit3A_210, %jit3A_207 : i32
      %rem3A_212 = vector.broadcast %select_n3A_211 : i32 to vector<4592x56xi32>
      %rem3A_213 = arith.remsi %iota3A_65, %rem3A_212 : vector<4592x56xi32>
      %ne3A_214 = arith.constant 0 : i32
      %ne3A_215 = vector.broadcast %ne3A_214 : i32 to vector<4592x56xi32>
      %ne3A_216 = arith.cmpi ne, %rem3A_213, %ne3A_215 : vector<4592x56xi32>
      %lt3A_217 = arith.constant 0 : i32
      %lt3A_218 = vector.broadcast %lt3A_217 : i32 to vector<4592x56xi32>
      %lt3A_219 = arith.cmpi slt, %rem3A_213, %lt3A_218 : vector<4592x56xi32>
      %lt3A_220 = arith.constant 0 : i32
      %lt3A_221 = arith.cmpi slt, %select_n3A_211, %lt3A_220 : i32
      %ne3A_222 = vector.broadcast %lt3A_221 : i1 to vector<4592x56xi1>
      %ne3A_223 = vector.broadcast %ne3A_222 : vector<4592x56xi1> to vector<4592x56xi1>
      %ne3A_224 = arith.xori %lt3A_219, %ne3A_223 : vector<4592x56xi1>
      %and3A_225 = arith.andi %ne3A_224, %ne3A_216 : vector<4592x56xi1>
      %add3A_226 = vector.broadcast %select_n3A_211 : i32 to vector<4592x56xi32>
      %add3A_227 = arith.addi %rem3A_213, %add3A_226 : vector<4592x56xi32>
      %select_n3A_228 = arith.select %and3A_225, %add3A_227, %rem3A_213 : vector<4592x56xi1>, vector<4592x56xi32>
      %add3A_229 = arith.constant 52 : i32
      %add3A_230 = vector.broadcast %add3A_229 : i32 to vector<4592x56xi32>
      %add3A_231 = arith.addi %add3A_230, %select_n3A_228 : vector<4592x56xi32>
      %eq3A_232 = arith.cmpi eq, %iota3A_66, %add3A_231 : vector<4592x56xi32>
      %or3A_233 = arith.ori %or3A_206, %eq3A_232 : vector<4592x56xi1>
      %convert_element_type3A_234 = arith.extui %or3A_233 : vector<4592x56xi1> to vector<4592x56xi32>
      %convert_element_type3A_235 = arith.sitofp %convert_element_type3A_234 : vector<4592x56xi32> to vector<4592x56xf32>
      %dot_general3A_236 = arith.constant dense<0.000000e+00> : vector<4592x128xf32>
      %dot_general3A_237 = tpu.matmul %convert_element_type3A_235, %concatenate3A, %dot_general3A_236 {dimension_numbers = #tpu.dot_dimension_numbers<[1], [0], [0], [1], [0, 0, 1, 1], [], []>, transpose_lhs_hint = false} : vector<4592x56xf32>, vector<56x128xf32>, vector<4592x128xf32> -> vector<4592x128xf32>
      %get3A_238 = arith.constant 0 : index
      %get3A_239 = arith.constant 0 : index
      %get3A_240 = vector.load %arg6[%get3A_238, %get3A_239] : memref<1x128xf32, #tpu.memory_space<vmem>>, vector<1x128xf32>
      %add3A_241 = vector.broadcast %get3A_240 : vector<1x128xf32> to vector<4592x128xf32>
      %add3A_242 = arith.addf %dot_general3A_237, %add3A_241 : vector<4592x128xf32>
      %dot_general3A_243 = arith.constant dense<0.000000e+00> : vector<4592x128xf32>
      %dot_general3A_244 = tpu.matmul %convert_element_type3A_235, %concatenate3A_64, %dot_general3A_243 {dimension_numbers = #tpu.dot_dimension_numbers<[1], [0], [0], [1], [0, 0, 1, 1], [], []>, transpose_lhs_hint = false} : vector<4592x56xf32>, vector<56x128xf32>, vector<4592x128xf32> -> vector<4592x128xf32>
      %get3A_245 = arith.constant 0 : index
      %get3A_246 = arith.constant 0 : index
      %get3A_247 = vector.load %arg8[%get3A_245, %get3A_246] : memref<1x128xf32, #tpu.memory_space<vmem>>, vector<1x128xf32>
      %add3A_248 = vector.broadcast %get3A_247 : vector<1x128xf32> to vector<4592x128xf32>
      %add3A_249 = arith.addf %dot_general3A_244, %add3A_248 : vector<4592x128xf32>
      %neg3A = arith.constant 0.000000e+00 : f32
      %neg3A_250 = vector.broadcast %neg3A : f32 to vector<4592x128xf32>
      %neg3A_251 = arith.subf %neg3A_250, %add3A_242 : vector<4592x128xf32>
      %exp3A = math.exp %neg3A_251 : vector<4592x128xf32>
      %add3A_252 = arith.constant 1.000000e+00 : f32
      %add3A_253 = vector.broadcast %add3A_252 : f32 to vector<4592x128xf32>
      %add3A_254 = arith.addf %add3A_253, %exp3A : vector<4592x128xf32>
      %div3A_255 = arith.constant 1.000000e+00 : f32
      %div3A_256 = vector.broadcast %div3A_255 : f32 to vector<4592x128xf32>
      %div3A_257 = arith.divf %div3A_256, %add3A_254 : vector<4592x128xf32>
      %mul3A = arith.mulf %add3A_242, %div3A_257 : vector<4592x128xf32>
      %mul3A_258 = arith.mulf %mul3A, %add3A_249 : vector<4592x128xf32>
      %swap3A_259 = arith.constant 0 : index
      %swap3A_260 = arith.constant 0 : index
      %swap3A_261 = vector.load %arg11[%swap3A_259, %swap3A_260] : memref<4592x128xf32, #tpu.memory_space<vmem>>, vector<4592x128xf32>
      tpu.vector_store %arg11[%swap3A_259, %swap3A_260], %mul3A_258 {strides = array<i32>} : memref<4592x128xf32, #tpu.memory_space<vmem>>, vector<4592x128xf32>,
    } else {
    }
    %get3A = arith.constant 0 : index
    %get3A_2 = arith.constant 0 : index
    %get3A_3 = vector.load %arg11[%get3A, %get3A_2] : memref<4592x128xf32, #tpu.memory_space<vmem>>, vector<4592x128xf32>
    %get3A_4 = arith.constant 0 : index
    %get3A_5 = arith.constant 0 : index
    %get3A_6 = arith.constant 0 : index
    %get3A_7 = vector.load %arg9[%get3A_4, %get3A_5, %get3A_6] : memref<1x1x128xf32, #tpu.memory_space<vmem>>, vector<1x1x128xf32>
    %get3A_8 = vector.shape_cast %get3A_7 : vector<1x1x128xf32> to vector<1x128xf32>
    %add3A = vector.broadcast %get3A_8 : vector<1x128xf32> to vector<4592x128xf32>
    %add3A_9 = arith.addf %get3A_3, %add3A : vector<4592x128xf32>
    %swap3A = arith.constant 0 : index
    %swap3A_10 = arith.constant 0 : index
    %swap3A_11 = vector.load %arg10[%swap3A, %swap3A_10] : memref<4592x128xf32, #tpu.memory_space<vmem>>, vector<4592x128xf32>
    tpu.vector_store %arg10[%swap3A, %swap3A_10], %add3A_9 {strides = array<i32>} : memref<4592x128xf32, #tpu.memory_space<vmem>>, vector<4592x128xf32>,
    return
  }
  func.func @transform_0(%arg0: i32) -> (i32, i32) {
    %c0_i32 = arith.constant 0 : i32
    %c0_i32_0 = arith.constant 0 : i32
    %c0_i32_1 = arith.constant 0 : i32
    return %c0_i32, %c0_i32_0 : i32, i32
  }
  func.func @transform_1(%arg0: i32) -> (i32, i32) {
    %c0_i32 = arith.constant 0 : i32
    %c0_i32_0 = arith.constant 0 : i32
    %c0_i32_1 = arith.constant 0 : i32
    return %c0_i32, %c0_i32_0 : i32, i32
  }
  func.func @transform_2(%arg0: i32) -> (i32, i32) {
    %c0_i32 = arith.constant 0 : i32
    %c0_i32_0 = arith.constant 0 : i32
    %c0_i32_1 = arith.constant 0 : i32
    return %c0_i32, %c0_i32_0 : i32, i32
  }
  func.func @transform_3(%arg0: i32) -> (i32, i32) {
    %c0_i32 = arith.constant 0 : i32
    %c0_i32_0 = arith.constant 0 : i32
    %c0_i32_1 = arith.constant 0 : i32
    return %c0_i32, %c0_i32_0 : i32, i32
  }
  func.func @transform_4(%arg0: i32) -> (i32, i32) {
    %c0_i32 = arith.constant 0 : i32
    %c0_i32_0 = arith.constant 0 : i32
    %c0_i32_1 = arith.constant 0 : i32
    return %c0_i32, %c0_i32_0 : i32, i32
  }
  func.func @transform_5(%arg0: i32) -> (i32, i32) {
    %c0_i32 = arith.constant 0 : i32
    %c0_i32_0 = arith.constant 0 : i32
    %c0_i32_1 = arith.constant 0 : i32
    return %c0_i32, %c0_i32_0 : i32, i32
  }
  func.func @transform_6(%arg0: i32) -> (i32, i32) {
    %c0_i32 = arith.constant 0 : i32
    %c0_i32_0 = arith.constant 0 : i32
    %c0_i32_1 = arith.constant 0 : i32
    return %c0_i32, %c0_i32_0 : i32, i32
  }
  func.func @transform_7(%arg0: i32) -> (i32, i32) {
    %c0_i32 = arith.constant 0 : i32
    %c0_i32_0 = arith.constant 0 : i32
    %c0_i32_1 = arith.constant 0 : i32
    return %c0_i32, %c0_i32_0 : i32, i32
  }
  func.func @transform_8(%arg0: i32) -> (i32, i32, i32) {
    %c0_i32 = arith.constant 0 : i32
    %c0_i32_0 = arith.constant 0 : i32
    %c0_i32_1 = arith.constant 0 : i32
    return %arg0, %c0_i32, %c0_i32_0 : i32, i32, i32
  }
  func.func @transform_9(%arg0: i32) -> (i32, i32) {
    %c0_i32 = arith.constant 0 : i32
    %c0_i32_0 = arith.constant 0 : i32
    return %arg0, %c0_i32 : i32, i32
  }
}

</mosaic_0001>

<sc_bundles>
// kernel: kernel.4.cloned.1.call-start
scs
__scs_entry_jumppad:
0x0: {  	(pc) =	sbr.rel $0x88, $3  }
0x1: {  	(tag) =	ssettag $0x0;
	lr =	simm.s32 $0x1  }
0x2: {  	[smem:$0x3F93] =	sst lr;
	_ =	strace $0xD0000000  }
0x3: {  	_ = 	snop  }
0x4: {  	_ = 	snop  }
0x5: {  	_ = 	snop  }
0x6: {  	_ = 	snop  }
0x7: {  	_ = 	snop  }
__scs_overlays_trampoline_lowered:
0x8: {  	[smem:$0x3FA2] =	sst s0  }
0x9: {  	[smem:$0x3FA3] =	sst s1  }
0xa: {  	[smem:$0x3FA4] =	sst s2  }
0xb: {  	[smem:$0x3FA5] =	sst s3  }
0xc: {  	[smem:$0x3FA6] =	sst s4  }
0xd: {  	[smem:$0x3FA7] =	sst s5  }
0xe: {  	[smem:$0x3FA8] =	sst s6  }
0xf: {  	[smem:$0x3FA9] =	sst s7  }
0x10: {  	[smem:$0x3FAA] =	sst s8  }
0x11: {  	[smem:$0x3FAB] =	sst s9;
	s0 =	simm.s32 @!p0 $0x0  }
0x12: {  	s1 =	sld [smem:$0x3F91];
	s0 =	simm.s32 @p0 $0x1  }
0x13: {  	[smem:$0x3FAC] =	sst s0;
	s0 =	simm.s32 @!p1 $0x0  }
0x14: {  	s2 =	sld [smem:$0x3F90];
	s0 =	simm.s32 @p1 $0x1  }
0x15: {  	[smem:$0x3FAD] =	sst s0;
	s0 =	simm.s32 @!p2 $0x0  }
0x16: {  	s3 =	sld [smem:$0x3FDB];
	s0 =	simm.s32 @p2 $0x1  }
0x17: {  	s4 =	simm.s32 $0x1BF5;
	[smem:$0x3FAF] =	sst s0  }
0x18: {  	s0 =	sld [smem:$0x3F92];
	_ =	swait.ge [sflag:s4], $0x0  }
0x19: {  	s7 =	sld [smem:$0x3F93]  }
0x1a: {  	s8 =	sadd.s32 $0xFFFFE003, lr  }
0x1b: {  	s9 =	sadd.s32 $0xFFFFFEF7, lr;
	s5 =	simm.s32 $0xFFFFFFFF;
	p2 =	slt.u32 s8, $0xFFFFF086  }
0x1c: {  	p1 =	slt.u32 s9, $0xF7A;
	s5 =	simm.s32 @!p2 $0x0  }
0x1d: {  	s5 =	simm.s32 @p1 $0x1;
	p0 =	seq.s32 s7, s2  }
0x1e: {  	s7 =	smul.u32 @!p0 $0xF7A, s2;
	p2 =	seq.s32 @!p0 s5, $0x0  }
0x1f: {  	s9 =	smul.u32 $0xF7A, s1;
	s8 =	simm.s32 @!p0 $0x1BF5;
	p2 =	por !p2, p0  }
0x20: {  	[sflag:s8] =	ssyncset.s32 @!p0 $0xFFFFF086;
	s6 =	sadd.s32 @!p0 s3, s7;
	s7 =	simm.s32 @!p0 $0x108  }
0x21: {  	s3 =	sadd.s32 s3, s9;
	s6 =	sadd.s32 @!p0 $0x88, s6;
	s7 =	simm.s32 @p2 $0x1082  }
0x22: {  	[simem:s7], [sflag:s8] =	dma.local @!p0 [hbm:s6], $0xF7A  }
0x23: {  	s9 =	sor.u32 $0xD0000000, s2;
	s6 =	simm.s32 $0x108;
	_ =	swait.ge @!p0 [sflag:s8], $0x0  }
0x24: {  	s3 =	sadd.s32 $0x88, s3;
	s6 =	simm.s32 @!p1 $0x1082;
	[sflag:s4] =	ssyncset.s32 $0xFFFFF086  }
0x25: {  	[simem:s6], [sflag:s4] =	dma.local [hbm:s3], $0xF7A  }
0x26: {  	[smem:$0x3F93] =	sst s1;
	(tag) =	ssettag s2;
	_ =	strace s9  }
0x27: {  	s1 =	sld [smem:$0x3FA3]  }
0x28: {  	s2 =	sld [smem:$0x3FA4]  }
0x29: {  	s4 =	sld [smem:$0x3FA6]  }
0x2a: {  	p0 =	seq.s32 s5, $0x0;
	s5 =	sld [smem:$0x3FA7]  }
0x2b: {  	s6 =	sld [smem:$0x3FA8]  }
0x2c: {  	s7 =	sld [smem:$0x3FA9]  }
0x2d: {  	s3 =	simm.s32 $0x108;
	s8 =	sld [smem:$0x3FAA]  }
0x2e: {  	s3 =	simm.s32 @!p0 $0x1082;
	s9 =	sld [smem:$0x3FAB]  }
0x2f: {  	lr =	sadd.s32 s0, s3;
	s0 =	sld [smem:$0x3FA2]  }
0x30: {  	s3 =	sld [smem:$0x3FA5]  }
0x31: {  	[smem:$0x3FAE] =	sst s10  }
0x32: {  	s10 =	sld [smem:$0x3FAC];
	_ =	sdelay $0x3  }
0x33: {  	p0 =	seq.s32 s10, $0x1;
	s10 =	sld [smem:$0x3FAE];
	_ =	sdelay $0x3  }
0x34: {  	[smem:$0x3FAE] =	sst s10  }
0x35: {  	s10 =	sld [smem:$0x3FAD];
	_ =	sdelay $0x3  }
0x36: {  	p1 =	seq.s32 s10, $0x1;
	s10 =	sld [smem:$0x3FAE];
	_ =	sdelay $0x3  }
0x37: {  	[smem:$0x3FAE] =	sst s10  }
0x38: {  	s10 =	sld [smem:$0x3FAF]  }
0x39: {  	_ = 	snop;
	(pc) =	sbr.ind lr, $3  }
0x3a: {  	_ = 	snop  }
0x3b: {  	_ = 	snop  }
0x3c: {  	p2 =	seq.s32 s10, $0x1;
	s10 =	sld [smem:$0x3FAE]  }
0x3d: {  	_ =	shalt  }
0x3e: {  	_ =	shalt  }
0x3f: {  	_ =	shalt  }
0x40: {  	_ =	shalt  }
0x41: {  	_ =	shalt  }
0x42: {  	_ =	shalt  }
0x43: {  	_ =	shalt  }
0x44: {  	_ =	shalt  }
0x45: {  	_ =	shalt  }
0x46: {  	_ =	shalt  }
0x47: {  	_ =	shalt  }
0x48: {  	_ =	shalt  }
0x49: {  	_ =	shalt  }
0x4a: {  	_ =	shalt  }
0x4b: {  	_ =	shalt  }
0x4c: {  	_ =	shalt  }
0x4d: {  	_ =	shalt  }
0x4e: {  	_ =	shalt  }
0x4f: {  	_ =	shalt  }
0x50: {  	_ =	shalt  }
0x51: {  	_ =	shalt  }
0x52: {  	_ =	shalt  }
0x53: {  	_ =	shalt  }
0x54: {  	_ =	shalt  }
0x55: {  	_ =	shalt  }
0x56: {  	_ =	shalt  }
0x57: {  	_ =	shalt  }
0x58: {  	_ =	shalt  }
0x59: {  	_ =	shalt  }
0x5a: {  	_ =	shalt  }
0x5b: {  	_ =	shalt  }
0x5c: {  	_ =	shalt  }
0x5d: {  	_ =	shalt  }
0x5e: {  	_ =	shalt  }
0x5f: {  	_ =	shalt  }
0x60: {  	_ =	shalt  }
0x61: {  	_ =	shalt  }
0x62: {  	_ =	shalt  }
0x63: {  	_ =	shalt  }
0x64: {  	_ =	shalt  }
0x65: {  	_ =	shalt  }
0x66: {  	_ =	shalt  }
0x67: {  	_ =	shalt  }
0x68: {  	_ =	shalt  }
0x69: {  	_ =	shalt  }
0x6a: {  	_ =	shalt  }
0x6b: {  	_ =	shalt  }
0x6c: {  	_ =	shalt  }
0x6d: {  	_ =	shalt  }
0x6e: {  	_ =	shalt  }
0x6f: {  	_ =	shalt  }
0x70: {  	_ =	shalt  }
0x71: {  	_ =	shalt  }
0x72: {  	_ =	shalt  }
0x73: {  	_ =	shalt  }
0x74: {  	_ =	shalt  }
0x75: {  	_ =	shalt  }
0x76: {  	_ =	shalt  }
0x77: {  	_ =	shalt  }
0x78: {  	_ =	shalt  }
0x79: {  	_ =	shalt  }
0x7a: {  	_ =	shalt  }
0x7b: {  	_ =	shalt  }
0x7c: {  	_ =	shalt  }
0x7d: {  	_ =	shalt  }
0x7e: {  	_ =	shalt  }
0x7f: {  	_ =	shalt  }
0x80: {  	_ =	shalt  }
0x81: {  	_ =	shalt  }
0x82: {  	_ =	shalt  }
0x83: {  	_ =	shalt  }
0x84: {  	_ =	shalt  }
0x85: {  	_ =	shalt  }
0x86: {  	_ =	shalt  }
0x87: {  	_ =	shalt  }
.Lfunc_end0:
.L_simem_size_0:
called_computation_lowered:
.L_overlay_start_0:
0x88: {  	s2 =	sld [smem:$0x3FD9]  }
0x89: {  	s3 =	sld [smem:$0x3FFE];
	_ =	sdelay $0x1  }
0x8a: {  	s1 =	srdreg.scid  }
0x8b: {  	s0 =	sand.u32 $0x1, s1  }
0x8c: {  	s17 =	sshll.u32 s0, $0xA;
	s2 =	sadd.s32 s3, s2  }
0x8d: {  	s2 =	sadd.s32 s2, s17  }
0x8e: {  	[smem:$0x3FBA] =	sst s2  }
0x8f: {  	_ = 	snop  }
0x90: {  	s2 =	sld [smem:$0x3FD0];
	(tm) =	ssettm $0x1  }
0x91: {  	s18 =	sld [smem:$0x3FFB];
	_ =	sdelay $0x3  }
0x92: {  	_ =	strace s18  }
0x93: {  	s3 =	sld [smem:$0x3FFC];
	_ =	sdelay $0x3  }
0x94: {  	_ =	strace s3  }
0x95: {  	s3 =	sld [smem:$0x3FFD];
	_ =	sdelay $0x3  }
0x96: {  	_ =	strace s3  }
0x97: {  	_ =	strace $0x8FFFFFFF  }
0x98: {  	s19 =	sld [smem:$0x3FDB];
	_ =	sdelay $0x1  }
0x99: {  	s4 =	simm.s32 $_scs_section_size  }
0x9a: {  	s5 =	simm.s32 $_size__tile_overlayer_lowered;
	s6 =	simm.s32 $_tile_overlayer_lowered  }
0x9b: {  	s22 =	simm.s32 $0x1BFF;
	s21 =	sshll.u32 s6, $0x1;
	s3 =	sadd.s32 s4, s19  }
0x9c: {  	s7 =	simm.s32 $0x0;
	s20 =	sshll.u32 s5, $0x1;
	s5 =	sadd.s32 s21, s3  }
0x9d: {  	[timem:s7], [sflag:s22] =	dma.local [hbm:s5], s20  }
0x9e: {  	_ =	swait.ge [sflag:s22], s20  }
0x9f: {  	s4 =	ssub.s32 $0x0, s20;
	[sflag:s22] =	ssyncset.done $0x0  }
0xa0: {  	[sflag:s22] =	ssyncadd.s32 s4;
	_ =	sdelay $0x1  }
0xa1: {  	s23 =	simm.s32 $0x1B8B  }
0xa2: {  	_ =	swait.ge [sflag:s23], $0x1  }
0xa3: {  	[sflag:s23] =	ssyncset.done $0x0  }
0xa4: {  	s25 =	simm.s32 $0x1B8E;
	s24 =	sld [smem:$0x3FFE];
	[sflag:s23] =	ssyncadd.s32 $0xFFFFFFFF  }
0xa5: {  	s26 =	simm.s32 $execute0_lowered;
	[smem:$0x3FD2] =	sst s25  }
0xa6: {  	s5 =	sshll.u32 s26, $0x1;
	_ =	strace $0x80000046;
	[dreg:$0x1] =	wrdreg $0xFFFFFFFF  }
0xa7: {  	s28 =	simm.s32 $_size_execute0_lowered;
	s3 =	sadd.s32 s3, s5;
	[dreg:$0x0] =	wrdreg $0x0  }
0xa8: {  	s5 =	sshll.u32 s28, $0x1;
	[dreg:$0x2] =	wrdreg s3  }
0xa9: {  	[dreg:$0x3] =	wrdreg s5  }
0xaa: {  	[dreg:$0x4] =	wrdreg $0xC0  }
0xab: {  	_ =	task [dreg:s7], $0x5FFFF  }
0xac: {  	[dreg:$0x1] =	wrdreg $0xFFFFFFFF  }
0xad: {  	[dreg:$0x0] =	wrdreg $0x60  }
0xae: {  	[dreg:$0x2] =	wrdreg s24  }
0xaf: {  	[dreg:$0x3] =	wrdreg s2  }
0xb0: {  	[dreg:$0x4] =	wrdreg $0x9  }
0xb1: {  	_ =	task.clear_ibuf [dreg:s7], $0x5FFFF;
	_ =	strace $0x90000046  }
0xb2: {  	s29 =	simm.s32 $0x9;
	_ =	strace $0x80000048  }
0xb3: {  	_ =	swait.ge [sflag:s29], $0x1  }
0xb4: {  	[sflag:s29] =	ssyncadd.s32 $0xFFFFFFFF  }
0xb5: {  	_ =	strace $0x90000048  }
0xb6: {  	_ =	sfence  }
0xb7: {  	s30 =	sld [smem:$0x0];
	_ =	sdelay $0x2  }
0xb8: {  	s31 =	sshll.u32 s1, $0xD;
	s1 =	sshrl.u32 s1, $0x2  }
0xb9: {  	s3 =	sand.u32 $0x4000, s31;
	s1 =	sadd.s32 s1, s30  }
0xba: {  	s0 =	sor.u32 s3, s0;
	s1 =	sshll.u32 s1, $0x11  }
0xbb: {  	s0 =	sor.u32 s1, s0  }
0xbc: {  	s0 =	sadd.s32 $0x8F2B, s0  }
0xbd: {  	[sflag:s0] =	ssyncadd.remote.s32 $0x1  }
0xbe: {  	_ =	sfence.sel $0xFFFF  }
0xbf: {  	[dreg:$0x0] =	wrdreg $0xFFFFFFFF;
	(pc) =	sbr.abs _section_cstart, $3  }
0xc0: {  	[dreg:$0x1] =	wrdreg $0xFFFFFFFF  }
0xc1: {  	_ =	task.clear_ibuf [dreg:s7], $0x2FFFF;
	_ =	strace $0x9FFFFFFF  }
0xc2: {  	(tm) =	ssettm $0x7FFFFFFF  }
0xc3: {  	_ =	shalt  }
tec
execute0_lowered:
.L_overlay_start_1:
0x0: {  	(tag) =	ssettag $0x1  }
0x1: {  	s0 =	rddreg [dreg:$0x0]  }
0x2: {  	s2 =	rddreg [dreg:$0x1]  }
0x3: {  	s1 =	srdreg.scid;
	s9 =	stileid.u32;
	s3 =	simm.s32 $0x0  }
0x4: {  	s28 =	simm.s32 $0x2;
	s29 =	simm.s32 $0x3;
	s14 =	smul.u32 $0x640000, s9  }
0x5: {  	s1 =	sand.u32 $0x1, s1;
	s4 =	sshll.u32 s9, $0x1;
	s9 =	smul.u32 $0xC800, s9  }
0x6: {  	s30 =	simm.s32 $0x4;
	[smem:$0x7FF] =	sst s3;
	s17 =	smul.u32 $0x320000, s1  }
0x7: {  	s5 =	sor.u32 s1, s4;
	s7 =	ssub.s32 $0x2, s1;
	s1 =	smul.u32 $0x6400, s1  }
0x8: {  	_ =	strace $0x80000047;
	s4 =	sadd.s32 $0x1A200, s0;
	s6 =	smul.u32 $0x6400, s5  }
0x9: {  	s0 =	sadd.s32 $0x1200, s0;
	s8 =	sshrl.u32 s7, $0x1;
	s5 =	smul.u32 $0x320000, s5  }
0xa: {  	s7 =	ssub.s32 s7, s8;
	s1 =	sadd.s32 s1, s9;
	s8 =	simm.s32 $0x4800  }
0xb: {  	s6 =	sshrl.u32 s6, $0x3;
	s5 =	sshrl.u32 s5, $0x3;
	s7 =	smax.u32 s7, $0x1  }
0xc: {  	s21 =	sor.u32 $0x300, s1;
	s23 =	sor.u32 $0x280, s1;
	s26 =	sor.u32 $0x200, s1  }
0xd: {  	s31 =	sor.u32 $0x180, s1;
	s1 =	sor.u32 $0x100, s1;
	s10 =	sadd.s32 s0, s6  }
0xe: {  	s5 =	sadd.s32 s2, s5;
	s6 =	sadd.s32 s17, s14;
	[dreg:$0xb] =	wrdreg s7  }
0xf: {  	s22 =	sshrl.u32 s21, $0x3;
	s7 =	sshrl.u32 s23, $0x3;
	s1 =	sshrl.u32 s1, $0x3  }
0x10: {  	s23 =	simm.s32 $0x800;
	s15 =	sadd.s32 $0x10, s10;
	[dreg:$0x3] =	wrdreg s10  }
0x11: {  	s16 =	sadd.s32 $0x20, s10;
	s11 =	sadd.s32 $0x30, s10;
	[dreg:$0x4] =	wrdreg s15  }
0x12: {  	s10 =	sadd.s32 $0x40, s10;
	s18 =	sadd.s32 $0x62800, s5;
	[dreg:$0x5] =	wrdreg s16  }
0x13: {  	s19 =	sadd.s32 $0x63000, s5;
	s5 =	sadd.s32 $0x63800, s5;
	[dreg:$0x6] =	wrdreg s11  }
0x14: {  	s20 =	sor.u32 $0x4000, s6;
	s24 =	sshrl.u32 s6, $0x3;
	[dreg:$0x7] =	wrdreg s10  }
0x15: {  	s17 =	sadd.s32 s7, s0;
	s25 =	sadd.s32 $0xFFFFC000, s6;
	[dreg:$0x8] =	wrdreg s18  }
0x16: {  	s6 =	sshrl.u32 s31, $0x3;
	s21 =	sadd.s32 s1, s0;
	[dreg:$0x9] =	wrdreg s19  }
0x17: {  	s1 =	simm.s32 $0x6;
	s7 =	simm.s32 $0x7;
	[dreg:$0xa] =	wrdreg s5  }
0x18: {  	s5 =	sshrl.u32 s20, $0x3;
	s15 =	sadd.s32 s22, s0;
	[dreg:$0xe] =	wrdreg s25  }
.Ltmp0:
0x19: {  	s20 =	sadd.s32 s6, s0;
	s22 =	simm.s32 $0x80;
	(pc) =	sbr.rel .LBB2_1-.Ltmp0, $4  }
0x1a: {  	s25 =	simm.s32 $0x600;
	s6 =	simm.s32 $0x10800;
	s5 =	sadd.s32 s5, s2  }
0x1b: {  	s10 =	simm.s32 $0x0;
	[dreg:$0xc] =	wrdreg s5;
	s5 =	sadd.s32 s24, s2  }
0x1c: {  	s24 =	simm.s32 $0x5;
	[dreg:$0xd] =	wrdreg s5;
	s5 =	sshrl.u32 s26, $0x3  }
0x1d: {  	s26 =	simm.s32 $0x1;
	s19 =	sadd.s32 s5, s0;
	s0 =	simm.s32 $0xC800  }
.LBB2_4:
0x1e: {  	s5 =	simm.s32 $0x8  }
0x1f: {  	_ =	swait.ge [sflag:s5], $0x4000  }
0x20: {  	s9 =	simm.s32 $0x8800;
	[sflag:s5] =	ssyncset.done $0x0  }
0x21: {  	s31 =	simm.s32 $0x9;
	s18 =	rddreg [dreg:$0x8];
	[sflag:s5] =	ssyncadd.s32 $0xFFFFC000  }
0x22: {  	[hbm4b:s18+s3] =	stream.linear.scatter [tilespmem:s9], [sflag:$0xD], $0x4000, $0x38;
	[tilespmem:$0x14800] =	vst v63  }
0x23: {  	_ =	swait.ge [sflag:s31], $0x4000  }
0x24: {  	[sflag:s31] =	ssyncset.done $0x0  }
0x25: {  	s10 =	simm.s32 $0xA;
	s9 =	rddreg [dreg:$0x9];
	[sflag:s31] =	ssyncadd.s32 $0xFFFFC000  }
0x26: {  	[hbm4b:s9+s3] =	stream.linear.scatter [tilespmem:s0], [sflag:$0xE], $0x4000, $0x38;
	[tilespmem:$0x14800] =	vst v63  }
0x27: {  	_ =	swait.ge [sflag:s10], $0x4000  }
0x28: {  	[sflag:s10] =	ssyncset.done $0x0  }
0x29: {  	s12 =	simm.s32 $0xB;
	s11 =	rddreg [dreg:$0xa];
	[sflag:s10] =	ssyncadd.s32 $0xFFFFC000  }
0x2a: {  	[hbm4b:s11+s3] =	stream.linear.scatter [tilespmem:s6], [sflag:$0xF], $0x4000, $0x38;
	[tilespmem:$0x14800] =	vst v63  }
0x2b: {  	_ =	swait.ge [sflag:s12], $0x4000  }
0x2c: {  	[sflag:s12] =	ssyncset.done $0x0  }
0x2d: {  	s13 =	simm.s32 $0xC;
	[sflag:s12] =	ssyncadd.s32 $0xFFFFC000  }
0x2e: {  	_ =	swait.ge [sflag:s13], $0x4000  }
0x2f: {  	[sflag:s13] =	ssyncset.done $0x0  }
0x30: {  	s14 =	simm.s32 $0xD;
	[sflag:s13] =	ssyncadd.s32 $0xFFFFC000  }
0x31: {  	_ =	swait.ge [sflag:s14], $0x4000  }
0x32: {  	[sflag:s14] =	ssyncset.done $0x0  }
0x33: {  	s16 =	simm.s32 $0xE;
	[sflag:s14] =	ssyncadd.s32 $0xFFFFC000  }
0x34: {  	_ =	swait.ge [sflag:s16], $0x4000  }
0x35: {  	[sflag:s16] =	ssyncset.done $0x0  }
0x36: {  	s18 =	simm.s32 $0xF;
	[sflag:s16] =	ssyncadd.s32 $0xFFFFC000  }
0x37: {  	_ =	swait.ge [sflag:s18], $0x4000  }
0x38: {  	s10 =	rddreg [dreg:$0xf]  }
0x39: {  	s31 =	rddreg [dreg:$0xb];
	s10 =	sadd.s32 $0x1, s10  }
0x3a: {  	p0 =	sne.s32 s10, s31  }
.Ltmp1:
0x3b: {  	_ = 	snop;
	(pc) =	sbr.rel @!p0 .LBB2_5-.Ltmp1, $3  }
0x3c: {  	_ =	sdelay $0x1  }
0x3d: {  	[sflag:s18] =	ssyncset.done $0x0  }
0x3e: {  	[sflag:s18] =	ssyncadd.s32 $0xFFFFC000  }
.LBB2_1:
0x3f: {  	[dreg:$0xf] =	wrdreg s10  }
0x40: {  	s5 =	rddreg [dreg:$0x3]  }
0x41: {  	s12 =	rddreg [dreg:$0x4]  }
0x42: {  	s13 =	rddreg [dreg:$0x5]  }
0x43: {  	s14 =	rddreg [dreg:$0x6]  }
0x44: {  	[tilespmem:s3], [sflag:$0x1] =	stream.linear.gather [hbm4b:s5+s3], $0x80, $0x38;
	[tilespmem:$0x14800] =	vst v63  }
0x45: {  	s18 =	rddreg [dreg:$0x7]  }
0x46: {  	[tilespmem:s22], [sflag:$0x2] =	stream.linear.gather [hbm4b:s12+s3], $0x80, $0x38;
	[tilespmem:$0x14800] =	vst v63  }
0x47: {  	s9 =	simm.s32 $0x100;
	s10 =	rddreg [dreg:$0xd]  }
0x48: {  	[tilespmem:s9], [sflag:$0x3] =	stream.linear.gather [hbm4b:s13+s3], $0x80, $0x38;
	[tilespmem:$0x14800] =	vst v63  }
0x49: {  	s16 =	simm.s32 $0x180;
	s12 =	rddreg [dreg:$0xc]  }
0x4a: {  	[tilespmem:s16], [sflag:$0x4] =	stream.linear.gather [hbm4b:s14+s3], $0x80, $0x38;
	[tilespmem:$0x14800] =	vst v63  }
0x4b: {  	s31 =	simm.s32 $0x200;
	s11 =	simm.s32 $0x0;
	s9 =	rddreg [dreg:$0xe]  }
0x4c: {  	[tilespmem:s31], [sflag:$0x5] =	stream.linear.gather [hbm4b:s18+s3], $0x80, $0x38;
	[tilespmem:$0x14800] =	vst v63  }
.LBB2_2:
0x4d: {  	_ =	swait.ge [sflag:s26], $0x80  }
0x4e: {  	[sflag:s26] =	ssyncset.done $0x0  }
0x4f: {  	[sflag:s26] =	ssyncadd.s32 $0xFFFFFF80  }
0x50: {  	v0 =	vld [tilespmem:$0x0]  }
0x51: {  	v2 =	vld [tilespmem:$0x10];
	_ =	sdelay $0x1  }
0x52: {  	v8 =	vld [tilespmem:$0x20];
	_ =	sdelay $0x1  }
0x53: {  	v28 =	vld [tilespmem:$0x30];
	v1 =	vshrl.u32 v0, $0x8;
	v3 =	vshrl.u32 v0, $0x5;
	v4 =	vand.u32 $0x1F, v0  }
0x54: {  	v11 =	vld [tilespmem:$0x40];
	v5 =	vshrl.u32 v0, $0x10;
	v0 =	vshrl.u32 v0, $0xC;
	v24 =	vshrl.u32 v2, $0x5  }
0x55: {  	v25 =	vand.u32 $0x1F, v2;
	v6 =	vshrl.u32 v2, $0x8;
	v7 =	vshrl.u32 v2, $0xC  }
0x56: {  	v39 =	vld [tilespmem:$0x50];
	v2 =	vshrl.u32 v2, $0x10;
	v29 =	vand.u32 $0x1F, v8;
	v30 =	vshrl.u32 v8, $0x8  }
0x57: {  	v46 =	vld [tilespmem:$0x60];
	v31 =	vshrl.u32 v8, $0x5;
	v32 =	vshrl.u32 v8, $0x10;
	v33 =	vshrl.u32 v8, $0xC  }
0x58: {  	v52 =	vld [tilespmem:$0x70];
	v34 =	vshrl.u32 v28, $0x5;
	v35 =	vand.u32 $0x1F, v28;
	v9 =	vshrl.u32 v28, $0x8  }
0x59: {  	v10 =	vshrl.u32 v28, $0xC;
	v38 =	vshrl.u32 v11, $0x5;
	v40 =	vand.u32 $0x1F, v11  }
0x5a: {  	v41 =	vshrl.u32 v11, $0x8;
	v42 =	vshrl.u32 v11, $0xC;
	v43 =	vshrl.u32 v11, $0x10  }
0x5b: {  	v44 =	vshrl.u32 v39, $0x5;
	v45 =	vand.u32 $0x1F, v39;
	v47 =	vshrl.u32 v39, $0x8  }
0x5c: {  	v48 =	vshrl.u32 v39, $0xC;
	v51 =	vshrl.u32 v46, $0x8;
	v53 =	vshrl.u32 v46, $0x5  }
0x5d: {  	v54 =	vand.u32 $0x1F, v46;
	v55 =	vshrl.u32 v46, $0x10;
	v56 =	vshrl.u32 v52, $0x5  }
0x5e: {  	v58 =	vand.u32 $0x1F, v52;
	v59 =	vshrl.u32 v52, $0x8;
	v60 =	vshrl.u32 v52, $0xC  }
0x5f: {  	v61 =	vshrl.u32 v52, $0x10;
	v1 =	vand.u32 $0x3F, v1;
	v3 =	vand.u32 $0x7, v3  }
0x60: {  	v4 =	vmul.u32 $0x11F0, v4;
	v5 =	vand.u32 $0x3, v5;
	v0 =	vand.u32 $0xC, v0  }
0x61: {  	v6 =	vand.u32 $0x3F, v6;
	v7 =	vand.u32 $0xC, v7;
	v2 =	vand.u32 $0x3, v2  }
0x62: {  	v8 =	vand.u32 $0x7, v34;
	v9 =	vand.u32 $0x3F, v9;
	v10 =	vand.u32 $0xC, v10  }
0x63: {  	v11 =	vand.u32 $0xC, v48;
	v62 =	vand.u32 $0xC, v60;
	v1 =	vmin.u32 v1, $0x28  }
0x64: {  	v3 =	vmul.u32 $0x290, v3;
	v26 =	vmin.u32 v6, $0x28;
	v6 =	vand.u32 $0x3, v32  }
0x65: {  	v8 =	vmul.u32 $0x290, v8;
	v36 =	vmin.u32 v9, $0x28;
	v0 =	vor.u32 v4, v0  }
0x66: {  	v9 =	vand.u32 $0x3, v43;
	v0 =	vor.u32 v5, v0;
	v5 =	vmul.u32 $0x11F0, v25  }
0x67: {  	v1 =	vshll.u32 v1, $0x4;
	v4 =	vand.u32 $0x7, v24;
	v27 =	vshll.u32 v26, $0x4  }
0x68: {  	v37 =	vshll.u32 v36, $0x4;
	v4 =	vmul.u32 $0x290, v4;
	v5 =	vor.u32 v5, v7  }
0x69: {  	v0 =	vadd.s32 v3, v0;
	v3 =	vshrl.u32 v28, $0x10;
	v2 =	vor.u32 v2, v5  }
0x6a: {  	v0 =	vadd.s32 v1, v0;
	v7 =	vand.u32 $0xC, v33;
	v2 =	vadd.s32 v4, v2  }
0x6b: {  	v4 =	vand.u32 $0x3F, v30;
	v1 =	vadd.s32 v27, v2;
	v2 =	vmul.u32 $0x11F0, v29  }
0x6c: {  	v3 =	vand.u32 $0x3, v3;
	v5 =	vand.u32 $0x7, v31;
	v4 =	vmin.u32 v4, $0x28  }
0x6d: {  	[tilespmem:$0x410] =	vst v1;
	v1 =	vand.u32 $0x3F, v59;
	v2 =	vor.u32 v2, v7;
	v7 =	vmul.u32 $0x11F0, v35  }
0x6e: {  	v5 =	vmul.u32 $0x290, v5;
	v4 =	vshll.u32 v4, $0x4;
	v1 =	vmin.u32 v1, $0x28  }
0x6f: {  	v2 =	vor.u32 v6, v2;
	v6 =	vmul.u32 $0x11F0, v40;
	v7 =	vor.u32 v7, v10  }
0x70: {  	v2 =	vadd.s32 v5, v2;
	v10 =	vand.u32 $0x3F, v47;
	v5 =	vshrl.u32 v39, $0x10  }
0x71: {  	v3 =	vor.u32 v3, v7;
	v2 =	vadd.s32 v4, v2;
	v4 =	vand.u32 $0x7, v38  }
0x72: {  	v7 =	vand.u32 $0x3F, v41;
	v5 =	vand.u32 $0x3, v5;
	v49 =	vmin.u32 v10, $0x28  }
0x73: {  	v10 =	vmul.u32 $0x11F0, v54;
	v3 =	vadd.s32 v8, v3;
	v7 =	vmin.u32 v7, $0x28  }
0x74: {  	v8 =	vand.u32 $0xC, v42;
	v4 =	vmul.u32 $0x290, v4;
	v50 =	vshll.u32 v49, $0x4  }
0x75: {  	[tilespmem:$0x420] =	vst v2;
	v2 =	vand.u32 $0x3, v61;
	v3 =	vadd.s32 v37, v3;
	v6 =	vor.u32 v6, v8  }
0x76: {  	v7 =	vshll.u32 v7, $0x4;
	v8 =	vand.u32 $0x7, v44;
	v6 =	vor.u32 v9, v6  }
0x77: {  	v9 =	vshrl.u32 v46, $0xC;
	v4 =	vadd.s32 v4, v6;
	v6 =	vmul.u32 $0x11F0, v45  }
0x78: {  	v8 =	vmul.u32 $0x290, v8;
	v9 =	vand.u32 $0xC, v9;
	v4 =	vadd.s32 v7, v4  }
0x79: {  	v7 =	vand.u32 $0x3F, v51;
	v9 =	vor.u32 v10, v9;
	v6 =	vor.u32 v6, v11  }
0x7a: {  	v10 =	vand.u32 $0x7, v56;
	v11 =	vand.u32 $0x3, v55;
	v5 =	vor.u32 v5, v6  }
0x7b: {  	v6 =	vand.u32 $0x7, v53;
	v57 =	vor.u32 v11, v9;
	v9 =	vmul.u32 $0x11F0, v58  }
0x7c: {  	[tilespmem:$0x400] =	vst v0;
	v7 =	vmin.u32 v7, $0x28;
	v63 =	vmul.u32 $0x290, v10;
	v6 =	vmul.u32 $0x290, v6  }
0x7d: {  	[tilespmem:$0x430] =	vst v3;
	v7 =	vshll.u32 v7, $0x4;
	v5 =	vadd.s32 v8, v5;
	v8 =	vor.u32 v9, v62  }
0x7e: {  	[tilespmem:$0x440] =	vst v4;
	v5 =	vadd.s32 v50, v5;
	v0 =	vadd.s32 v6, v57;
	v2 =	vor.u32 v2, v8  }
0x7f: {  	v1 =	vshll.u32 v1, $0x4;
	[tilespmem:$0x450] =	vst v5;
	v0 =	vadd.s32 v7, v0;
	v2 =	vadd.s32 v63, v2  }
0x80: {  	p0 =	sne.s32 s11, $0x0;
	[tilespmem:$0x460] =	vst v0;
	v11 =	vadd.s32 v1, v2  }
0x81: {  	s13 =	simm.s32 @p0 $0xB;
	[tilespmem:$0x470] =	vst v11  }
0x82: {  	_ =	swait.ge @p0 [sflag:s13], $0x4000  }
0x83: {  	s14 =	simm.s32 @p0 $0x400;
	[sflag:s13] =	ssyncset.done @p0 $0x0  }
0x84: {  	s16 =	simm.s32 @p0 $0x800;
	[sflag:s13] =	ssyncadd.s32 @p0 $0xFFFFC000;
	s13 =	simm.s32 @p0 $0x80  }
0x85: {  	[tilespmem:s16], [sflag:$0x6] =	stream.indirect.gather @p0 [hbm4b:s4+s13], $0x80, s14, s13, $0xb8;
	[tilespmem:$0x14800] =	vst v63  }
0x86: {  	s14 =	simm.s32 @p0 $0x8  }
0x87: {  	_ =	swait.ge @p0 [sflag:s14], $0x4000  }
0x88: {  	s16 =	sadd.s32 @p0 $0xFFFF8000, s9;
	[sflag:s14] =	ssyncset.done @p0 $0x0  }
0x89: {  	[sflag:s14] =	ssyncadd.s32 @p0 $0xFFFFC000;
	s14 =	sshrl.u32 @p0 s16, $0x3  }
0x8a: {  	s18 =	simm.s32 @p0 $0x8800;
	s16 =	sadd.s32 @p0 s2, s14;
	s14 =	simm.s32 @p0 $0x0  }
0x8b: {  	[hbm4b:s16+s14] =	stream.linear.scatter @p0 [tilespmem:s18], [sflag:$0xD], $0x4000, $0x38;
	[tilespmem:$0x14800] =	vst v63  }
0x8c: {  	s5 =	simm.s32 @p0 $0x100;
	s16 =	sadd.s32 @p0 s11, s21  }
0x8d: {  	[tilespmem:s5], [sflag:$0x3] =	stream.linear.gather @p0 [hbm4b:s16+s14], $0x80, $0x38;
	[tilespmem:$0x14800] =	vst v63  }
0x8e: {  	s31 =	simm.s32 @!p0 $0x800;
	s16 =	simm.s32 @!p0 $0x80;
	s5 =	simm.s32 @!p0 $0x400  }
0x8f: {  	[tilespmem:s31], [sflag:$0x6] =	stream.indirect.gather @!p0 [hbm4b:s4+s16], $0x80, s5, s16, $0xb8;
	[tilespmem:$0x14800] =	vst v63  }
0x90: {  	_ =	swait.ge [sflag:s28], $0x80  }
0x91: {  	[sflag:s28] =	ssyncset.done $0x0  }
0x92: {  	[sflag:s28] =	ssyncadd.s32 $0xFFFFFF80  }
0x93: {  	v12 =	vld [tilespmem:$0x80]  }
0x94: {  	v14 =	vld [tilespmem:$0x90];
	_ =	sdelay $0x1  }
0x95: {  	v22 =	vld [tilespmem:$0xA0];
	_ =	sdelay $0x1  }
0x96: {  	v25 =	vld [tilespmem:$0xB0];
	v13 =	vshrl.u32 v12, $0x8;
	v15 =	vshrl.u32 v12, $0x5;
	v16 =	vand.u32 $0x1F, v12  }
0x97: {  	v35 =	vld [tilespmem:$0xC0];
	v17 =	vshrl.u32 v12, $0x10;
	v0 =	vshrl.u32 v12, $0xC;
	v18 =	vshrl.u32 v14, $0x5  }
0x98: {  	v19 =	vand.u32 $0x1F, v14;
	v20 =	vshrl.u32 v14, $0x8;
	v21 =	vshrl.u32 v14, $0xC  }
0x99: {  	v39 =	vld [tilespmem:$0xD0];
	v2 =	vshrl.u32 v14, $0x10;
	v26 =	vand.u32 $0x1F, v22;
	v27 =	vshrl.u32 v22, $0x8  }
0x9a: {  	v46 =	vld [tilespmem:$0xE0];
	v28 =	vshrl.u32 v22, $0x5;
	v29 =	vshrl.u32 v22, $0x10;
	v30 =	vshrl.u32 v22, $0xC  }
0x9b: {  	v52 =	vld [tilespmem:$0xF0];
	v31 =	vshrl.u32 v25, $0x5;
	v32 =	vand.u32 $0x1F, v25;
	v33 =	vshrl.u32 v25, $0x8  }
0x9c: {  	v34 =	vshrl.u32 v25, $0xC;
	v38 =	vshrl.u32 v35, $0x5;
	v40 =	vand.u32 $0x1F, v35  }
0x9d: {  	v41 =	vshrl.u32 v35, $0x8;
	v42 =	vshrl.u32 v35, $0xC;
	v43 =	vshrl.u32 v35, $0x10  }
0x9e: {  	v44 =	vshrl.u32 v39, $0x5;
	v45 =	vand.u32 $0x1F, v39;
	v47 =	vshrl.u32 v39, $0x8  }
0x9f: {  	v48 =	vshrl.u32 v39, $0xC;
	v51 =	vshrl.u32 v46, $0x8;
	v53 =	vshrl.u32 v46, $0x5  }
0xa0: {  	v54 =	vand.u32 $0x1F, v46;
	v55 =	vshrl.u32 v46, $0x10;
	v56 =	vshrl.u32 v52, $0x5  }
0xa1: {  	v58 =	vand.u32 $0x1F, v52;
	v59 =	vshrl.u32 v52, $0x8;
	v60 =	vshrl.u32 v52, $0xC  }
0xa2: {  	v61 =	vshrl.u32 v52, $0x10;
	v1 =	vand.u32 $0x3F, v13;
	v3 =	vand.u32 $0x7, v15  }
0xa3: {  	v4 =	vmul.u32 $0x11F0, v16;
	v5 =	vand.u32 $0x3, v17;
	v0 =	vand.u32 $0xC, v0  }
0xa4: {  	v6 =	vand.u32 $0x3F, v20;
	v7 =	vand.u32 $0xC, v21;
	v2 =	vand.u32 $0x3, v2  }
0xa5: {  	v8 =	vand.u32 $0x7, v31;
	v9 =	vand.u32 $0x3F, v33;
	v10 =	vand.u32 $0xC, v34  }
0xa6: {  	v11 =	vand.u32 $0xC, v48;
	v62 =	vand.u32 $0xC, v60;
	v1 =	vmin.u32 v1, $0x28  }
0xa7: {  	v3 =	vmul.u32 $0x290, v3;
	v23 =	vmin.u32 v6, $0x28;
	v6 =	vand.u32 $0x3, v29  }
0xa8: {  	v8 =	vmul.u32 $0x290, v8;
	v36 =	vmin.u32 v9, $0x28;
	v0 =	vor.u32 v4, v0  }
0xa9: {  	v9 =	vand.u32 $0x3, v43;
	v0 =	vor.u32 v5, v0;
	v5 =	vmul.u32 $0x11F0, v19  }
0xaa: {  	v1 =	vshll.u32 v1, $0x4;
	v4 =	vand.u32 $0x7, v18;
	v24 =	vshll.u32 v23, $0x4  }
0xab: {  	v37 =	vshll.u32 v36, $0x4;
	v4 =	vmul.u32 $0x290, v4;
	v5 =	vor.u32 v5, v7  }
0xac: {  	v0 =	vadd.s32 v3, v0;
	v3 =	vshrl.u32 v25, $0x10;
	v2 =	vor.u32 v2, v5  }
0xad: {  	v0 =	vadd.s32 v1, v0;
	v7 =	vand.u32 $0xC, v30;
	v2 =	vadd.s32 v4, v2  }
0xae: {  	v4 =	vand.u32 $0x3F, v27;
	v1 =	vadd.s32 v24, v2;
	v2 =	vmul.u32 $0x11F0, v26  }
0xaf: {  	v3 =	vand.u32 $0x3, v3;
	v5 =	vand.u32 $0x7, v28;
	v4 =	vmin.u32 v4, $0x28  }
0xb0: {  	[tilespmem:$0x490] =	vst v1;
	v1 =	vand.u32 $0x3F, v59;
	v2 =	vor.u32 v2, v7;
	v7 =	vmul.u32 $0x11F0, v32  }
0xb1: {  	v5 =	vmul.u32 $0x290, v5;
	v4 =	vshll.u32 v4, $0x4;
	v1 =	vmin.u32 v1, $0x28  }
0xb2: {  	v2 =	vor.u32 v6, v2;
	v6 =	vmul.u32 $0x11F0, v40;
	v7 =	vor.u32 v7, v10  }
0xb3: {  	v2 =	vadd.s32 v5, v2;
	v10 =	vand.u32 $0x3F, v47;
	v5 =	vshrl.u32 v39, $0x10  }
0xb4: {  	v3 =	vor.u32 v3, v7;
	v2 =	vadd.s32 v4, v2;
	v4 =	vand.u32 $0x7, v38  }
0xb5: {  	v7 =	vand.u32 $0x3F, v41;
	v5 =	vand.u32 $0x3, v5;
	v49 =	vmin.u32 v10, $0x28  }
0xb6: {  	v10 =	vmul.u32 $0x11F0, v54;
	v3 =	vadd.s32 v8, v3;
	v7 =	vmin.u32 v7, $0x28  }
0xb7: {  	v8 =	vand.u32 $0xC, v42;
	v4 =	vmul.u32 $0x290, v4;
	v50 =	vshll.u32 v49, $0x4  }
0xb8: {  	[tilespmem:$0x4A0] =	vst v2;
	v2 =	vand.u32 $0x3, v61;
	v3 =	vadd.s32 v37, v3;
	v6 =	vor.u32 v6, v8  }
0xb9: {  	v7 =	vshll.u32 v7, $0x4;
	v8 =	vand.u32 $0x7, v44;
	v6 =	vor.u32 v9, v6  }
0xba: {  	v9 =	vshrl.u32 v46, $0xC;
	v4 =	vadd.s32 v4, v6;
	v6 =	vmul.u32 $0x11F0, v45  }
0xbb: {  	v8 =	vmul.u32 $0x290, v8;
	v9 =	vand.u32 $0xC, v9;
	v4 =	vadd.s32 v7, v4  }
0xbc: {  	v7 =	vand.u32 $0x3F, v51;
	v9 =	vor.u32 v10, v9;
	v6 =	vor.u32 v6, v11  }
0xbd: {  	v10 =	vand.u32 $0x7, v56;
	v11 =	vand.u32 $0x3, v55;
	v5 =	vor.u32 v5, v6  }
0xbe: {  	v6 =	vand.u32 $0x7, v53;
	v57 =	vor.u32 v11, v9;
	v9 =	vmul.u32 $0x11F0, v58  }
0xbf: {  	[tilespmem:$0x480] =	vst v0;
	v7 =	vmin.u32 v7, $0x28;
	v63 =	vmul.u32 $0x290, v10;
	v6 =	vmul.u32 $0x290, v6  }
0xc0: {  	[tilespmem:$0x4B0] =	vst v3;
	v7 =	vshll.u32 v7, $0x4;
	v5 =	vadd.s32 v8, v5;
	v8 =	vor.u32 v9, v62  }
0xc1: {  	[tilespmem:$0x4C0] =	vst v4;
	v5 =	vadd.s32 v50, v5;
	v0 =	vadd.s32 v6, v57;
	v2 =	vor.u32 v2, v8  }
0xc2: {  	v1 =	vshll.u32 v1, $0x4;
	[tilespmem:$0x4D0] =	vst v5;
	v0 =	vadd.s32 v7, v0;
	v2 =	vadd.s32 v63, v2  }
0xc3: {  	[tilespmem:$0x4E0] =	vst v0;
	v11 =	vadd.s32 v1, v2  }
0xc4: {  	s5 =	simm.s32 @p0 $0xC;
	[tilespmem:$0x4F0] =	vst v11  }
0xc5: {  	_ =	swait.ge @p0 [sflag:s5], $0x4000  }
0xc6: {  	[sflag:s5] =	ssyncset.done @p0 $0x0  }
0xc7: {  	s31 =	simm.s32 @p0 $0x4800;
	[sflag:s5] =	ssyncadd.s32 @p0 $0xFFFFC000;
	s5 =	simm.s32 @p0 $0x480  }
0xc8: {  	[tilespmem:s31], [sflag:$0x7] =	stream.indirect.gather @p0 [hbm4b:s4+s13], $0x80, s5, s13, $0xb8;
	[tilespmem:$0x14800] =	vst v63  }
0xc9: {  	s5 =	simm.s32 @p0 $0x9  }
0xca: {  	s31 =	sadd.s32 @p0 $0xFFFFC000, s9;
	_ =	swait.ge @p0 [sflag:s5], $0x4000  }
0xcb: {  	s31 =	sshrl.u32 @p0 s31, $0x3;
	[sflag:s5] =	ssyncset.done @p0 $0x0  }
0xcc: {  	[sflag:s5] =	ssyncadd.s32 @p0 $0xFFFFC000;
	s5 =	sadd.s32 @p0 s2, s31;
	s31 =	simm.s32 @p0 $0xC800  }
0xcd: {  	[hbm4b:s5+s14] =	stream.linear.scatter @p0 [tilespmem:s31], [sflag:$0xE], $0x4000, $0x38;
	[tilespmem:$0x14800] =	vst v63  }
0xce: {  	s5 =	sadd.s32 @p0 s11, s20;
	s31 =	simm.s32 @p0 $0x180  }
0xcf: {  	[tilespmem:s31], [sflag:$0x4] =	stream.linear.gather @p0 [hbm4b:s5+s14], $0x80, $0x38;
	[tilespmem:$0x14800] =	vst v63  }
0xd0: {  	s5 =	simm.s32 @!p0 $0x480;
	s31 =	simm.s32 @!p0 $0x4800  }
0xd1: {  	[tilespmem:s31], [sflag:$0x7] =	stream.indirect.gather @!p0 [hbm4b:s4+s16], $0x80, s5, s16, $0xb8;
	[tilespmem:$0x14800] =	vst v63  }
0xd2: {  	_ =	swait.ge [sflag:s29], $0x80  }
0xd3: {  	[sflag:s29] =	ssyncset.done $0x0  }
0xd4: {  	[sflag:s29] =	ssyncadd.s32 $0xFFFFFF80  }
0xd5: {  	v12 =	vld [tilespmem:$0x100]  }
0xd6: {  	v14 =	vld [tilespmem:$0x110];
	_ =	sdelay $0x1  }
0xd7: {  	v22 =	vld [tilespmem:$0x120];
	_ =	sdelay $0x1  }
0xd8: {  	v25 =	vld [tilespmem:$0x130];
	v13 =	vshrl.u32 v12, $0x8;
	v15 =	vshrl.u32 v12, $0x5;
	v16 =	vand.u32 $0x1F, v12  }
0xd9: {  	v35 =	vld [tilespmem:$0x140];
	v17 =	vshrl.u32 v12, $0x10;
	v0 =	vshrl.u32 v12, $0xC;
	v18 =	vshrl.u32 v14, $0x5  }
0xda: {  	v19 =	vand.u32 $0x1F, v14;
	v20 =	vshrl.u32 v14, $0x8;
	v21 =	vshrl.u32 v14, $0xC  }
0xdb: {  	v39 =	vld [tilespmem:$0x150];
	v2 =	vshrl.u32 v14, $0x10;
	v26 =	vand.u32 $0x1F, v22;
	v27 =	vshrl.u32 v22, $0x8  }
0xdc: {  	v46 =	vld [tilespmem:$0x160];
	v28 =	vshrl.u32 v22, $0x5;
	v29 =	vshrl.u32 v22, $0x10;
	v30 =	vshrl.u32 v22, $0xC  }
0xdd: {  	v52 =	vld [tilespmem:$0x170];
	v31 =	vshrl.u32 v25, $0x5;
	v32 =	vand.u32 $0x1F, v25;
	v33 =	vshrl.u32 v25, $0x8  }
0xde: {  	v34 =	vshrl.u32 v25, $0xC;
	v38 =	vshrl.u32 v35, $0x5;
	v40 =	vand.u32 $0x1F, v35  }
0xdf: {  	v41 =	vshrl.u32 v35, $0x8;
	v42 =	vshrl.u32 v35, $0xC;
	v43 =	vshrl.u32 v35, $0x10  }
0xe0: {  	v44 =	vshrl.u32 v39, $0x5;
	v45 =	vand.u32 $0x1F, v39;
	v47 =	vshrl.u32 v39, $0x8  }
0xe1: {  	v48 =	vshrl.u32 v39, $0xC;
	v51 =	vshrl.u32 v46, $0x8;
	v53 =	vshrl.u32 v46, $0x5  }
0xe2: {  	v54 =	vand.u32 $0x1F, v46;
	v55 =	vshrl.u32 v46, $0x10;
	v56 =	vshrl.u32 v52, $0x5  }
0xe3: {  	v58 =	vand.u32 $0x1F, v52;
	v59 =	vshrl.u32 v52, $0x8;
	v60 =	vshrl.u32 v52, $0xC  }
0xe4: {  	v61 =	vshrl.u32 v52, $0x10;
	v1 =	vand.u32 $0x3F, v13;
	v3 =	vand.u32 $0x7, v15  }
0xe5: {  	v4 =	vmul.u32 $0x11F0, v16;
	v5 =	vand.u32 $0x3, v17;
	v0 =	vand.u32 $0xC, v0  }
0xe6: {  	v6 =	vand.u32 $0x3F, v20;
	v7 =	vand.u32 $0xC, v21;
	v2 =	vand.u32 $0x3, v2  }
0xe7: {  	v8 =	vand.u32 $0x7, v31;
	v9 =	vand.u32 $0x3F, v33;
	v10 =	vand.u32 $0xC, v34  }
0xe8: {  	v11 =	vand.u32 $0xC, v48;
	v62 =	vand.u32 $0xC, v60;
	v1 =	vmin.u32 v1, $0x28  }
0xe9: {  	v3 =	vmul.u32 $0x290, v3;
	v23 =	vmin.u32 v6, $0x28;
	v6 =	vand.u32 $0x3, v29  }
0xea: {  	v8 =	vmul.u32 $0x290, v8;
	v36 =	vmin.u32 v9, $0x28;
	v0 =	vor.u32 v4, v0  }
0xeb: {  	v9 =	vand.u32 $0x3, v43;
	v0 =	vor.u32 v5, v0;
	v5 =	vmul.u32 $0x11F0, v19  }
0xec: {  	v1 =	vshll.u32 v1, $0x4;
	v4 =	vand.u32 $0x7, v18;
	v24 =	vshll.u32 v23, $0x4  }
0xed: {  	v37 =	vshll.u32 v36, $0x4;
	v4 =	vmul.u32 $0x290, v4;
	v5 =	vor.u32 v5, v7  }
0xee: {  	v0 =	vadd.s32 v3, v0;
	v3 =	vshrl.u32 v25, $0x10;
	v2 =	vor.u32 v2, v5  }
0xef: {  	v0 =	vadd.s32 v1, v0;
	v7 =	vand.u32 $0xC, v30;
	v2 =	vadd.s32 v4, v2  }
0xf0: {  	v4 =	vand.u32 $0x3F, v27;
	v1 =	vadd.s32 v24, v2;
	v2 =	vmul.u32 $0x11F0, v26  }
0xf1: {  	v3 =	vand.u32 $0x3, v3;
	v5 =	vand.u32 $0x7, v28;
	v4 =	vmin.u32 v4, $0x28  }
0xf2: {  	[tilespmem:$0x510] =	vst v1;
	v1 =	vand.u32 $0x3F, v59;
	v2 =	vor.u32 v2, v7;
	v7 =	vmul.u32 $0x11F0, v32  }
0xf3: {  	v5 =	vmul.u32 $0x290, v5;
	v4 =	vshll.u32 v4, $0x4;
	v1 =	vmin.u32 v1, $0x28  }
0xf4: {  	v2 =	vor.u32 v6, v2;
	v6 =	vmul.u32 $0x11F0, v40;
	v7 =	vor.u32 v7, v10  }
0xf5: {  	v2 =	vadd.s32 v5, v2;
	v10 =	vand.u32 $0x3F, v47;
	v5 =	vshrl.u32 v39, $0x10  }
0xf6: {  	v3 =	vor.u32 v3, v7;
	v2 =	vadd.s32 v4, v2;
	v4 =	vand.u32 $0x7, v38  }
0xf7: {  	v7 =	vand.u32 $0x3F, v41;
	v5 =	vand.u32 $0x3, v5;
	v49 =	vmin.u32 v10, $0x28  }
0xf8: {  	v10 =	vmul.u32 $0x11F0, v54;
	v3 =	vadd.s32 v8, v3;
	v7 =	vmin.u32 v7, $0x28  }
0xf9: {  	v8 =	vand.u32 $0xC, v42;
	v4 =	vmul.u32 $0x290, v4;
	v50 =	vshll.u32 v49, $0x4  }
0xfa: {  	[tilespmem:$0x520] =	vst v2;
	v2 =	vand.u32 $0x3, v61;
	v3 =	vadd.s32 v37, v3;
	v6 =	vor.u32 v6, v8  }
0xfb: {  	v7 =	vshll.u32 v7, $0x4;
	v8 =	vand.u32 $0x7, v44;
	v6 =	vor.u32 v9, v6  }
0xfc: {  	v9 =	vshrl.u32 v46, $0xC;
	v4 =	vadd.s32 v4, v6;
	v6 =	vmul.u32 $0x11F0, v45  }
0xfd: {  	v8 =	vmul.u32 $0x290, v8;
	v9 =	vand.u32 $0xC, v9;
	v4 =	vadd.s32 v7, v4  }
0xfe: {  	v7 =	vand.u32 $0x3F, v51;
	v9 =	vor.u32 v10, v9;
	v6 =	vor.u32 v6, v11  }
0xff: {  	v10 =	vand.u32 $0x7, v56;
	v11 =	vand.u32 $0x3, v55;
	v5 =	vor.u32 v5, v6  }
0x100: {  	v6 =	vand.u32 $0x7, v53;
	v57 =	vor.u32 v11, v9;
	v9 =	vmul.u32 $0x11F0, v58  }
0x101: {  	[tilespmem:$0x500] =	vst v0;
	v7 =	vmin.u32 v7, $0x28;
	v63 =	vmul.u32 $0x290, v10;
	v6 =	vmul.u32 $0x290, v6  }
0x102: {  	[tilespmem:$0x530] =	vst v3;
	v7 =	vshll.u32 v7, $0x4;
	v5 =	vadd.s32 v8, v5;
	v8 =	vor.u32 v9, v62  }
0x103: {  	[tilespmem:$0x540] =	vst v4;
	v5 =	vadd.s32 v50, v5;
	v0 =	vadd.s32 v6, v57;
	v2 =	vor.u32 v2, v8  }
0x104: {  	v1 =	vshll.u32 v1, $0x4;
	[tilespmem:$0x550] =	vst v5;
	v0 =	vadd.s32 v7, v0;
	v2 =	vadd.s32 v63, v2  }
0x105: {  	[tilespmem:$0x560] =	vst v0;
	v11 =	vadd.s32 v1, v2  }
0x106: {  	s5 =	simm.s32 @p0 $0xD;
	[tilespmem:$0x570] =	vst v11  }
0x107: {  	_ =	swait.ge @p0 [sflag:s5], $0x4000  }
0x108: {  	[sflag:s5] =	ssyncset.done @p0 $0x0  }
0x109: {  	[sflag:s5] =	ssyncadd.s32 @p0 $0xFFFFC000;
	s5 =	simm.s32 @p0 $0x500  }
0x10a: {  	[tilespmem:s18], [sflag:$0x8] =	stream.indirect.gather @p0 [hbm4b:s4+s13], $0x80, s5, s13, $0xb8;
	[tilespmem:$0x14800] =	vst v63  }
0x10b: {  	s5 =	simm.s32 @p0 $0xA  }
0x10c: {  	_ =	swait.ge @p0 [sflag:s5], $0x4000  }
0x10d: {  	s13 =	sshrl.u32 @p0 s9, $0x3;
	[sflag:s5] =	ssyncset.done @p0 $0x0  }
0x10e: {  	[sflag:s5] =	ssyncadd.s32 @p0 $0xFFFFC000;
	s5 =	sadd.s32 @p0 s2, s13;
	s13 =	simm.s32 @p0 $0x10800  }
0x10f: {  	[hbm4b:s5+s14] =	stream.linear.scatter @p0 [tilespmem:s13], [sflag:$0xF], $0x4000, $0x38;
	[tilespmem:$0x14800] =	vst v63  }
0x110: {  	s5 =	sadd.s32 @p0 s11, s19;
	s13 =	simm.s32 @p0 $0x200  }
0x111: {  	[tilespmem:s13], [sflag:$0x5] =	stream.linear.gather @p0 [hbm4b:s5+s14], $0x80, $0x38;
	[tilespmem:$0x14800] =	vst v63  }
0x112: {  	s5 =	simm.s32 @!p0 $0x500;
	s13 =	simm.s32 @!p0 $0x8800  }
0x113: {  	[tilespmem:s13], [sflag:$0x8] =	stream.indirect.gather @!p0 [hbm4b:s4+s16], $0x80, s5, s16, $0xb8;
	[tilespmem:$0x14800] =	vst v63  }
0x114: {  	_ =	swait.ge [sflag:s30], $0x80  }
0x115: {  	[sflag:s30] =	ssyncset.done $0x0  }
0x116: {  	[sflag:s30] =	ssyncadd.s32 $0xFFFFFF80  }
0x117: {  	v12 =	vld [tilespmem:$0x180]  }
0x118: {  	v14 =	vld [tilespmem:$0x190];
	_ =	sdelay $0x1  }
0x119: {  	v22 =	vld [tilespmem:$0x1A0];
	_ =	sdelay $0x1  }
0x11a: {  	v25 =	vld [tilespmem:$0x1B0];
	v13 =	vshrl.u32 v12, $0x8;
	v15 =	vshrl.u32 v12, $0x5;
	v16 =	vand.u32 $0x1F, v12  }
0x11b: {  	v35 =	vld [tilespmem:$0x1C0];
	v17 =	vshrl.u32 v12, $0x10;
	v0 =	vshrl.u32 v12, $0xC;
	v18 =	vshrl.u32 v14, $0x5  }
0x11c: {  	v19 =	vand.u32 $0x1F, v14;
	v20 =	vshrl.u32 v14, $0x8;
	v21 =	vshrl.u32 v14, $0xC  }
0x11d: {  	v39 =	vld [tilespmem:$0x1D0];
	v2 =	vshrl.u32 v14, $0x10;
	v26 =	vand.u32 $0x1F, v22;
	v27 =	vshrl.u32 v22, $0x8  }
0x11e: {  	v46 =	vld [tilespmem:$0x1E0];
	v28 =	vshrl.u32 v22, $0x5;
	v29 =	vshrl.u32 v22, $0x10;
	v30 =	vshrl.u32 v22, $0xC  }
0x11f: {  	v52 =	vld [tilespmem:$0x1F0];
	v31 =	vshrl.u32 v25, $0x5;
	v32 =	vand.u32 $0x1F, v25;
	v33 =	vshrl.u32 v25, $0x8  }
0x120: {  	v34 =	vshrl.u32 v25, $0xC;
	v38 =	vshrl.u32 v35, $0x5;
	v40 =	vand.u32 $0x1F, v35  }
0x121: {  	v41 =	vshrl.u32 v35, $0x8;
	v42 =	vshrl.u32 v35, $0xC;
	v43 =	vshrl.u32 v35, $0x10  }
0x122: {  	v44 =	vshrl.u32 v39, $0x5;
	v45 =	vand.u32 $0x1F, v39;
	v47 =	vshrl.u32 v39, $0x8  }
0x123: {  	v48 =	vshrl.u32 v39, $0xC;
	v51 =	vshrl.u32 v46, $0x8;
	v53 =	vshrl.u32 v46, $0x5  }
0x124: {  	v54 =	vand.u32 $0x1F, v46;
	v55 =	vshrl.u32 v46, $0x10;
	v56 =	vshrl.u32 v52, $0x5  }
0x125: {  	v58 =	vand.u32 $0x1F, v52;
	v59 =	vshrl.u32 v52, $0x8;
	v60 =	vshrl.u32 v52, $0xC  }
0x126: {  	v61 =	vshrl.u32 v52, $0x10;
	v1 =	vand.u32 $0x3F, v13;
	v3 =	vand.u32 $0x7, v15  }
0x127: {  	v4 =	vmul.u32 $0x11F0, v16;
	v5 =	vand.u32 $0x3, v17;
	v0 =	vand.u32 $0xC, v0  }
0x128: {  	v6 =	vand.u32 $0x3F, v20;
	v7 =	vand.u32 $0xC, v21;
	v2 =	vand.u32 $0x3, v2  }
0x129: {  	v8 =	vand.u32 $0x7, v31;
	v9 =	vand.u32 $0x3F, v33;
	v10 =	vand.u32 $0xC, v34  }
0x12a: {  	v11 =	vand.u32 $0xC, v48;
	v62 =	vand.u32 $0xC, v60;
	v1 =	vmin.u32 v1, $0x28  }
0x12b: {  	v3 =	vmul.u32 $0x290, v3;
	v23 =	vmin.u32 v6, $0x28;
	v6 =	vand.u32 $0x3, v29  }
0x12c: {  	v8 =	vmul.u32 $0x290, v8;
	v36 =	vmin.u32 v9, $0x28;
	v0 =	vor.u32 v4, v0  }
0x12d: {  	v9 =	vand.u32 $0x3, v43;
	v0 =	vor.u32 v5, v0;
	v5 =	vmul.u32 $0x11F0, v19  }
0x12e: {  	v1 =	vshll.u32 v1, $0x4;
	v4 =	vand.u32 $0x7, v18;
	v24 =	vshll.u32 v23, $0x4  }
0x12f: {  	v37 =	vshll.u32 v36, $0x4;
	v4 =	vmul.u32 $0x290, v4;
	v5 =	vor.u32 v5, v7  }
0x130: {  	v0 =	vadd.s32 v3, v0;
	v3 =	vshrl.u32 v25, $0x10;
	v2 =	vor.u32 v2, v5  }
0x131: {  	v0 =	vadd.s32 v1, v0;
	v7 =	vand.u32 $0xC, v30;
	v2 =	vadd.s32 v4, v2  }
0x132: {  	v4 =	vand.u32 $0x3F, v27;
	v1 =	vadd.s32 v24, v2;
	v2 =	vmul.u32 $0x11F0, v26  }
0x133: {  	v3 =	vand.u32 $0x3, v3;
	v5 =	vand.u32 $0x7, v28;
	v4 =	vmin.u32 v4, $0x28  }
0x134: {  	[tilespmem:$0x590] =	vst v1;
	v1 =	vand.u32 $0x3F, v59;
	v2 =	vor.u32 v2, v7;
	v7 =	vmul.u32 $0x11F0, v32  }
0x135: {  	v5 =	vmul.u32 $0x290, v5;
	v4 =	vshll.u32 v4, $0x4;
	v1 =	vmin.u32 v1, $0x28  }
0x136: {  	v2 =	vor.u32 v6, v2;
	v6 =	vmul.u32 $0x11F0, v40;
	v7 =	vor.u32 v7, v10  }
0x137: {  	v2 =	vadd.s32 v5, v2;
	v10 =	vand.u32 $0x3F, v47;
	v5 =	vshrl.u32 v39, $0x10  }
0x138: {  	v3 =	vor.u32 v3, v7;
	v2 =	vadd.s32 v4, v2;
	v4 =	vand.u32 $0x7, v38  }
0x139: {  	v7 =	vand.u32 $0x3F, v41;
	v5 =	vand.u32 $0x3, v5;
	v49 =	vmin.u32 v10, $0x28  }
0x13a: {  	v10 =	vmul.u32 $0x11F0, v54;
	v3 =	vadd.s32 v8, v3;
	v7 =	vmin.u32 v7, $0x28  }
0x13b: {  	v8 =	vand.u32 $0xC, v42;
	v4 =	vmul.u32 $0x290, v4;
	v50 =	vshll.u32 v49, $0x4  }
0x13c: {  	[tilespmem:$0x5A0] =	vst v2;
	v2 =	vand.u32 $0x3, v61;
	v3 =	vadd.s32 v37, v3;
	v6 =	vor.u32 v6, v8  }
0x13d: {  	v7 =	vshll.u32 v7, $0x4;
	v8 =	vand.u32 $0x7, v44;
	v6 =	vor.u32 v9, v6  }
0x13e: {  	v9 =	vshrl.u32 v46, $0xC;
	v4 =	vadd.s32 v4, v6;
	v6 =	vmul.u32 $0x11F0, v45  }
0x13f: {  	v8 =	vmul.u32 $0x290, v8;
	v9 =	vand.u32 $0xC, v9;
	v4 =	vadd.s32 v7, v4  }
0x140: {  	v7 =	vand.u32 $0x3F, v51;
	v9 =	vor.u32 v10, v9;
	v6 =	vor.u32 v6, v11  }
0x141: {  	v10 =	vand.u32 $0x7, v56;
	v11 =	vand.u32 $0x3, v55;
	v5 =	vor.u32 v5, v6  }
0x142: {  	v6 =	vand.u32 $0x7, v53;
	v57 =	vor.u32 v11, v9;
	v9 =	vmul.u32 $0x11F0, v58  }
0x143: {  	[tilespmem:$0x580] =	vst v0;
	v7 =	vmin.u32 v7, $0x28;
	v63 =	vmul.u32 $0x290, v10;
	v6 =	vmul.u32 $0x290, v6  }
0x144: {  	[tilespmem:$0x5B0] =	vst v3;
	v7 =	vshll.u32 v7, $0x4;
	v5 =	vadd.s32 v8, v5;
	v8 =	vor.u32 v9, v62  }
0x145: {  	[tilespmem:$0x5C0] =	vst v4;
	v5 =	vadd.s32 v50, v5;
	v0 =	vadd.s32 v6, v57;
	v2 =	vor.u32 v2, v8  }
0x146: {  	v1 =	vshll.u32 v1, $0x4;
	[tilespmem:$0x5D0] =	vst v5;
	v0 =	vadd.s32 v7, v0;
	v2 =	vadd.s32 v63, v2  }
0x147: {  	p0 =	seq.s32 s11, $0x0;
	[tilespmem:$0x5E0] =	vst v0;
	v9 =	vadd.s32 v1, v2  }
0x148: {  	s5 =	simm.s32 @!p0 $0xE;
	[tilespmem:$0x5F0] =	vst v9  }
0x149: {  	_ =	swait.ge @!p0 [sflag:s5], $0x4000  }
0x14a: {  	[sflag:s5] =	ssyncset.done @!p0 $0x0  }
0x14b: {  	s31 =	simm.s32 $0x580;
	[sflag:s5] =	ssyncadd.s32 @!p0 $0xFFFFC000  }
0x14c: {  	[tilespmem:s0], [sflag:$0x9] =	stream.indirect.gather [hbm4b:s4+s22], $0x80, s31, s22, $0xb8;
	[tilespmem:$0x14800] =	vst v63  }
0x14d: {  	_ =	swait.ge [sflag:s1], $0x4000  }
0x14e: {  	[sflag:s1] =	ssyncset.done $0x0  }
0x14f: {  	p1 =	seq.s32 s11, $0xC30;
	[sflag:s1] =	ssyncadd.s32 $0xFFFFC000  }
0x150: {  	[hbm4b:s10+s3] =	stream.linear.scatter [tilespmem:s23], [sflag:$0xB], $0x4000, $0x38;
	[tilespmem:$0x14800] =	vst v63  }
0x151: {  	s13 =	simm.s32 @!p1 $0x0;
	s5 =	sadd.s32 @!p1 s11, s17  }
0x152: {  	[tilespmem:s13], [sflag:$0x1] =	stream.linear.gather @!p1 [hbm4b:s5+s13], $0x80, $0x38;
	[tilespmem:$0x14800] =	vst v63  }
0x153: {  	_ =	swait.ge [sflag:s24], $0x80  }
0x154: {  	[sflag:s24] =	ssyncset.done $0x0  }
0x155: {  	[sflag:s24] =	ssyncadd.s32 $0xFFFFFF80  }
0x156: {  	v10 =	vld [tilespmem:$0x200]  }
0x157: {  	v15 =	vld [tilespmem:$0x210];
	_ =	sdelay $0x1  }
0x158: {  	v18 =	vld [tilespmem:$0x220]  }
0x159: {  	v24 =	vld [tilespmem:$0x230]  }
0x15a: {  	v11 =	vshrl.u32 v10, $0x5;
	v12 =	vand.u32 $0x1F, v10;
	v13 =	vshrl.u32 v10, $0x8  }
0x15b: {  	v30 =	vld [tilespmem:$0x240];
	v14 =	vshrl.u32 v10, $0xC;
	v0 =	vshrl.u32 v10, $0x10;
	v17 =	vshrl.u32 v15, $0x5  }
0x15c: {  	v38 =	vld [tilespmem:$0x250];
	v19 =	vand.u32 $0x1F, v15;
	v20 =	vshrl.u32 v15, $0x8;
	v21 =	vshrl.u32 v15, $0xC  }
0x15d: {  	v5 =	vshrl.u32 v15, $0x10;
	v22 =	vshrl.u32 v18, $0x5;
	v23 =	vand.u32 $0x1F, v18  }
0x15e: {  	v41 =	vld [tilespmem:$0x260];
	v25 =	vshrl.u32 v18, $0x8;
	v26 =	vshrl.u32 v18, $0xC;
	v29 =	vshrl.u32 v24, $0x8  }
0x15f: {  	v50 =	vld [tilespmem:$0x270];
	v31 =	vshrl.u32 v24, $0x5;
	v32 =	vand.u32 $0x1F, v24;
	v33 =	vshrl.u32 v24, $0x10  }
0x160: {  	v34 =	vshrl.u32 v30, $0x5;
	v35 =	vand.u32 $0x1F, v30;
	v36 =	vshrl.u32 v30, $0x8  }
0x161: {  	v37 =	vshrl.u32 v30, $0xC;
	v42 =	vshrl.u32 v38, $0x5;
	v43 =	vshrl.u32 v38, $0x8  }
0x162: {  	v44 =	vand.u32 $0x1F, v38;
	v45 =	vshrl.u32 v38, $0x10;
	v46 =	vshrl.u32 v38, $0xC  }
0x163: {  	v47 =	vand.u32 $0x1F, v41;
	v49 =	vshrl.u32 v41, $0xC;
	v51 =	vshrl.u32 v41, $0x5  }
0x164: {  	v52 =	vshrl.u32 v41, $0x10;
	v54 =	vand.u32 $0x1F, v50;
	v55 =	vshrl.u32 v50, $0x5  }
0x165: {  	v56 =	vshrl.u32 v50, $0xC;
	v60 =	vshrl.u32 v50, $0x8;
	v61 =	vshrl.u32 v50, $0x10  }
0x166: {  	v1 =	vand.u32 $0x7, v11;
	v2 =	vmul.u32 $0x11F0, v12;
	v3 =	vand.u32 $0x3F, v13  }
0x167: {  	v4 =	vand.u32 $0xC, v14;
	v0 =	vand.u32 $0x3, v0;
	v6 =	vand.u32 $0xC, v21  }
0x168: {  	v5 =	vand.u32 $0x3, v5;
	v7 =	vand.u32 $0x3F, v25;
	v8 =	vand.u32 $0xC, v26  }
0x169: {  	v9 =	vand.u32 $0x3F, v36;
	v10 =	vand.u32 $0xC, v37;
	v48 =	vmul.u32 $0x11F0, v47  }
0x16a: {  	v58 =	vand.u32 $0xC, v56;
	v62 =	vand.u32 $0x3F, v60;
	v1 =	vmul.u32 $0x290, v1  }
0x16b: {  	v3 =	vmin.u32 v3, $0x28;
	v27 =	vmin.u32 v7, $0x28;
	v7 =	vmul.u32 $0x11F0, v32  }
0x16c: {  	v39 =	vmin.u32 v9, $0x28;
	v9 =	vand.u32 $0x3, v45;
	v2 =	vor.u32 v2, v4  }
0x16d: {  	v16 =	vshll.u32 v3, $0x4;
	v4 =	vand.u32 $0x3F, v20;
	v3 =	vmul.u32 $0x11F0, v19  }
0x16e: {  	v28 =	vshll.u32 v27, $0x4;
	v40 =	vshll.u32 v39, $0x4;
	v0 =	vor.u32 v0, v2  }
0x16f: {  	v4 =	vmin.u32 v4, $0x28;
	v2 =	vshrl.u32 v18, $0x10;
	v0 =	vadd.s32 v1, v0  }
0x170: {  	v1 =	vand.u32 $0x7, v17;
	v3 =	vor.u32 v3, v6;
	v4 =	vshll.u32 v4, $0x4  }
0x171: {  	v2 =	vand.u32 $0x3, v2;
	v6 =	vshrl.u32 v24, $0xC;
	v1 =	vmul.u32 $0x290, v1  }
0x172: {  	v3 =	vor.u32 v5, v3;
	v5 =	vand.u32 $0x7, v22;
	v6 =	vand.u32 $0xC, v6  }
0x173: {  	v0 =	vadd.s32 v16, v0;
	v5 =	vmul.u32 $0x290, v5;
	v6 =	vor.u32 v7, v6  }
0x174: {  	v7 =	vand.u32 $0x7, v34;
	v1 =	vadd.s32 v1, v3;
	v3 =	vmul.u32 $0x11F0, v23  }
0x175: {  	v7 =	vmul.u32 $0x290, v7;
	v1 =	vadd.s32 v4, v1;
	v4 =	vand.u32 $0x3F, v29  }
0x176: {  	v3 =	vor.u32 v3, v8;
	v4 =	vmin.u32 v4, $0x28;
	v8 =	vand.u32 $0x3, v33  }
0x177: {  	v2 =	vor.u32 v2, v3;
	v6 =	vor.u32 v8, v6;
	v8 =	vmul.u32 $0x11F0, v35  }
0x178: {  	v3 =	vand.u32 $0x7, v31;
	v2 =	vadd.s32 v5, v2;
	v5 =	vshrl.u32 v30, $0x10  }
0x179: {  	v3 =	vmul.u32 $0x290, v3;
	v5 =	vand.u32 $0x3, v5;
	v8 =	vor.u32 v8, v10  }
0x17a: {  	v4 =	vshll.u32 v4, $0x4;
	v10 =	vand.u32 $0xC, v46;
	v5 =	vor.u32 v5, v8  }
0x17b: {  	v3 =	vadd.s32 v3, v6;
	v8 =	vmul.u32 $0x11F0, v44;
	v5 =	vadd.s32 v7, v5  }
0x17c: {  	v3 =	vadd.s32 v4, v3;
	v4 =	vadd.s32 v40, v5;
	v5 =	vand.u32 $0x7, v42  }
0x17d: {  	v7 =	vand.u32 $0x3F, v43;
	v8 =	vor.u32 v8, v10;
	v5 =	vmul.u32 $0x290, v5  }
0x17e: {  	v2 =	vadd.s32 v28, v2;
	v7 =	vmin.u32 v7, $0x28;
	v8 =	vor.u32 v9, v8  }
0x17f: {  	v10 =	vand.u32 $0xC, v49;
	v5 =	vadd.s32 v5, v8;
	v8 =	vand.u32 $0x7, v51  }
0x180: {  	v9 =	vor.u32 v48, v10;
	v10 =	vand.u32 $0x3, v52;
	v8 =	vmul.u32 $0x290, v8  }
0x181: {  	[tilespmem:$0x600] =	vst v0;
	v6 =	vshrl.u32 v41, $0x8;
	v7 =	vshll.u32 v7, $0x4;
	v53 =	vor.u32 v10, v9  }
0x182: {  	[tilespmem:$0x610] =	vst v1;
	v5 =	vadd.s32 v7, v5;
	v7 =	vadd.s32 v8, v53;
	v8 =	vmul.u32 $0x11F0, v54  }
0x183: {  	v63 =	vand.u32 $0x3, v61;
	v0 =	vand.u32 $0x7, v55;
	[tilespmem:$0x620] =	vst v2;
	v6 =	vand.u32 $0x3F, v6  }
0x184: {  	v0 =	vmul.u32 $0x290, v0;
	v57 =	vmin.u32 v6, $0x28;
	[tilespmem:$0x630] =	vst v3;
	v59 =	vor.u32 v8, v58  }
0x185: {  	v3 =	vmin.u32 v62, $0x28;
	[tilespmem:$0x640] =	vst v4;
	v1 =	vshll.u32 v57, $0x4;
	v2 =	vor.u32 v63, v59  }
0x186: {  	v3 =	vshll.u32 v3, $0x4;
	[tilespmem:$0x650] =	vst v5;
	v1 =	vadd.s32 v1, v7;
	v0 =	vadd.s32 v0, v2  }
0x187: {  	[tilespmem:$0x660] =	vst v1;
	v0 =	vadd.s32 v3, v0  }
0x188: {  	s5 =	simm.s32 @!p0 $0xF;
	[tilespmem:$0x670] =	vst v0  }
0x189: {  	_ =	swait.ge @!p0 [sflag:s5], $0x4000  }
0x18a: {  	[sflag:s5] =	ssyncset.done @!p0 $0x0  }
0x18b: {  	[sflag:s5] =	ssyncadd.s32 @!p0 $0xFFFFC000  }
0x18c: {  	[tilespmem:s6], [sflag:$0xA] =	stream.indirect.gather [hbm4b:s4+s22], $0x80, s25, s22, $0xb8;
	[tilespmem:$0x14800] =	vst v63  }
.Ltmp2:
0x18d: {  	_ = 	snop;
	(pc) =	sbr.rel @p1 .LBB2_4-.Ltmp2, $4  }
0x18e: {  	_ =	swait.ge [sflag:s7], $0x4000  }
0x18f: {  	[sflag:s7] =	ssyncset.done $0x0  }
0x190: {  	[sflag:s7] =	ssyncadd.s32 $0xFFFFC000  }
0x191: {  	[hbm4b:s12+s3] =	stream.linear.scatter [tilespmem:s8], [sflag:$0xC], $0x4000, $0x38;
	[tilespmem:$0x14800] =	vst v63  }
.Ltmp3:
0x192: {  	(pc) =	sbr.rel .LBB2_2-.Ltmp3, $4  }
0x193: {  	_ = 	snop  }
0x194: {  	s5 =	sadd.s32 s11, s15;
	s12 =	sadd.s32 $0x2800, s12  }
0x195: {  	s11 =	sadd.s32 $0x50, s11;
	s10 =	sadd.s32 $0x2800, s10;
	s9 =	sadd.s32 $0x14000, s9  }
0x196: {  	[tilespmem:s22], [sflag:$0x2] =	stream.linear.gather [hbm4b:s5+s3], $0x80, $0x38;
	[tilespmem:$0x14800] =	vst v63  }
.LBB2_5:
0x197: {  	_ =	sfence.sel $0x180000  }
0x198: {  	[bflag:$0x0] =	sbarrier.arrive $0xFFFF  }
0x199: {  	_ =	strace $0x90000047  }
0x19a: {  	s0 =	stileid.u32;
	[bflag:$0x2] =	sbarrier.arrive $0xFFFF  }
0x19b: {  	p0 =	sne.s32 s0, $0x0;
	s0 =	rddreg [dreg:$0x2]  }
0x19c: {  	s0 =	sadd.s32 @!p0 $0x100000, s0  }
0x19d: {  	[sflag:s0] =	ssyncadd.tile.s32 @!p0 $0x1;
	_ =	shalt  }
.Lfunc_end2:
_tile_overlayer_lowered:
.L_overlay_start_2:
0x19e: {  	(tag) =	ssettag $0x2  }
0x19f: {  	s0 =	rddreg [dreg:$0x0];
	s2 =	stileid.u32  }
0x1a0: {  	s1 =	rddreg [dreg:$0x1];
	p0 =	sne.s32 s2, $0x0  }
0x1a1: {  	s3 =	rddreg [dreg:$0x2];
	[bflag:$0x3] =	sbarrier.arrive $0xFFFF;
	s2 =	simm.s32 @!p0 $0x1C10  }
0x1a2: {  	[timem:s3], [sflag:s2] =	dma.local @!p0 [hbm:s0], s1  }
0x1a3: {  	s0 =	simm.s32 @!p0 $0x10  }
0x1a4: {  	_ =	swait.ge @!p0 [sflag:s0], s1  }
0x1a5: {  	s1 =	ssub.s32 @!p0 $0x0, s1;
	[sflag:s0] =	ssyncset.done @!p0 $0x0  }
0x1a6: {  	[sflag:s0] =	ssyncadd.s32 @!p0 s1  }
0x1a7: {  	[bflag:$0x3] =	sbarrier.arrive $0xFFFF  }
0x1a8: {  	_ =	shalt  }

</sc_bundles>
